<compile_context>
chip_gen: v7x
topology: tpu7x:2x2x1
jax: 0.10.2.dev20260603
libtpu: 0.0.44.dev20260713+nightly
codegen_flags: <defaults>
</compile_context>

<pallas_src>
import jax
import jax.numpy as jnp
from jax import lax
from jax.experimental import pallas as pl
from jax.experimental.pallas import tpu as pltpu
from jax.experimental.pallas import tpu_sc as plsc

NC = 2
NS = 16
LN = 16
CH = 80
ZR = 208
RING = 6
PD = 4


def _fill2d(ref, rows, cols, value):
    v = jnp.full((LN,), value, jnp.float32)

    def body(r, carry):
        for cb in range(cols // LN):
            ref[r, pl.ds(cb * LN, LN)] = v
        return carry

    lax.fori_loop(0, rows, body, 0)


def _fill1d(ref, n, value):
    v = jnp.full((LN,), value, jnp.float32)

    def body(k, carry):
        ref[pl.ds(k * LN, LN)] = v
        return carry

    lax.fori_loop(0, n // LN, body, 0)


def _make_sc_agg(n, e, d, with_deg):
    ept = e // (NC * NS)
    nchunk = ept // CH
    w0 = (n // NS) // 8 * 8
    wlast = n - w0 * (NS - 1)
    extra = wlast - w0
    dv = (wlast + LN - 1) // LN * LN

    mesh = plsc.VectorSubcoreMesh(
        core_axis_name="c", subcore_axis_name="s",
        num_cores=NC, num_subcores=NS)

    out_type = [jax.ShapeDtypeStruct((NC, n, d), jnp.float32)]
    scratch = [
        pltpu.VMEM((nchunk, CH), jnp.int32),
        pltpu.VMEM((nchunk, CH), jnp.int32),
        *[pltpu.VMEM((CH, d), jnp.float32) for _ in range(RING)],
        pltpu.VMEM((ZR, d), jnp.float32),
        *[pltpu.SemaphoreType.DMA for _ in range(2 * RING)],
        pltpu.VMEM_SHARED((n, d), jnp.float32),
    ]
    if with_deg:
        out_type.append(jax.ShapeDtypeStruct((NC, n, LN), jnp.float32))
        scratch += [
            pltpu.VMEM((CH,), jnp.float32),
            pltpu.VMEM((dv,), jnp.float32),
            pltpu.VMEM((dv, LN), jnp.float32),
            pltpu.SemaphoreType.DMA,
            pltpu.VMEM_SHARED((n,), jnp.float32),
        ]

    def body(*refs):
        osem = None
        nin = 5 if with_deg else 4
        if with_deg:
            y_hbm, srcs_hbm, dsts_hbm, p_hbm, deg_hbm = refs[:nin]
            ones_v, deg_v, db_v, osem, deg_sh = refs[-5:]
        else:
            y_hbm, srcs_hbm, dsts_hbm, p_hbm = refs[:nin]
        sc = refs[nin:]
        src_v, dst_v = sc[0], sc[1]
        rows = list(sc[2:2 + RING])
        zb_v = sc[2 + RING]
        gsem = list(sc[3 + RING:3 + 2 * RING])
        ssem = list(sc[3 + 2 * RING:3 + 3 * RING])
        acc_sh = sc[3 + 3 * RING]

        c = lax.axis_index("c")
        s = lax.axis_index("s")
        wid = c * NS + s

        pltpu.sync_copy(srcs_hbm.at[wid], src_v)
        pltpu.sync_copy(dsts_hbm.at[wid], dst_v)

        _fill2d(zb_v, ZR, d, 0.0)
        off = pl.multiple_of(s * w0, 8)
        for t in range(w0 // ZR):
            pltpu.sync_copy(zb_v, acc_sh.at[pl.ds(off + t * ZR, ZR)])
        if with_deg:
            _fill1d(ones_v, CH, 1.0)
            _fill1d(deg_v, dv, 0.0)
            pltpu.sync_copy(deg_v.at[pl.ds(0, w0)], deg_sh.at[pl.ds(off, w0)])

        @pl.when(s == NS - 1)
        def _():
            pltpu.sync_copy(zb_v.at[pl.ds(0, extra)],
                            acc_sh.at[pl.ds(off + w0, extra)])
            if with_deg:
                pltpu.sync_copy(deg_v.at[pl.ds(0, extra)],
                                deg_sh.at[pl.ds(off + w0, extra)])

        plsc.subcore_barrier()

        def gwait(j, k):
            pltpu.make_async_copy(y_hbm.at[src_v.at[j]], rows[k],
                                  gsem[k]).wait()

        def swait(j, k):
            pltpu.make_async_copy(rows[k], acc_sh.at[dst_v.at[j]],
                                  ssem[k]).wait()

        def step(j, k, guard_i=None):
            kp = (k + PD) % RING
            if guard_i is None:
                swait(j - (RING - PD), kp)
            else:
                @pl.when(guard_i > 0)
                def _():
                    swait(j - (RING - PD), kp)

            @pl.when(j + PD < nchunk)
            def _():
                pltpu.async_copy(y_hbm.at[src_v.at[j + PD]], rows[kp],
                                 gsem[kp])

            gwait(j, k)
            pltpu.async_copy(rows[k], acc_sh.at[dst_v.at[j]], ssem[k],
                             add=True)
            if with_deg:
                pltpu.async_copy(ones_v, deg_sh.at[dst_v.at[j]], osem,
                                 add=True)

        for j in range(PD):
            pltpu.async_copy(y_hbm.at[src_v.at[j]], rows[j], gsem[j])

        def ring_iter(i, carry):
            for k in range(RING):
                step(RING * i + k, k,
                     guard_i=i if k < RING - PD else None)
            return carry

        nq = nchunk // RING
        lax.fori_loop(0, nq, ring_iter, 0)
        for j in range(RING * nq, nchunk):
            step(j, j % RING)
        for j in range(nchunk - (RING - PD), nchunk):
            swait(j, j % RING)
        if with_deg:
            def odrain(j, carry):
                pltpu.make_async_copy(ones_v, deg_sh.at[dst_v.at[0]],
                                      osem).wait()
                return carry

            lax.fori_loop(0, nchunk, odrain, 0)
        plsc.subcore_barrier()

        for t in range(w0 // ZR):
            pltpu.sync_copy(acc_sh.at[pl.ds(off + t * ZR, ZR)], zb_v)
            pltpu.sync_copy(zb_v, p_hbm.at[c, pl.ds(off + t * ZR, ZR)])

        @pl.when(s == NS - 1)
        def _():
            pltpu.sync_copy(acc_sh.at[pl.ds(off + w0, extra)],
                            zb_v.at[pl.ds(0, extra)])
            pltpu.sync_copy(zb_v.at[pl.ds(0, extra)],
                            p_hbm.at[c, pl.ds(off + w0, extra)])

        if with_deg:
            pltpu.sync_copy(deg_sh.at[pl.ds(off, w0)],
                            deg_v.at[pl.ds(0, w0)])

            @pl.when(s == NS - 1)
            def _():
                pltpu.sync_copy(deg_sh.at[pl.ds(off + w0, extra)],
                                deg_v.at[pl.ds(w0, extra)])

            def grp(g, carry):
                d16 = deg_v[pl.ds(g * LN, LN)]
                for r in range(LN):
                    db_v[g * LN + r, pl.ds(0, LN)] = (
                        jnp.broadcast_to(d16[r], (LN,)))
                return carry

            lax.fori_loop(0, dv // LN, grp, 0)
            pltpu.sync_copy(db_v.at[pl.ds(0, w0)],
                            deg_hbm.at[c, pl.ds(off, w0)])

            @pl.when(s == NS - 1)
            def _():
                pltpu.sync_copy(db_v.at[pl.ds(w0, extra)],
                                deg_hbm.at[c, pl.ds(off + w0, extra)])

    return pl.kernel(
        body, out_type=out_type, mesh=mesh, scratch_types=scratch,
        compiler_params=pltpu.CompilerParams(use_tc_tiling_on_sc=False,
                                            internal_scratch_in_bytes=65536))


def _mm_a(x, w):
    n, d = x.shape
    h = w.shape[1]
    hh = h // 2
    blk = 2000

    def body(x_ref, w_ref, oa_ref, ob_ref):
        y = jnp.dot(x_ref[...], w_ref[...], preferred_element_type=jnp.float32)
        oa_ref[...] = y[:, :hh]
        ob_ref[...] = y[:, hh:]

    return pl.pallas_call(
        body,
        grid=(n // blk,),
        in_specs=[pl.BlockSpec((blk, d), lambda i: (i, 0)),
                  pl.BlockSpec((d, h), lambda i: (0, 0))],
        out_specs=[pl.BlockSpec((blk, hh), lambda i: (i, 0)),
                   pl.BlockSpec((blk, hh), lambda i: (i, 0))],
        out_shape=[jax.ShapeDtypeStruct((n, hh), jnp.float32),
                   jax.ShapeDtypeStruct((n, hh), jnp.float32)],
    )(x, w)


def _mm_plain(x, w):
    n, d = x.shape
    h = w.shape[1]
    blk = 2000

    def body(x_ref, w_ref, o_ref):
        o_ref[...] = jnp.dot(x_ref[...], w_ref[...],
                             preferred_element_type=jnp.float32)

    return pl.pallas_call(
        body,
        grid=(n // blk,),
        in_specs=[pl.BlockSpec((blk, d), lambda i: (i, 0)),
                  pl.BlockSpec((d, h), lambda i: (0, 0))],
        out_specs=pl.BlockSpec((blk, h), lambda i: (i, 0)),
        out_shape=jax.ShapeDtypeStruct((n, h), jnp.float32),
    )(x, w)


def _tc_mid(pa, pb, deg, z1, bl1, wl2, wr2):
    n, h = z1.shape
    c = wl2.shape[1]
    hh = h // 2
    blk = 2000

    def body(pa_ref, pb_ref, deg_ref, z1_ref, bl_ref, wl2_ref,
             wr2_ref, y2_ref, z2_ref, inv_ref):
        dg = deg_ref[0, :, :1] + deg_ref[1, :, :1]
        inv = 1.0 / jnp.maximum(dg, 1.0)
        inv_ref[...] = inv
        zw = z1_ref[...] + bl_ref[...]
        h_lo = jnp.maximum((pa_ref[0] + pa_ref[1]) * inv + zw[:, :hh], 0.0)
        h_hi = jnp.maximum((pb_ref[0] + pb_ref[1]) * inv + zw[:, hh:], 0.0)
        y2_ref[...] = (
            jnp.dot(h_lo, wl2_ref[:hh], preferred_element_type=jnp.float32)
            + jnp.dot(h_hi, wl2_ref[hh:], preferred_element_type=jnp.float32))
        z2_ref[...] = (
            jnp.dot(h_lo, wr2_ref[:hh], preferred_element_type=jnp.float32)
            + jnp.dot(h_hi, wr2_ref[hh:], preferred_element_type=jnp.float32))

    return pl.pallas_call(
        body,
        grid=(n // blk,),
        in_specs=[pl.BlockSpec((NC, blk, hh), lambda i: (0, i, 0)),
                  pl.BlockSpec((NC, blk, hh), lambda i: (0, i, 0)),
                  pl.BlockSpec((NC, blk, LN), lambda i: (0, i, 0)),
                  pl.BlockSpec((blk, h), lambda i: (i, 0)),
                  pl.BlockSpec((1, h), lambda i: (0, 0)),
                  pl.BlockSpec((h, c), lambda i: (0, 0)),
                  pl.BlockSpec((h, c), lambda i: (0, 0))],
        out_specs=[pl.BlockSpec((blk, c), lambda i: (i, 0)),
                   pl.BlockSpec((blk, c), lambda i: (i, 0)),
                   pl.BlockSpec((blk, 1), lambda i: (i, 0))],
        out_shape=[jax.ShapeDtypeStruct((n, c), jnp.float32),
                   jax.ShapeDtypeStruct((n, c), jnp.float32),
                   jax.ShapeDtypeStruct((n, 1), jnp.float32)],
    )(pa, pb, deg, z1, bl1, wl2, wr2)


def _tc_out(q, inv, z2, bl2):
    n, c = z2.shape
    blk = 2000

    def body(q_ref, inv_ref, z2_ref, bl_ref, o_ref):
        o_ref[...] = ((q_ref[0] + q_ref[1]) * inv_ref[...]
                      + bl_ref[...] + z2_ref[...])

    return pl.pallas_call(
        body,
        grid=(n // blk,),
        in_specs=[pl.BlockSpec((NC, blk, c), lambda i: (0, i, 0)),
                  pl.BlockSpec((blk, 1), lambda i: (i, 0)),
                  pl.BlockSpec((blk, c), lambda i: (i, 0)),
                  pl.BlockSpec((1, c), lambda i: (0, 0))],
        out_specs=pl.BlockSpec((blk, c), lambda i: (i, 0)),
        out_shape=jax.ShapeDtypeStruct((n, c), jnp.float32),
    )(q, inv, z2, bl2)


def kernel(x, edge_index, Wl1, bl1, Wr1, Wl2, bl2, Wr2):
    n = x.shape[0]
    h = Wl1.shape[1]
    c = Wl2.shape[1]
    e = edge_index.shape[1]

    nw = NC * NS
    srcs = edge_index[0].reshape(nw, e // (nw * CH), CH)
    dsts = edge_index[1].reshape(nw, e // (nw * CH), CH)

    y1a, y1b = _mm_a(x, Wl1)
    pa, deg = _make_sc_agg(n, e, h // 2, True)(y1a, srcs, dsts)
    pb = _make_sc_agg(n, e, h // 2, False)(y1b, srcs, dsts)
    if isinstance(pb, (list, tuple)):
        pb = pb[0]
    z1 = _mm_plain(x, Wr1)
    y2, z2, inv = _tc_mid(pa, pb, deg, z1, bl1.reshape(1, h), Wl2, Wr2)
    q = _make_sc_agg(n, e, c, False)(y2, srcs, dsts)
    if isinstance(q, (list, tuple)):
        q = q[0]
    return _tc_out(q, inv, z2, bl2.reshape(1, c))

# --- scband reference (transcript-rebuilt; emitter-appended) ---
"""Pipeline reference for scband-graph-sage-net-19542101197276 (READ-ONLY COPY).

The authoritative reference and input builder live on the scoring server;
editing this copy changes nothing except your own understanding.
"""

import jax, jax.numpy as jnp
import numpy as np

N = 10000
E = 320000
D_IN = 128
HID = 128
CLS = 64


def setup_inputs(seed: int = 0) -> dict:
    key = jax.random.key(seed)
    ks = jax.random.split(key, 8)
    x = jax.random.normal(ks[0], (N, D_IN), dtype=jnp.float32)
    edge_index = jax.random.randint(ks[1], (2, E), 0, N, dtype=jnp.int32)
    # SAGEConv layer 1: lin_l (aggregated neighbors, with bias), lin_r (root, no bias)
    Wl1 = jax.random.normal(ks[2], (D_IN, HID), dtype=jnp.float32) * (1.0 / np.sqrt(D_IN))
    bl1 = jnp.zeros((HID,), dtype=jnp.float32)
    Wr1 = jax.random.normal(ks[3], (D_IN, HID), dtype=jnp.float32) * (1.0 / np.sqrt(D_IN))
    # SAGEConv layer 2
    Wl2 = jax.random.normal(ks[4], (HID, CLS), dtype=jnp.float32) * (1.0 / np.sqrt(HID))
    bl2 = jnp.zeros((CLS,), dtype=jnp.float32)
    Wr2 = jax.random.normal(ks[5], (HID, CLS), dtype=jnp.float32) * (1.0 / np.sqrt(HID))
    return {"x": x, "edge_index": edge_index, "Wl1": Wl1, "bl1": bl1, "Wr1": Wr1,
            "Wl2": Wl2, "bl2": bl2, "Wr2": Wr2}


def _sage_conv(x, edge_index, Wl, bl, Wr):
    # PyG SAGEConv with mean aggregation:
    #   out_i = lin_l( mean_{j in N(i)} x_j ) + lin_r( x_i )
    src = edge_index[0]
    dst = edge_index[1]
    msg = jnp.take(x, src, axis=0)                                   # gather  [E, d]
    agg = jax.ops.segment_sum(msg, dst, num_segments=N)               # scatter-add [N, d]
    deg = jax.ops.segment_sum(jnp.ones((msg.shape[0],), dtype=x.dtype), dst, num_segments=N)
    agg = agg / jnp.clip(deg, 1.0)[:, None]                           # mean
    return agg @ Wl + bl + x @ Wr


def reference(x, edge_index, Wl1, bl1, Wr1, Wl2, bl2, Wr2):
    h = _sage_conv(x, edge_index, Wl1, bl1, Wr1)
    h = jax.nn.relu(h)
    # F.dropout(training=self.training) is identity in eval mode
    out = _sage_conv(h, edge_index, Wl2, bl2, Wr2)
    return out

if __name__ == "__main__":
    import jax
    _d = setup_inputs()
    print(jax.jit(kernel)(*tuple(_d.values())))

</pallas_src>

<mosaic_0001>
#map = affine_map<(d0, d1) -> (0, 0)>
#map1 = affine_map<(d0, d1) -> (0, 0, 0)>
module attributes {stable_mosaic.version = 14 : i64} {
  func.func @body(%arg0: i32, %arg1: i32, %arg2: memref<10000x64xf32, #tpu.memory_space<hbm>>, %arg3: memref<32x125x80xi32, #tpu.memory_space<hbm>>, %arg4: memref<32x125x80xi32, #tpu.memory_space<hbm>>, %arg5: memref<2x10000x64xf32, #tpu.memory_space<hbm>>, %arg6: memref<125x80xi32, #tpu.memory_space<vmem>>, %arg7: memref<125x80xi32, #tpu.memory_space<vmem>>, %arg8: memref<80x64xf32, #tpu.memory_space<vmem>>, %arg9: memref<80x64xf32, #tpu.memory_space<vmem>>, %arg10: memref<80x64xf32, #tpu.memory_space<vmem>>, %arg11: memref<80x64xf32, #tpu.memory_space<vmem>>, %arg12: memref<80x64xf32, #tpu.memory_space<vmem>>, %arg13: memref<80x64xf32, #tpu.memory_space<vmem>>, %arg14: memref<208x64xf32, #tpu.memory_space<vmem>>, %arg15: memref<!tpu.dma_semaphore, #tpu.memory_space<semaphore_mem>>, %arg16: memref<!tpu.dma_semaphore, #tpu.memory_space<semaphore_mem>>, %arg17: memref<!tpu.dma_semaphore, #tpu.memory_space<semaphore_mem>>, %arg18: memref<!tpu.dma_semaphore, #tpu.memory_space<semaphore_mem>>, %arg19: memref<!tpu.dma_semaphore, #tpu.memory_space<semaphore_mem>>, %arg20: memref<!tpu.dma_semaphore, #tpu.memory_space<semaphore_mem>>, %arg21: memref<!tpu.dma_semaphore, #tpu.memory_space<semaphore_mem>>, %arg22: memref<!tpu.dma_semaphore, #tpu.memory_space<semaphore_mem>>, %arg23: memref<!tpu.dma_semaphore, #tpu.memory_space<semaphore_mem>>, %arg24: memref<!tpu.dma_semaphore, #tpu.memory_space<semaphore_mem>>, %arg25: memref<!tpu.dma_semaphore, #tpu.memory_space<semaphore_mem>>, %arg26: memref<!tpu.dma_semaphore, #tpu.memory_space<semaphore_mem>>, %arg27: memref<10000x64xf32, #tpu.memory_space<vmem_shared>>) attributes {dimension_semantics = [#tpu.dimension_semantics<core_parallel>, #tpu.dimension_semantics<subcore_parallel>], iteration_bounds = array<i64: 2, 16>, scalar_prefetch = 0 : i64, scratch_operands = 22 : i64, tpu.core_type = #tpu.core_type<sc_vector_subcore>, window_params = [{transform_indices = #map}, {transform_indices = #map1}, {transform_indices = #map1}, {transform_indices = #map1}]} {
    %mul3A = arith.constant 16 : i32
    %mul3A_0 = arith.muli %arg0, %mul3A : i32
    %add3A = arith.addi %mul3A_0, %arg1 : i32
    "tpu.region"() ({
      %run_scoped3A = tpu.sem_alloc : memref<!tpu.dma_semaphore, #tpu.memory_space<semaphore_mem>>
      %dma_start3A_193 = arith.constant 0 : i32
      %dma_start3A_194 = arith.constant 0 : i32
      %dma_start3A_195 = tpu.memref_slice %arg3[%add3A, %dma_start3A_193, %dma_start3A_194] : memref<32x125x80xi32, #tpu.memory_space<hbm>> -> memref<1x125x80xi32, #tpu.memory_space<hbm>>
      %dma_start3A_196 = tpu.memref_squeeze %dma_start3A_195 : memref<1x125x80xi32, #tpu.memory_space<hbm>> -> memref<125x80xi32, #tpu.memory_space<hbm>>
      %dma_start3A_197 = arith.constant 0 : i32
      %dma_start3A_198 = arith.constant 0 : i32
      %dma_start3A_199 = tpu.memref_slice %arg3[%add3A, %dma_start3A_197, %dma_start3A_198] : memref<32x125x80xi32, #tpu.memory_space<hbm>> -> memref<1x125x80xi32, #tpu.memory_space<hbm>>
      %dma_start3A_200 = tpu.memref_squeeze %dma_start3A_199 : memref<1x125x80xi32, #tpu.memory_space<hbm>> -> memref<125x80xi32, #tpu.memory_space<hbm>>
      tpu.enqueue_dma source(%dma_start3A_200 : memref<125x80xi32, #tpu.memory_space<hbm>>) target(%arg6 : memref<125x80xi32, #tpu.memory_space<vmem>>) target_semaphore(%run_scoped3A : memref<!tpu.dma_semaphore, #tpu.memory_space<semaphore_mem>>)
      %dma_wait3A_201 = arith.constant 0 : i32
      %dma_wait3A_202 = arith.constant 0 : i32
      %dma_wait3A_203 = tpu.memref_slice %arg3[%add3A, %dma_wait3A_201, %dma_wait3A_202] : memref<32x125x80xi32, #tpu.memory_space<hbm>> -> memref<1x125x80xi32, #tpu.memory_space<hbm>>
      %dma_wait3A_204 = tpu.memref_squeeze %dma_wait3A_203 : memref<1x125x80xi32, #tpu.memory_space<hbm>> -> memref<125x80xi32, #tpu.memory_space<hbm>>
      %dma_wait3A_205 = arith.constant 0 : i32
      %dma_wait3A_206 = arith.constant 0 : i32
      %dma_wait3A_207 = tpu.memref_slice %arg3[%add3A, %dma_wait3A_205, %dma_wait3A_206] : memref<32x125x80xi32, #tpu.memory_space<hbm>> -> memref<1x125x80xi32, #tpu.memory_space<hbm>>
      %dma_wait3A_208 = tpu.memref_squeeze %dma_wait3A_207 : memref<1x125x80xi32, #tpu.memory_space<hbm>> -> memref<125x80xi32, #tpu.memory_space<hbm>>
      tpu.wait_dma2 semaphore(%run_scoped3A : memref<!tpu.dma_semaphore, #tpu.memory_space<semaphore_mem>>) src(%dma_wait3A_208 : memref<125x80xi32, #tpu.memory_space<hbm>>) dst(%arg6 : memref<125x80xi32, #tpu.memory_space<vmem>>)
      tpu.yield
    }) : () -> ()
    "tpu.region"() ({
      %run_scoped3A = tpu.sem_alloc : memref<!tpu.dma_semaphore, #tpu.memory_space<semaphore_mem>>
      %dma_start3A_193 = arith.constant 0 : i32
      %dma_start3A_194 = arith.constant 0 : i32
      %dma_start3A_195 = tpu.memref_slice %arg4[%add3A, %dma_start3A_193, %dma_start3A_194] : memref<32x125x80xi32, #tpu.memory_space<hbm>> -> memref<1x125x80xi32, #tpu.memory_space<hbm>>
      %dma_start3A_196 = tpu.memref_squeeze %dma_start3A_195 : memref<1x125x80xi32, #tpu.memory_space<hbm>> -> memref<125x80xi32, #tpu.memory_space<hbm>>
      %dma_start3A_197 = arith.constant 0 : i32
      %dma_start3A_198 = arith.constant 0 : i32
      %dma_start3A_199 = tpu.memref_slice %arg4[%add3A, %dma_start3A_197, %dma_start3A_198] : memref<32x125x80xi32, #tpu.memory_space<hbm>> -> memref<1x125x80xi32, #tpu.memory_space<hbm>>
      %dma_start3A_200 = tpu.memref_squeeze %dma_start3A_199 : memref<1x125x80xi32, #tpu.memory_space<hbm>> -> memref<125x80xi32, #tpu.memory_space<hbm>>
      tpu.enqueue_dma source(%dma_start3A_200 : memref<125x80xi32, #tpu.memory_space<hbm>>) target(%arg7 : memref<125x80xi32, #tpu.memory_space<vmem>>) target_semaphore(%run_scoped3A : memref<!tpu.dma_semaphore, #tpu.memory_space<semaphore_mem>>)
      %dma_wait3A_201 = arith.constant 0 : i32
      %dma_wait3A_202 = arith.constant 0 : i32
      %dma_wait3A_203 = tpu.memref_slice %arg4[%add3A, %dma_wait3A_201, %dma_wait3A_202] : memref<32x125x80xi32, #tpu.memory_space<hbm>> -> memref<1x125x80xi32, #tpu.memory_space<hbm>>
      %dma_wait3A_204 = tpu.memref_squeeze %dma_wait3A_203 : memref<1x125x80xi32, #tpu.memory_space<hbm>> -> memref<125x80xi32, #tpu.memory_space<hbm>>
      %dma_wait3A_205 = arith.constant 0 : i32
      %dma_wait3A_206 = arith.constant 0 : i32
      %dma_wait3A_207 = tpu.memref_slice %arg4[%add3A, %dma_wait3A_205, %dma_wait3A_206] : memref<32x125x80xi32, #tpu.memory_space<hbm>> -> memref<1x125x80xi32, #tpu.memory_space<hbm>>
      %dma_wait3A_208 = tpu.memref_squeeze %dma_wait3A_207 : memref<1x125x80xi32, #tpu.memory_space<hbm>> -> memref<125x80xi32, #tpu.memory_space<hbm>>
      tpu.wait_dma2 semaphore(%run_scoped3A : memref<!tpu.dma_semaphore, #tpu.memory_space<semaphore_mem>>) src(%dma_wait3A_208 : memref<125x80xi32, #tpu.memory_space<hbm>>) dst(%arg7 : memref<125x80xi32, #tpu.memory_space<vmem>>)
      tpu.yield
    }) : () -> ()
    %broadcast_in_dim3A = arith.constant 0.000000e+00 : f32
    %broadcast_in_dim3A_1 = vector.broadcast %broadcast_in_dim3A : f32 to vector<16xf32>
    %scan3A = arith.constant 0 : i32
    %scan3A_2 = arith.constant 0 : i32
    %scan3A_3 = arith.constant 208 : i32
    %scan3A_4 = arith.addi %scan3A_2, %scan3A_3 : i32
    %scan3A_5 = arith.constant 1 : i32
    scf.for %scan3A_193 = %scan3A_2 to %scan3A_4 step %scan3A_5  : i32 {
      %swap3A = arith.index_cast %scan3A_193 : i32 to index
      %swap3A_194 = arith.constant 0 : index
      %swap3A_195 = tpu.vector_load %arg14[%swap3A, %swap3A_194] {strides = array<i32>} : memref<208x64xf32, #tpu.memory_space<vmem>>, vector<1x16xf32>,
      %swap3A_196 = vector.shape_cast %swap3A_195 : vector<1x16xf32> to vector<16xf32>
      %swap3A_197 = vector.shape_cast %broadcast_in_dim3A_1 : vector<16xf32> to vector<1x16xf32>
      tpu.vector_store %arg14[%swap3A, %swap3A_194], %swap3A_197 {strides = array<i32>} : memref<208x64xf32, #tpu.memory_space<vmem>>, vector<1x16xf32>,
      %swap3A_198 = arith.index_cast %scan3A_193 : i32 to index
      %swap3A_199 = arith.constant 16 : index
      %swap3A_200 = tpu.vector_load %arg14[%swap3A_198, %swap3A_199] {strides = array<i32>} : memref<208x64xf32, #tpu.memory_space<vmem>>, vector<1x16xf32>,
      %swap3A_201 = vector.shape_cast %swap3A_200 : vector<1x16xf32> to vector<16xf32>
      %swap3A_202 = vector.shape_cast %broadcast_in_dim3A_1 : vector<16xf32> to vector<1x16xf32>
      tpu.vector_store %arg14[%swap3A_198, %swap3A_199], %swap3A_202 {strides = array<i32>} : memref<208x64xf32, #tpu.memory_space<vmem>>, vector<1x16xf32>,
      %swap3A_203 = arith.index_cast %scan3A_193 : i32 to index
      %swap3A_204 = arith.constant 32 : index
      %swap3A_205 = tpu.vector_load %arg14[%swap3A_203, %swap3A_204] {strides = array<i32>} : memref<208x64xf32, #tpu.memory_space<vmem>>, vector<1x16xf32>,
      %swap3A_206 = vector.shape_cast %swap3A_205 : vector<1x16xf32> to vector<16xf32>
      %swap3A_207 = vector.shape_cast %broadcast_in_dim3A_1 : vector<16xf32> to vector<1x16xf32>
      tpu.vector_store %arg14[%swap3A_203, %swap3A_204], %swap3A_207 {strides = array<i32>} : memref<208x64xf32, #tpu.memory_space<vmem>>, vector<1x16xf32>,
      %swap3A_208 = arith.index_cast %scan3A_193 : i32 to index
      %swap3A_209 = arith.constant 48 : index
      %swap3A_210 = tpu.vector_load %arg14[%swap3A_208, %swap3A_209] {strides = array<i32>} : memref<208x64xf32, #tpu.memory_space<vmem>>, vector<1x16xf32>,
      %swap3A_211 = vector.shape_cast %swap3A_210 : vector<1x16xf32> to vector<16xf32>
      %swap3A_212 = vector.shape_cast %broadcast_in_dim3A_1 : vector<16xf32> to vector<1x16xf32>
      tpu.vector_store %arg14[%swap3A_208, %swap3A_209], %swap3A_212 {strides = array<i32>} : memref<208x64xf32, #tpu.memory_space<vmem>>, vector<1x16xf32>,
    }
    %scan3A_6 = arith.constant 208 : i32
    %mul3A_7 = arith.constant 624 : i32
    %mul3A_8 = arith.muli %arg1, %mul3A_7 : i32
    %multiple_of3A = tpu.assume_multiple %mul3A_8, 8 : i32
    %add3A_9 = arith.constant 0 : i32
    %add3A_10 = arith.addi %multiple_of3A, %add3A_9 : i32
    "tpu.region"() ({
      %run_scoped3A = tpu.sem_alloc : memref<!tpu.dma_semaphore, #tpu.memory_space<semaphore_mem>>
      %dma_start3A_193 = arith.constant 0 : i32
      %dma_start3A_194 = tpu.memref_slice %arg27[%add3A_10, %dma_start3A_193] : memref<10000x64xf32, #tpu.memory_space<vmem_shared>> -> memref<208x64xf32, #tpu.memory_space<vmem_shared>>
      %dma_start3A_195 = arith.constant 0 : i32
      %dma_start3A_196 = tpu.memref_slice %arg27[%add3A_10, %dma_start3A_195] : memref<10000x64xf32, #tpu.memory_space<vmem_shared>> -> memref<208x64xf32, #tpu.memory_space<vmem_shared>>
      tpu.enqueue_dma source(%arg14 : memref<208x64xf32, #tpu.memory_space<vmem>>) target(%dma_start3A_196 : memref<208x64xf32, #tpu.memory_space<vmem_shared>>) target_semaphore(%run_scoped3A : memref<!tpu.dma_semaphore, #tpu.memory_space<semaphore_mem>>)
      %dma_wait3A_197 = arith.constant 0 : i32
      %dma_wait3A_198 = tpu.memref_slice %arg27[%add3A_10, %dma_wait3A_197] : memref<10000x64xf32, #tpu.memory_space<vmem_shared>> -> memref<208x64xf32, #tpu.memory_space<vmem_shared>>
      %dma_wait3A_199 = arith.constant 0 : i32
      %dma_wait3A_200 = tpu.memref_slice %arg27[%add3A_10, %dma_wait3A_199] : memref<10000x64xf32, #tpu.memory_space<vmem_shared>> -> memref<208x64xf32, #tpu.memory_space<vmem_shared>>
      tpu.wait_dma2 semaphore(%run_scoped3A : memref<!tpu.dma_semaphore, #tpu.memory_space<semaphore_mem>>) src(%arg14 : memref<208x64xf32, #tpu.memory_space<vmem>>) dst(%dma_wait3A_200 : memref<208x64xf32, #tpu.memory_space<vmem_shared>>)
      tpu.yield
    }) : () -> ()
    %add3A_11 = arith.constant 208 : i32
    %add3A_12 = arith.addi %multiple_of3A, %add3A_11 : i32
    "tpu.region"() ({
      %run_scoped3A = tpu.sem_alloc : memref<!tpu.dma_semaphore, #tpu.memory_space<semaphore_mem>>
      %dma_start3A_193 = arith.constant 0 : i32
      %dma_start3A_194 = tpu.memref_slice %arg27[%add3A_12, %dma_start3A_193] : memref<10000x64xf32, #tpu.memory_space<vmem_shared>> -> memref<208x64xf32, #tpu.memory_space<vmem_shared>>
      %dma_start3A_195 = arith.constant 0 : i32
      %dma_start3A_196 = tpu.memref_slice %arg27[%add3A_12, %dma_start3A_195] : memref<10000x64xf32, #tpu.memory_space<vmem_shared>> -> memref<208x64xf32, #tpu.memory_space<vmem_shared>>
      tpu.enqueue_dma source(%arg14 : memref<208x64xf32, #tpu.memory_space<vmem>>) target(%dma_start3A_196 : memref<208x64xf32, #tpu.memory_space<vmem_shared>>) target_semaphore(%run_scoped3A : memref<!tpu.dma_semaphore, #tpu.memory_space<semaphore_mem>>)
      %dma_wait3A_197 = arith.constant 0 : i32
      %dma_wait3A_198 = tpu.memref_slice %arg27[%add3A_12, %dma_wait3A_197] : memref<10000x64xf32, #tpu.memory_space<vmem_shared>> -> memref<208x64xf32, #tpu.memory_space<vmem_shared>>
      %dma_wait3A_199 = arith.constant 0 : i32
      %dma_wait3A_200 = tpu.memref_slice %arg27[%add3A_12, %dma_wait3A_199] : memref<10000x64xf32, #tpu.memory_space<vmem_shared>> -> memref<208x64xf32, #tpu.memory_space<vmem_shared>>
      tpu.wait_dma2 semaphore(%run_scoped3A : memref<!tpu.dma_semaphore, #tpu.memory_space<semaphore_mem>>) src(%arg14 : memref<208x64xf32, #tpu.memory_space<vmem>>) dst(%dma_wait3A_200 : memref<208x64xf32, #tpu.memory_space<vmem_shared>>)
      tpu.yield
    }) : () -> ()
    %add3A_13 = arith.constant 416 : i32
    %add3A_14 = arith.addi %multiple_of3A, %add3A_13 : i32
    "tpu.region"() ({
      %run_scoped3A = tpu.sem_alloc : memref<!tpu.dma_semaphore, #tpu.memory_space<semaphore_mem>>
      %dma_start3A_193 = arith.constant 0 : i32
      %dma_start3A_194 = tpu.memref_slice %arg27[%add3A_14, %dma_start3A_193] : memref<10000x64xf32, #tpu.memory_space<vmem_shared>> -> memref<208x64xf32, #tpu.memory_space<vmem_shared>>
      %dma_start3A_195 = arith.constant 0 : i32
      %dma_start3A_196 = tpu.memref_slice %arg27[%add3A_14, %dma_start3A_195] : memref<10000x64xf32, #tpu.memory_space<vmem_shared>> -> memref<208x64xf32, #tpu.memory_space<vmem_shared>>
      tpu.enqueue_dma source(%arg14 : memref<208x64xf32, #tpu.memory_space<vmem>>) target(%dma_start3A_196 : memref<208x64xf32, #tpu.memory_space<vmem_shared>>) target_semaphore(%run_scoped3A : memref<!tpu.dma_semaphore, #tpu.memory_space<semaphore_mem>>)
      %dma_wait3A_197 = arith.constant 0 : i32
      %dma_wait3A_198 = tpu.memref_slice %arg27[%add3A_14, %dma_wait3A_197] : memref<10000x64xf32, #tpu.memory_space<vmem_shared>> -> memref<208x64xf32, #tpu.memory_space<vmem_shared>>
      %dma_wait3A_199 = arith.constant 0 : i32
      %dma_wait3A_200 = tpu.memref_slice %arg27[%add3A_14, %dma_wait3A_199] : memref<10000x64xf32, #tpu.memory_space<vmem_shared>> -> memref<208x64xf32, #tpu.memory_space<vmem_shared>>
      tpu.wait_dma2 semaphore(%run_scoped3A : memref<!tpu.dma_semaphore, #tpu.memory_space<semaphore_mem>>) src(%arg14 : memref<208x64xf32, #tpu.memory_space<vmem>>) dst(%dma_wait3A_200 : memref<208x64xf32, #tpu.memory_space<vmem_shared>>)
      tpu.yield
    }) : () -> ()
    %eq3A = arith.constant 15 : i32
    %eq3A_15 = arith.cmpi eq, %arg1, %eq3A : i32
    %convert_element_type3A = arith.extui %eq3A_15 : i1 to i32
    %cond3A = arith.constant 0 : i32
    %cond3A_16 = arith.cmpi ne, %convert_element_type3A, %cond3A : i32
    scf.if %cond3A_16 {
      %add3A_193 = arith.constant 624 : i32
      %add3A_194 = arith.addi %multiple_of3A, %add3A_193 : i32
      "tpu.region"() ({
        %run_scoped3A = tpu.sem_alloc : memref<!tpu.dma_semaphore, #tpu.memory_space<semaphore_mem>>
        %dma_start3A_195 = arith.constant 0 : i32
        %dma_start3A_196 = arith.constant 0 : i32
        %dma_start3A_197 = tpu.memref_slice %arg14[%dma_start3A_195, %dma_start3A_196] : memref<208x64xf32, #tpu.memory_space<vmem>> -> memref<16x64xf32, #tpu.memory_space<vmem>>
        %dma_start3A_198 = arith.constant 0 : i32
        %dma_start3A_199 = tpu.memref_slice %arg27[%add3A_194, %dma_start3A_198] : memref<10000x64xf32, #tpu.memory_space<vmem_shared>> -> memref<16x64xf32, #tpu.memory_space<vmem_shared>>
        %dma_start3A_200 = arith.constant 0 : i32
        %dma_start3A_201 = tpu.memref_slice %arg27[%add3A_194, %dma_start3A_200] : memref<10000x64xf32, #tpu.memory_space<vmem_shared>> -> memref<16x64xf32, #tpu.memory_space<vmem_shared>>
        %dma_start3A_202 = arith.constant 0 : i32
        %dma_start3A_203 = arith.constant 0 : i32
        %dma_start3A_204 = tpu.memref_slice %arg14[%dma_start3A_202, %dma_start3A_203] : memref<208x64xf32, #tpu.memory_space<vmem>> -> memref<16x64xf32, #tpu.memory_space<vmem>>
        tpu.enqueue_dma source(%dma_start3A_204 : memref<16x64xf32, #tpu.memory_space<vmem>>) target(%dma_start3A_201 : memref<16x64xf32, #tpu.memory_space<vmem_shared>>) target_semaphore(%run_scoped3A : memref<!tpu.dma_semaphore, #tpu.memory_space<semaphore_mem>>)
        %dma_wait3A_205 = arith.constant 0 : i32
        %dma_wait3A_206 = arith.constant 0 : i32
        %dma_wait3A_207 = tpu.memref_slice %arg14[%dma_wait3A_205, %dma_wait3A_206] : memref<208x64xf32, #tpu.memory_space<vmem>> -> memref<16x64xf32, #tpu.memory_space<vmem>>
        %dma_wait3A_208 = arith.constant 0 : i32
        %dma_wait3A_209 = tpu.memref_slice %arg27[%add3A_194, %dma_wait3A_208] : memref<10000x64xf32, #tpu.memory_space<vmem_shared>> -> memref<16x64xf32, #tpu.memory_space<vmem_shared>>
        %dma_wait3A_210 = arith.constant 0 : i32
        %dma_wait3A_211 = tpu.memref_slice %arg27[%add3A_194, %dma_wait3A_210] : memref<10000x64xf32, #tpu.memory_space<vmem_shared>> -> memref<16x64xf32, #tpu.memory_space<vmem_shared>>
        %dma_wait3A_212 = arith.constant 0 : i32
        %dma_wait3A_213 = arith.constant 0 : i32
        %dma_wait3A_214 = tpu.memref_slice %arg14[%dma_wait3A_212, %dma_wait3A_213] : memref<208x64xf32, #tpu.memory_space<vmem>> -> memref<16x64xf32, #tpu.memory_space<vmem>>
        tpu.wait_dma2 semaphore(%run_scoped3A : memref<!tpu.dma_semaphore, #tpu.memory_space<semaphore_mem>>) src(%dma_wait3A_214 : memref<16x64xf32, #tpu.memory_space<vmem>>) dst(%dma_wait3A_211 : memref<16x64xf32, #tpu.memory_space<vmem_shared>>)
        tpu.yield
      }) : () -> ()
    } else {
    }
    %barrier3A = arith.constant 0 : index
    tpu.barrier barrier_id(%barrier3A)
    %dma_start3A = arith.constant 0 : i32
    %dma_start3A_17 = arith.constant 0 : i32
    %dma_start3A_18 = tpu.memref_slice %arg6[%dma_start3A, %dma_start3A_17] : memref<125x80xi32, #tpu.memory_space<vmem>> -> memref<1x80xi32, #tpu.memory_space<vmem>>
    %dma_start3A_19 = tpu.memref_squeeze %dma_start3A_18 : memref<1x80xi32, #tpu.memory_space<vmem>> -> memref<80xi32, #tpu.memory_space<vmem>>
    %dma_start3A_20 = arith.constant 0 : i32
    %dma_start3A_21 = arith.constant 0 : i32
    %dma_start3A_22 = tpu.memref_slice %arg2[%dma_start3A_20, %dma_start3A_21] : memref<10000x64xf32, #tpu.memory_space<hbm>> -> memref<10000x64xf32, #tpu.memory_space<hbm>>
    tpu.enqueue_indirect_dma source(%dma_start3A_22 : memref<10000x64xf32, #tpu.memory_space<hbm>>) target(%arg8 : memref<80x64xf32, #tpu.memory_space<vmem>>) offsets(%dma_start3A_19 : memref<80xi32, #tpu.memory_space<vmem>>) semaphore(%arg15 : memref<!tpu.dma_semaphore, #tpu.memory_space<semaphore_mem>>)
    %dma_start3A_23 = arith.constant 1 : i32
    %dma_start3A_24 = arith.constant 0 : i32
    %dma_start3A_25 = tpu.memref_slice %arg6[%dma_start3A_23, %dma_start3A_24] : memref<125x80xi32, #tpu.memory_space<vmem>> -> memref<1x80xi32, #tpu.memory_space<vmem>>
    %dma_start3A_26 = tpu.memref_squeeze %dma_start3A_25 : memref<1x80xi32, #tpu.memory_space<vmem>> -> memref<80xi32, #tpu.memory_space<vmem>>
    %dma_start3A_27 = arith.constant 0 : i32
    %dma_start3A_28 = arith.constant 0 : i32
    %dma_start3A_29 = tpu.memref_slice %arg2[%dma_start3A_27, %dma_start3A_28] : memref<10000x64xf32, #tpu.memory_space<hbm>> -> memref<10000x64xf32, #tpu.memory_space<hbm>>
    tpu.enqueue_indirect_dma source(%dma_start3A_29 : memref<10000x64xf32, #tpu.memory_space<hbm>>) target(%arg9 : memref<80x64xf32, #tpu.memory_space<vmem>>) offsets(%dma_start3A_26 : memref<80xi32, #tpu.memory_space<vmem>>) semaphore(%arg16 : memref<!tpu.dma_semaphore, #tpu.memory_space<semaphore_mem>>)
    %dma_start3A_30 = arith.constant 2 : i32
    %dma_start3A_31 = arith.constant 0 : i32
    %dma_start3A_32 = tpu.memref_slice %arg6[%dma_start3A_30, %dma_start3A_31] : memref<125x80xi32, #tpu.memory_space<vmem>> -> memref<1x80xi32, #tpu.memory_space<vmem>>
    %dma_start3A_33 = tpu.memref_squeeze %dma_start3A_32 : memref<1x80xi32, #tpu.memory_space<vmem>> -> memref<80xi32, #tpu.memory_space<vmem>>
    %dma_start3A_34 = arith.constant 0 : i32
    %dma_start3A_35 = arith.constant 0 : i32
    %dma_start3A_36 = tpu.memref_slice %arg2[%dma_start3A_34, %dma_start3A_35] : memref<10000x64xf32, #tpu.memory_space<hbm>> -> memref<10000x64xf32, #tpu.memory_space<hbm>>
    tpu.enqueue_indirect_dma source(%dma_start3A_36 : memref<10000x64xf32, #tpu.memory_space<hbm>>) target(%arg10 : memref<80x64xf32, #tpu.memory_space<vmem>>) offsets(%dma_start3A_33 : memref<80xi32, #tpu.memory_space<vmem>>) semaphore(%arg17 : memref<!tpu.dma_semaphore, #tpu.memory_space<semaphore_mem>>)
    %dma_start3A_37 = arith.constant 3 : i32
    %dma_start3A_38 = arith.constant 0 : i32
    %dma_start3A_39 = tpu.memref_slice %arg6[%dma_start3A_37, %dma_start3A_38] : memref<125x80xi32, #tpu.memory_space<vmem>> -> memref<1x80xi32, #tpu.memory_space<vmem>>
    %dma_start3A_40 = tpu.memref_squeeze %dma_start3A_39 : memref<1x80xi32, #tpu.memory_space<vmem>> -> memref<80xi32, #tpu.memory_space<vmem>>
    %dma_start3A_41 = arith.constant 0 : i32
    %dma_start3A_42 = arith.constant 0 : i32
    %dma_start3A_43 = tpu.memref_slice %arg2[%dma_start3A_41, %dma_start3A_42] : memref<10000x64xf32, #tpu.memory_space<hbm>> -> memref<10000x64xf32, #tpu.memory_space<hbm>>
    tpu.enqueue_indirect_dma source(%dma_start3A_43 : memref<10000x64xf32, #tpu.memory_space<hbm>>) target(%arg11 : memref<80x64xf32, #tpu.memory_space<vmem>>) offsets(%dma_start3A_40 : memref<80xi32, #tpu.memory_space<vmem>>) semaphore(%arg18 : memref<!tpu.dma_semaphore, #tpu.memory_space<semaphore_mem>>)
    %scan3A_44 = arith.constant 0 : i32
    %scan3A_45 = arith.constant 0 : i32
    %scan3A_46 = arith.constant 20 : i32
    %scan3A_47 = arith.addi %scan3A_45, %scan3A_46 : i32
    %scan3A_48 = arith.constant 1 : i32
    scf.for %scan3A_193 = %scan3A_45 to %scan3A_47 step %scan3A_48  : i32 {
      %mul3A_194 = arith.constant 6 : i32
      %mul3A_195 = arith.muli %mul3A_194, %scan3A_193 : i32
      %add3A_196 = arith.constant 0 : i32
      %add3A_197 = arith.addi %mul3A_195, %add3A_196 : i32
      %gt3A = arith.constant 0 : i32
      %gt3A_198 = arith.cmpi sgt, %scan3A_193, %gt3A : i32
      %convert_element_type3A_199 = arith.extui %gt3A_198 : i1 to i32
      %cond3A_200 = arith.constant 0 : i32
      %cond3A_201 = arith.cmpi ne, %convert_element_type3A_199, %cond3A_200 : i32
      scf.if %cond3A_201 {
        %sub3A_371 = arith.constant 2 : i32
        %sub3A_372 = arith.subi %add3A_197, %sub3A_371 : i32
        %dma_wait3A_373 = arith.constant 0 : i32
        %dma_wait3A_374 = tpu.memref_slice %arg7[%sub3A_372, %dma_wait3A_373] : memref<125x80xi32, #tpu.memory_space<vmem>> -> memref<1x80xi32, #tpu.memory_space<vmem>>
        %dma_wait3A_375 = tpu.memref_squeeze %dma_wait3A_374 : memref<1x80xi32, #tpu.memory_space<vmem>> -> memref<80xi32, #tpu.memory_space<vmem>>
        %dma_wait3A_376 = arith.constant 0 : i32
        %dma_wait3A_377 = arith.constant 0 : i32
        %dma_wait3A_378 = tpu.memref_slice %arg27[%dma_wait3A_376, %dma_wait3A_377] : memref<10000x64xf32, #tpu.memory_space<vmem_shared>> -> memref<10000x64xf32, #tpu.memory_space<vmem_shared>>
        tpu.wait_indirect_dma semaphore(%arg25 : memref<!tpu.dma_semaphore, #tpu.memory_space<semaphore_mem>>) src(%arg12 : memref<80x64xf32, #tpu.memory_space<vmem>>) dst(%dma_wait3A_378 : memref<10000x64xf32, #tpu.memory_space<vmem_shared>>)
      } else {
      }
      %add3A_202 = arith.constant 4 : i32
      %add3A_203 = arith.addi %add3A_197, %add3A_202 : i32
      %lt3A = arith.constant 125 : i32
      %lt3A_204 = arith.cmpi slt, %add3A_203, %lt3A : i32
      %convert_element_type3A_205 = arith.extui %lt3A_204 : i1 to i32
      %cond3A_206 = arith.constant 0 : i32
      %cond3A_207 = arith.cmpi ne, %convert_element_type3A_205, %cond3A_206 : i32
      scf.if %cond3A_207 {
        %add3A_371 = arith.constant 4 : i32
        %add3A_372 = arith.addi %add3A_197, %add3A_371 : i32
        %dma_start3A_373 = arith.constant 0 : i32
        %dma_start3A_374 = tpu.memref_slice %arg6[%add3A_372, %dma_start3A_373] : memref<125x80xi32, #tpu.memory_space<vmem>> -> memref<1x80xi32, #tpu.memory_space<vmem>>
        %dma_start3A_375 = tpu.memref_squeeze %dma_start3A_374 : memref<1x80xi32, #tpu.memory_space<vmem>> -> memref<80xi32, #tpu.memory_space<vmem>>
        %dma_start3A_376 = arith.constant 0 : i32
        %dma_start3A_377 = arith.constant 0 : i32
        %dma_start3A_378 = tpu.memref_slice %arg2[%dma_start3A_376, %dma_start3A_377] : memref<10000x64xf32, #tpu.memory_space<hbm>> -> memref<10000x64xf32, #tpu.memory_space<hbm>>
        tpu.enqueue_indirect_dma source(%dma_start3A_378 : memref<10000x64xf32, #tpu.memory_space<hbm>>) target(%arg12 : memref<80x64xf32, #tpu.memory_space<vmem>>) offsets(%dma_start3A_375 : memref<80xi32, #tpu.memory_space<vmem>>) semaphore(%arg19 : memref<!tpu.dma_semaphore, #tpu.memory_space<semaphore_mem>>)
      } else {
      }
      %dma_wait3A_208 = arith.constant 0 : i32
      %dma_wait3A_209 = tpu.memref_slice %arg6[%add3A_197, %dma_wait3A_208] : memref<125x80xi32, #tpu.memory_space<vmem>> -> memref<1x80xi32, #tpu.memory_space<vmem>>
      %dma_wait3A_210 = tpu.memref_squeeze %dma_wait3A_209 : memref<1x80xi32, #tpu.memory_space<vmem>> -> memref<80xi32, #tpu.memory_space<vmem>>
      %dma_wait3A_211 = arith.constant 0 : i32
      %dma_wait3A_212 = arith.constant 0 : i32
      %dma_wait3A_213 = tpu.memref_slice %arg2[%dma_wait3A_211, %dma_wait3A_212] : memref<10000x64xf32, #tpu.memory_space<hbm>> -> memref<10000x64xf32, #tpu.memory_space<hbm>>
      tpu.wait_indirect_dma semaphore(%arg15 : memref<!tpu.dma_semaphore, #tpu.memory_space<semaphore_mem>>) src(%dma_wait3A_213 : memref<10000x64xf32, #tpu.memory_space<hbm>>) dst(%arg8 : memref<80x64xf32, #tpu.memory_space<vmem>>)
      %dma_start3A_214 = arith.constant 0 : i32
      %dma_start3A_215 = tpu.memref_slice %arg7[%add3A_197, %dma_start3A_214] : memref<125x80xi32, #tpu.memory_space<vmem>> -> memref<1x80xi32, #tpu.memory_space<vmem>>
      %dma_start3A_216 = tpu.memref_squeeze %dma_start3A_215 : memref<1x80xi32, #tpu.memory_space<vmem>> -> memref<80xi32, #tpu.memory_space<vmem>>
      %dma_start3A_217 = arith.constant 0 : i32
      %dma_start3A_218 = arith.constant 0 : i32
      %dma_start3A_219 = tpu.memref_slice %arg27[%dma_start3A_217, %dma_start3A_218] : memref<10000x64xf32, #tpu.memory_space<vmem_shared>> -> memref<10000x64xf32, #tpu.memory_space<vmem_shared>>
      tpu.enqueue_indirect_dma source(%arg8 : memref<80x64xf32, #tpu.memory_space<vmem>>) target(%dma_start3A_219 : memref<10000x64xf32, #tpu.memory_space<vmem_shared>>) offsets(%dma_start3A_216 : memref<80xi32, #tpu.memory_space<vmem>>) semaphore(%arg21 : memref<!tpu.dma_semaphore, #tpu.memory_space<semaphore_mem>>) {add = true}
      %mul3A_220 = arith.constant 6 : i32
      %mul3A_221 = arith.muli %mul3A_220, %scan3A_193 : i32
      %add3A_222 = arith.constant 1 : i32
      %add3A_223 = arith.addi %mul3A_221, %add3A_222 : i32
      %gt3A_224 = arith.constant 0 : i32
      %gt3A_225 = arith.cmpi sgt, %scan3A_193, %gt3A_224 : i32
      %convert_element_type3A_226 = arith.extui %gt3A_225 : i1 to i32
      %cond3A_227 = arith.constant 0 : i32
      %cond3A_228 = arith.cmpi ne, %convert_element_type3A_226, %cond3A_227 : i32
      scf.if %cond3A_228 {
        %sub3A_371 = arith.constant 2 : i32
        %sub3A_372 = arith.subi %add3A_223, %sub3A_371 : i32
        %dma_wait3A_373 = arith.constant 0 : i32
        %dma_wait3A_374 = tpu.memref_slice %arg7[%sub3A_372, %dma_wait3A_373] : memref<125x80xi32, #tpu.memory_space<vmem>> -> memref<1x80xi32, #tpu.memory_space<vmem>>
        %dma_wait3A_375 = tpu.memref_squeeze %dma_wait3A_374 : memref<1x80xi32, #tpu.memory_space<vmem>> -> memref<80xi32, #tpu.memory_space<vmem>>
        %dma_wait3A_376 = arith.constant 0 : i32
        %dma_wait3A_377 = arith.constant 0 : i32
        %dma_wait3A_378 = tpu.memref_slice %arg27[%dma_wait3A_376, %dma_wait3A_377] : memref<10000x64xf32, #tpu.memory_space<vmem_shared>> -> memref<10000x64xf32, #tpu.memory_space<vmem_shared>>
        tpu.wait_indirect_dma semaphore(%arg26 : memref<!tpu.dma_semaphore, #tpu.memory_space<semaphore_mem>>) src(%arg13 : memref<80x64xf32, #tpu.memory_space<vmem>>) dst(%dma_wait3A_378 : memref<10000x64xf32, #tpu.memory_space<vmem_shared>>)
      } else {
      }
      %add3A_229 = arith.constant 4 : i32
      %add3A_230 = arith.addi %add3A_223, %add3A_229 : i32
      %lt3A_231 = arith.constant 125 : i32
      %lt3A_232 = arith.cmpi slt, %add3A_230, %lt3A_231 : i32
      %convert_element_type3A_233 = arith.extui %lt3A_232 : i1 to i32
      %cond3A_234 = arith.constant 0 : i32
      %cond3A_235 = arith.cmpi ne, %convert_element_type3A_233, %cond3A_234 : i32
      scf.if %cond3A_235 {
        %add3A_371 = arith.constant 4 : i32
        %add3A_372 = arith.addi %add3A_223, %add3A_371 : i32
        %dma_start3A_373 = arith.constant 0 : i32
        %dma_start3A_374 = tpu.memref_slice %arg6[%add3A_372, %dma_start3A_373] : memref<125x80xi32, #tpu.memory_space<vmem>> -> memref<1x80xi32, #tpu.memory_space<vmem>>
        %dma_start3A_375 = tpu.memref_squeeze %dma_start3A_374 : memref<1x80xi32, #tpu.memory_space<vmem>> -> memref<80xi32, #tpu.memory_space<vmem>>
        %dma_start3A_376 = arith.constant 0 : i32
        %dma_start3A_377 = arith.constant 0 : i32
        %dma_start3A_378 = tpu.memref_slice %arg2[%dma_start3A_376, %dma_start3A_377] : memref<10000x64xf32, #tpu.memory_space<hbm>> -> memref<10000x64xf32, #tpu.memory_space<hbm>>
        tpu.enqueue_indirect_dma source(%dma_start3A_378 : memref<10000x64xf32, #tpu.memory_space<hbm>>) target(%arg13 : memref<80x64xf32, #tpu.memory_space<vmem>>) offsets(%dma_start3A_375 : memref<80xi32, #tpu.memory_space<vmem>>) semaphore(%arg20 : memref<!tpu.dma_semaphore, #tpu.memory_space<semaphore_mem>>)
      } else {
      }
      %dma_wait3A_236 = arith.constant 0 : i32
      %dma_wait3A_237 = tpu.memref_slice %arg6[%add3A_223, %dma_wait3A_236] : memref<125x80xi32, #tpu.memory_space<vmem>> -> memref<1x80xi32, #tpu.memory_space<vmem>>
      %dma_wait3A_238 = tpu.memref_squeeze %dma_wait3A_237 : memref<1x80xi32, #tpu.memory_space<vmem>> -> memref<80xi32, #tpu.memory_space<vmem>>
      %dma_wait3A_239 = arith.constant 0 : i32
      %dma_wait3A_240 = arith.constant 0 : i32
      %dma_wait3A_241 = tpu.memref_slice %arg2[%dma_wait3A_239, %dma_wait3A_240] : memref<10000x64xf32, #tpu.memory_space<hbm>> -> memref<10000x64xf32, #tpu.memory_space<hbm>>
      tpu.wait_indirect_dma semaphore(%arg16 : memref<!tpu.dma_semaphore, #tpu.memory_space<semaphore_mem>>) src(%dma_wait3A_241 : memref<10000x64xf32, #tpu.memory_space<hbm>>) dst(%arg9 : memref<80x64xf32, #tpu.memory_space<vmem>>)
      %dma_start3A_242 = arith.constant 0 : i32
      %dma_start3A_243 = tpu.memref_slice %arg7[%add3A_223, %dma_start3A_242] : memref<125x80xi32, #tpu.memory_space<vmem>> -> memref<1x80xi32, #tpu.memory_space<vmem>>
      %dma_start3A_244 = tpu.memref_squeeze %dma_start3A_243 : memref<1x80xi32, #tpu.memory_space<vmem>> -> memref<80xi32, #tpu.memory_space<vmem>>
      %dma_start3A_245 = arith.constant 0 : i32
      %dma_start3A_246 = arith.constant 0 : i32
      %dma_start3A_247 = tpu.memref_slice %arg27[%dma_start3A_245, %dma_start3A_246] : memref<10000x64xf32, #tpu.memory_space<vmem_shared>> -> memref<10000x64xf32, #tpu.memory_space<vmem_shared>>
      tpu.enqueue_indirect_dma source(%arg9 : memref<80x64xf32, #tpu.memory_space<vmem>>) target(%dma_start3A_247 : memref<10000x64xf32, #tpu.memory_space<vmem_shared>>) offsets(%dma_start3A_244 : memref<80xi32, #tpu.memory_space<vmem>>) semaphore(%arg22 : memref<!tpu.dma_semaphore, #tpu.memory_space<semaphore_mem>>) {add = true}
      %mul3A_248 = arith.constant 6 : i32
      %mul3A_249 = arith.muli %mul3A_248, %scan3A_193 : i32
      %add3A_250 = arith.constant 2 : i32
      %add3A_251 = arith.addi %mul3A_249, %add3A_250 : i32
      %sub3A = arith.constant 2 : i32
      %sub3A_252 = arith.subi %add3A_251, %sub3A : i32
      %dma_wait3A_253 = arith.constant 0 : i32
      %dma_wait3A_254 = tpu.memref_slice %arg7[%sub3A_252, %dma_wait3A_253] : memref<125x80xi32, #tpu.memory_space<vmem>> -> memref<1x80xi32, #tpu.memory_space<vmem>>
      %dma_wait3A_255 = tpu.memref_squeeze %dma_wait3A_254 : memref<1x80xi32, #tpu.memory_space<vmem>> -> memref<80xi32, #tpu.memory_space<vmem>>
      %dma_wait3A_256 = arith.constant 0 : i32
      %dma_wait3A_257 = arith.constant 0 : i32
      %dma_wait3A_258 = tpu.memref_slice %arg27[%dma_wait3A_256, %dma_wait3A_257] : memref<10000x64xf32, #tpu.memory_space<vmem_shared>> -> memref<10000x64xf32, #tpu.memory_space<vmem_shared>>
      tpu.wait_indirect_dma semaphore(%arg21 : memref<!tpu.dma_semaphore, #tpu.memory_space<semaphore_mem>>) src(%arg8 : memref<80x64xf32, #tpu.memory_space<vmem>>) dst(%dma_wait3A_258 : memref<10000x64xf32, #tpu.memory_space<vmem_shared>>)
      %add3A_259 = arith.constant 4 : i32
      %add3A_260 = arith.addi %add3A_251, %add3A_259 : i32
      %lt3A_261 = arith.constant 125 : i32
      %lt3A_262 = arith.cmpi slt, %add3A_260, %lt3A_261 : i32
      %convert_element_type3A_263 = arith.extui %lt3A_262 : i1 to i32
      %cond3A_264 = arith.constant 0 : i32
      %cond3A_265 = arith.cmpi ne, %convert_element_type3A_263, %cond3A_264 : i32
      scf.if %cond3A_265 {
        %add3A_371 = arith.constant 4 : i32
        %add3A_372 = arith.addi %add3A_251, %add3A_371 : i32
        %dma_start3A_373 = arith.constant 0 : i32
        %dma_start3A_374 = tpu.memref_slice %arg6[%add3A_372, %dma_start3A_373] : memref<125x80xi32, #tpu.memory_space<vmem>> -> memref<1x80xi32, #tpu.memory_space<vmem>>
        %dma_start3A_375 = tpu.memref_squeeze %dma_start3A_374 : memref<1x80xi32, #tpu.memory_space<vmem>> -> memref<80xi32, #tpu.memory_space<vmem>>
        %dma_start3A_376 = arith.constant 0 : i32
        %dma_start3A_377 = arith.constant 0 : i32
        %dma_start3A_378 = tpu.memref_slice %arg2[%dma_start3A_376, %dma_start3A_377] : memref<10000x64xf32, #tpu.memory_space<hbm>> -> memref<10000x64xf32, #tpu.memory_space<hbm>>
        tpu.enqueue_indirect_dma source(%dma_start3A_378 : memref<10000x64xf32, #tpu.memory_space<hbm>>) target(%arg8 : memref<80x64xf32, #tpu.memory_space<vmem>>) offsets(%dma_start3A_375 : memref<80xi32, #tpu.memory_space<vmem>>) semaphore(%arg15 : memref<!tpu.dma_semaphore, #tpu.memory_space<semaphore_mem>>)
      } else {
      }
      %dma_wait3A_266 = arith.constant 0 : i32
      %dma_wait3A_267 = tpu.memref_slice %arg6[%add3A_251, %dma_wait3A_266] : memref<125x80xi32, #tpu.memory_space<vmem>> -> memref<1x80xi32, #tpu.memory_space<vmem>>
      %dma_wait3A_268 = tpu.memref_squeeze %dma_wait3A_267 : memref<1x80xi32, #tpu.memory_space<vmem>> -> memref<80xi32, #tpu.memory_space<vmem>>
      %dma_wait3A_269 = arith.constant 0 : i32
      %dma_wait3A_270 = arith.constant 0 : i32
      %dma_wait3A_271 = tpu.memref_slice %arg2[%dma_wait3A_269, %dma_wait3A_270] : memref<10000x64xf32, #tpu.memory_space<hbm>> -> memref<10000x64xf32, #tpu.memory_space<hbm>>
      tpu.wait_indirect_dma semaphore(%arg17 : memref<!tpu.dma_semaphore, #tpu.memory_space<semaphore_mem>>) src(%dma_wait3A_271 : memref<10000x64xf32, #tpu.memory_space<hbm>>) dst(%arg10 : memref<80x64xf32, #tpu.memory_space<vmem>>)
      %dma_start3A_272 = arith.constant 0 : i32
      %dma_start3A_273 = tpu.memref_slice %arg7[%add3A_251, %dma_start3A_272] : memref<125x80xi32, #tpu.memory_space<vmem>> -> memref<1x80xi32, #tpu.memory_space<vmem>>
      %dma_start3A_274 = tpu.memref_squeeze %dma_start3A_273 : memref<1x80xi32, #tpu.memory_space<vmem>> -> memref<80xi32, #tpu.memory_space<vmem>>
      %dma_start3A_275 = arith.constant 0 : i32
      %dma_start3A_276 = arith.constant 0 : i32
      %dma_start3A_277 = tpu.memref_slice %arg27[%dma_start3A_275, %dma_start3A_276] : memref<10000x64xf32, #tpu.memory_space<vmem_shared>> -> memref<10000x64xf32, #tpu.memory_space<vmem_shared>>
      tpu.enqueue_indirect_dma source(%arg10 : memref<80x64xf32, #tpu.memory_space<vmem>>) target(%dma_start3A_277 : memref<10000x64xf32, #tpu.memory_space<vmem_shared>>) offsets(%dma_start3A_274 : memref<80xi32, #tpu.memory_space<vmem>>) semaphore(%arg23 : memref<!tpu.dma_semaphore, #tpu.memory_space<semaphore_mem>>) {add = true}
      %mul3A_278 = arith.constant 6 : i32
      %mul3A_279 = arith.muli %mul3A_278, %scan3A_193 : i32
      %add3A_280 = arith.constant 3 : i32
      %add3A_281 = arith.addi %mul3A_279, %add3A_280 : i32
      %sub3A_282 = arith.constant 2 : i32
      %sub3A_283 = arith.subi %add3A_281, %sub3A_282 : i32
      %dma_wait3A_284 = arith.constant 0 : i32
      %dma_wait3A_285 = tpu.memref_slice %arg7[%sub3A_283, %dma_wait3A_284] : memref<125x80xi32, #tpu.memory_space<vmem>> -> memref<1x80xi32, #tpu.memory_space<vmem>>
      %dma_wait3A_286 = tpu.memref_squeeze %dma_wait3A_285 : memref<1x80xi32, #tpu.memory_space<vmem>> -> memref<80xi32, #tpu.memory_space<vmem>>
      %dma_wait3A_287 = arith.constant 0 : i32
      %dma_wait3A_288 = arith.constant 0 : i32
      %dma_wait3A_289 = tpu.memref_slice %arg27[%dma_wait3A_287, %dma_wait3A_288] : memref<10000x64xf32, #tpu.memory_space<vmem_shared>> -> memref<10000x64xf32, #tpu.memory_space<vmem_shared>>
      tpu.wait_indirect_dma semaphore(%arg22 : memref<!tpu.dma_semaphore, #tpu.memory_space<semaphore_mem>>) src(%arg9 : memref<80x64xf32, #tpu.memory_space<vmem>>) dst(%dma_wait3A_289 : memref<10000x64xf32, #tpu.memory_space<vmem_shared>>)
      %add3A_290 = arith.constant 4 : i32
      %add3A_291 = arith.addi %add3A_281, %add3A_290 : i32
      %lt3A_292 = arith.constant 125 : i32
      %lt3A_293 = arith.cmpi slt, %add3A_291, %lt3A_292 : i32
      %convert_element_type3A_294 = arith.extui %lt3A_293 : i1 to i32
      %cond3A_295 = arith.constant 0 : i32
      %cond3A_296 = arith.cmpi ne, %convert_element_type3A_294, %cond3A_295 : i32
      scf.if %cond3A_296 {
        %add3A_371 = arith.constant 4 : i32
        %add3A_372 = arith.addi %add3A_281, %add3A_371 : i32
        %dma_start3A_373 = arith.constant 0 : i32
        %dma_start3A_374 = tpu.memref_slice %arg6[%add3A_372, %dma_start3A_373] : memref<125x80xi32, #tpu.memory_space<vmem>> -> memref<1x80xi32, #tpu.memory_space<vmem>>
        %dma_start3A_375 = tpu.memref_squeeze %dma_start3A_374 : memref<1x80xi32, #tpu.memory_space<vmem>> -> memref<80xi32, #tpu.memory_space<vmem>>
        %dma_start3A_376 = arith.constant 0 : i32
        %dma_start3A_377 = arith.constant 0 : i32
        %dma_start3A_378 = tpu.memref_slice %arg2[%dma_start3A_376, %dma_start3A_377] : memref<10000x64xf32, #tpu.memory_space<hbm>> -> memref<10000x64xf32, #tpu.memory_space<hbm>>
        tpu.enqueue_indirect_dma source(%dma_start3A_378 : memref<10000x64xf32, #tpu.memory_space<hbm>>) target(%arg9 : memref<80x64xf32, #tpu.memory_space<vmem>>) offsets(%dma_start3A_375 : memref<80xi32, #tpu.memory_space<vmem>>) semaphore(%arg16 : memref<!tpu.dma_semaphore, #tpu.memory_space<semaphore_mem>>)
      } else {
      }
      %dma_wait3A_297 = arith.constant 0 : i32
      %dma_wait3A_298 = tpu.memref_slice %arg6[%add3A_281, %dma_wait3A_297] : memref<125x80xi32, #tpu.memory_space<vmem>> -> memref<1x80xi32, #tpu.memory_space<vmem>>
      %dma_wait3A_299 = tpu.memref_squeeze %dma_wait3A_298 : memref<1x80xi32, #tpu.memory_space<vmem>> -> memref<80xi32, #tpu.memory_space<vmem>>
      %dma_wait3A_300 = arith.constant 0 : i32
      %dma_wait3A_301 = arith.constant 0 : i32
      %dma_wait3A_302 = tpu.memref_slice %arg2[%dma_wait3A_300, %dma_wait3A_301] : memref<10000x64xf32, #tpu.memory_space<hbm>> -> memref<10000x64xf32, #tpu.memory_space<hbm>>
      tpu.wait_indirect_dma semaphore(%arg18 : memref<!tpu.dma_semaphore, #tpu.memory_space<semaphore_mem>>) src(%dma_wait3A_302 : memref<10000x64xf32, #tpu.memory_space<hbm>>) dst(%arg11 : memref<80x64xf32, #tpu.memory_space<vmem>>)
      %dma_start3A_303 = arith.constant 0 : i32
      %dma_start3A_304 = tpu.memref_slice %arg7[%add3A_281, %dma_start3A_303] : memref<125x80xi32, #tpu.memory_space<vmem>> -> memref<1x80xi32, #tpu.memory_space<vmem>>
      %dma_start3A_305 = tpu.memref_squeeze %dma_start3A_304 : memref<1x80xi32, #tpu.memory_space<vmem>> -> memref<80xi32, #tpu.memory_space<vmem>>
      %dma_start3A_306 = arith.constant 0 : i32
      %dma_start3A_307 = arith.constant 0 : i32
      %dma_start3A_308 = tpu.memref_slice %arg27[%dma_start3A_306, %dma_start3A_307] : memref<10000x64xf32, #tpu.memory_space<vmem_shared>> -> memref<10000x64xf32, #tpu.memory_space<vmem_shared>>
      tpu.enqueue_indirect_dma source(%arg11 : memref<80x64xf32, #tpu.memory_space<vmem>>) target(%dma_start3A_308 : memref<10000x64xf32, #tpu.memory_space<vmem_shared>>) offsets(%dma_start3A_305 : memref<80xi32, #tpu.memory_space<vmem>>) semaphore(%arg24 : memref<!tpu.dma_semaphore, #tpu.memory_space<semaphore_mem>>) {add = true}
      %mul3A_309 = arith.constant 6 : i32
      %mul3A_310 = arith.muli %mul3A_309, %scan3A_193 : i32
      %add3A_311 = arith.constant 4 : i32
      %add3A_312 = arith.addi %mul3A_310, %add3A_311 : i32
      %sub3A_313 = arith.constant 2 : i32
      %sub3A_314 = arith.subi %add3A_312, %sub3A_313 : i32
      %dma_wait3A_315 = arith.constant 0 : i32
      %dma_wait3A_316 = tpu.memref_slice %arg7[%sub3A_314, %dma_wait3A_315] : memref<125x80xi32, #tpu.memory_space<vmem>> -> memref<1x80xi32, #tpu.memory_space<vmem>>
      %dma_wait3A_317 = tpu.memref_squeeze %dma_wait3A_316 : memref<1x80xi32, #tpu.memory_space<vmem>> -> memref<80xi32, #tpu.memory_space<vmem>>
      %dma_wait3A_318 = arith.constant 0 : i32
      %dma_wait3A_319 = arith.constant 0 : i32
      %dma_wait3A_320 = tpu.memref_slice %arg27[%dma_wait3A_318, %dma_wait3A_319] : memref<10000x64xf32, #tpu.memory_space<vmem_shared>> -> memref<10000x64xf32, #tpu.memory_space<vmem_shared>>
      tpu.wait_indirect_dma semaphore(%arg23 : memref<!tpu.dma_semaphore, #tpu.memory_space<semaphore_mem>>) src(%arg10 : memref<80x64xf32, #tpu.memory_space<vmem>>) dst(%dma_wait3A_320 : memref<10000x64xf32, #tpu.memory_space<vmem_shared>>)
      %add3A_321 = arith.constant 4 : i32
      %add3A_322 = arith.addi %add3A_312, %add3A_321 : i32
      %lt3A_323 = arith.constant 125 : i32
      %lt3A_324 = arith.cmpi slt, %add3A_322, %lt3A_323 : i32
      %convert_element_type3A_325 = arith.extui %lt3A_324 : i1 to i32
      %cond3A_326 = arith.constant 0 : i32
      %cond3A_327 = arith.cmpi ne, %convert_element_type3A_325, %cond3A_326 : i32
      scf.if %cond3A_327 {
        %add3A_371 = arith.constant 4 : i32
        %add3A_372 = arith.addi %add3A_312, %add3A_371 : i32
        %dma_start3A_373 = arith.constant 0 : i32
        %dma_start3A_374 = tpu.memref_slice %arg6[%add3A_372, %dma_start3A_373] : memref<125x80xi32, #tpu.memory_space<vmem>> -> memref<1x80xi32, #tpu.memory_space<vmem>>
        %dma_start3A_375 = tpu.memref_squeeze %dma_start3A_374 : memref<1x80xi32, #tpu.memory_space<vmem>> -> memref<80xi32, #tpu.memory_space<vmem>>
        %dma_start3A_376 = arith.constant 0 : i32
        %dma_start3A_377 = arith.constant 0 : i32
        %dma_start3A_378 = tpu.memref_slice %arg2[%dma_start3A_376, %dma_start3A_377] : memref<10000x64xf32, #tpu.memory_space<hbm>> -> memref<10000x64xf32, #tpu.memory_space<hbm>>
        tpu.enqueue_indirect_dma source(%dma_start3A_378 : memref<10000x64xf32, #tpu.memory_space<hbm>>) target(%arg10 : memref<80x64xf32, #tpu.memory_space<vmem>>) offsets(%dma_start3A_375 : memref<80xi32, #tpu.memory_space<vmem>>) semaphore(%arg17 : memref<!tpu.dma_semaphore, #tpu.memory_space<semaphore_mem>>)
      } else {
      }
      %dma_wait3A_328 = arith.constant 0 : i32
      %dma_wait3A_329 = tpu.memref_slice %arg6[%add3A_312, %dma_wait3A_328] : memref<125x80xi32, #tpu.memory_space<vmem>> -> memref<1x80xi32, #tpu.memory_space<vmem>>
      %dma_wait3A_330 = tpu.memref_squeeze %dma_wait3A_329 : memref<1x80xi32, #tpu.memory_space<vmem>> -> memref<80xi32, #tpu.memory_space<vmem>>
      %dma_wait3A_331 = arith.constant 0 : i32
      %dma_wait3A_332 = arith.constant 0 : i32
      %dma_wait3A_333 = tpu.memref_slice %arg2[%dma_wait3A_331, %dma_wait3A_332] : memref<10000x64xf32, #tpu.memory_space<hbm>> -> memref<10000x64xf32, #tpu.memory_space<hbm>>
      tpu.wait_indirect_dma semaphore(%arg19 : memref<!tpu.dma_semaphore, #tpu.memory_space<semaphore_mem>>) src(%dma_wait3A_333 : memref<10000x64xf32, #tpu.memory_space<hbm>>) dst(%arg12 : memref<80x64xf32, #tpu.memory_space<vmem>>)
      %dma_start3A_334 = arith.constant 0 : i32
      %dma_start3A_335 = tpu.memref_slice %arg7[%add3A_312, %dma_start3A_334] : memref<125x80xi32, #tpu.memory_space<vmem>> -> memref<1x80xi32, #tpu.memory_space<vmem>>
      %dma_start3A_336 = tpu.memref_squeeze %dma_start3A_335 : memref<1x80xi32, #tpu.memory_space<vmem>> -> memref<80xi32, #tpu.memory_space<vmem>>
      %dma_start3A_337 = arith.constant 0 : i32
      %dma_start3A_338 = arith.constant 0 : i32
      %dma_start3A_339 = tpu.memref_slice %arg27[%dma_start3A_337, %dma_start3A_338] : memref<10000x64xf32, #tpu.memory_space<vmem_shared>> -> memref<10000x64xf32, #tpu.memory_space<vmem_shared>>
      tpu.enqueue_indirect_dma source(%arg12 : memref<80x64xf32, #tpu.memory_space<vmem>>) target(%dma_start3A_339 : memref<10000x64xf32, #tpu.memory_space<vmem_shared>>) offsets(%dma_start3A_336 : memref<80xi32, #tpu.memory_space<vmem>>) semaphore(%arg25 : memref<!tpu.dma_semaphore, #tpu.memory_space<semaphore_mem>>) {add = true}
      %mul3A_340 = arith.constant 6 : i32
      %mul3A_341 = arith.muli %mul3A_340, %scan3A_193 : i32
      %add3A_342 = arith.constant 5 : i32
      %add3A_343 = arith.addi %mul3A_341, %add3A_342 : i32
      %sub3A_344 = arith.constant 2 : i32
      %sub3A_345 = arith.subi %add3A_343, %sub3A_344 : i32
      %dma_wait3A_346 = arith.constant 0 : i32
      %dma_wait3A_347 = tpu.memref_slice %arg7[%sub3A_345, %dma_wait3A_346] : memref<125x80xi32, #tpu.memory_space<vmem>> -> memref<1x80xi32, #tpu.memory_space<vmem>>
      %dma_wait3A_348 = tpu.memref_squeeze %dma_wait3A_347 : memref<1x80xi32, #tpu.memory_space<vmem>> -> memref<80xi32, #tpu.memory_space<vmem>>
      %dma_wait3A_349 = arith.constant 0 : i32
      %dma_wait3A_350 = arith.constant 0 : i32
      %dma_wait3A_351 = tpu.memref_slice %arg27[%dma_wait3A_349, %dma_wait3A_350] : memref<10000x64xf32, #tpu.memory_space<vmem_shared>> -> memref<10000x64xf32, #tpu.memory_space<vmem_shared>>
      tpu.wait_indirect_dma semaphore(%arg24 : memref<!tpu.dma_semaphore, #tpu.memory_space<semaphore_mem>>) src(%arg11 : memref<80x64xf32, #tpu.memory_space<vmem>>) dst(%dma_wait3A_351 : memref<10000x64xf32, #tpu.memory_space<vmem_shared>>)
      %add3A_352 = arith.constant 4 : i32
      %add3A_353 = arith.addi %add3A_343, %add3A_352 : i32
      %lt3A_354 = arith.constant 125 : i32
      %lt3A_355 = arith.cmpi slt, %add3A_353, %lt3A_354 : i32
      %convert_element_type3A_356 = arith.extui %lt3A_355 : i1 to i32
      %cond3A_357 = arith.constant 0 : i32
      %cond3A_358 = arith.cmpi ne, %convert_element_type3A_356, %cond3A_357 : i32
      scf.if %cond3A_358 {
        %add3A_371 = arith.constant 4 : i32
        %add3A_372 = arith.addi %add3A_343, %add3A_371 : i32
        %dma_start3A_373 = arith.constant 0 : i32
        %dma_start3A_374 = tpu.memref_slice %arg6[%add3A_372, %dma_start3A_373] : memref<125x80xi32, #tpu.memory_space<vmem>> -> memref<1x80xi32, #tpu.memory_space<vmem>>
        %dma_start3A_375 = tpu.memref_squeeze %dma_start3A_374 : memref<1x80xi32, #tpu.memory_space<vmem>> -> memref<80xi32, #tpu.memory_space<vmem>>
        %dma_start3A_376 = arith.constant 0 : i32
        %dma_start3A_377 = arith.constant 0 : i32
        %dma_start3A_378 = tpu.memref_slice %arg2[%dma_start3A_376, %dma_start3A_377] : memref<10000x64xf32, #tpu.memory_space<hbm>> -> memref<10000x64xf32, #tpu.memory_space<hbm>>
        tpu.enqueue_indirect_dma source(%dma_start3A_378 : memref<10000x64xf32, #tpu.memory_space<hbm>>) target(%arg11 : memref<80x64xf32, #tpu.memory_space<vmem>>) offsets(%dma_start3A_375 : memref<80xi32, #tpu.memory_space<vmem>>) semaphore(%arg18 : memref<!tpu.dma_semaphore, #tpu.memory_space<semaphore_mem>>)
      } else {
      }
      %dma_wait3A_359 = arith.constant 0 : i32
      %dma_wait3A_360 = tpu.memref_slice %arg6[%add3A_343, %dma_wait3A_359] : memref<125x80xi32, #tpu.memory_space<vmem>> -> memref<1x80xi32, #tpu.memory_space<vmem>>
      %dma_wait3A_361 = tpu.memref_squeeze %dma_wait3A_360 : memref<1x80xi32, #tpu.memory_space<vmem>> -> memref<80xi32, #tpu.memory_space<vmem>>
      %dma_wait3A_362 = arith.constant 0 : i32
      %dma_wait3A_363 = arith.constant 0 : i32
      %dma_wait3A_364 = tpu.memref_slice %arg2[%dma_wait3A_362, %dma_wait3A_363] : memref<10000x64xf32, #tpu.memory_space<hbm>> -> memref<10000x64xf32, #tpu.memory_space<hbm>>
      tpu.wait_indirect_dma semaphore(%arg20 : memref<!tpu.dma_semaphore, #tpu.memory_space<semaphore_mem>>) src(%dma_wait3A_364 : memref<10000x64xf32, #tpu.memory_space<hbm>>) dst(%arg13 : memref<80x64xf32, #tpu.memory_space<vmem>>)
      %dma_start3A_365 = arith.constant 0 : i32
      %dma_start3A_366 = tpu.memref_slice %arg7[%add3A_343, %dma_start3A_365] : memref<125x80xi32, #tpu.memory_space<vmem>> -> memref<1x80xi32, #tpu.memory_space<vmem>>
      %dma_start3A_367 = tpu.memref_squeeze %dma_start3A_366 : memref<1x80xi32, #tpu.memory_space<vmem>> -> memref<80xi32, #tpu.memory_space<vmem>>
      %dma_start3A_368 = arith.constant 0 : i32
      %dma_start3A_369 = arith.constant 0 : i32
      %dma_start3A_370 = tpu.memref_slice %arg27[%dma_start3A_368, %dma_start3A_369] : memref<10000x64xf32, #tpu.memory_space<vmem_shared>> -> memref<10000x64xf32, #tpu.memory_space<vmem_shared>>
      tpu.enqueue_indirect_dma source(%arg13 : memref<80x64xf32, #tpu.memory_space<vmem>>) target(%dma_start3A_370 : memref<10000x64xf32, #tpu.memory_space<vmem_shared>>) offsets(%dma_start3A_367 : memref<80xi32, #tpu.memory_space<vmem>>) semaphore(%arg26 : memref<!tpu.dma_semaphore, #tpu.memory_space<semaphore_mem>>) {add = true}
    }
    %scan3A_49 = arith.constant 20 : i32
    %dma_wait3A = arith.constant 118 : i32
    %dma_wait3A_50 = arith.constant 0 : i32
    %dma_wait3A_51 = tpu.memref_slice %arg7[%dma_wait3A, %dma_wait3A_50] : memref<125x80xi32, #tpu.memory_space<vmem>> -> memref<1x80xi32, #tpu.memory_space<vmem>>
    %dma_wait3A_52 = tpu.memref_squeeze %dma_wait3A_51 : memref<1x80xi32, #tpu.memory_space<vmem>> -> memref<80xi32, #tpu.memory_space<vmem>>
    %dma_wait3A_53 = arith.constant 0 : i32
    %dma_wait3A_54 = arith.constant 0 : i32
    %dma_wait3A_55 = tpu.memref_slice %arg27[%dma_wait3A_53, %dma_wait3A_54] : memref<10000x64xf32, #tpu.memory_space<vmem_shared>> -> memref<10000x64xf32, #tpu.memory_space<vmem_shared>>
    tpu.wait_indirect_dma semaphore(%arg25 : memref<!tpu.dma_semaphore, #tpu.memory_space<semaphore_mem>>) src(%arg12 : memref<80x64xf32, #tpu.memory_space<vmem>>) dst(%dma_wait3A_55 : memref<10000x64xf32, #tpu.memory_space<vmem_shared>>)
    %dma_start3A_56 = arith.constant 124 : i32
    %dma_start3A_57 = arith.constant 0 : i32
    %dma_start3A_58 = tpu.memref_slice %arg6[%dma_start3A_56, %dma_start3A_57] : memref<125x80xi32, #tpu.memory_space<vmem>> -> memref<1x80xi32, #tpu.memory_space<vmem>>
    %dma_start3A_59 = tpu.memref_squeeze %dma_start3A_58 : memref<1x80xi32, #tpu.memory_space<vmem>> -> memref<80xi32, #tpu.memory_space<vmem>>
    %dma_start3A_60 = arith.constant 0 : i32
    %dma_start3A_61 = arith.constant 0 : i32
    %dma_start3A_62 = tpu.memref_slice %arg2[%dma_start3A_60, %dma_start3A_61] : memref<10000x64xf32, #tpu.memory_space<hbm>> -> memref<10000x64xf32, #tpu.memory_space<hbm>>
    tpu.enqueue_indirect_dma source(%dma_start3A_62 : memref<10000x64xf32, #tpu.memory_space<hbm>>) target(%arg12 : memref<80x64xf32, #tpu.memory_space<vmem>>) offsets(%dma_start3A_59 : memref<80xi32, #tpu.memory_space<vmem>>) semaphore(%arg19 : memref<!tpu.dma_semaphore, #tpu.memory_space<semaphore_mem>>)
    %dma_wait3A_63 = arith.constant 120 : i32
    %dma_wait3A_64 = arith.constant 0 : i32
    %dma_wait3A_65 = tpu.memref_slice %arg6[%dma_wait3A_63, %dma_wait3A_64] : memref<125x80xi32, #tpu.memory_space<vmem>> -> memref<1x80xi32, #tpu.memory_space<vmem>>
    %dma_wait3A_66 = tpu.memref_squeeze %dma_wait3A_65 : memref<1x80xi32, #tpu.memory_space<vmem>> -> memref<80xi32, #tpu.memory_space<vmem>>
    %dma_wait3A_67 = arith.constant 0 : i32
    %dma_wait3A_68 = arith.constant 0 : i32
    %dma_wait3A_69 = tpu.memref_slice %arg2[%dma_wait3A_67, %dma_wait3A_68] : memref<10000x64xf32, #tpu.memory_space<hbm>> -> memref<10000x64xf32, #tpu.memory_space<hbm>>
    tpu.wait_indirect_dma semaphore(%arg15 : memref<!tpu.dma_semaphore, #tpu.memory_space<semaphore_mem>>) src(%dma_wait3A_69 : memref<10000x64xf32, #tpu.memory_space<hbm>>) dst(%arg8 : memref<80x64xf32, #tpu.memory_space<vmem>>)
    %dma_start3A_70 = arith.constant 120 : i32
    %dma_start3A_71 = arith.constant 0 : i32
    %dma_start3A_72 = tpu.memref_slice %arg7[%dma_start3A_70, %dma_start3A_71] : memref<125x80xi32, #tpu.memory_space<vmem>> -> memref<1x80xi32, #tpu.memory_space<vmem>>
    %dma_start3A_73 = tpu.memref_squeeze %dma_start3A_72 : memref<1x80xi32, #tpu.memory_space<vmem>> -> memref<80xi32, #tpu.memory_space<vmem>>
    %dma_start3A_74 = arith.constant 0 : i32
    %dma_start3A_75 = arith.constant 0 : i32
    %dma_start3A_76 = tpu.memref_slice %arg27[%dma_start3A_74, %dma_start3A_75] : memref<10000x64xf32, #tpu.memory_space<vmem_shared>> -> memref<10000x64xf32, #tpu.memory_space<vmem_shared>>
    tpu.enqueue_indirect_dma source(%arg8 : memref<80x64xf32, #tpu.memory_space<vmem>>) target(%dma_start3A_76 : memref<10000x64xf32, #tpu.memory_space<vmem_shared>>) offsets(%dma_start3A_73 : memref<80xi32, #tpu.memory_space<vmem>>) semaphore(%arg21 : memref<!tpu.dma_semaphore, #tpu.memory_space<semaphore_mem>>) {add = true}
    %dma_wait3A_77 = arith.constant 119 : i32
    %dma_wait3A_78 = arith.constant 0 : i32
    %dma_wait3A_79 = tpu.memref_slice %arg7[%dma_wait3A_77, %dma_wait3A_78] : memref<125x80xi32, #tpu.memory_space<vmem>> -> memref<1x80xi32, #tpu.memory_space<vmem>>
    %dma_wait3A_80 = tpu.memref_squeeze %dma_wait3A_79 : memref<1x80xi32, #tpu.memory_space<vmem>> -> memref<80xi32, #tpu.memory_space<vmem>>
    %dma_wait3A_81 = arith.constant 0 : i32
    %dma_wait3A_82 = arith.constant 0 : i32
    %dma_wait3A_83 = tpu.memref_slice %arg27[%dma_wait3A_81, %dma_wait3A_82] : memref<10000x64xf32, #tpu.memory_space<vmem_shared>> -> memref<10000x64xf32, #tpu.memory_space<vmem_shared>>
    tpu.wait_indirect_dma semaphore(%arg26 : memref<!tpu.dma_semaphore, #tpu.memory_space<semaphore_mem>>) src(%arg13 : memref<80x64xf32, #tpu.memory_space<vmem>>) dst(%dma_wait3A_83 : memref<10000x64xf32, #tpu.memory_space<vmem_shared>>)
    %dma_wait3A_84 = arith.constant 121 : i32
    %dma_wait3A_85 = arith.constant 0 : i32
    %dma_wait3A_86 = tpu.memref_slice %arg6[%dma_wait3A_84, %dma_wait3A_85] : memref<125x80xi32, #tpu.memory_space<vmem>> -> memref<1x80xi32, #tpu.memory_space<vmem>>
    %dma_wait3A_87 = tpu.memref_squeeze %dma_wait3A_86 : memref<1x80xi32, #tpu.memory_space<vmem>> -> memref<80xi32, #tpu.memory_space<vmem>>
    %dma_wait3A_88 = arith.constant 0 : i32
    %dma_wait3A_89 = arith.constant 0 : i32
    %dma_wait3A_90 = tpu.memref_slice %arg2[%dma_wait3A_88, %dma_wait3A_89] : memref<10000x64xf32, #tpu.memory_space<hbm>> -> memref<10000x64xf32, #tpu.memory_space<hbm>>
    tpu.wait_indirect_dma semaphore(%arg16 : memref<!tpu.dma_semaphore, #tpu.memory_space<semaphore_mem>>) src(%dma_wait3A_90 : memref<10000x64xf32, #tpu.memory_space<hbm>>) dst(%arg9 : memref<80x64xf32, #tpu.memory_space<vmem>>)
    %dma_start3A_91 = arith.constant 121 : i32
    %dma_start3A_92 = arith.constant 0 : i32
    %dma_start3A_93 = tpu.memref_slice %arg7[%dma_start3A_91, %dma_start3A_92] : memref<125x80xi32, #tpu.memory_space<vmem>> -> memref<1x80xi32, #tpu.memory_space<vmem>>
    %dma_start3A_94 = tpu.memref_squeeze %dma_start3A_93 : memref<1x80xi32, #tpu.memory_space<vmem>> -> memref<80xi32, #tpu.memory_space<vmem>>
    %dma_start3A_95 = arith.constant 0 : i32
    %dma_start3A_96 = arith.constant 0 : i32
    %dma_start3A_97 = tpu.memref_slice %arg27[%dma_start3A_95, %dma_start3A_96] : memref<10000x64xf32, #tpu.memory_space<vmem_shared>> -> memref<10000x64xf32, #tpu.memory_space<vmem_shared>>
    tpu.enqueue_indirect_dma source(%arg9 : memref<80x64xf32, #tpu.memory_space<vmem>>) target(%dma_start3A_97 : memref<10000x64xf32, #tpu.memory_space<vmem_shared>>) offsets(%dma_start3A_94 : memref<80xi32, #tpu.memory_space<vmem>>) semaphore(%arg22 : memref<!tpu.dma_semaphore, #tpu.memory_space<semaphore_mem>>) {add = true}
    %dma_wait3A_98 = arith.constant 120 : i32
    %dma_wait3A_99 = arith.constant 0 : i32
    %dma_wait3A_100 = tpu.memref_slice %arg7[%dma_wait3A_98, %dma_wait3A_99] : memref<125x80xi32, #tpu.memory_space<vmem>> -> memref<1x80xi32, #tpu.memory_space<vmem>>
    %dma_wait3A_101 = tpu.memref_squeeze %dma_wait3A_100 : memref<1x80xi32, #tpu.memory_space<vmem>> -> memref<80xi32, #tpu.memory_space<vmem>>
    %dma_wait3A_102 = arith.constant 0 : i32
    %dma_wait3A_103 = arith.constant 0 : i32
    %dma_wait3A_104 = tpu.memref_slice %arg27[%dma_wait3A_102, %dma_wait3A_103] : memref<10000x64xf32, #tpu.memory_space<vmem_shared>> -> memref<10000x64xf32, #tpu.memory_space<vmem_shared>>
    tpu.wait_indirect_dma semaphore(%arg21 : memref<!tpu.dma_semaphore, #tpu.memory_space<semaphore_mem>>) src(%arg8 : memref<80x64xf32, #tpu.memory_space<vmem>>) dst(%dma_wait3A_104 : memref<10000x64xf32, #tpu.memory_space<vmem_shared>>)
    %dma_wait3A_105 = arith.constant 122 : i32
    %dma_wait3A_106 = arith.constant 0 : i32
    %dma_wait3A_107 = tpu.memref_slice %arg6[%dma_wait3A_105, %dma_wait3A_106] : memref<125x80xi32, #tpu.memory_space<vmem>> -> memref<1x80xi32, #tpu.memory_space<vmem>>
    %dma_wait3A_108 = tpu.memref_squeeze %dma_wait3A_107 : memref<1x80xi32, #tpu.memory_space<vmem>> -> memref<80xi32, #tpu.memory_space<vmem>>
    %dma_wait3A_109 = arith.constant 0 : i32
    %dma_wait3A_110 = arith.constant 0 : i32
    %dma_wait3A_111 = tpu.memref_slice %arg2[%dma_wait3A_109, %dma_wait3A_110] : memref<10000x64xf32, #tpu.memory_space<hbm>> -> memref<10000x64xf32, #tpu.memory_space<hbm>>
    tpu.wait_indirect_dma semaphore(%arg17 : memref<!tpu.dma_semaphore, #tpu.memory_space<semaphore_mem>>) src(%dma_wait3A_111 : memref<10000x64xf32, #tpu.memory_space<hbm>>) dst(%arg10 : memref<80x64xf32, #tpu.memory_space<vmem>>)
    %dma_start3A_112 = arith.constant 122 : i32
    %dma_start3A_113 = arith.constant 0 : i32
    %dma_start3A_114 = tpu.memref_slice %arg7[%dma_start3A_112, %dma_start3A_113] : memref<125x80xi32, #tpu.memory_space<vmem>> -> memref<1x80xi32, #tpu.memory_space<vmem>>
    %dma_start3A_115 = tpu.memref_squeeze %dma_start3A_114 : memref<1x80xi32, #tpu.memory_space<vmem>> -> memref<80xi32, #tpu.memory_space<vmem>>
    %dma_start3A_116 = arith.constant 0 : i32
    %dma_start3A_117 = arith.constant 0 : i32
    %dma_start3A_118 = tpu.memref_slice %arg27[%dma_start3A_116, %dma_start3A_117] : memref<10000x64xf32, #tpu.memory_space<vmem_shared>> -> memref<10000x64xf32, #tpu.memory_space<vmem_shared>>
    tpu.enqueue_indirect_dma source(%arg10 : memref<80x64xf32, #tpu.memory_space<vmem>>) target(%dma_start3A_118 : memref<10000x64xf32, #tpu.memory_space<vmem_shared>>) offsets(%dma_start3A_115 : memref<80xi32, #tpu.memory_space<vmem>>) semaphore(%arg23 : memref<!tpu.dma_semaphore, #tpu.memory_space<semaphore_mem>>) {add = true}
    %dma_wait3A_119 = arith.constant 121 : i32
    %dma_wait3A_120 = arith.constant 0 : i32
    %dma_wait3A_121 = tpu.memref_slice %arg7[%dma_wait3A_119, %dma_wait3A_120] : memref<125x80xi32, #tpu.memory_space<vmem>> -> memref<1x80xi32, #tpu.memory_space<vmem>>
    %dma_wait3A_122 = tpu.memref_squeeze %dma_wait3A_121 : memref<1x80xi32, #tpu.memory_space<vmem>> -> memref<80xi32, #tpu.memory_space<vmem>>
    %dma_wait3A_123 = arith.constant 0 : i32
    %dma_wait3A_124 = arith.constant 0 : i32
    %dma_wait3A_125 = tpu.memref_slice %arg27[%dma_wait3A_123, %dma_wait3A_124] : memref<10000x64xf32, #tpu.memory_space<vmem_shared>> -> memref<10000x64xf32, #tpu.memory_space<vmem_shared>>
    tpu.wait_indirect_dma semaphore(%arg22 : memref<!tpu.dma_semaphore, #tpu.memory_space<semaphore_mem>>) src(%arg9 : memref<80x64xf32, #tpu.memory_space<vmem>>) dst(%dma_wait3A_125 : memref<10000x64xf32, #tpu.memory_space<vmem_shared>>)
    %dma_wait3A_126 = arith.constant 123 : i32
    %dma_wait3A_127 = arith.constant 0 : i32
    %dma_wait3A_128 = tpu.memref_slice %arg6[%dma_wait3A_126, %dma_wait3A_127] : memref<125x80xi32, #tpu.memory_space<vmem>> -> memref<1x80xi32, #tpu.memory_space<vmem>>
    %dma_wait3A_129 = tpu.memref_squeeze %dma_wait3A_128 : memref<1x80xi32, #tpu.memory_space<vmem>> -> memref<80xi32, #tpu.memory_space<vmem>>
    %dma_wait3A_130 = arith.constant 0 : i32
    %dma_wait3A_131 = arith.constant 0 : i32
    %dma_wait3A_132 = tpu.memref_slice %arg2[%dma_wait3A_130, %dma_wait3A_131] : memref<10000x64xf32, #tpu.memory_space<hbm>> -> memref<10000x64xf32, #tpu.memory_space<hbm>>
    tpu.wait_indirect_dma semaphore(%arg18 : memref<!tpu.dma_semaphore, #tpu.memory_space<semaphore_mem>>) src(%dma_wait3A_132 : memref<10000x64xf32, #tpu.memory_space<hbm>>) dst(%arg11 : memref<80x64xf32, #tpu.memory_space<vmem>>)
    %dma_start3A_133 = arith.constant 123 : i32
    %dma_start3A_134 = arith.constant 0 : i32
    %dma_start3A_135 = tpu.memref_slice %arg7[%dma_start3A_133, %dma_start3A_134] : memref<125x80xi32, #tpu.memory_space<vmem>> -> memref<1x80xi32, #tpu.memory_space<vmem>>
    %dma_start3A_136 = tpu.memref_squeeze %dma_start3A_135 : memref<1x80xi32, #tpu.memory_space<vmem>> -> memref<80xi32, #tpu.memory_space<vmem>>
    %dma_start3A_137 = arith.constant 0 : i32
    %dma_start3A_138 = arith.constant 0 : i32
    %dma_start3A_139 = tpu.memref_slice %arg27[%dma_start3A_137, %dma_start3A_138] : memref<10000x64xf32, #tpu.memory_space<vmem_shared>> -> memref<10000x64xf32, #tpu.memory_space<vmem_shared>>
    tpu.enqueue_indirect_dma source(%arg11 : memref<80x64xf32, #tpu.memory_space<vmem>>) target(%dma_start3A_139 : memref<10000x64xf32, #tpu.memory_space<vmem_shared>>) offsets(%dma_start3A_136 : memref<80xi32, #tpu.memory_space<vmem>>) semaphore(%arg24 : memref<!tpu.dma_semaphore, #tpu.memory_space<semaphore_mem>>) {add = true}
    %dma_wait3A_140 = arith.constant 122 : i32
    %dma_wait3A_141 = arith.constant 0 : i32
    %dma_wait3A_142 = tpu.memref_slice %arg7[%dma_wait3A_140, %dma_wait3A_141] : memref<125x80xi32, #tpu.memory_space<vmem>> -> memref<1x80xi32, #tpu.memory_space<vmem>>
    %dma_wait3A_143 = tpu.memref_squeeze %dma_wait3A_142 : memref<1x80xi32, #tpu.memory_space<vmem>> -> memref<80xi32, #tpu.memory_space<vmem>>
    %dma_wait3A_144 = arith.constant 0 : i32
    %dma_wait3A_145 = arith.constant 0 : i32
    %dma_wait3A_146 = tpu.memref_slice %arg27[%dma_wait3A_144, %dma_wait3A_145] : memref<10000x64xf32, #tpu.memory_space<vmem_shared>> -> memref<10000x64xf32, #tpu.memory_space<vmem_shared>>
    tpu.wait_indirect_dma semaphore(%arg23 : memref<!tpu.dma_semaphore, #tpu.memory_space<semaphore_mem>>) src(%arg10 : memref<80x64xf32, #tpu.memory_space<vmem>>) dst(%dma_wait3A_146 : memref<10000x64xf32, #tpu.memory_space<vmem_shared>>)
    %dma_wait3A_147 = arith.constant 124 : i32
    %dma_wait3A_148 = arith.constant 0 : i32
    %dma_wait3A_149 = tpu.memref_slice %arg6[%dma_wait3A_147, %dma_wait3A_148] : memref<125x80xi32, #tpu.memory_space<vmem>> -> memref<1x80xi32, #tpu.memory_space<vmem>>
    %dma_wait3A_150 = tpu.memref_squeeze %dma_wait3A_149 : memref<1x80xi32, #tpu.memory_space<vmem>> -> memref<80xi32, #tpu.memory_space<vmem>>
    %dma_wait3A_151 = arith.constant 0 : i32
    %dma_wait3A_152 = arith.constant 0 : i32
    %dma_wait3A_153 = tpu.memref_slice %arg2[%dma_wait3A_151, %dma_wait3A_152] : memref<10000x64xf32, #tpu.memory_space<hbm>> -> memref<10000x64xf32, #tpu.memory_space<hbm>>
    tpu.wait_indirect_dma semaphore(%arg19 : memref<!tpu.dma_semaphore, #tpu.memory_space<semaphore_mem>>) src(%dma_wait3A_153 : memref<10000x64xf32, #tpu.memory_space<hbm>>) dst(%arg12 : memref<80x64xf32, #tpu.memory_space<vmem>>)
    %dma_start3A_154 = arith.constant 124 : i32
    %dma_start3A_155 = arith.constant 0 : i32
    %dma_start3A_156 = tpu.memref_slice %arg7[%dma_start3A_154, %dma_start3A_155] : memref<125x80xi32, #tpu.memory_space<vmem>> -> memref<1x80xi32, #tpu.memory_space<vmem>>
    %dma_start3A_157 = tpu.memref_squeeze %dma_start3A_156 : memref<1x80xi32, #tpu.memory_space<vmem>> -> memref<80xi32, #tpu.memory_space<vmem>>
    %dma_start3A_158 = arith.constant 0 : i32
    %dma_start3A_159 = arith.constant 0 : i32
    %dma_start3A_160 = tpu.memref_slice %arg27[%dma_start3A_158, %dma_start3A_159] : memref<10000x64xf32, #tpu.memory_space<vmem_shared>> -> memref<10000x64xf32, #tpu.memory_space<vmem_shared>>
    tpu.enqueue_indirect_dma source(%arg12 : memref<80x64xf32, #tpu.memory_space<vmem>>) target(%dma_start3A_160 : memref<10000x64xf32, #tpu.memory_space<vmem_shared>>) offsets(%dma_start3A_157 : memref<80xi32, #tpu.memory_space<vmem>>) semaphore(%arg25 : memref<!tpu.dma_semaphore, #tpu.memory_space<semaphore_mem>>) {add = true}
    %dma_wait3A_161 = arith.constant 123 : i32
    %dma_wait3A_162 = arith.constant 0 : i32
    %dma_wait3A_163 = tpu.memref_slice %arg7[%dma_wait3A_161, %dma_wait3A_162] : memref<125x80xi32, #tpu.memory_space<vmem>> -> memref<1x80xi32, #tpu.memory_space<vmem>>
    %dma_wait3A_164 = tpu.memref_squeeze %dma_wait3A_163 : memref<1x80xi32, #tpu.memory_space<vmem>> -> memref<80xi32, #tpu.memory_space<vmem>>
    %dma_wait3A_165 = arith.constant 0 : i32
    %dma_wait3A_166 = arith.constant 0 : i32
    %dma_wait3A_167 = tpu.memref_slice %arg27[%dma_wait3A_165, %dma_wait3A_166] : memref<10000x64xf32, #tpu.memory_space<vmem_shared>> -> memref<10000x64xf32, #tpu.memory_space<vmem_shared>>
    tpu.wait_indirect_dma semaphore(%arg24 : memref<!tpu.dma_semaphore, #tpu.memory_space<semaphore_mem>>) src(%arg11 : memref<80x64xf32, #tpu.memory_space<vmem>>) dst(%dma_wait3A_167 : memref<10000x64xf32, #tpu.memory_space<vmem_shared>>)
    %dma_wait3A_168 = arith.constant 124 : i32
    %dma_wait3A_169 = arith.constant 0 : i32
    %dma_wait3A_170 = tpu.memref_slice %arg7[%dma_wait3A_168, %dma_wait3A_169] : memref<125x80xi32, #tpu.memory_space<vmem>> -> memref<1x80xi32, #tpu.memory_space<vmem>>
    %dma_wait3A_171 = tpu.memref_squeeze %dma_wait3A_170 : memref<1x80xi32, #tpu.memory_space<vmem>> -> memref<80xi32, #tpu.memory_space<vmem>>
    %dma_wait3A_172 = arith.constant 0 : i32
    %dma_wait3A_173 = arith.constant 0 : i32
    %dma_wait3A_174 = tpu.memref_slice %arg27[%dma_wait3A_172, %dma_wait3A_173] : memref<10000x64xf32, #tpu.memory_space<vmem_shared>> -> memref<10000x64xf32, #tpu.memory_space<vmem_shared>>
    tpu.wait_indirect_dma semaphore(%arg25 : memref<!tpu.dma_semaphore, #tpu.memory_space<semaphore_mem>>) src(%arg12 : memref<80x64xf32, #tpu.memory_space<vmem>>) dst(%dma_wait3A_174 : memref<10000x64xf32, #tpu.memory_space<vmem_shared>>)
    %barrier3A_175 = arith.constant 0 : index
    tpu.barrier barrier_id(%barrier3A_175)
    %add3A_176 = arith.constant 0 : i32
    %add3A_177 = arith.addi %multiple_of3A, %add3A_176 : i32
    "tpu.region"() ({
      %run_scoped3A = tpu.sem_alloc : memref<!tpu.dma_semaphore, #tpu.memory_space<semaphore_mem>>
      %dma_start3A_193 = arith.constant 0 : i32
      %dma_start3A_194 = tpu.memref_slice %arg27[%add3A_177, %dma_start3A_193] : memref<10000x64xf32, #tpu.memory_space<vmem_shared>> -> memref<208x64xf32, #tpu.memory_space<vmem_shared>>
      %dma_start3A_195 = arith.constant 0 : i32
      %dma_start3A_196 = tpu.memref_slice %arg27[%add3A_177, %dma_start3A_195] : memref<10000x64xf32, #tpu.memory_space<vmem_shared>> -> memref<208x64xf32, #tpu.memory_space<vmem_shared>>
      tpu.enqueue_dma source(%dma_start3A_196 : memref<208x64xf32, #tpu.memory_space<vmem_shared>>) target(%arg14 : memref<208x64xf32, #tpu.memory_space<vmem>>) target_semaphore(%run_scoped3A : memref<!tpu.dma_semaphore, #tpu.memory_space<semaphore_mem>>)
      %dma_wait3A_197 = arith.constant 0 : i32
      %dma_wait3A_198 = tpu.memref_slice %arg27[%add3A_177, %dma_wait3A_197] : memref<10000x64xf32, #tpu.memory_space<vmem_shared>> -> memref<208x64xf32, #tpu.memory_space<vmem_shared>>
      %dma_wait3A_199 = arith.constant 0 : i32
      %dma_wait3A_200 = tpu.memref_slice %arg27[%add3A_177, %dma_wait3A_199] : memref<10000x64xf32, #tpu.memory_space<vmem_shared>> -> memref<208x64xf32, #tpu.memory_space<vmem_shared>>
      tpu.wait_dma2 semaphore(%run_scoped3A : memref<!tpu.dma_semaphore, #tpu.memory_space<semaphore_mem>>) src(%dma_wait3A_200 : memref<208x64xf32, #tpu.memory_space<vmem_shared>>) dst(%arg14 : memref<208x64xf32, #tpu.memory_space<vmem>>)
      tpu.yield
    }) : () -> ()
    %add3A_178 = arith.constant 0 : i32
    %add3A_179 = arith.addi %multiple_of3A, %add3A_178 : i32
    "tpu.region"() ({
      %run_scoped3A = tpu.sem_alloc : memref<!tpu.dma_semaphore, #tpu.memory_space<semaphore_mem>>
      %dma_start3A_193 = arith.constant 0 : i32
      %dma_start3A_194 = tpu.memref_slice %arg5[%arg0, %add3A_179, %dma_start3A_193] : memref<2x10000x64xf32, #tpu.memory_space<hbm>> -> memref<1x208x64xf32, #tpu.memory_space<hbm>>
      %dma_start3A_195 = tpu.memref_squeeze %dma_start3A_194 : memref<1x208x64xf32, #tpu.memory_space<hbm>> -> memref<208x64xf32, #tpu.memory_space<hbm>>
      %dma_start3A_196 = arith.constant 0 : i32
      %dma_start3A_197 = tpu.memref_slice %arg5[%arg0, %add3A_179, %dma_start3A_196] : memref<2x10000x64xf32, #tpu.memory_space<hbm>> -> memref<1x208x64xf32, #tpu.memory_space<hbm>>
      %dma_start3A_198 = tpu.memref_squeeze %dma_start3A_197 : memref<1x208x64xf32, #tpu.memory_space<hbm>> -> memref<208x64xf32, #tpu.memory_space<hbm>>
      tpu.enqueue_dma source(%arg14 : memref<208x64xf32, #tpu.memory_space<vmem>>) target(%dma_start3A_198 : memref<208x64xf32, #tpu.memory_space<hbm>>) target_semaphore(%run_scoped3A : memref<!tpu.dma_semaphore, #tpu.memory_space<semaphore_mem>>)
      %dma_wait3A_199 = arith.constant 0 : i32
      %dma_wait3A_200 = tpu.memref_slice %arg5[%arg0, %add3A_179, %dma_wait3A_199] : memref<2x10000x64xf32, #tpu.memory_space<hbm>> -> memref<1x208x64xf32, #tpu.memory_space<hbm>>
      %dma_wait3A_201 = tpu.memref_squeeze %dma_wait3A_200 : memref<1x208x64xf32, #tpu.memory_space<hbm>> -> memref<208x64xf32, #tpu.memory_space<hbm>>
      %dma_wait3A_202 = arith.constant 0 : i32
      %dma_wait3A_203 = tpu.memref_slice %arg5[%arg0, %add3A_179, %dma_wait3A_202] : memref<2x10000x64xf32, #tpu.memory_space<hbm>> -> memref<1x208x64xf32, #tpu.memory_space<hbm>>
      %dma_wait3A_204 = tpu.memref_squeeze %dma_wait3A_203 : memref<1x208x64xf32, #tpu.memory_space<hbm>> -> memref<208x64xf32, #tpu.memory_space<hbm>>
      tpu.wait_dma2 semaphore(%run_scoped3A : memref<!tpu.dma_semaphore, #tpu.memory_space<semaphore_mem>>) src(%arg14 : memref<208x64xf32, #tpu.memory_space<vmem>>) dst(%dma_wait3A_204 : memref<208x64xf32, #tpu.memory_space<hbm>>)
      tpu.yield
    }) : () -> ()
    %add3A_180 = arith.constant 208 : i32
    %add3A_181 = arith.addi %multiple_of3A, %add3A_180 : i32
    "tpu.region"() ({
      %run_scoped3A = tpu.sem_alloc : memref<!tpu.dma_semaphore, #tpu.memory_space<semaphore_mem>>
      %dma_start3A_193 = arith.constant 0 : i32
      %dma_start3A_194 = tpu.memref_slice %arg27[%add3A_181, %dma_start3A_193] : memref<10000x64xf32, #tpu.memory_space<vmem_shared>> -> memref<208x64xf32, #tpu.memory_space<vmem_shared>>
      %dma_start3A_195 = arith.constant 0 : i32
      %dma_start3A_196 = tpu.memref_slice %arg27[%add3A_181, %dma_start3A_195] : memref<10000x64xf32, #tpu.memory_space<vmem_shared>> -> memref<208x64xf32, #tpu.memory_space<vmem_shared>>
      tpu.enqueue_dma source(%dma_start3A_196 : memref<208x64xf32, #tpu.memory_space<vmem_shared>>) target(%arg14 : memref<208x64xf32, #tpu.memory_space<vmem>>) target_semaphore(%run_scoped3A : memref<!tpu.dma_semaphore, #tpu.memory_space<semaphore_mem>>)
      %dma_wait3A_197 = arith.constant 0 : i32
      %dma_wait3A_198 = tpu.memref_slice %arg27[%add3A_181, %dma_wait3A_197] : memref<10000x64xf32, #tpu.memory_space<vmem_shared>> -> memref<208x64xf32, #tpu.memory_space<vmem_shared>>
      %dma_wait3A_199 = arith.constant 0 : i32
      %dma_wait3A_200 = tpu.memref_slice %arg27[%add3A_181, %dma_wait3A_199] : memref<10000x64xf32, #tpu.memory_space<vmem_shared>> -> memref<208x64xf32, #tpu.memory_space<vmem_shared>>
      tpu.wait_dma2 semaphore(%run_scoped3A : memref<!tpu.dma_semaphore, #tpu.memory_space<semaphore_mem>>) src(%dma_wait3A_200 : memref<208x64xf32, #tpu.memory_space<vmem_shared>>) dst(%arg14 : memref<208x64xf32, #tpu.memory_space<vmem>>)
      tpu.yield
    }) : () -> ()
    %add3A_182 = arith.constant 208 : i32
    %add3A_183 = arith.addi %multiple_of3A, %add3A_182 : i32
    "tpu.region"() ({
      %run_scoped3A = tpu.sem_alloc : memref<!tpu.dma_semaphore, #tpu.memory_space<semaphore_mem>>
      %dma_start3A_193 = arith.constant 0 : i32
      %dma_start3A_194 = tpu.memref_slice %arg5[%arg0, %add3A_183, %dma_start3A_193] : memref<2x10000x64xf32, #tpu.memory_space<hbm>> -> memref<1x208x64xf32, #tpu.memory_space<hbm>>
      %dma_start3A_195 = tpu.memref_squeeze %dma_start3A_194 : memref<1x208x64xf32, #tpu.memory_space<hbm>> -> memref<208x64xf32, #tpu.memory_space<hbm>>
      %dma_start3A_196 = arith.constant 0 : i32
      %dma_start3A_197 = tpu.memref_slice %arg5[%arg0, %add3A_183, %dma_start3A_196] : memref<2x10000x64xf32, #tpu.memory_space<hbm>> -> memref<1x208x64xf32, #tpu.memory_space<hbm>>
      %dma_start3A_198 = tpu.memref_squeeze %dma_start3A_197 : memref<1x208x64xf32, #tpu.memory_space<hbm>> -> memref<208x64xf32, #tpu.memory_space<hbm>>
      tpu.enqueue_dma source(%arg14 : memref<208x64xf32, #tpu.memory_space<vmem>>) target(%dma_start3A_198 : memref<208x64xf32, #tpu.memory_space<hbm>>) target_semaphore(%run_scoped3A : memref<!tpu.dma_semaphore, #tpu.memory_space<semaphore_mem>>)
      %dma_wait3A_199 = arith.constant 0 : i32
      %dma_wait3A_200 = tpu.memref_slice %arg5[%arg0, %add3A_183, %dma_wait3A_199] : memref<2x10000x64xf32, #tpu.memory_space<hbm>> -> memref<1x208x64xf32, #tpu.memory_space<hbm>>
      %dma_wait3A_201 = tpu.memref_squeeze %dma_wait3A_200 : memref<1x208x64xf32, #tpu.memory_space<hbm>> -> memref<208x64xf32, #tpu.memory_space<hbm>>
      %dma_wait3A_202 = arith.constant 0 : i32
      %dma_wait3A_203 = tpu.memref_slice %arg5[%arg0, %add3A_183, %dma_wait3A_202] : memref<2x10000x64xf32, #tpu.memory_space<hbm>> -> memref<1x208x64xf32, #tpu.memory_space<hbm>>
      %dma_wait3A_204 = tpu.memref_squeeze %dma_wait3A_203 : memref<1x208x64xf32, #tpu.memory_space<hbm>> -> memref<208x64xf32, #tpu.memory_space<hbm>>
      tpu.wait_dma2 semaphore(%run_scoped3A : memref<!tpu.dma_semaphore, #tpu.memory_space<semaphore_mem>>) src(%arg14 : memref<208x64xf32, #tpu.memory_space<vmem>>) dst(%dma_wait3A_204 : memref<208x64xf32, #tpu.memory_space<hbm>>)
      tpu.yield
    }) : () -> ()
    %add3A_184 = arith.constant 416 : i32
    %add3A_185 = arith.addi %multiple_of3A, %add3A_184 : i32
    "tpu.region"() ({
      %run_scoped3A = tpu.sem_alloc : memref<!tpu.dma_semaphore, #tpu.memory_space<semaphore_mem>>
      %dma_start3A_193 = arith.constant 0 : i32
      %dma_start3A_194 = tpu.memref_slice %arg27[%add3A_185, %dma_start3A_193] : memref<10000x64xf32, #tpu.memory_space<vmem_shared>> -> memref<208x64xf32, #tpu.memory_space<vmem_shared>>
      %dma_start3A_195 = arith.constant 0 : i32
      %dma_start3A_196 = tpu.memref_slice %arg27[%add3A_185, %dma_start3A_195] : memref<10000x64xf32, #tpu.memory_space<vmem_shared>> -> memref<208x64xf32, #tpu.memory_space<vmem_shared>>
      tpu.enqueue_dma source(%dma_start3A_196 : memref<208x64xf32, #tpu.memory_space<vmem_shared>>) target(%arg14 : memref<208x64xf32, #tpu.memory_space<vmem>>) target_semaphore(%run_scoped3A : memref<!tpu.dma_semaphore, #tpu.memory_space<semaphore_mem>>)
      %dma_wait3A_197 = arith.constant 0 : i32
      %dma_wait3A_198 = tpu.memref_slice %arg27[%add3A_185, %dma_wait3A_197] : memref<10000x64xf32, #tpu.memory_space<vmem_shared>> -> memref<208x64xf32, #tpu.memory_space<vmem_shared>>
      %dma_wait3A_199 = arith.constant 0 : i32
      %dma_wait3A_200 = tpu.memref_slice %arg27[%add3A_185, %dma_wait3A_199] : memref<10000x64xf32, #tpu.memory_space<vmem_shared>> -> memref<208x64xf32, #tpu.memory_space<vmem_shared>>
      tpu.wait_dma2 semaphore(%run_scoped3A : memref<!tpu.dma_semaphore, #tpu.memory_space<semaphore_mem>>) src(%dma_wait3A_200 : memref<208x64xf32, #tpu.memory_space<vmem_shared>>) dst(%arg14 : memref<208x64xf32, #tpu.memory_space<vmem>>)
      tpu.yield
    }) : () -> ()
    %add3A_186 = arith.constant 416 : i32
    %add3A_187 = arith.addi %multiple_of3A, %add3A_186 : i32
    "tpu.region"() ({
      %run_scoped3A = tpu.sem_alloc : memref<!tpu.dma_semaphore, #tpu.memory_space<semaphore_mem>>
      %dma_start3A_193 = arith.constant 0 : i32
      %dma_start3A_194 = tpu.memref_slice %arg5[%arg0, %add3A_187, %dma_start3A_193] : memref<2x10000x64xf32, #tpu.memory_space<hbm>> -> memref<1x208x64xf32, #tpu.memory_space<hbm>>
      %dma_start3A_195 = tpu.memref_squeeze %dma_start3A_194 : memref<1x208x64xf32, #tpu.memory_space<hbm>> -> memref<208x64xf32, #tpu.memory_space<hbm>>
      %dma_start3A_196 = arith.constant 0 : i32
      %dma_start3A_197 = tpu.memref_slice %arg5[%arg0, %add3A_187, %dma_start3A_196] : memref<2x10000x64xf32, #tpu.memory_space<hbm>> -> memref<1x208x64xf32, #tpu.memory_space<hbm>>
      %dma_start3A_198 = tpu.memref_squeeze %dma_start3A_197 : memref<1x208x64xf32, #tpu.memory_space<hbm>> -> memref<208x64xf32, #tpu.memory_space<hbm>>
      tpu.enqueue_dma source(%arg14 : memref<208x64xf32, #tpu.memory_space<vmem>>) target(%dma_start3A_198 : memref<208x64xf32, #tpu.memory_space<hbm>>) target_semaphore(%run_scoped3A : memref<!tpu.dma_semaphore, #tpu.memory_space<semaphore_mem>>)
      %dma_wait3A_199 = arith.constant 0 : i32
      %dma_wait3A_200 = tpu.memref_slice %arg5[%arg0, %add3A_187, %dma_wait3A_199] : memref<2x10000x64xf32, #tpu.memory_space<hbm>> -> memref<1x208x64xf32, #tpu.memory_space<hbm>>
      %dma_wait3A_201 = tpu.memref_squeeze %dma_wait3A_200 : memref<1x208x64xf32, #tpu.memory_space<hbm>> -> memref<208x64xf32, #tpu.memory_space<hbm>>
      %dma_wait3A_202 = arith.constant 0 : i32
      %dma_wait3A_203 = tpu.memref_slice %arg5[%arg0, %add3A_187, %dma_wait3A_202] : memref<2x10000x64xf32, #tpu.memory_space<hbm>> -> memref<1x208x64xf32, #tpu.memory_space<hbm>>
      %dma_wait3A_204 = tpu.memref_squeeze %dma_wait3A_203 : memref<1x208x64xf32, #tpu.memory_space<hbm>> -> memref<208x64xf32, #tpu.memory_space<hbm>>
      tpu.wait_dma2 semaphore(%run_scoped3A : memref<!tpu.dma_semaphore, #tpu.memory_space<semaphore_mem>>) src(%arg14 : memref<208x64xf32, #tpu.memory_space<vmem>>) dst(%dma_wait3A_204 : memref<208x64xf32, #tpu.memory_space<hbm>>)
      tpu.yield
    }) : () -> ()
    %eq3A_188 = arith.constant 15 : i32
    %eq3A_189 = arith.cmpi eq, %arg1, %eq3A_188 : i32
    %convert_element_type3A_190 = arith.extui %eq3A_189 : i1 to i32
    %cond3A_191 = arith.constant 0 : i32
    %cond3A_192 = arith.cmpi ne, %convert_element_type3A_190, %cond3A_191 : i32
    scf.if %cond3A_192 {
      %add3A_193 = arith.constant 624 : i32
      %add3A_194 = arith.addi %multiple_of3A, %add3A_193 : i32
      "tpu.region"() ({
        %run_scoped3A = tpu.sem_alloc : memref<!tpu.dma_semaphore, #tpu.memory_space<semaphore_mem>>
        %dma_start3A_197 = arith.constant 0 : i32
        %dma_start3A_198 = arith.constant 0 : i32
        %dma_start3A_199 = tpu.memref_slice %arg14[%dma_start3A_197, %dma_start3A_198] : memref<208x64xf32, #tpu.memory_space<vmem>> -> memref<16x64xf32, #tpu.memory_space<vmem>>
        %dma_start3A_200 = arith.constant 0 : i32
        %dma_start3A_201 = tpu.memref_slice %arg27[%add3A_194, %dma_start3A_200] : memref<10000x64xf32, #tpu.memory_space<vmem_shared>> -> memref<16x64xf32, #tpu.memory_space<vmem_shared>>
        %dma_start3A_202 = arith.constant 0 : i32
        %dma_start3A_203 = arith.constant 0 : i32
        %dma_start3A_204 = tpu.memref_slice %arg14[%dma_start3A_202, %dma_start3A_203] : memref<208x64xf32, #tpu.memory_space<vmem>> -> memref<16x64xf32, #tpu.memory_space<vmem>>
        %dma_start3A_205 = arith.constant 0 : i32
        %dma_start3A_206 = tpu.memref_slice %arg27[%add3A_194, %dma_start3A_205] : memref<10000x64xf32, #tpu.memory_space<vmem_shared>> -> memref<16x64xf32, #tpu.memory_space<vmem_shared>>
        tpu.enqueue_dma source(%dma_start3A_206 : memref<16x64xf32, #tpu.memory_space<vmem_shared>>) target(%dma_start3A_204 : memref<16x64xf32, #tpu.memory_space<vmem>>) target_semaphore(%run_scoped3A : memref<!tpu.dma_semaphore, #tpu.memory_space<semaphore_mem>>)
        %dma_wait3A_207 = arith.constant 0 : i32
        %dma_wait3A_208 = arith.constant 0 : i32
        %dma_wait3A_209 = tpu.memref_slice %arg14[%dma_wait3A_207, %dma_wait3A_208] : memref<208x64xf32, #tpu.memory_space<vmem>> -> memref<16x64xf32, #tpu.memory_space<vmem>>
        %dma_wait3A_210 = arith.constant 0 : i32
        %dma_wait3A_211 = tpu.memref_slice %arg27[%add3A_194, %dma_wait3A_210] : memref<10000x64xf32, #tpu.memory_space<vmem_shared>> -> memref<16x64xf32, #tpu.memory_space<vmem_shared>>
        %dma_wait3A_212 = arith.constant 0 : i32
        %dma_wait3A_213 = arith.constant 0 : i32
        %dma_wait3A_214 = tpu.memref_slice %arg14[%dma_wait3A_212, %dma_wait3A_213] : memref<208x64xf32, #tpu.memory_space<vmem>> -> memref<16x64xf32, #tpu.memory_space<vmem>>
        %dma_wait3A_215 = arith.constant 0 : i32
        %dma_wait3A_216 = tpu.memref_slice %arg27[%add3A_194, %dma_wait3A_215] : memref<10000x64xf32, #tpu.memory_space<vmem_shared>> -> memref<16x64xf32, #tpu.memory_space<vmem_shared>>
        tpu.wait_dma2 semaphore(%run_scoped3A : memref<!tpu.dma_semaphore, #tpu.memory_space<semaphore_mem>>) src(%dma_wait3A_216 : memref<16x64xf32, #tpu.memory_space<vmem_shared>>) dst(%dma_wait3A_214 : memref<16x64xf32, #tpu.memory_space<vmem>>)
        tpu.yield
      }) : () -> ()
      %add3A_195 = arith.constant 624 : i32
      %add3A_196 = arith.addi %multiple_of3A, %add3A_195 : i32
      "tpu.region"() ({
        %run_scoped3A = tpu.sem_alloc : memref<!tpu.dma_semaphore, #tpu.memory_space<semaphore_mem>>
        %dma_start3A_197 = arith.constant 0 : i32
        %dma_start3A_198 = arith.constant 0 : i32
        %dma_start3A_199 = tpu.memref_slice %arg14[%dma_start3A_197, %dma_start3A_198] : memref<208x64xf32, #tpu.memory_space<vmem>> -> memref<16x64xf32, #tpu.memory_space<vmem>>
        %dma_start3A_200 = arith.constant 0 : i32
        %dma_start3A_201 = tpu.memref_slice %arg5[%arg0, %add3A_196, %dma_start3A_200] : memref<2x10000x64xf32, #tpu.memory_space<hbm>> -> memref<1x16x64xf32, #tpu.memory_space<hbm>>
        %dma_start3A_202 = tpu.memref_squeeze %dma_start3A_201 : memref<1x16x64xf32, #tpu.memory_space<hbm>> -> memref<16x64xf32, #tpu.memory_space<hbm>>
        %dma_start3A_203 = arith.constant 0 : i32
        %dma_start3A_204 = tpu.memref_slice %arg5[%arg0, %add3A_196, %dma_start3A_203] : memref<2x10000x64xf32, #tpu.memory_space<hbm>> -> memref<1x16x64xf32, #tpu.memory_space<hbm>>
        %dma_start3A_205 = tpu.memref_squeeze %dma_start3A_204 : memref<1x16x64xf32, #tpu.memory_space<hbm>> -> memref<16x64xf32, #tpu.memory_space<hbm>>
        %dma_start3A_206 = arith.constant 0 : i32
        %dma_start3A_207 = arith.constant 0 : i32
        %dma_start3A_208 = tpu.memref_slice %arg14[%dma_start3A_206, %dma_start3A_207] : memref<208x64xf32, #tpu.memory_space<vmem>> -> memref<16x64xf32, #tpu.memory_space<vmem>>
        tpu.enqueue_dma source(%dma_start3A_208 : memref<16x64xf32, #tpu.memory_space<vmem>>) target(%dma_start3A_205 : memref<16x64xf32, #tpu.memory_space<hbm>>) target_semaphore(%run_scoped3A : memref<!tpu.dma_semaphore, #tpu.memory_space<semaphore_mem>>)
        %dma_wait3A_209 = arith.constant 0 : i32
        %dma_wait3A_210 = arith.constant 0 : i32
        %dma_wait3A_211 = tpu.memref_slice %arg14[%dma_wait3A_209, %dma_wait3A_210] : memref<208x64xf32, #tpu.memory_space<vmem>> -> memref<16x64xf32, #tpu.memory_space<vmem>>
        %dma_wait3A_212 = arith.constant 0 : i32
        %dma_wait3A_213 = tpu.memref_slice %arg5[%arg0, %add3A_196, %dma_wait3A_212] : memref<2x10000x64xf32, #tpu.memory_space<hbm>> -> memref<1x16x64xf32, #tpu.memory_space<hbm>>
        %dma_wait3A_214 = tpu.memref_squeeze %dma_wait3A_213 : memref<1x16x64xf32, #tpu.memory_space<hbm>> -> memref<16x64xf32, #tpu.memory_space<hbm>>
        %dma_wait3A_215 = arith.constant 0 : i32
        %dma_wait3A_216 = tpu.memref_slice %arg5[%arg0, %add3A_196, %dma_wait3A_215] : memref<2x10000x64xf32, #tpu.memory_space<hbm>> -> memref<1x16x64xf32, #tpu.memory_space<hbm>>
        %dma_wait3A_217 = tpu.memref_squeeze %dma_wait3A_216 : memref<1x16x64xf32, #tpu.memory_space<hbm>> -> memref<16x64xf32, #tpu.memory_space<hbm>>
        %dma_wait3A_218 = arith.constant 0 : i32
        %dma_wait3A_219 = arith.constant 0 : i32
        %dma_wait3A_220 = tpu.memref_slice %arg14[%dma_wait3A_218, %dma_wait3A_219] : memref<208x64xf32, #tpu.memory_space<vmem>> -> memref<16x64xf32, #tpu.memory_space<vmem>>
        tpu.wait_dma2 semaphore(%run_scoped3A : memref<!tpu.dma_semaphore, #tpu.memory_space<semaphore_mem>>) src(%dma_wait3A_220 : memref<16x64xf32, #tpu.memory_space<vmem>>) dst(%dma_wait3A_217 : memref<16x64xf32, #tpu.memory_space<hbm>>)
        tpu.yield
      }) : () -> ()
    } else {
    }
    return
  }
}

#map = affine_map<(d0, d1) -> (0, 0)>
#map1 = affine_map<(d0, d1) -> (0, 0, 0)>
module attributes {stable_mosaic.version = 14 : i64} {
  func.func @body(%arg0: i32, %arg1: i32, %arg2: memref<10000x64xf32, #tpu.memory_space<hbm>>, %arg3: memref<32x125x80xi32, #tpu.memory_space<hbm>>, %arg4: memref<32x125x80xi32, #tpu.memory_space<hbm>>, %arg5: memref<2x10000x64xf32, #tpu.memory_space<hbm>>, %arg6: memref<125x80xi32, #tpu.memory_space<vmem>>, %arg7: memref<125x80xi32, #tpu.memory_space<vmem>>, %arg8: memref<80x64xf32, #tpu.memory_space<vmem>>, %arg9: memref<80x64xf32, #tpu.memory_space<vmem>>, %arg10: memref<80x64xf32, #tpu.memory_space<vmem>>, %arg11: memref<80x64xf32, #tpu.memory_space<vmem>>, %arg12: memref<80x64xf32, #tpu.memory_space<vmem>>, %arg13: memref<80x64xf32, #tpu.memory_space<vmem>>, %arg14: memref<208x64xf32, #tpu.memory_space<vmem>>, %arg15: memref<!tpu.dma_semaphore, #tpu.memory_space<semaphore_mem>>, %arg16: memref<!tpu.dma_semaphore, #tpu.memory_space<semaphore_mem>>, %arg17: memref<!tpu.dma_semaphore, #tpu.memory_space<semaphore_mem>>, %arg18: memref<!tpu.dma_semaphore, #tpu.memory_space<semaphore_mem>>, %arg19: memref<!tpu.dma_semaphore, #tpu.memory_space<semaphore_mem>>, %arg20: memref<!tpu.dma_semaphore, #tpu.memory_space<semaphore_mem>>, %arg21: memref<!tpu.dma_semaphore, #tpu.memory_space<semaphore_mem>>, %arg22: memref<!tpu.dma_semaphore, #tpu.memory_space<semaphore_mem>>, %arg23: memref<!tpu.dma_semaphore, #tpu.memory_space<semaphore_mem>>, %arg24: memref<!tpu.dma_semaphore, #tpu.memory_space<semaphore_mem>>, %arg25: memref<!tpu.dma_semaphore, #tpu.memory_space<semaphore_mem>>, %arg26: memref<!tpu.dma_semaphore, #tpu.memory_space<semaphore_mem>>, %arg27: memref<10000x64xf32, #tpu.memory_space<vmem_shared>>) attributes {dimension_semantics = [#tpu.dimension_semantics<core_parallel>, #tpu.dimension_semantics<subcore_parallel>], iteration_bounds = array<i64: 2, 16>, scalar_prefetch = 0 : i64, scratch_operands = 22 : i64, tpu.core_type = #tpu.core_type<sc_vector_subcore>, window_params = [{transform_indices = #map}, {transform_indices = #map1}, {transform_indices = #map1}, {transform_indices = #map1}]} {
    %mul3A = arith.constant 16 : i32
    %mul3A_0 = arith.muli %arg0, %mul3A : i32
    %add3A = arith.addi %mul3A_0, %arg1 : i32
    "tpu.region"() ({
      %run_scoped3A = tpu.sem_alloc : memref<!tpu.dma_semaphore, #tpu.memory_space<semaphore_mem>>
      %dma_start3A_193 = arith.constant 0 : i32
      %dma_start3A_194 = arith.constant 0 : i32
      %dma_start3A_195 = tpu.memref_slice %arg3[%add3A, %dma_start3A_193, %dma_start3A_194] : memref<32x125x80xi32, #tpu.memory_space<hbm>> -> memref<1x125x80xi32, #tpu.memory_space<hbm>>
      %dma_start3A_196 = tpu.memref_squeeze %dma_start3A_195 : memref<1x125x80xi32, #tpu.memory_space<hbm>> -> memref<125x80xi32, #tpu.memory_space<hbm>>
      %dma_start3A_197 = arith.constant 0 : i32
      %dma_start3A_198 = arith.constant 0 : i32
      %dma_start3A_199 = tpu.memref_slice %arg3[%add3A, %dma_start3A_197, %dma_start3A_198] : memref<32x125x80xi32, #tpu.memory_space<hbm>> -> memref<1x125x80xi32, #tpu.memory_space<hbm>>
      %dma_start3A_200 = tpu.memref_squeeze %dma_start3A_199 : memref<1x125x80xi32, #tpu.memory_space<hbm>> -> memref<125x80xi32, #tpu.memory_space<hbm>>
      tpu.enqueue_dma source(%dma_start3A_200 : memref<125x80xi32, #tpu.memory_space<hbm>>) target(%arg6 : memref<125x80xi32, #tpu.memory_space<vmem>>) target_semaphore(%run_scoped3A : memref<!tpu.dma_semaphore, #tpu.memory_space<semaphore_mem>>)
      %dma_wait3A_201 = arith.constant 0 : i32
      %dma_wait3A_202 = arith.constant 0 : i32
      %dma_wait3A_203 = tpu.memref_slice %arg3[%add3A, %dma_wait3A_201, %dma_wait3A_202] : memref<32x125x80xi32, #tpu.memory_space<hbm>> -> memref<1x125x80xi32, #tpu.memory_space<hbm>>
      %dma_wait3A_204 = tpu.memref_squeeze %dma_wait3A_203 : memref<1x125x80xi32, #tpu.memory_space<hbm>> -> memref<125x80xi32, #tpu.memory_space<hbm>>
      %dma_wait3A_205 = arith.constant 0 : i32
      %dma_wait3A_206 = arith.constant 0 : i32
      %dma_wait3A_207 = tpu.memref_slice %arg3[%add3A, %dma_wait3A_205, %dma_wait3A_206] : memref<32x125x80xi32, #tpu.memory_space<hbm>> -> memref<1x125x80xi32, #tpu.memory_space<hbm>>
      %dma_wait3A_208 = tpu.memref_squeeze %dma_wait3A_207 : memref<1x125x80xi32, #tpu.memory_space<hbm>> -> memref<125x80xi32, #tpu.memory_space<hbm>>
      tpu.wait_dma2 semaphore(%run_scoped3A : memref<!tpu.dma_semaphore, #tpu.memory_space<semaphore_mem>>) src(%dma_wait3A_208 : memref<125x80xi32, #tpu.memory_space<hbm>>) dst(%arg6 : memref<125x80xi32, #tpu.memory_space<vmem>>)
      tpu.yield
    }) : () -> ()
    "tpu.region"() ({
      %run_scoped3A = tpu.sem_alloc : memref<!tpu.dma_semaphore, #tpu.memory_space<semaphore_mem>>
      %dma_start3A_193 = arith.constant 0 : i32
      %dma_start3A_194 = arith.constant 0 : i32
      %dma_start3A_195 = tpu.memref_slice %arg4[%add3A, %dma_start3A_193, %dma_start3A_194] : memref<32x125x80xi32, #tpu.memory_space<hbm>> -> memref<1x125x80xi32, #tpu.memory_space<hbm>>
      %dma_start3A_196 = tpu.memref_squeeze %dma_start3A_195 : memref<1x125x80xi32, #tpu.memory_space<hbm>> -> memref<125x80xi32, #tpu.memory_space<hbm>>
      %dma_start3A_197 = arith.constant 0 : i32
      %dma_start3A_198 = arith.constant 0 : i32
      %dma_start3A_199 = tpu.memref_slice %arg4[%add3A, %dma_start3A_197, %dma_start3A_198] : memref<32x125x80xi32, #tpu.memory_space<hbm>> -> memref<1x125x80xi32, #tpu.memory_space<hbm>>
      %dma_start3A_200 = tpu.memref_squeeze %dma_start3A_199 : memref<1x125x80xi32, #tpu.memory_space<hbm>> -> memref<125x80xi32, #tpu.memory_space<hbm>>
      tpu.enqueue_dma source(%dma_start3A_200 : memref<125x80xi32, #tpu.memory_space<hbm>>) target(%arg7 : memref<125x80xi32, #tpu.memory_space<vmem>>) target_semaphore(%run_scoped3A : memref<!tpu.dma_semaphore, #tpu.memory_space<semaphore_mem>>)
      %dma_wait3A_201 = arith.constant 0 : i32
      %dma_wait3A_202 = arith.constant 0 : i32
      %dma_wait3A_203 = tpu.memref_slice %arg4[%add3A, %dma_wait3A_201, %dma_wait3A_202] : memref<32x125x80xi32, #tpu.memory_space<hbm>> -> memref<1x125x80xi32, #tpu.memory_space<hbm>>
      %dma_wait3A_204 = tpu.memref_squeeze %dma_wait3A_203 : memref<1x125x80xi32, #tpu.memory_space<hbm>> -> memref<125x80xi32, #tpu.memory_space<hbm>>
      %dma_wait3A_205 = arith.constant 0 : i32
      %dma_wait3A_206 = arith.constant 0 : i32
      %dma_wait3A_207 = tpu.memref_slice %arg4[%add3A, %dma_wait3A_205, %dma_wait3A_206] : memref<32x125x80xi32, #tpu.memory_space<hbm>> -> memref<1x125x80xi32, #tpu.memory_space<hbm>>
      %dma_wait3A_208 = tpu.memref_squeeze %dma_wait3A_207 : memref<1x125x80xi32, #tpu.memory_space<hbm>> -> memref<125x80xi32, #tpu.memory_space<hbm>>
      tpu.wait_dma2 semaphore(%run_scoped3A : memref<!tpu.dma_semaphore, #tpu.memory_space<semaphore_mem>>) src(%dma_wait3A_208 : memref<125x80xi32, #tpu.memory_space<hbm>>) dst(%arg7 : memref<125x80xi32, #tpu.memory_space<vmem>>)
      tpu.yield
    }) : () -> ()
    %broadcast_in_dim3A = arith.constant 0.000000e+00 : f32
    %broadcast_in_dim3A_1 = vector.broadcast %broadcast_in_dim3A : f32 to vector<16xf32>
    %scan3A = arith.constant 0 : i32
    %scan3A_2 = arith.constant 0 : i32
    %scan3A_3 = arith.constant 208 : i32
    %scan3A_4 = arith.addi %scan3A_2, %scan3A_3 : i32
    %scan3A_5 = arith.constant 1 : i32
    scf.for %scan3A_193 = %scan3A_2 to %scan3A_4 step %scan3A_5  : i32 {
      %swap3A = arith.index_cast %scan3A_193 : i32 to index
      %swap3A_194 = arith.constant 0 : index
      %swap3A_195 = tpu.vector_load %arg14[%swap3A, %swap3A_194] {strides = array<i32>} : memref<208x64xf32, #tpu.memory_space<vmem>>, vector<1x16xf32>,
      %swap3A_196 = vector.shape_cast %swap3A_195 : vector<1x16xf32> to vector<16xf32>
      %swap3A_197 = vector.shape_cast %broadcast_in_dim3A_1 : vector<16xf32> to vector<1x16xf32>
      tpu.vector_store %arg14[%swap3A, %swap3A_194], %swap3A_197 {strides = array<i32>} : memref<208x64xf32, #tpu.memory_space<vmem>>, vector<1x16xf32>,
      %swap3A_198 = arith.index_cast %scan3A_193 : i32 to index
      %swap3A_199 = arith.constant 16 : index
      %swap3A_200 = tpu.vector_load %arg14[%swap3A_198, %swap3A_199] {strides = array<i32>} : memref<208x64xf32, #tpu.memory_space<vmem>>, vector<1x16xf32>,
      %swap3A_201 = vector.shape_cast %swap3A_200 : vector<1x16xf32> to vector<16xf32>
      %swap3A_202 = vector.shape_cast %broadcast_in_dim3A_1 : vector<16xf32> to vector<1x16xf32>
      tpu.vector_store %arg14[%swap3A_198, %swap3A_199], %swap3A_202 {strides = array<i32>} : memref<208x64xf32, #tpu.memory_space<vmem>>, vector<1x16xf32>,
      %swap3A_203 = arith.index_cast %scan3A_193 : i32 to index
      %swap3A_204 = arith.constant 32 : index
      %swap3A_205 = tpu.vector_load %arg14[%swap3A_203, %swap3A_204] {strides = array<i32>} : memref<208x64xf32, #tpu.memory_space<vmem>>, vector<1x16xf32>,
      %swap3A_206 = vector.shape_cast %swap3A_205 : vector<1x16xf32> to vector<16xf32>
      %swap3A_207 = vector.shape_cast %broadcast_in_dim3A_1 : vector<16xf32> to vector<1x16xf32>
      tpu.vector_store %arg14[%swap3A_203, %swap3A_204], %swap3A_207 {strides = array<i32>} : memref<208x64xf32, #tpu.memory_space<vmem>>, vector<1x16xf32>,
      %swap3A_208 = arith.index_cast %scan3A_193 : i32 to index
      %swap3A_209 = arith.constant 48 : index
      %swap3A_210 = tpu.vector_load %arg14[%swap3A_208, %swap3A_209] {strides = array<i32>} : memref<208x64xf32, #tpu.memory_space<vmem>>, vector<1x16xf32>,
      %swap3A_211 = vector.shape_cast %swap3A_210 : vector<1x16xf32> to vector<16xf32>
      %swap3A_212 = vector.shape_cast %broadcast_in_dim3A_1 : vector<16xf32> to vector<1x16xf32>
      tpu.vector_store %arg14[%swap3A_208, %swap3A_209], %swap3A_212 {strides = array<i32>} : memref<208x64xf32, #tpu.memory_space<vmem>>, vector<1x16xf32>,
    }
    %scan3A_6 = arith.constant 208 : i32
    %mul3A_7 = arith.constant 624 : i32
    %mul3A_8 = arith.muli %arg1, %mul3A_7 : i32
    %multiple_of3A = tpu.assume_multiple %mul3A_8, 8 : i32
    %add3A_9 = arith.constant 0 : i32
    %add3A_10 = arith.addi %multiple_of3A, %add3A_9 : i32
    "tpu.region"() ({
      %run_scoped3A = tpu.sem_alloc : memref<!tpu.dma_semaphore, #tpu.memory_space<semaphore_mem>>
      %dma_start3A_193 = arith.constant 0 : i32
      %dma_start3A_194 = tpu.memref_slice %arg27[%add3A_10, %dma_start3A_193] : memref<10000x64xf32, #tpu.memory_space<vmem_shared>> -> memref<208x64xf32, #tpu.memory_space<vmem_shared>>
      %dma_start3A_195 = arith.constant 0 : i32
      %dma_start3A_196 = tpu.memref_slice %arg27[%add3A_10, %dma_start3A_195] : memref<10000x64xf32, #tpu.memory_space<vmem_shared>> -> memref<208x64xf32, #tpu.memory_space<vmem_shared>>
      tpu.enqueue_dma source(%arg14 : memref<208x64xf32, #tpu.memory_space<vmem>>) target(%dma_start3A_196 : memref<208x64xf32, #tpu.memory_space<vmem_shared>>) target_semaphore(%run_scoped3A : memref<!tpu.dma_semaphore, #tpu.memory_space<semaphore_mem>>)
      %dma_wait3A_197 = arith.constant 0 : i32
      %dma_wait3A_198 = tpu.memref_slice %arg27[%add3A_10, %dma_wait3A_197] : memref<10000x64xf32, #tpu.memory_space<vmem_shared>> -> memref<208x64xf32, #tpu.memory_space<vmem_shared>>
      %dma_wait3A_199 = arith.constant 0 : i32
      %dma_wait3A_200 = tpu.memref_slice %arg27[%add3A_10, %dma_wait3A_199] : memref<10000x64xf32, #tpu.memory_space<vmem_shared>> -> memref<208x64xf32, #tpu.memory_space<vmem_shared>>
      tpu.wait_dma2 semaphore(%run_scoped3A : memref<!tpu.dma_semaphore, #tpu.memory_space<semaphore_mem>>) src(%arg14 : memref<208x64xf32, #tpu.memory_space<vmem>>) dst(%dma_wait3A_200 : memref<208x64xf32, #tpu.memory_space<vmem_shared>>)
      tpu.yield
    }) : () -> ()
    %add3A_11 = arith.constant 208 : i32
    %add3A_12 = arith.addi %multiple_of3A, %add3A_11 : i32
    "tpu.region"() ({
      %run_scoped3A = tpu.sem_alloc : memref<!tpu.dma_semaphore, #tpu.memory_space<semaphore_mem>>
      %dma_start3A_193 = arith.constant 0 : i32
      %dma_start3A_194 = tpu.memref_slice %arg27[%add3A_12, %dma_start3A_193] : memref<10000x64xf32, #tpu.memory_space<vmem_shared>> -> memref<208x64xf32, #tpu.memory_space<vmem_shared>>
      %dma_start3A_195 = arith.constant 0 : i32
      %dma_start3A_196 = tpu.memref_slice %arg27[%add3A_12, %dma_start3A_195] : memref<10000x64xf32, #tpu.memory_space<vmem_shared>> -> memref<208x64xf32, #tpu.memory_space<vmem_shared>>
      tpu.enqueue_dma source(%arg14 : memref<208x64xf32, #tpu.memory_space<vmem>>) target(%dma_start3A_196 : memref<208x64xf32, #tpu.memory_space<vmem_shared>>) target_semaphore(%run_scoped3A : memref<!tpu.dma_semaphore, #tpu.memory_space<semaphore_mem>>)
      %dma_wait3A_197 = arith.constant 0 : i32
      %dma_wait3A_198 = tpu.memref_slice %arg27[%add3A_12, %dma_wait3A_197] : memref<10000x64xf32, #tpu.memory_space<vmem_shared>> -> memref<208x64xf32, #tpu.memory_space<vmem_shared>>
      %dma_wait3A_199 = arith.constant 0 : i32
      %dma_wait3A_200 = tpu.memref_slice %arg27[%add3A_12, %dma_wait3A_199] : memref<10000x64xf32, #tpu.memory_space<vmem_shared>> -> memref<208x64xf32, #tpu.memory_space<vmem_shared>>
      tpu.wait_dma2 semaphore(%run_scoped3A : memref<!tpu.dma_semaphore, #tpu.memory_space<semaphore_mem>>) src(%arg14 : memref<208x64xf32, #tpu.memory_space<vmem>>) dst(%dma_wait3A_200 : memref<208x64xf32, #tpu.memory_space<vmem_shared>>)
      tpu.yield
    }) : () -> ()
    %add3A_13 = arith.constant 416 : i32
    %add3A_14 = arith.addi %multiple_of3A, %add3A_13 : i32
    "tpu.region"() ({
      %run_scoped3A = tpu.sem_alloc : memref<!tpu.dma_semaphore, #tpu.memory_space<semaphore_mem>>
      %dma_start3A_193 = arith.constant 0 : i32
      %dma_start3A_194 = tpu.memref_slice %arg27[%add3A_14, %dma_start3A_193] : memref<10000x64xf32, #tpu.memory_space<vmem_shared>> -> memref<208x64xf32, #tpu.memory_space<vmem_shared>>
      %dma_start3A_195 = arith.constant 0 : i32
      %dma_start3A_196 = tpu.memref_slice %arg27[%add3A_14, %dma_start3A_195] : memref<10000x64xf32, #tpu.memory_space<vmem_shared>> -> memref<208x64xf32, #tpu.memory_space<vmem_shared>>
      tpu.enqueue_dma source(%arg14 : memref<208x64xf32, #tpu.memory_space<vmem>>) target(%dma_start3A_196 : memref<208x64xf32, #tpu.memory_space<vmem_shared>>) target_semaphore(%run_scoped3A : memref<!tpu.dma_semaphore, #tpu.memory_space<semaphore_mem>>)
      %dma_wait3A_197 = arith.constant 0 : i32
      %dma_wait3A_198 = tpu.memref_slice %arg27[%add3A_14, %dma_wait3A_197] : memref<10000x64xf32, #tpu.memory_space<vmem_shared>> -> memref<208x64xf32, #tpu.memory_space<vmem_shared>>
      %dma_wait3A_199 = arith.constant 0 : i32
      %dma_wait3A_200 = tpu.memref_slice %arg27[%add3A_14, %dma_wait3A_199] : memref<10000x64xf32, #tpu.memory_space<vmem_shared>> -> memref<208x64xf32, #tpu.memory_space<vmem_shared>>
      tpu.wait_dma2 semaphore(%run_scoped3A : memref<!tpu.dma_semaphore, #tpu.memory_space<semaphore_mem>>) src(%arg14 : memref<208x64xf32, #tpu.memory_space<vmem>>) dst(%dma_wait3A_200 : memref<208x64xf32, #tpu.memory_space<vmem_shared>>)
      tpu.yield
    }) : () -> ()
    %eq3A = arith.constant 15 : i32
    %eq3A_15 = arith.cmpi eq, %arg1, %eq3A : i32
    %convert_element_type3A = arith.extui %eq3A_15 : i1 to i32
    %cond3A = arith.constant 0 : i32
    %cond3A_16 = arith.cmpi ne, %convert_element_type3A, %cond3A : i32
    scf.if %cond3A_16 {
      %add3A_193 = arith.constant 624 : i32
      %add3A_194 = arith.addi %multiple_of3A, %add3A_193 : i32
      "tpu.region"() ({
        %run_scoped3A = tpu.sem_alloc : memref<!tpu.dma_semaphore, #tpu.memory_space<semaphore_mem>>
        %dma_start3A_195 = arith.constant 0 : i32
        %dma_start3A_196 = arith.constant 0 : i32
        %dma_start3A_197 = tpu.memref_slice %arg14[%dma_start3A_195, %dma_start3A_196] : memref<208x64xf32, #tpu.memory_space<vmem>> -> memref<16x64xf32, #tpu.memory_space<vmem>>
        %dma_start3A_198 = arith.constant 0 : i32
        %dma_start3A_199 = tpu.memref_slice %arg27[%add3A_194, %dma_start3A_198] : memref<10000x64xf32, #tpu.memory_space<vmem_shared>> -> memref<16x64xf32, #tpu.memory_space<vmem_shared>>
        %dma_start3A_200 = arith.constant 0 : i32
        %dma_start3A_201 = tpu.memref_slice %arg27[%add3A_194, %dma_start3A_200] : memref<10000x64xf32, #tpu.memory_space<vmem_shared>> -> memref<16x64xf32, #tpu.memory_space<vmem_shared>>
        %dma_start3A_202 = arith.constant 0 : i32
        %dma_start3A_203 = arith.constant 0 : i32
        %dma_start3A_204 = tpu.memref_slice %arg14[%dma_start3A_202, %dma_start3A_203] : memref<208x64xf32, #tpu.memory_space<vmem>> -> memref<16x64xf32, #tpu.memory_space<vmem>>
        tpu.enqueue_dma source(%dma_start3A_204 : memref<16x64xf32, #tpu.memory_space<vmem>>) target(%dma_start3A_201 : memref<16x64xf32, #tpu.memory_space<vmem_shared>>) target_semaphore(%run_scoped3A : memref<!tpu.dma_semaphore, #tpu.memory_space<semaphore_mem>>)
        %dma_wait3A_205 = arith.constant 0 : i32
        %dma_wait3A_206 = arith.constant 0 : i32
        %dma_wait3A_207 = tpu.memref_slice %arg14[%dma_wait3A_205, %dma_wait3A_206] : memref<208x64xf32, #tpu.memory_space<vmem>> -> memref<16x64xf32, #tpu.memory_space<vmem>>
        %dma_wait3A_208 = arith.constant 0 : i32
        %dma_wait3A_209 = tpu.memref_slice %arg27[%add3A_194, %dma_wait3A_208] : memref<10000x64xf32, #tpu.memory_space<vmem_shared>> -> memref<16x64xf32, #tpu.memory_space<vmem_shared>>
        %dma_wait3A_210 = arith.constant 0 : i32
        %dma_wait3A_211 = tpu.memref_slice %arg27[%add3A_194, %dma_wait3A_210] : memref<10000x64xf32, #tpu.memory_space<vmem_shared>> -> memref<16x64xf32, #tpu.memory_space<vmem_shared>>
        %dma_wait3A_212 = arith.constant 0 : i32
        %dma_wait3A_213 = arith.constant 0 : i32
        %dma_wait3A_214 = tpu.memref_slice %arg14[%dma_wait3A_212, %dma_wait3A_213] : memref<208x64xf32, #tpu.memory_space<vmem>> -> memref<16x64xf32, #tpu.memory_space<vmem>>
        tpu.wait_dma2 semaphore(%run_scoped3A : memref<!tpu.dma_semaphore, #tpu.memory_space<semaphore_mem>>) src(%dma_wait3A_214 : memref<16x64xf32, #tpu.memory_space<vmem>>) dst(%dma_wait3A_211 : memref<16x64xf32, #tpu.memory_space<vmem_shared>>)
        tpu.yield
      }) : () -> ()
    } else {
    }
    %barrier3A = arith.constant 0 : index
    tpu.barrier barrier_id(%barrier3A)
    %dma_start3A = arith.constant 0 : i32
    %dma_start3A_17 = arith.constant 0 : i32
    %dma_start3A_18 = tpu.memref_slice %arg6[%dma_start3A, %dma_start3A_17] : memref<125x80xi32, #tpu.memory_space<vmem>> -> memref<1x80xi32, #tpu.memory_space<vmem>>
    %dma_start3A_19 = tpu.memref_squeeze %dma_start3A_18 : memref<1x80xi32, #tpu.memory_space<vmem>> -> memref<80xi32, #tpu.memory_space<vmem>>
    %dma_start3A_20 = arith.constant 0 : i32
    %dma_start3A_21 = arith.constant 0 : i32
    %dma_start3A_22 = tpu.memref_slice %arg2[%dma_start3A_20, %dma_start3A_21] : memref<10000x64xf32, #tpu.memory_space<hbm>> -> memref<10000x64xf32, #tpu.memory_space<hbm>>
    tpu.enqueue_indirect_dma source(%dma_start3A_22 : memref<10000x64xf32, #tpu.memory_space<hbm>>) target(%arg8 : memref<80x64xf32, #tpu.memory_space<vmem>>) offsets(%dma_start3A_19 : memref<80xi32, #tpu.memory_space<vmem>>) semaphore(%arg15 : memref<!tpu.dma_semaphore, #tpu.memory_space<semaphore_mem>>)
    %dma_start3A_23 = arith.constant 1 : i32
    %dma_start3A_24 = arith.constant 0 : i32
    %dma_start3A_25 = tpu.memref_slice %arg6[%dma_start3A_23, %dma_start3A_24] : memref<125x80xi32, #tpu.memory_space<vmem>> -> memref<1x80xi32, #tpu.memory_space<vmem>>
    %dma_start3A_26 = tpu.memref_squeeze %dma_start3A_25 : memref<1x80xi32, #tpu.memory_space<vmem>> -> memref<80xi32, #tpu.memory_space<vmem>>
    %dma_start3A_27 = arith.constant 0 : i32
    %dma_start3A_28 = arith.constant 0 : i32
    %dma_start3A_29 = tpu.memref_slice %arg2[%dma_start3A_27, %dma_start3A_28] : memref<10000x64xf32, #tpu.memory_space<hbm>> -> memref<10000x64xf32, #tpu.memory_space<hbm>>
    tpu.enqueue_indirect_dma source(%dma_start3A_29 : memref<10000x64xf32, #tpu.memory_space<hbm>>) target(%arg9 : memref<80x64xf32, #tpu.memory_space<vmem>>) offsets(%dma_start3A_26 : memref<80xi32, #tpu.memory_space<vmem>>) semaphore(%arg16 : memref<!tpu.dma_semaphore, #tpu.memory_space<semaphore_mem>>)
    %dma_start3A_30 = arith.constant 2 : i32
    %dma_start3A_31 = arith.constant 0 : i32
    %dma_start3A_32 = tpu.memref_slice %arg6[%dma_start3A_30, %dma_start3A_31] : memref<125x80xi32, #tpu.memory_space<vmem>> -> memref<1x80xi32, #tpu.memory_space<vmem>>
    %dma_start3A_33 = tpu.memref_squeeze %dma_start3A_32 : memref<1x80xi32, #tpu.memory_space<vmem>> -> memref<80xi32, #tpu.memory_space<vmem>>
    %dma_start3A_34 = arith.constant 0 : i32
    %dma_start3A_35 = arith.constant 0 : i32
    %dma_start3A_36 = tpu.memref_slice %arg2[%dma_start3A_34, %dma_start3A_35] : memref<10000x64xf32, #tpu.memory_space<hbm>> -> memref<10000x64xf32, #tpu.memory_space<hbm>>
    tpu.enqueue_indirect_dma source(%dma_start3A_36 : memref<10000x64xf32, #tpu.memory_space<hbm>>) target(%arg10 : memref<80x64xf32, #tpu.memory_space<vmem>>) offsets(%dma_start3A_33 : memref<80xi32, #tpu.memory_space<vmem>>) semaphore(%arg17 : memref<!tpu.dma_semaphore, #tpu.memory_space<semaphore_mem>>)
    %dma_start3A_37 = arith.constant 3 : i32
    %dma_start3A_38 = arith.constant 0 : i32
    %dma_start3A_39 = tpu.memref_slice %arg6[%dma_start3A_37, %dma_start3A_38] : memref<125x80xi32, #tpu.memory_space<vmem>> -> memref<1x80xi32, #tpu.memory_space<vmem>>
    %dma_start3A_40 = tpu.memref_squeeze %dma_start3A_39 : memref<1x80xi32, #tpu.memory_space<vmem>> -> memref<80xi32, #tpu.memory_space<vmem>>
    %dma_start3A_41 = arith.constant 0 : i32
    %dma_start3A_42 = arith.constant 0 : i32
    %dma_start3A_43 = tpu.memref_slice %arg2[%dma_start3A_41, %dma_start3A_42] : memref<10000x64xf32, #tpu.memory_space<hbm>> -> memref<10000x64xf32, #tpu.memory_space<hbm>>
    tpu.enqueue_indirect_dma source(%dma_start3A_43 : memref<10000x64xf32, #tpu.memory_space<hbm>>) target(%arg11 : memref<80x64xf32, #tpu.memory_space<vmem>>) offsets(%dma_start3A_40 : memref<80xi32, #tpu.memory_space<vmem>>) semaphore(%arg18 : memref<!tpu.dma_semaphore, #tpu.memory_space<semaphore_mem>>)
    %scan3A_44 = arith.constant 0 : i32
    %scan3A_45 = arith.constant 0 : i32
    %scan3A_46 = arith.constant 20 : i32
    %scan3A_47 = arith.addi %scan3A_45, %scan3A_46 : i32
    %scan3A_48 = arith.constant 1 : i32
    scf.for %scan3A_193 = %scan3A_45 to %scan3A_47 step %scan3A_48  : i32 {
      %mul3A_194 = arith.constant 6 : i32
      %mul3A_195 = arith.muli %mul3A_194, %scan3A_193 : i32
      %add3A_196 = arith.constant 0 : i32
      %add3A_197 = arith.addi %mul3A_195, %add3A_196 : i32
      %gt3A = arith.constant 0 : i32
      %gt3A_198 = arith.cmpi sgt, %scan3A_193, %gt3A : i32
      %convert_element_type3A_199 = arith.extui %gt3A_198 : i1 to i32
      %cond3A_200 = arith.constant 0 : i32
      %cond3A_201 = arith.cmpi ne, %convert_element_type3A_199, %cond3A_200 : i32
      scf.if %cond3A_201 {
        %sub3A_371 = arith.constant 2 : i32
        %sub3A_372 = arith.subi %add3A_197, %sub3A_371 : i32
        %dma_wait3A_373 = arith.constant 0 : i32
        %dma_wait3A_374 = tpu.memref_slice %arg7[%sub3A_372, %dma_wait3A_373] : memref<125x80xi32, #tpu.memory_space<vmem>> -> memref<1x80xi32, #tpu.memory_space<vmem>>
        %dma_wait3A_375 = tpu.memref_squeeze %dma_wait3A_374 : memref<1x80xi32, #tpu.memory_space<vmem>> -> memref<80xi32, #tpu.memory_space<vmem>>
        %dma_wait3A_376 = arith.constant 0 : i32
        %dma_wait3A_377 = arith.constant 0 : i32
        %dma_wait3A_378 = tpu.memref_slice %arg27[%dma_wait3A_376, %dma_wait3A_377] : memref<10000x64xf32, #tpu.memory_space<vmem_shared>> -> memref<10000x64xf32, #tpu.memory_space<vmem_shared>>
        tpu.wait_indirect_dma semaphore(%arg25 : memref<!tpu.dma_semaphore, #tpu.memory_space<semaphore_mem>>) src(%arg12 : memref<80x64xf32, #tpu.memory_space<vmem>>) dst(%dma_wait3A_378 : memref<10000x64xf32, #tpu.memory_space<vmem_shared>>)
      } else {
      }
      %add3A_202 = arith.constant 4 : i32
      %add3A_203 = arith.addi %add3A_197, %add3A_202 : i32
      %lt3A = arith.constant 125 : i32
      %lt3A_204 = arith.cmpi slt, %add3A_203, %lt3A : i32
      %convert_element_type3A_205 = arith.extui %lt3A_204 : i1 to i32
      %cond3A_206 = arith.constant 0 : i32
      %cond3A_207 = arith.cmpi ne, %convert_element_type3A_205, %cond3A_206 : i32
      scf.if %cond3A_207 {
        %add3A_371 = arith.constant 4 : i32
        %add3A_372 = arith.addi %add3A_197, %add3A_371 : i32
        %dma_start3A_373 = arith.constant 0 : i32
        %dma_start3A_374 = tpu.memref_slice %arg6[%add3A_372, %dma_start3A_373] : memref<125x80xi32, #tpu.memory_space<vmem>> -> memref<1x80xi32, #tpu.memory_space<vmem>>
        %dma_start3A_375 = tpu.memref_squeeze %dma_start3A_374 : memref<1x80xi32, #tpu.memory_space<vmem>> -> memref<80xi32, #tpu.memory_space<vmem>>
        %dma_start3A_376 = arith.constant 0 : i32
        %dma_start3A_377 = arith.constant 0 : i32
        %dma_start3A_378 = tpu.memref_slice %arg2[%dma_start3A_376, %dma_start3A_377] : memref<10000x64xf32, #tpu.memory_space<hbm>> -> memref<10000x64xf32, #tpu.memory_space<hbm>>
        tpu.enqueue_indirect_dma source(%dma_start3A_378 : memref<10000x64xf32, #tpu.memory_space<hbm>>) target(%arg12 : memref<80x64xf32, #tpu.memory_space<vmem>>) offsets(%dma_start3A_375 : memref<80xi32, #tpu.memory_space<vmem>>) semaphore(%arg19 : memref<!tpu.dma_semaphore, #tpu.memory_space<semaphore_mem>>)
      } else {
      }
      %dma_wait3A_208 = arith.constant 0 : i32
      %dma_wait3A_209 = tpu.memref_slice %arg6[%add3A_197, %dma_wait3A_208] : memref<125x80xi32, #tpu.memory_space<vmem>> -> memref<1x80xi32, #tpu.memory_space<vmem>>
      %dma_wait3A_210 = tpu.memref_squeeze %dma_wait3A_209 : memref<1x80xi32, #tpu.memory_space<vmem>> -> memref<80xi32, #tpu.memory_space<vmem>>
      %dma_wait3A_211 = arith.constant 0 : i32
      %dma_wait3A_212 = arith.constant 0 : i32
      %dma_wait3A_213 = tpu.memref_slice %arg2[%dma_wait3A_211, %dma_wait3A_212] : memref<10000x64xf32, #tpu.memory_space<hbm>> -> memref<10000x64xf32, #tpu.memory_space<hbm>>
      tpu.wait_indirect_dma semaphore(%arg15 : memref<!tpu.dma_semaphore, #tpu.memory_space<semaphore_mem>>) src(%dma_wait3A_213 : memref<10000x64xf32, #tpu.memory_space<hbm>>) dst(%arg8 : memref<80x64xf32, #tpu.memory_space<vmem>>)
      %dma_start3A_214 = arith.constant 0 : i32
      %dma_start3A_215 = tpu.memref_slice %arg7[%add3A_197, %dma_start3A_214] : memref<125x80xi32, #tpu.memory_space<vmem>> -> memref<1x80xi32, #tpu.memory_space<vmem>>
      %dma_start3A_216 = tpu.memref_squeeze %dma_start3A_215 : memref<1x80xi32, #tpu.memory_space<vmem>> -> memref<80xi32, #tpu.memory_space<vmem>>
      %dma_start3A_217 = arith.constant 0 : i32
      %dma_start3A_218 = arith.constant 0 : i32
      %dma_start3A_219 = tpu.memref_slice %arg27[%dma_start3A_217, %dma_start3A_218] : memref<10000x64xf32, #tpu.memory_space<vmem_shared>> -> memref<10000x64xf32, #tpu.memory_space<vmem_shared>>
      tpu.enqueue_indirect_dma source(%arg8 : memref<80x64xf32, #tpu.memory_space<vmem>>) target(%dma_start3A_219 : memref<10000x64xf32, #tpu.memory_space<vmem_shared>>) offsets(%dma_start3A_216 : memref<80xi32, #tpu.memory_space<vmem>>) semaphore(%arg21 : memref<!tpu.dma_semaphore, #tpu.memory_space<semaphore_mem>>) {add = true}
      %mul3A_220 = arith.constant 6 : i32
      %mul3A_221 = arith.muli %mul3A_220, %scan3A_193 : i32
      %add3A_222 = arith.constant 1 : i32
      %add3A_223 = arith.addi %mul3A_221, %add3A_222 : i32
      %gt3A_224 = arith.constant 0 : i32
      %gt3A_225 = arith.cmpi sgt, %scan3A_193, %gt3A_224 : i32
      %convert_element_type3A_226 = arith.extui %gt3A_225 : i1 to i32
      %cond3A_227 = arith.constant 0 : i32
      %cond3A_228 = arith.cmpi ne, %convert_element_type3A_226, %cond3A_227 : i32
      scf.if %cond3A_228 {
        %sub3A_371 = arith.constant 2 : i32
        %sub3A_372 = arith.subi %add3A_223, %sub3A_371 : i32
        %dma_wait3A_373 = arith.constant 0 : i32
        %dma_wait3A_374 = tpu.memref_slice %arg7[%sub3A_372, %dma_wait3A_373] : memref<125x80xi32, #tpu.memory_space<vmem>> -> memref<1x80xi32, #tpu.memory_space<vmem>>
        %dma_wait3A_375 = tpu.memref_squeeze %dma_wait3A_374 : memref<1x80xi32, #tpu.memory_space<vmem>> -> memref<80xi32, #tpu.memory_space<vmem>>
        %dma_wait3A_376 = arith.constant 0 : i32
        %dma_wait3A_377 = arith.constant 0 : i32
        %dma_wait3A_378 = tpu.memref_slice %arg27[%dma_wait3A_376, %dma_wait3A_377] : memref<10000x64xf32, #tpu.memory_space<vmem_shared>> -> memref<10000x64xf32, #tpu.memory_space<vmem_shared>>
        tpu.wait_indirect_dma semaphore(%arg26 : memref<!tpu.dma_semaphore, #tpu.memory_space<semaphore_mem>>) src(%arg13 : memref<80x64xf32, #tpu.memory_space<vmem>>) dst(%dma_wait3A_378 : memref<10000x64xf32, #tpu.memory_space<vmem_shared>>)
      } else {
      }
      %add3A_229 = arith.constant 4 : i32
      %add3A_230 = arith.addi %add3A_223, %add3A_229 : i32
      %lt3A_231 = arith.constant 125 : i32
      %lt3A_232 = arith.cmpi slt, %add3A_230, %lt3A_231 : i32
      %convert_element_type3A_233 = arith.extui %lt3A_232 : i1 to i32
      %cond3A_234 = arith.constant 0 : i32
      %cond3A_235 = arith.cmpi ne, %convert_element_type3A_233, %cond3A_234 : i32
      scf.if %cond3A_235 {
        %add3A_371 = arith.constant 4 : i32
        %add3A_372 = arith.addi %add3A_223, %add3A_371 : i32
        %dma_start3A_373 = arith.constant 0 : i32
        %dma_start3A_374 = tpu.memref_slice %arg6[%add3A_372, %dma_start3A_373] : memref<125x80xi32, #tpu.memory_space<vmem>> -> memref<1x80xi32, #tpu.memory_space<vmem>>
        %dma_start3A_375 = tpu.memref_squeeze %dma_start3A_374 : memref<1x80xi32, #tpu.memory_space<vmem>> -> memref<80xi32, #tpu.memory_space<vmem>>
        %dma_start3A_376 = arith.constant 0 : i32
        %dma_start3A_377 = arith.constant 0 : i32
        %dma_start3A_378 = tpu.memref_slice %arg2[%dma_start3A_376, %dma_start3A_377] : memref<10000x64xf32, #tpu.memory_space<hbm>> -> memref<10000x64xf32, #tpu.memory_space<hbm>>
        tpu.enqueue_indirect_dma source(%dma_start3A_378 : memref<10000x64xf32, #tpu.memory_space<hbm>>) target(%arg13 : memref<80x64xf32, #tpu.memory_space<vmem>>) offsets(%dma_start3A_375 : memref<80xi32, #tpu.memory_space<vmem>>) semaphore(%arg20 : memref<!tpu.dma_semaphore, #tpu.memory_space<semaphore_mem>>)
      } else {
      }
      %dma_wait3A_236 = arith.constant 0 : i32
      %dma_wait3A_237 = tpu.memref_slice %arg6[%add3A_223, %dma_wait3A_236] : memref<125x80xi32, #tpu.memory_space<vmem>> -> memref<1x80xi32, #tpu.memory_space<vmem>>
      %dma_wait3A_238 = tpu.memref_squeeze %dma_wait3A_237 : memref<1x80xi32, #tpu.memory_space<vmem>> -> memref<80xi32, #tpu.memory_space<vmem>>
      %dma_wait3A_239 = arith.constant 0 : i32
      %dma_wait3A_240 = arith.constant 0 : i32
      %dma_wait3A_241 = tpu.memref_slice %arg2[%dma_wait3A_239, %dma_wait3A_240] : memref<10000x64xf32, #tpu.memory_space<hbm>> -> memref<10000x64xf32, #tpu.memory_space<hbm>>
      tpu.wait_indirect_dma semaphore(%arg16 : memref<!tpu.dma_semaphore, #tpu.memory_space<semaphore_mem>>) src(%dma_wait3A_241 : memref<10000x64xf32, #tpu.memory_space<hbm>>) dst(%arg9 : memref<80x64xf32, #tpu.memory_space<vmem>>)
      %dma_start3A_242 = arith.constant 0 : i32
      %dma_start3A_243 = tpu.memref_slice %arg7[%add3A_223, %dma_start3A_242] : memref<125x80xi32, #tpu.memory_space<vmem>> -> memref<1x80xi32, #tpu.memory_space<vmem>>
      %dma_start3A_244 = tpu.memref_squeeze %dma_start3A_243 : memref<1x80xi32, #tpu.memory_space<vmem>> -> memref<80xi32, #tpu.memory_space<vmem>>
      %dma_start3A_245 = arith.constant 0 : i32
      %dma_start3A_246 = arith.constant 0 : i32
      %dma_start3A_247 = tpu.memref_slice %arg27[%dma_start3A_245, %dma_start3A_246] : memref<10000x64xf32, #tpu.memory_space<vmem_shared>> -> memref<10000x64xf32, #tpu.memory_space<vmem_shared>>
      tpu.enqueue_indirect_dma source(%arg9 : memref<80x64xf32, #tpu.memory_space<vmem>>) target(%dma_start3A_247 : memref<10000x64xf32, #tpu.memory_space<vmem_shared>>) offsets(%dma_start3A_244 : memref<80xi32, #tpu.memory_space<vmem>>) semaphore(%arg22 : memref<!tpu.dma_semaphore, #tpu.memory_space<semaphore_mem>>) {add = true}
      %mul3A_248 = arith.constant 6 : i32
      %mul3A_249 = arith.muli %mul3A_248, %scan3A_193 : i32
      %add3A_250 = arith.constant 2 : i32
      %add3A_251 = arith.addi %mul3A_249, %add3A_250 : i32
      %sub3A = arith.constant 2 : i32
      %sub3A_252 = arith.subi %add3A_251, %sub3A : i32
      %dma_wait3A_253 = arith.constant 0 : i32
      %dma_wait3A_254 = tpu.memref_slice %arg7[%sub3A_252, %dma_wait3A_253] : memref<125x80xi32, #tpu.memory_space<vmem>> -> memref<1x80xi32, #tpu.memory_space<vmem>>
      %dma_wait3A_255 = tpu.memref_squeeze %dma_wait3A_254 : memref<1x80xi32, #tpu.memory_space<vmem>> -> memref<80xi32, #tpu.memory_space<vmem>>
      %dma_wait3A_256 = arith.constant 0 : i32
      %dma_wait3A_257 = arith.constant 0 : i32
      %dma_wait3A_258 = tpu.memref_slice %arg27[%dma_wait3A_256, %dma_wait3A_257] : memref<10000x64xf32, #tpu.memory_space<vmem_shared>> -> memref<10000x64xf32, #tpu.memory_space<vmem_shared>>
      tpu.wait_indirect_dma semaphore(%arg21 : memref<!tpu.dma_semaphore, #tpu.memory_space<semaphore_mem>>) src(%arg8 : memref<80x64xf32, #tpu.memory_space<vmem>>) dst(%dma_wait3A_258 : memref<10000x64xf32, #tpu.memory_space<vmem_shared>>)
      %add3A_259 = arith.constant 4 : i32
      %add3A_260 = arith.addi %add3A_251, %add3A_259 : i32
      %lt3A_261 = arith.constant 125 : i32
      %lt3A_262 = arith.cmpi slt, %add3A_260, %lt3A_261 : i32
      %convert_element_type3A_263 = arith.extui %lt3A_262 : i1 to i32
      %cond3A_264 = arith.constant 0 : i32
      %cond3A_265 = arith.cmpi ne, %convert_element_type3A_263, %cond3A_264 : i32
      scf.if %cond3A_265 {
        %add3A_371 = arith.constant 4 : i32
        %add3A_372 = arith.addi %add3A_251, %add3A_371 : i32
        %dma_start3A_373 = arith.constant 0 : i32
        %dma_start3A_374 = tpu.memref_slice %arg6[%add3A_372, %dma_start3A_373] : memref<125x80xi32, #tpu.memory_space<vmem>> -> memref<1x80xi32, #tpu.memory_space<vmem>>
        %dma_start3A_375 = tpu.memref_squeeze %dma_start3A_374 : memref<1x80xi32, #tpu.memory_space<vmem>> -> memref<80xi32, #tpu.memory_space<vmem>>
        %dma_start3A_376 = arith.constant 0 : i32
        %dma_start3A_377 = arith.constant 0 : i32
        %dma_start3A_378 = tpu.memref_slice %arg2[%dma_start3A_376, %dma_start3A_377] : memref<10000x64xf32, #tpu.memory_space<hbm>> -> memref<10000x64xf32, #tpu.memory_space<hbm>>
        tpu.enqueue_indirect_dma source(%dma_start3A_378 : memref<10000x64xf32, #tpu.memory_space<hbm>>) target(%arg8 : memref<80x64xf32, #tpu.memory_space<vmem>>) offsets(%dma_start3A_375 : memref<80xi32, #tpu.memory_space<vmem>>) semaphore(%arg15 : memref<!tpu.dma_semaphore, #tpu.memory_space<semaphore_mem>>)
      } else {
      }
      %dma_wait3A_266 = arith.constant 0 : i32
      %dma_wait3A_267 = tpu.memref_slice %arg6[%add3A_251, %dma_wait3A_266] : memref<125x80xi32, #tpu.memory_space<vmem>> -> memref<1x80xi32, #tpu.memory_space<vmem>>
      %dma_wait3A_268 = tpu.memref_squeeze %dma_wait3A_267 : memref<1x80xi32, #tpu.memory_space<vmem>> -> memref<80xi32, #tpu.memory_space<vmem>>
      %dma_wait3A_269 = arith.constant 0 : i32
      %dma_wait3A_270 = arith.constant 0 : i32
      %dma_wait3A_271 = tpu.memref_slice %arg2[%dma_wait3A_269, %dma_wait3A_270] : memref<10000x64xf32, #tpu.memory_space<hbm>> -> memref<10000x64xf32, #tpu.memory_space<hbm>>
      tpu.wait_indirect_dma semaphore(%arg17 : memref<!tpu.dma_semaphore, #tpu.memory_space<semaphore_mem>>) src(%dma_wait3A_271 : memref<10000x64xf32, #tpu.memory_space<hbm>>) dst(%arg10 : memref<80x64xf32, #tpu.memory_space<vmem>>)
      %dma_start3A_272 = arith.constant 0 : i32
      %dma_start3A_273 = tpu.memref_slice %arg7[%add3A_251, %dma_start3A_272] : memref<125x80xi32, #tpu.memory_space<vmem>> -> memref<1x80xi32, #tpu.memory_space<vmem>>
      %dma_start3A_274 = tpu.memref_squeeze %dma_start3A_273 : memref<1x80xi32, #tpu.memory_space<vmem>> -> memref<80xi32, #tpu.memory_space<vmem>>
      %dma_start3A_275 = arith.constant 0 : i32
      %dma_start3A_276 = arith.constant 0 : i32
      %dma_start3A_277 = tpu.memref_slice %arg27[%dma_start3A_275, %dma_start3A_276] : memref<10000x64xf32, #tpu.memory_space<vmem_shared>> -> memref<10000x64xf32, #tpu.memory_space<vmem_shared>>
      tpu.enqueue_indirect_dma source(%arg10 : memref<80x64xf32, #tpu.memory_space<vmem>>) target(%dma_start3A_277 : memref<10000x64xf32, #tpu.memory_space<vmem_shared>>) offsets(%dma_start3A_274 : memref<80xi32, #tpu.memory_space<vmem>>) semaphore(%arg23 : memref<!tpu.dma_semaphore, #tpu.memory_space<semaphore_mem>>) {add = true}
      %mul3A_278 = arith.constant 6 : i32
      %mul3A_279 = arith.muli %mul3A_278, %scan3A_193 : i32
      %add3A_280 = arith.constant 3 : i32
      %add3A_281 = arith.addi %mul3A_279, %add3A_280 : i32
      %sub3A_282 = arith.constant 2 : i32
      %sub3A_283 = arith.subi %add3A_281, %sub3A_282 : i32
      %dma_wait3A_284 = arith.constant 0 : i32
      %dma_wait3A_285 = tpu.memref_slice %arg7[%sub3A_283, %dma_wait3A_284] : memref<125x80xi32, #tpu.memory_space<vmem>> -> memref<1x80xi32, #tpu.memory_space<vmem>>
      %dma_wait3A_286 = tpu.memref_squeeze %dma_wait3A_285 : memref<1x80xi32, #tpu.memory_space<vmem>> -> memref<80xi32, #tpu.memory_space<vmem>>
      %dma_wait3A_287 = arith.constant 0 : i32
      %dma_wait3A_288 = arith.constant 0 : i32
      %dma_wait3A_289 = tpu.memref_slice %arg27[%dma_wait3A_287, %dma_wait3A_288] : memref<10000x64xf32, #tpu.memory_space<vmem_shared>> -> memref<10000x64xf32, #tpu.memory_space<vmem_shared>>
      tpu.wait_indirect_dma semaphore(%arg22 : memref<!tpu.dma_semaphore, #tpu.memory_space<semaphore_mem>>) src(%arg9 : memref<80x64xf32, #tpu.memory_space<vmem>>) dst(%dma_wait3A_289 : memref<10000x64xf32, #tpu.memory_space<vmem_shared>>)
      %add3A_290 = arith.constant 4 : i32
      %add3A_291 = arith.addi %add3A_281, %add3A_290 : i32
      %lt3A_292 = arith.constant 125 : i32
      %lt3A_293 = arith.cmpi slt, %add3A_291, %lt3A_292 : i32
      %convert_element_type3A_294 = arith.extui %lt3A_293 : i1 to i32
      %cond3A_295 = arith.constant 0 : i32
      %cond3A_296 = arith.cmpi ne, %convert_element_type3A_294, %cond3A_295 : i32
      scf.if %cond3A_296 {
        %add3A_371 = arith.constant 4 : i32
        %add3A_372 = arith.addi %add3A_281, %add3A_371 : i32
        %dma_start3A_373 = arith.constant 0 : i32
        %dma_start3A_374 = tpu.memref_slice %arg6[%add3A_372, %dma_start3A_373] : memref<125x80xi32, #tpu.memory_space<vmem>> -> memref<1x80xi32, #tpu.memory_space<vmem>>
        %dma_start3A_375 = tpu.memref_squeeze %dma_start3A_374 : memref<1x80xi32, #tpu.memory_space<vmem>> -> memref<80xi32, #tpu.memory_space<vmem>>
        %dma_start3A_376 = arith.constant 0 : i32
        %dma_start3A_377 = arith.constant 0 : i32
        %dma_start3A_378 = tpu.memref_slice %arg2[%dma_start3A_376, %dma_start3A_377] : memref<10000x64xf32, #tpu.memory_space<hbm>> -> memref<10000x64xf32, #tpu.memory_space<hbm>>
        tpu.enqueue_indirect_dma source(%dma_start3A_378 : memref<10000x64xf32, #tpu.memory_space<hbm>>) target(%arg9 : memref<80x64xf32, #tpu.memory_space<vmem>>) offsets(%dma_start3A_375 : memref<80xi32, #tpu.memory_space<vmem>>) semaphore(%arg16 : memref<!tpu.dma_semaphore, #tpu.memory_space<semaphore_mem>>)
      } else {
      }
      %dma_wait3A_297 = arith.constant 0 : i32
      %dma_wait3A_298 = tpu.memref_slice %arg6[%add3A_281, %dma_wait3A_297] : memref<125x80xi32, #tpu.memory_space<vmem>> -> memref<1x80xi32, #tpu.memory_space<vmem>>
      %dma_wait3A_299 = tpu.memref_squeeze %dma_wait3A_298 : memref<1x80xi32, #tpu.memory_space<vmem>> -> memref<80xi32, #tpu.memory_space<vmem>>
      %dma_wait3A_300 = arith.constant 0 : i32
      %dma_wait3A_301 = arith.constant 0 : i32
      %dma_wait3A_302 = tpu.memref_slice %arg2[%dma_wait3A_300, %dma_wait3A_301] : memref<10000x64xf32, #tpu.memory_space<hbm>> -> memref<10000x64xf32, #tpu.memory_space<hbm>>
      tpu.wait_indirect_dma semaphore(%arg18 : memref<!tpu.dma_semaphore, #tpu.memory_space<semaphore_mem>>) src(%dma_wait3A_302 : memref<10000x64xf32, #tpu.memory_space<hbm>>) dst(%arg11 : memref<80x64xf32, #tpu.memory_space<vmem>>)
      %dma_start3A_303 = arith.constant 0 : i32
      %dma_start3A_304 = tpu.memref_slice %arg7[%add3A_281, %dma_start3A_303] : memref<125x80xi32, #tpu.memory_space<vmem>> -> memref<1x80xi32, #tpu.memory_space<vmem>>
      %dma_start3A_305 = tpu.memref_squeeze %dma_start3A_304 : memref<1x80xi32, #tpu.memory_space<vmem>> -> memref<80xi32, #tpu.memory_space<vmem>>
      %dma_start3A_306 = arith.constant 0 : i32
      %dma_start3A_307 = arith.constant 0 : i32
      %dma_start3A_308 = tpu.memref_slice %arg27[%dma_start3A_306, %dma_start3A_307] : memref<10000x64xf32, #tpu.memory_space<vmem_shared>> -> memref<10000x64xf32, #tpu.memory_space<vmem_shared>>
      tpu.enqueue_indirect_dma source(%arg11 : memref<80x64xf32, #tpu.memory_space<vmem>>) target(%dma_start3A_308 : memref<10000x64xf32, #tpu.memory_space<vmem_shared>>) offsets(%dma_start3A_305 : memref<80xi32, #tpu.memory_space<vmem>>) semaphore(%arg24 : memref<!tpu.dma_semaphore, #tpu.memory_space<semaphore_mem>>) {add = true}
      %mul3A_309 = arith.constant 6 : i32
      %mul3A_310 = arith.muli %mul3A_309, %scan3A_193 : i32
      %add3A_311 = arith.constant 4 : i32
      %add3A_312 = arith.addi %mul3A_310, %add3A_311 : i32
      %sub3A_313 = arith.constant 2 : i32
      %sub3A_314 = arith.subi %add3A_312, %sub3A_313 : i32
      %dma_wait3A_315 = arith.constant 0 : i32
      %dma_wait3A_316 = tpu.memref_slice %arg7[%sub3A_314, %dma_wait3A_315] : memref<125x80xi32, #tpu.memory_space<vmem>> -> memref<1x80xi32, #tpu.memory_space<vmem>>
      %dma_wait3A_317 = tpu.memref_squeeze %dma_wait3A_316 : memref<1x80xi32, #tpu.memory_space<vmem>> -> memref<80xi32, #tpu.memory_space<vmem>>
      %dma_wait3A_318 = arith.constant 0 : i32
      %dma_wait3A_319 = arith.constant 0 : i32
      %dma_wait3A_320 = tpu.memref_slice %arg27[%dma_wait3A_318, %dma_wait3A_319] : memref<10000x64xf32, #tpu.memory_space<vmem_shared>> -> memref<10000x64xf32, #tpu.memory_space<vmem_shared>>
      tpu.wait_indirect_dma semaphore(%arg23 : memref<!tpu.dma_semaphore, #tpu.memory_space<semaphore_mem>>) src(%arg10 : memref<80x64xf32, #tpu.memory_space<vmem>>) dst(%dma_wait3A_320 : memref<10000x64xf32, #tpu.memory_space<vmem_shared>>)
      %add3A_321 = arith.constant 4 : i32
      %add3A_322 = arith.addi %add3A_312, %add3A_321 : i32
      %lt3A_323 = arith.constant 125 : i32
      %lt3A_324 = arith.cmpi slt, %add3A_322, %lt3A_323 : i32
      %convert_element_type3A_325 = arith.extui %lt3A_324 : i1 to i32
      %cond3A_326 = arith.constant 0 : i32
      %cond3A_327 = arith.cmpi ne, %convert_element_type3A_325, %cond3A_326 : i32
      scf.if %cond3A_327 {
        %add3A_371 = arith.constant 4 : i32
        %add3A_372 = arith.addi %add3A_312, %add3A_371 : i32
        %dma_start3A_373 = arith.constant 0 : i32
        %dma_start3A_374 = tpu.memref_slice %arg6[%add3A_372, %dma_start3A_373] : memref<125x80xi32, #tpu.memory_space<vmem>> -> memref<1x80xi32, #tpu.memory_space<vmem>>
        %dma_start3A_375 = tpu.memref_squeeze %dma_start3A_374 : memref<1x80xi32, #tpu.memory_space<vmem>> -> memref<80xi32, #tpu.memory_space<vmem>>
        %dma_start3A_376 = arith.constant 0 : i32
        %dma_start3A_377 = arith.constant 0 : i32
        %dma_start3A_378 = tpu.memref_slice %arg2[%dma_start3A_376, %dma_start3A_377] : memref<10000x64xf32, #tpu.memory_space<hbm>> -> memref<10000x64xf32, #tpu.memory_space<hbm>>
        tpu.enqueue_indirect_dma source(%dma_start3A_378 : memref<10000x64xf32, #tpu.memory_space<hbm>>) target(%arg10 : memref<80x64xf32, #tpu.memory_space<vmem>>) offsets(%dma_start3A_375 : memref<80xi32, #tpu.memory_space<vmem>>) semaphore(%arg17 : memref<!tpu.dma_semaphore, #tpu.memory_space<semaphore_mem>>)
      } else {
      }
      %dma_wait3A_328 = arith.constant 0 : i32
      %dma_wait3A_329 = tpu.memref_slice %arg6[%add3A_312, %dma_wait3A_328] : memref<125x80xi32, #tpu.memory_space<vmem>> -> memref<1x80xi32, #tpu.memory_space<vmem>>
      %dma_wait3A_330 = tpu.memref_squeeze %dma_wait3A_329 : memref<1x80xi32, #tpu.memory_space<vmem>> -> memref<80xi32, #tpu.memory_space<vmem>>
      %dma_wait3A_331 = arith.constant 0 : i32
      %dma_wait3A_332 = arith.constant 0 : i32
      %dma_wait3A_333 = tpu.memref_slice %arg2[%dma_wait3A_331, %dma_wait3A_332] : memref<10000x64xf32, #tpu.memory_space<hbm>> -> memref<10000x64xf32, #tpu.memory_space<hbm>>
      tpu.wait_indirect_dma semaphore(%arg19 : memref<!tpu.dma_semaphore, #tpu.memory_space<semaphore_mem>>) src(%dma_wait3A_333 : memref<10000x64xf32, #tpu.memory_space<hbm>>) dst(%arg12 : memref<80x64xf32, #tpu.memory_space<vmem>>)
      %dma_start3A_334 = arith.constant 0 : i32
      %dma_start3A_335 = tpu.memref_slice %arg7[%add3A_312, %dma_start3A_334] : memref<125x80xi32, #tpu.memory_space<vmem>> -> memref<1x80xi32, #tpu.memory_space<vmem>>
      %dma_start3A_336 = tpu.memref_squeeze %dma_start3A_335 : memref<1x80xi32, #tpu.memory_space<vmem>> -> memref<80xi32, #tpu.memory_space<vmem>>
      %dma_start3A_337 = arith.constant 0 : i32
      %dma_start3A_338 = arith.constant 0 : i32
      %dma_start3A_339 = tpu.memref_slice %arg27[%dma_start3A_337, %dma_start3A_338] : memref<10000x64xf32, #tpu.memory_space<vmem_shared>> -> memref<10000x64xf32, #tpu.memory_space<vmem_shared>>
      tpu.enqueue_indirect_dma source(%arg12 : memref<80x64xf32, #tpu.memory_space<vmem>>) target(%dma_start3A_339 : memref<10000x64xf32, #tpu.memory_space<vmem_shared>>) offsets(%dma_start3A_336 : memref<80xi32, #tpu.memory_space<vmem>>) semaphore(%arg25 : memref<!tpu.dma_semaphore, #tpu.memory_space<semaphore_mem>>) {add = true}
      %mul3A_340 = arith.constant 6 : i32
      %mul3A_341 = arith.muli %mul3A_340, %scan3A_193 : i32
      %add3A_342 = arith.constant 5 : i32
      %add3A_343 = arith.addi %mul3A_341, %add3A_342 : i32
      %sub3A_344 = arith.constant 2 : i32
      %sub3A_345 = arith.subi %add3A_343, %sub3A_344 : i32
      %dma_wait3A_346 = arith.constant 0 : i32
      %dma_wait3A_347 = tpu.memref_slice %arg7[%sub3A_345, %dma_wait3A_346] : memref<125x80xi32, #tpu.memory_space<vmem>> -> memref<1x80xi32, #tpu.memory_space<vmem>>
      %dma_wait3A_348 = tpu.memref_squeeze %dma_wait3A_347 : memref<1x80xi32, #tpu.memory_space<vmem>> -> memref<80xi32, #tpu.memory_space<vmem>>
      %dma_wait3A_349 = arith.constant 0 : i32
      %dma_wait3A_350 = arith.constant 0 : i32
      %dma_wait3A_351 = tpu.memref_slice %arg27[%dma_wait3A_349, %dma_wait3A_350] : memref<10000x64xf32, #tpu.memory_space<vmem_shared>> -> memref<10000x64xf32, #tpu.memory_space<vmem_shared>>
      tpu.wait_indirect_dma semaphore(%arg24 : memref<!tpu.dma_semaphore, #tpu.memory_space<semaphore_mem>>) src(%arg11 : memref<80x64xf32, #tpu.memory_space<vmem>>) dst(%dma_wait3A_351 : memref<10000x64xf32, #tpu.memory_space<vmem_shared>>)
      %add3A_352 = arith.constant 4 : i32
      %add3A_353 = arith.addi %add3A_343, %add3A_352 : i32
      %lt3A_354 = arith.constant 125 : i32
      %lt3A_355 = arith.cmpi slt, %add3A_353, %lt3A_354 : i32
      %convert_element_type3A_356 = arith.extui %lt3A_355 : i1 to i32
      %cond3A_357 = arith.constant 0 : i32
      %cond3A_358 = arith.cmpi ne, %convert_element_type3A_356, %cond3A_357 : i32
      scf.if %cond3A_358 {
        %add3A_371 = arith.constant 4 : i32
        %add3A_372 = arith.addi %add3A_343, %add3A_371 : i32
        %dma_start3A_373 = arith.constant 0 : i32
        %dma_start3A_374 = tpu.memref_slice %arg6[%add3A_372, %dma_start3A_373] : memref<125x80xi32, #tpu.memory_space<vmem>> -> memref<1x80xi32, #tpu.memory_space<vmem>>
        %dma_start3A_375 = tpu.memref_squeeze %dma_start3A_374 : memref<1x80xi32, #tpu.memory_space<vmem>> -> memref<80xi32, #tpu.memory_space<vmem>>
        %dma_start3A_376 = arith.constant 0 : i32
        %dma_start3A_377 = arith.constant 0 : i32
        %dma_start3A_378 = tpu.memref_slice %arg2[%dma_start3A_376, %dma_start3A_377] : memref<10000x64xf32, #tpu.memory_space<hbm>> -> memref<10000x64xf32, #tpu.memory_space<hbm>>
        tpu.enqueue_indirect_dma source(%dma_start3A_378 : memref<10000x64xf32, #tpu.memory_space<hbm>>) target(%arg11 : memref<80x64xf32, #tpu.memory_space<vmem>>) offsets(%dma_start3A_375 : memref<80xi32, #tpu.memory_space<vmem>>) semaphore(%arg18 : memref<!tpu.dma_semaphore, #tpu.memory_space<semaphore_mem>>)
      } else {
      }
      %dma_wait3A_359 = arith.constant 0 : i32
      %dma_wait3A_360 = tpu.memref_slice %arg6[%add3A_343, %dma_wait3A_359] : memref<125x80xi32, #tpu.memory_space<vmem>> -> memref<1x80xi32, #tpu.memory_space<vmem>>
      %dma_wait3A_361 = tpu.memref_squeeze %dma_wait3A_360 : memref<1x80xi32, #tpu.memory_space<vmem>> -> memref<80xi32, #tpu.memory_space<vmem>>
      %dma_wait3A_362 = arith.constant 0 : i32
      %dma_wait3A_363 = arith.constant 0 : i32
      %dma_wait3A_364 = tpu.memref_slice %arg2[%dma_wait3A_362, %dma_wait3A_363] : memref<10000x64xf32, #tpu.memory_space<hbm>> -> memref<10000x64xf32, #tpu.memory_space<hbm>>
      tpu.wait_indirect_dma semaphore(%arg20 : memref<!tpu.dma_semaphore, #tpu.memory_space<semaphore_mem>>) src(%dma_wait3A_364 : memref<10000x64xf32, #tpu.memory_space<hbm>>) dst(%arg13 : memref<80x64xf32, #tpu.memory_space<vmem>>)
      %dma_start3A_365 = arith.constant 0 : i32
      %dma_start3A_366 = tpu.memref_slice %arg7[%add3A_343, %dma_start3A_365] : memref<125x80xi32, #tpu.memory_space<vmem>> -> memref<1x80xi32, #tpu.memory_space<vmem>>
      %dma_start3A_367 = tpu.memref_squeeze %dma_start3A_366 : memref<1x80xi32, #tpu.memory_space<vmem>> -> memref<80xi32, #tpu.memory_space<vmem>>
      %dma_start3A_368 = arith.constant 0 : i32
      %dma_start3A_369 = arith.constant 0 : i32
      %dma_start3A_370 = tpu.memref_slice %arg27[%dma_start3A_368, %dma_start3A_369] : memref<10000x64xf32, #tpu.memory_space<vmem_shared>> -> memref<10000x64xf32, #tpu.memory_space<vmem_shared>>
      tpu.enqueue_indirect_dma source(%arg13 : memref<80x64xf32, #tpu.memory_space<vmem>>) target(%dma_start3A_370 : memref<10000x64xf32, #tpu.memory_space<vmem_shared>>) offsets(%dma_start3A_367 : memref<80xi32, #tpu.memory_space<vmem>>) semaphore(%arg26 : memref<!tpu.dma_semaphore, #tpu.memory_space<semaphore_mem>>) {add = true}
    }
    %scan3A_49 = arith.constant 20 : i32
    %dma_wait3A = arith.constant 118 : i32
    %dma_wait3A_50 = arith.constant 0 : i32
    %dma_wait3A_51 = tpu.memref_slice %arg7[%dma_wait3A, %dma_wait3A_50] : memref<125x80xi32, #tpu.memory_space<vmem>> -> memref<1x80xi32, #tpu.memory_space<vmem>>
    %dma_wait3A_52 = tpu.memref_squeeze %dma_wait3A_51 : memref<1x80xi32, #tpu.memory_space<vmem>> -> memref<80xi32, #tpu.memory_space<vmem>>
    %dma_wait3A_53 = arith.constant 0 : i32
    %dma_wait3A_54 = arith.constant 0 : i32
    %dma_wait3A_55 = tpu.memref_slice %arg27[%dma_wait3A_53, %dma_wait3A_54] : memref<10000x64xf32, #tpu.memory_space<vmem_shared>> -> memref<10000x64xf32, #tpu.memory_space<vmem_shared>>
    tpu.wait_indirect_dma semaphore(%arg25 : memref<!tpu.dma_semaphore, #tpu.memory_space<semaphore_mem>>) src(%arg12 : memref<80x64xf32, #tpu.memory_space<vmem>>) dst(%dma_wait3A_55 : memref<10000x64xf32, #tpu.memory_space<vmem_shared>>)
    %dma_start3A_56 = arith.constant 124 : i32
    %dma_start3A_57 = arith.constant 0 : i32
    %dma_start3A_58 = tpu.memref_slice %arg6[%dma_start3A_56, %dma_start3A_57] : memref<125x80xi32, #tpu.memory_space<vmem>> -> memref<1x80xi32, #tpu.memory_space<vmem>>
    %dma_start3A_59 = tpu.memref_squeeze %dma_start3A_58 : memref<1x80xi32, #tpu.memory_space<vmem>> -> memref<80xi32, #tpu.memory_space<vmem>>
    %dma_start3A_60 = arith.constant 0 : i32
    %dma_start3A_61 = arith.constant 0 : i32
    %dma_start3A_62 = tpu.memref_slice %arg2[%dma_start3A_60, %dma_start3A_61] : memref<10000x64xf32, #tpu.memory_space<hbm>> -> memref<10000x64xf32, #tpu.memory_space<hbm>>
    tpu.enqueue_indirect_dma source(%dma_start3A_62 : memref<10000x64xf32, #tpu.memory_space<hbm>>) target(%arg12 : memref<80x64xf32, #tpu.memory_space<vmem>>) offsets(%dma_start3A_59 : memref<80xi32, #tpu.memory_space<vmem>>) semaphore(%arg19 : memref<!tpu.dma_semaphore, #tpu.memory_space<semaphore_mem>>)
    %dma_wait3A_63 = arith.constant 120 : i32
    %dma_wait3A_64 = arith.constant 0 : i32
    %dma_wait3A_65 = tpu.memref_slice %arg6[%dma_wait3A_63, %dma_wait3A_64] : memref<125x80xi32, #tpu.memory_space<vmem>> -> memref<1x80xi32, #tpu.memory_space<vmem>>
    %dma_wait3A_66 = tpu.memref_squeeze %dma_wait3A_65 : memref<1x80xi32, #tpu.memory_space<vmem>> -> memref<80xi32, #tpu.memory_space<vmem>>
    %dma_wait3A_67 = arith.constant 0 : i32
    %dma_wait3A_68 = arith.constant 0 : i32
    %dma_wait3A_69 = tpu.memref_slice %arg2[%dma_wait3A_67, %dma_wait3A_68] : memref<10000x64xf32, #tpu.memory_space<hbm>> -> memref<10000x64xf32, #tpu.memory_space<hbm>>
    tpu.wait_indirect_dma semaphore(%arg15 : memref<!tpu.dma_semaphore, #tpu.memory_space<semaphore_mem>>) src(%dma_wait3A_69 : memref<10000x64xf32, #tpu.memory_space<hbm>>) dst(%arg8 : memref<80x64xf32, #tpu.memory_space<vmem>>)
    %dma_start3A_70 = arith.constant 120 : i32
    %dma_start3A_71 = arith.constant 0 : i32
    %dma_start3A_72 = tpu.memref_slice %arg7[%dma_start3A_70, %dma_start3A_71] : memref<125x80xi32, #tpu.memory_space<vmem>> -> memref<1x80xi32, #tpu.memory_space<vmem>>
    %dma_start3A_73 = tpu.memref_squeeze %dma_start3A_72 : memref<1x80xi32, #tpu.memory_space<vmem>> -> memref<80xi32, #tpu.memory_space<vmem>>
    %dma_start3A_74 = arith.constant 0 : i32
    %dma_start3A_75 = arith.constant 0 : i32
    %dma_start3A_76 = tpu.memref_slice %arg27[%dma_start3A_74, %dma_start3A_75] : memref<10000x64xf32, #tpu.memory_space<vmem_shared>> -> memref<10000x64xf32, #tpu.memory_space<vmem_shared>>
    tpu.enqueue_indirect_dma source(%arg8 : memref<80x64xf32, #tpu.memory_space<vmem>>) target(%dma_start3A_76 : memref<10000x64xf32, #tpu.memory_space<vmem_shared>>) offsets(%dma_start3A_73 : memref<80xi32, #tpu.memory_space<vmem>>) semaphore(%arg21 : memref<!tpu.dma_semaphore, #tpu.memory_space<semaphore_mem>>) {add = true}
    %dma_wait3A_77 = arith.constant 119 : i32
    %dma_wait3A_78 = arith.constant 0 : i32
    %dma_wait3A_79 = tpu.memref_slice %arg7[%dma_wait3A_77, %dma_wait3A_78] : memref<125x80xi32, #tpu.memory_space<vmem>> -> memref<1x80xi32, #tpu.memory_space<vmem>>
    %dma_wait3A_80 = tpu.memref_squeeze %dma_wait3A_79 : memref<1x80xi32, #tpu.memory_space<vmem>> -> memref<80xi32, #tpu.memory_space<vmem>>
    %dma_wait3A_81 = arith.constant 0 : i32
    %dma_wait3A_82 = arith.constant 0 : i32
    %dma_wait3A_83 = tpu.memref_slice %arg27[%dma_wait3A_81, %dma_wait3A_82] : memref<10000x64xf32, #tpu.memory_space<vmem_shared>> -> memref<10000x64xf32, #tpu.memory_space<vmem_shared>>
    tpu.wait_indirect_dma semaphore(%arg26 : memref<!tpu.dma_semaphore, #tpu.memory_space<semaphore_mem>>) src(%arg13 : memref<80x64xf32, #tpu.memory_space<vmem>>) dst(%dma_wait3A_83 : memref<10000x64xf32, #tpu.memory_space<vmem_shared>>)
    %dma_wait3A_84 = arith.constant 121 : i32
    %dma_wait3A_85 = arith.constant 0 : i32
    %dma_wait3A_86 = tpu.memref_slice %arg6[%dma_wait3A_84, %dma_wait3A_85] : memref<125x80xi32, #tpu.memory_space<vmem>> -> memref<1x80xi32, #tpu.memory_space<vmem>>
    %dma_wait3A_87 = tpu.memref_squeeze %dma_wait3A_86 : memref<1x80xi32, #tpu.memory_space<vmem>> -> memref<80xi32, #tpu.memory_space<vmem>>
    %dma_wait3A_88 = arith.constant 0 : i32
    %dma_wait3A_89 = arith.constant 0 : i32
    %dma_wait3A_90 = tpu.memref_slice %arg2[%dma_wait3A_88, %dma_wait3A_89] : memref<10000x64xf32, #tpu.memory_space<hbm>> -> memref<10000x64xf32, #tpu.memory_space<hbm>>
    tpu.wait_indirect_dma semaphore(%arg16 : memref<!tpu.dma_semaphore, #tpu.memory_space<semaphore_mem>>) src(%dma_wait3A_90 : memref<10000x64xf32, #tpu.memory_space<hbm>>) dst(%arg9 : memref<80x64xf32, #tpu.memory_space<vmem>>)
    %dma_start3A_91 = arith.constant 121 : i32
    %dma_start3A_92 = arith.constant 0 : i32
    %dma_start3A_93 = tpu.memref_slice %arg7[%dma_start3A_91, %dma_start3A_92] : memref<125x80xi32, #tpu.memory_space<vmem>> -> memref<1x80xi32, #tpu.memory_space<vmem>>
    %dma_start3A_94 = tpu.memref_squeeze %dma_start3A_93 : memref<1x80xi32, #tpu.memory_space<vmem>> -> memref<80xi32, #tpu.memory_space<vmem>>
    %dma_start3A_95 = arith.constant 0 : i32
    %dma_start3A_96 = arith.constant 0 : i32
    %dma_start3A_97 = tpu.memref_slice %arg27[%dma_start3A_95, %dma_start3A_96] : memref<10000x64xf32, #tpu.memory_space<vmem_shared>> -> memref<10000x64xf32, #tpu.memory_space<vmem_shared>>
    tpu.enqueue_indirect_dma source(%arg9 : memref<80x64xf32, #tpu.memory_space<vmem>>) target(%dma_start3A_97 : memref<10000x64xf32, #tpu.memory_space<vmem_shared>>) offsets(%dma_start3A_94 : memref<80xi32, #tpu.memory_space<vmem>>) semaphore(%arg22 : memref<!tpu.dma_semaphore, #tpu.memory_space<semaphore_mem>>) {add = true}
    %dma_wait3A_98 = arith.constant 120 : i32
    %dma_wait3A_99 = arith.constant 0 : i32
    %dma_wait3A_100 = tpu.memref_slice %arg7[%dma_wait3A_98, %dma_wait3A_99] : memref<125x80xi32, #tpu.memory_space<vmem>> -> memref<1x80xi32, #tpu.memory_space<vmem>>
    %dma_wait3A_101 = tpu.memref_squeeze %dma_wait3A_100 : memref<1x80xi32, #tpu.memory_space<vmem>> -> memref<80xi32, #tpu.memory_space<vmem>>
    %dma_wait3A_102 = arith.constant 0 : i32
    %dma_wait3A_103 = arith.constant 0 : i32
    %dma_wait3A_104 = tpu.memref_slice %arg27[%dma_wait3A_102, %dma_wait3A_103] : memref<10000x64xf32, #tpu.memory_space<vmem_shared>> -> memref<10000x64xf32, #tpu.memory_space<vmem_shared>>
    tpu.wait_indirect_dma semaphore(%arg21 : memref<!tpu.dma_semaphore, #tpu.memory_space<semaphore_mem>>) src(%arg8 : memref<80x64xf32, #tpu.memory_space<vmem>>) dst(%dma_wait3A_104 : memref<10000x64xf32, #tpu.memory_space<vmem_shared>>)
    %dma_wait3A_105 = arith.constant 122 : i32
    %dma_wait3A_106 = arith.constant 0 : i32
    %dma_wait3A_107 = tpu.memref_slice %arg6[%dma_wait3A_105, %dma_wait3A_106] : memref<125x80xi32, #tpu.memory_space<vmem>> -> memref<1x80xi32, #tpu.memory_space<vmem>>
    %dma_wait3A_108 = tpu.memref_squeeze %dma_wait3A_107 : memref<1x80xi32, #tpu.memory_space<vmem>> -> memref<80xi32, #tpu.memory_space<vmem>>
    %dma_wait3A_109 = arith.constant 0 : i32
    %dma_wait3A_110 = arith.constant 0 : i32
    %dma_wait3A_111 = tpu.memref_slice %arg2[%dma_wait3A_109, %dma_wait3A_110] : memref<10000x64xf32, #tpu.memory_space<hbm>> -> memref<10000x64xf32, #tpu.memory_space<hbm>>
    tpu.wait_indirect_dma semaphore(%arg17 : memref<!tpu.dma_semaphore, #tpu.memory_space<semaphore_mem>>) src(%dma_wait3A_111 : memref<10000x64xf32, #tpu.memory_space<hbm>>) dst(%arg10 : memref<80x64xf32, #tpu.memory_space<vmem>>)
    %dma_start3A_112 = arith.constant 122 : i32
    %dma_start3A_113 = arith.constant 0 : i32
    %dma_start3A_114 = tpu.memref_slice %arg7[%dma_start3A_112, %dma_start3A_113] : memref<125x80xi32, #tpu.memory_space<vmem>> -> memref<1x80xi32, #tpu.memory_space<vmem>>
    %dma_start3A_115 = tpu.memref_squeeze %dma_start3A_114 : memref<1x80xi32, #tpu.memory_space<vmem>> -> memref<80xi32, #tpu.memory_space<vmem>>
    %dma_start3A_116 = arith.constant 0 : i32
    %dma_start3A_117 = arith.constant 0 : i32
    %dma_start3A_118 = tpu.memref_slice %arg27[%dma_start3A_116, %dma_start3A_117] : memref<10000x64xf32, #tpu.memory_space<vmem_shared>> -> memref<10000x64xf32, #tpu.memory_space<vmem_shared>>
    tpu.enqueue_indirect_dma source(%arg10 : memref<80x64xf32, #tpu.memory_space<vmem>>) target(%dma_start3A_118 : memref<10000x64xf32, #tpu.memory_space<vmem_shared>>) offsets(%dma_start3A_115 : memref<80xi32, #tpu.memory_space<vmem>>) semaphore(%arg23 : memref<!tpu.dma_semaphore, #tpu.memory_space<semaphore_mem>>) {add = true}
    %dma_wait3A_119 = arith.constant 121 : i32
    %dma_wait3A_120 = arith.constant 0 : i32
    %dma_wait3A_121 = tpu.memref_slice %arg7[%dma_wait3A_119, %dma_wait3A_120] : memref<125x80xi32, #tpu.memory_space<vmem>> -> memref<1x80xi32, #tpu.memory_space<vmem>>
    %dma_wait3A_122 = tpu.memref_squeeze %dma_wait3A_121 : memref<1x80xi32, #tpu.memory_space<vmem>> -> memref<80xi32, #tpu.memory_space<vmem>>
    %dma_wait3A_123 = arith.constant 0 : i32
    %dma_wait3A_124 = arith.constant 0 : i32
    %dma_wait3A_125 = tpu.memref_slice %arg27[%dma_wait3A_123, %dma_wait3A_124] : memref<10000x64xf32, #tpu.memory_space<vmem_shared>> -> memref<10000x64xf32, #tpu.memory_space<vmem_shared>>
    tpu.wait_indirect_dma semaphore(%arg22 : memref<!tpu.dma_semaphore, #tpu.memory_space<semaphore_mem>>) src(%arg9 : memref<80x64xf32, #tpu.memory_space<vmem>>) dst(%dma_wait3A_125 : memref<10000x64xf32, #tpu.memory_space<vmem_shared>>)
    %dma_wait3A_126 = arith.constant 123 : i32
    %dma_wait3A_127 = arith.constant 0 : i32
    %dma_wait3A_128 = tpu.memref_slice %arg6[%dma_wait3A_126, %dma_wait3A_127] : memref<125x80xi32, #tpu.memory_space<vmem>> -> memref<1x80xi32, #tpu.memory_space<vmem>>
    %dma_wait3A_129 = tpu.memref_squeeze %dma_wait3A_128 : memref<1x80xi32, #tpu.memory_space<vmem>> -> memref<80xi32, #tpu.memory_space<vmem>>
    %dma_wait3A_130 = arith.constant 0 : i32
    %dma_wait3A_131 = arith.constant 0 : i32
    %dma_wait3A_132 = tpu.memref_slice %arg2[%dma_wait3A_130, %dma_wait3A_131] : memref<10000x64xf32, #tpu.memory_space<hbm>> -> memref<10000x64xf32, #tpu.memory_space<hbm>>
    tpu.wait_indirect_dma semaphore(%arg18 : memref<!tpu.dma_semaphore, #tpu.memory_space<semaphore_mem>>) src(%dma_wait3A_132 : memref<10000x64xf32, #tpu.memory_space<hbm>>) dst(%arg11 : memref<80x64xf32, #tpu.memory_space<vmem>>)
    %dma_start3A_133 = arith.constant 123 : i32
    %dma_start3A_134 = arith.constant 0 : i32
    %dma_start3A_135 = tpu.memref_slice %arg7[%dma_start3A_133, %dma_start3A_134] : memref<125x80xi32, #tpu.memory_space<vmem>> -> memref<1x80xi32, #tpu.memory_space<vmem>>
    %dma_start3A_136 = tpu.memref_squeeze %dma_start3A_135 : memref<1x80xi32, #tpu.memory_space<vmem>> -> memref<80xi32, #tpu.memory_space<vmem>>
    %dma_start3A_137 = arith.constant 0 : i32
    %dma_start3A_138 = arith.constant 0 : i32
    %dma_start3A_139 = tpu.memref_slice %arg27[%dma_start3A_137, %dma_start3A_138] : memref<10000x64xf32, #tpu.memory_space<vmem_shared>> -> memref<10000x64xf32, #tpu.memory_space<vmem_shared>>
    tpu.enqueue_indirect_dma source(%arg11 : memref<80x64xf32, #tpu.memory_space<vmem>>) target(%dma_start3A_139 : memref<10000x64xf32, #tpu.memory_space<vmem_shared>>) offsets(%dma_start3A_136 : memref<80xi32, #tpu.memory_space<vmem>>) semaphore(%arg24 : memref<!tpu.dma_semaphore, #tpu.memory_space<semaphore_mem>>) {add = true}
    %dma_wait3A_140 = arith.constant 122 : i32
    %dma_wait3A_141 = arith.constant 0 : i32
    %dma_wait3A_142 = tpu.memref_slice %arg7[%dma_wait3A_140, %dma_wait3A_141] : memref<125x80xi32, #tpu.memory_space<vmem>> -> memref<1x80xi32, #tpu.memory_space<vmem>>
    %dma_wait3A_143 = tpu.memref_squeeze %dma_wait3A_142 : memref<1x80xi32, #tpu.memory_space<vmem>> -> memref<80xi32, #tpu.memory_space<vmem>>
    %dma_wait3A_144 = arith.constant 0 : i32
    %dma_wait3A_145 = arith.constant 0 : i32
    %dma_wait3A_146 = tpu.memref_slice %arg27[%dma_wait3A_144, %dma_wait3A_145] : memref<10000x64xf32, #tpu.memory_space<vmem_shared>> -> memref<10000x64xf32, #tpu.memory_space<vmem_shared>>
    tpu.wait_indirect_dma semaphore(%arg23 : memref<!tpu.dma_semaphore, #tpu.memory_space<semaphore_mem>>) src(%arg10 : memref<80x64xf32, #tpu.memory_space<vmem>>) dst(%dma_wait3A_146 : memref<10000x64xf32, #tpu.memory_space<vmem_shared>>)
    %dma_wait3A_147 = arith.constant 124 : i32
    %dma_wait3A_148 = arith.constant 0 : i32
    %dma_wait3A_149 = tpu.memref_slice %arg6[%dma_wait3A_147, %dma_wait3A_148] : memref<125x80xi32, #tpu.memory_space<vmem>> -> memref<1x80xi32, #tpu.memory_space<vmem>>
    %dma_wait3A_150 = tpu.memref_squeeze %dma_wait3A_149 : memref<1x80xi32, #tpu.memory_space<vmem>> -> memref<80xi32, #tpu.memory_space<vmem>>
    %dma_wait3A_151 = arith.constant 0 : i32
    %dma_wait3A_152 = arith.constant 0 : i32
    %dma_wait3A_153 = tpu.memref_slice %arg2[%dma_wait3A_151, %dma_wait3A_152] : memref<10000x64xf32, #tpu.memory_space<hbm>> -> memref<10000x64xf32, #tpu.memory_space<hbm>>
    tpu.wait_indirect_dma semaphore(%arg19 : memref<!tpu.dma_semaphore, #tpu.memory_space<semaphore_mem>>) src(%dma_wait3A_153 : memref<10000x64xf32, #tpu.memory_space<hbm>>) dst(%arg12 : memref<80x64xf32, #tpu.memory_space<vmem>>)
    %dma_start3A_154 = arith.constant 124 : i32
    %dma_start3A_155 = arith.constant 0 : i32
    %dma_start3A_156 = tpu.memref_slice %arg7[%dma_start3A_154, %dma_start3A_155] : memref<125x80xi32, #tpu.memory_space<vmem>> -> memref<1x80xi32, #tpu.memory_space<vmem>>
    %dma_start3A_157 = tpu.memref_squeeze %dma_start3A_156 : memref<1x80xi32, #tpu.memory_space<vmem>> -> memref<80xi32, #tpu.memory_space<vmem>>
    %dma_start3A_158 = arith.constant 0 : i32
    %dma_start3A_159 = arith.constant 0 : i32
    %dma_start3A_160 = tpu.memref_slice %arg27[%dma_start3A_158, %dma_start3A_159] : memref<10000x64xf32, #tpu.memory_space<vmem_shared>> -> memref<10000x64xf32, #tpu.memory_space<vmem_shared>>
    tpu.enqueue_indirect_dma source(%arg12 : memref<80x64xf32, #tpu.memory_space<vmem>>) target(%dma_start3A_160 : memref<10000x64xf32, #tpu.memory_space<vmem_shared>>) offsets(%dma_start3A_157 : memref<80xi32, #tpu.memory_space<vmem>>) semaphore(%arg25 : memref<!tpu.dma_semaphore, #tpu.memory_space<semaphore_mem>>) {add = true}
    %dma_wait3A_161 = arith.constant 123 : i32
    %dma_wait3A_162 = arith.constant 0 : i32
    %dma_wait3A_163 = tpu.memref_slice %arg7[%dma_wait3A_161, %dma_wait3A_162] : memref<125x80xi32, #tpu.memory_space<vmem>> -> memref<1x80xi32, #tpu.memory_space<vmem>>
    %dma_wait3A_164 = tpu.memref_squeeze %dma_wait3A_163 : memref<1x80xi32, #tpu.memory_space<vmem>> -> memref<80xi32, #tpu.memory_space<vmem>>
    %dma_wait3A_165 = arith.constant 0 : i32
    %dma_wait3A_166 = arith.constant 0 : i32
    %dma_wait3A_167 = tpu.memref_slice %arg27[%dma_wait3A_165, %dma_wait3A_166] : memref<10000x64xf32, #tpu.memory_space<vmem_shared>> -> memref<10000x64xf32, #tpu.memory_space<vmem_shared>>
    tpu.wait_indirect_dma semaphore(%arg24 : memref<!tpu.dma_semaphore, #tpu.memory_space<semaphore_mem>>) src(%arg11 : memref<80x64xf32, #tpu.memory_space<vmem>>) dst(%dma_wait3A_167 : memref<10000x64xf32, #tpu.memory_space<vmem_shared>>)
    %dma_wait3A_168 = arith.constant 124 : i32
    %dma_wait3A_169 = arith.constant 0 : i32
    %dma_wait3A_170 = tpu.memref_slice %arg7[%dma_wait3A_168, %dma_wait3A_169] : memref<125x80xi32, #tpu.memory_space<vmem>> -> memref<1x80xi32, #tpu.memory_space<vmem>>
    %dma_wait3A_171 = tpu.memref_squeeze %dma_wait3A_170 : memref<1x80xi32, #tpu.memory_space<vmem>> -> memref<80xi32, #tpu.memory_space<vmem>>
    %dma_wait3A_172 = arith.constant 0 : i32
    %dma_wait3A_173 = arith.constant 0 : i32
    %dma_wait3A_174 = tpu.memref_slice %arg27[%dma_wait3A_172, %dma_wait3A_173] : memref<10000x64xf32, #tpu.memory_space<vmem_shared>> -> memref<10000x64xf32, #tpu.memory_space<vmem_shared>>
    tpu.wait_indirect_dma semaphore(%arg25 : memref<!tpu.dma_semaphore, #tpu.memory_space<semaphore_mem>>) src(%arg12 : memref<80x64xf32, #tpu.memory_space<vmem>>) dst(%dma_wait3A_174 : memref<10000x64xf32, #tpu.memory_space<vmem_shared>>)
    %barrier3A_175 = arith.constant 0 : index
    tpu.barrier barrier_id(%barrier3A_175)
    %add3A_176 = arith.constant 0 : i32
    %add3A_177 = arith.addi %multiple_of3A, %add3A_176 : i32
    "tpu.region"() ({
      %run_scoped3A = tpu.sem_alloc : memref<!tpu.dma_semaphore, #tpu.memory_space<semaphore_mem>>
      %dma_start3A_193 = arith.constant 0 : i32
      %dma_start3A_194 = tpu.memref_slice %arg27[%add3A_177, %dma_start3A_193] : memref<10000x64xf32, #tpu.memory_space<vmem_shared>> -> memref<208x64xf32, #tpu.memory_space<vmem_shared>>
      %dma_start3A_195 = arith.constant 0 : i32
      %dma_start3A_196 = tpu.memref_slice %arg27[%add3A_177, %dma_start3A_195] : memref<10000x64xf32, #tpu.memory_space<vmem_shared>> -> memref<208x64xf32, #tpu.memory_space<vmem_shared>>
      tpu.enqueue_dma source(%dma_start3A_196 : memref<208x64xf32, #tpu.memory_space<vmem_shared>>) target(%arg14 : memref<208x64xf32, #tpu.memory_space<vmem>>) target_semaphore(%run_scoped3A : memref<!tpu.dma_semaphore, #tpu.memory_space<semaphore_mem>>)
      %dma_wait3A_197 = arith.constant 0 : i32
      %dma_wait3A_198 = tpu.memref_slice %arg27[%add3A_177, %dma_wait3A_197] : memref<10000x64xf32, #tpu.memory_space<vmem_shared>> -> memref<208x64xf32, #tpu.memory_space<vmem_shared>>
      %dma_wait3A_199 = arith.constant 0 : i32
      %dma_wait3A_200 = tpu.memref_slice %arg27[%add3A_177, %dma_wait3A_199] : memref<10000x64xf32, #tpu.memory_space<vmem_shared>> -> memref<208x64xf32, #tpu.memory_space<vmem_shared>>
      tpu.wait_dma2 semaphore(%run_scoped3A : memref<!tpu.dma_semaphore, #tpu.memory_space<semaphore_mem>>) src(%dma_wait3A_200 : memref<208x64xf32, #tpu.memory_space<vmem_shared>>) dst(%arg14 : memref<208x64xf32, #tpu.memory_space<vmem>>)
      tpu.yield
    }) : () -> ()
    %add3A_178 = arith.constant 0 : i32
    %add3A_179 = arith.addi %multiple_of3A, %add3A_178 : i32
    "tpu.region"() ({
      %run_scoped3A = tpu.sem_alloc : memref<!tpu.dma_semaphore, #tpu.memory_space<semaphore_mem>>
      %dma_start3A_193 = arith.constant 0 : i32
      %dma_start3A_194 = tpu.memref_slice %arg5[%arg0, %add3A_179, %dma_start3A_193] : memref<2x10000x64xf32, #tpu.memory_space<hbm>> -> memref<1x208x64xf32, #tpu.memory_space<hbm>>
      %dma_start3A_195 = tpu.memref_squeeze %dma_start3A_194 : memref<1x208x64xf32, #tpu.memory_space<hbm>> -> memref<208x64xf32, #tpu.memory_space<hbm>>
      %dma_start3A_196 = arith.constant 0 : i32
      %dma_start3A_197 = tpu.memref_slice %arg5[%arg0, %add3A_179, %dma_start3A_196] : memref<2x10000x64xf32, #tpu.memory_space<hbm>> -> memref<1x208x64xf32, #tpu.memory_space<hbm>>
      %dma_start3A_198 = tpu.memref_squeeze %dma_start3A_197 : memref<1x208x64xf32, #tpu.memory_space<hbm>> -> memref<208x64xf32, #tpu.memory_space<hbm>>
      tpu.enqueue_dma source(%arg14 : memref<208x64xf32, #tpu.memory_space<vmem>>) target(%dma_start3A_198 : memref<208x64xf32, #tpu.memory_space<hbm>>) target_semaphore(%run_scoped3A : memref<!tpu.dma_semaphore, #tpu.memory_space<semaphore_mem>>)
      %dma_wait3A_199 = arith.constant 0 : i32
      %dma_wait3A_200 = tpu.memref_slice %arg5[%arg0, %add3A_179, %dma_wait3A_199] : memref<2x10000x64xf32, #tpu.memory_space<hbm>> -> memref<1x208x64xf32, #tpu.memory_space<hbm>>
      %dma_wait3A_201 = tpu.memref_squeeze %dma_wait3A_200 : memref<1x208x64xf32, #tpu.memory_space<hbm>> -> memref<208x64xf32, #tpu.memory_space<hbm>>
      %dma_wait3A_202 = arith.constant 0 : i32
      %dma_wait3A_203 = tpu.memref_slice %arg5[%arg0, %add3A_179, %dma_wait3A_202] : memref<2x10000x64xf32, #tpu.memory_space<hbm>> -> memref<1x208x64xf32, #tpu.memory_space<hbm>>
      %dma_wait3A_204 = tpu.memref_squeeze %dma_wait3A_203 : memref<1x208x64xf32, #tpu.memory_space<hbm>> -> memref<208x64xf32, #tpu.memory_space<hbm>>
      tpu.wait_dma2 semaphore(%run_scoped3A : memref<!tpu.dma_semaphore, #tpu.memory_space<semaphore_mem>>) src(%arg14 : memref<208x64xf32, #tpu.memory_space<vmem>>) dst(%dma_wait3A_204 : memref<208x64xf32, #tpu.memory_space<hbm>>)
      tpu.yield
    }) : () -> ()
    %add3A_180 = arith.constant 208 : i32
    %add3A_181 = arith.addi %multiple_of3A, %add3A_180 : i32
    "tpu.region"() ({
      %run_scoped3A = tpu.sem_alloc : memref<!tpu.dma_semaphore, #tpu.memory_space<semaphore_mem>>
      %dma_start3A_193 = arith.constant 0 : i32
      %dma_start3A_194 = tpu.memref_slice %arg27[%add3A_181, %dma_start3A_193] : memref<10000x64xf32, #tpu.memory_space<vmem_shared>> -> memref<208x64xf32, #tpu.memory_space<vmem_shared>>
      %dma_start3A_195 = arith.constant 0 : i32
      %dma_start3A_196 = tpu.memref_slice %arg27[%add3A_181, %dma_start3A_195] : memref<10000x64xf32, #tpu.memory_space<vmem_shared>> -> memref<208x64xf32, #tpu.memory_space<vmem_shared>>
      tpu.enqueue_dma source(%dma_start3A_196 : memref<208x64xf32, #tpu.memory_space<vmem_shared>>) target(%arg14 : memref<208x64xf32, #tpu.memory_space<vmem>>) target_semaphore(%run_scoped3A : memref<!tpu.dma_semaphore, #tpu.memory_space<semaphore_mem>>)
      %dma_wait3A_197 = arith.constant 0 : i32
      %dma_wait3A_198 = tpu.memref_slice %arg27[%add3A_181, %dma_wait3A_197] : memref<10000x64xf32, #tpu.memory_space<vmem_shared>> -> memref<208x64xf32, #tpu.memory_space<vmem_shared>>
      %dma_wait3A_199 = arith.constant 0 : i32
      %dma_wait3A_200 = tpu.memref_slice %arg27[%add3A_181, %dma_wait3A_199] : memref<10000x64xf32, #tpu.memory_space<vmem_shared>> -> memref<208x64xf32, #tpu.memory_space<vmem_shared>>
      tpu.wait_dma2 semaphore(%run_scoped3A : memref<!tpu.dma_semaphore, #tpu.memory_space<semaphore_mem>>) src(%dma_wait3A_200 : memref<208x64xf32, #tpu.memory_space<vmem_shared>>) dst(%arg14 : memref<208x64xf32, #tpu.memory_space<vmem>>)
      tpu.yield
    }) : () -> ()
    %add3A_182 = arith.constant 208 : i32
    %add3A_183 = arith.addi %multiple_of3A, %add3A_182 : i32
    "tpu.region"() ({
      %run_scoped3A = tpu.sem_alloc : memref<!tpu.dma_semaphore, #tpu.memory_space<semaphore_mem>>
      %dma_start3A_193 = arith.constant 0 : i32
      %dma_start3A_194 = tpu.memref_slice %arg5[%arg0, %add3A_183, %dma_start3A_193] : memref<2x10000x64xf32, #tpu.memory_space<hbm>> -> memref<1x208x64xf32, #tpu.memory_space<hbm>>
      %dma_start3A_195 = tpu.memref_squeeze %dma_start3A_194 : memref<1x208x64xf32, #tpu.memory_space<hbm>> -> memref<208x64xf32, #tpu.memory_space<hbm>>
      %dma_start3A_196 = arith.constant 0 : i32
      %dma_start3A_197 = tpu.memref_slice %arg5[%arg0, %add3A_183, %dma_start3A_196] : memref<2x10000x64xf32, #tpu.memory_space<hbm>> -> memref<1x208x64xf32, #tpu.memory_space<hbm>>
      %dma_start3A_198 = tpu.memref_squeeze %dma_start3A_197 : memref<1x208x64xf32, #tpu.memory_space<hbm>> -> memref<208x64xf32, #tpu.memory_space<hbm>>
      tpu.enqueue_dma source(%arg14 : memref<208x64xf32, #tpu.memory_space<vmem>>) target(%dma_start3A_198 : memref<208x64xf32, #tpu.memory_space<hbm>>) target_semaphore(%run_scoped3A : memref<!tpu.dma_semaphore, #tpu.memory_space<semaphore_mem>>)
      %dma_wait3A_199 = arith.constant 0 : i32
      %dma_wait3A_200 = tpu.memref_slice %arg5[%arg0, %add3A_183, %dma_wait3A_199] : memref<2x10000x64xf32, #tpu.memory_space<hbm>> -> memref<1x208x64xf32, #tpu.memory_space<hbm>>
      %dma_wait3A_201 = tpu.memref_squeeze %dma_wait3A_200 : memref<1x208x64xf32, #tpu.memory_space<hbm>> -> memref<208x64xf32, #tpu.memory_space<hbm>>
      %dma_wait3A_202 = arith.constant 0 : i32
      %dma_wait3A_203 = tpu.memref_slice %arg5[%arg0, %add3A_183, %dma_wait3A_202] : memref<2x10000x64xf32, #tpu.memory_space<hbm>> -> memref<1x208x64xf32, #tpu.memory_space<hbm>>
      %dma_wait3A_204 = tpu.memref_squeeze %dma_wait3A_203 : memref<1x208x64xf32, #tpu.memory_space<hbm>> -> memref<208x64xf32, #tpu.memory_space<hbm>>
      tpu.wait_dma2 semaphore(%run_scoped3A : memref<!tpu.dma_semaphore, #tpu.memory_space<semaphore_mem>>) src(%arg14 : memref<208x64xf32, #tpu.memory_space<vmem>>) dst(%dma_wait3A_204 : memref<208x64xf32, #tpu.memory_space<hbm>>)
      tpu.yield
    }) : () -> ()
    %add3A_184 = arith.constant 416 : i32
    %add3A_185 = arith.addi %multiple_of3A, %add3A_184 : i32
    "tpu.region"() ({
      %run_scoped3A = tpu.sem_alloc : memref<!tpu.dma_semaphore, #tpu.memory_space<semaphore_mem>>
      %dma_start3A_193 = arith.constant 0 : i32
      %dma_start3A_194 = tpu.memref_slice %arg27[%add3A_185, %dma_start3A_193] : memref<10000x64xf32, #tpu.memory_space<vmem_shared>> -> memref<208x64xf32, #tpu.memory_space<vmem_shared>>
      %dma_start3A_195 = arith.constant 0 : i32
      %dma_start3A_196 = tpu.memref_slice %arg27[%add3A_185, %dma_start3A_195] : memref<10000x64xf32, #tpu.memory_space<vmem_shared>> -> memref<208x64xf32, #tpu.memory_space<vmem_shared>>
      tpu.enqueue_dma source(%dma_start3A_196 : memref<208x64xf32, #tpu.memory_space<vmem_shared>>) target(%arg14 : memref<208x64xf32, #tpu.memory_space<vmem>>) target_semaphore(%run_scoped3A : memref<!tpu.dma_semaphore, #tpu.memory_space<semaphore_mem>>)
      %dma_wait3A_197 = arith.constant 0 : i32
      %dma_wait3A_198 = tpu.memref_slice %arg27[%add3A_185, %dma_wait3A_197] : memref<10000x64xf32, #tpu.memory_space<vmem_shared>> -> memref<208x64xf32, #tpu.memory_space<vmem_shared>>
      %dma_wait3A_199 = arith.constant 0 : i32
      %dma_wait3A_200 = tpu.memref_slice %arg27[%add3A_185, %dma_wait3A_199] : memref<10000x64xf32, #tpu.memory_space<vmem_shared>> -> memref<208x64xf32, #tpu.memory_space<vmem_shared>>
      tpu.wait_dma2 semaphore(%run_scoped3A : memref<!tpu.dma_semaphore, #tpu.memory_space<semaphore_mem>>) src(%dma_wait3A_200 : memref<208x64xf32, #tpu.memory_space<vmem_shared>>) dst(%arg14 : memref<208x64xf32, #tpu.memory_space<vmem>>)
      tpu.yield
    }) : () -> ()
    %add3A_186 = arith.constant 416 : i32
    %add3A_187 = arith.addi %multiple_of3A, %add3A_186 : i32
    "tpu.region"() ({
      %run_scoped3A = tpu.sem_alloc : memref<!tpu.dma_semaphore, #tpu.memory_space<semaphore_mem>>
      %dma_start3A_193 = arith.constant 0 : i32
      %dma_start3A_194 = tpu.memref_slice %arg5[%arg0, %add3A_187, %dma_start3A_193] : memref<2x10000x64xf32, #tpu.memory_space<hbm>> -> memref<1x208x64xf32, #tpu.memory_space<hbm>>
      %dma_start3A_195 = tpu.memref_squeeze %dma_start3A_194 : memref<1x208x64xf32, #tpu.memory_space<hbm>> -> memref<208x64xf32, #tpu.memory_space<hbm>>
      %dma_start3A_196 = arith.constant 0 : i32
      %dma_start3A_197 = tpu.memref_slice %arg5[%arg0, %add3A_187, %dma_start3A_196] : memref<2x10000x64xf32, #tpu.memory_space<hbm>> -> memref<1x208x64xf32, #tpu.memory_space<hbm>>
      %dma_start3A_198 = tpu.memref_squeeze %dma_start3A_197 : memref<1x208x64xf32, #tpu.memory_space<hbm>> -> memref<208x64xf32, #tpu.memory_space<hbm>>
      tpu.enqueue_dma source(%arg14 : memref<208x64xf32, #tpu.memory_space<vmem>>) target(%dma_start3A_198 : memref<208x64xf32, #tpu.memory_space<hbm>>) target_semaphore(%run_scoped3A : memref<!tpu.dma_semaphore, #tpu.memory_space<semaphore_mem>>)
      %dma_wait3A_199 = arith.constant 0 : i32
      %dma_wait3A_200 = tpu.memref_slice %arg5[%arg0, %add3A_187, %dma_wait3A_199] : memref<2x10000x64xf32, #tpu.memory_space<hbm>> -> memref<1x208x64xf32, #tpu.memory_space<hbm>>
      %dma_wait3A_201 = tpu.memref_squeeze %dma_wait3A_200 : memref<1x208x64xf32, #tpu.memory_space<hbm>> -> memref<208x64xf32, #tpu.memory_space<hbm>>
      %dma_wait3A_202 = arith.constant 0 : i32
      %dma_wait3A_203 = tpu.memref_slice %arg5[%arg0, %add3A_187, %dma_wait3A_202] : memref<2x10000x64xf32, #tpu.memory_space<hbm>> -> memref<1x208x64xf32, #tpu.memory_space<hbm>>
      %dma_wait3A_204 = tpu.memref_squeeze %dma_wait3A_203 : memref<1x208x64xf32, #tpu.memory_space<hbm>> -> memref<208x64xf32, #tpu.memory_space<hbm>>
      tpu.wait_dma2 semaphore(%run_scoped3A : memref<!tpu.dma_semaphore, #tpu.memory_space<semaphore_mem>>) src(%arg14 : memref<208x64xf32, #tpu.memory_space<vmem>>) dst(%dma_wait3A_204 : memref<208x64xf32, #tpu.memory_space<hbm>>)
      tpu.yield
    }) : () -> ()
    %eq3A_188 = arith.constant 15 : i32
    %eq3A_189 = arith.cmpi eq, %arg1, %eq3A_188 : i32
    %convert_element_type3A_190 = arith.extui %eq3A_189 : i1 to i32
    %cond3A_191 = arith.constant 0 : i32
    %cond3A_192 = arith.cmpi ne, %convert_element_type3A_190, %cond3A_191 : i32
    scf.if %cond3A_192 {
      %add3A_193 = arith.constant 624 : i32
      %add3A_194 = arith.addi %multiple_of3A, %add3A_193 : i32
      "tpu.region"() ({
        %run_scoped3A = tpu.sem_alloc : memref<!tpu.dma_semaphore, #tpu.memory_space<semaphore_mem>>
        %dma_start3A_197 = arith.constant 0 : i32
        %dma_start3A_198 = arith.constant 0 : i32
        %dma_start3A_199 = tpu.memref_slice %arg14[%dma_start3A_197, %dma_start3A_198] : memref<208x64xf32, #tpu.memory_space<vmem>> -> memref<16x64xf32, #tpu.memory_space<vmem>>
        %dma_start3A_200 = arith.constant 0 : i32
        %dma_start3A_201 = tpu.memref_slice %arg27[%add3A_194, %dma_start3A_200] : memref<10000x64xf32, #tpu.memory_space<vmem_shared>> -> memref<16x64xf32, #tpu.memory_space<vmem_shared>>
        %dma_start3A_202 = arith.constant 0 : i32
        %dma_start3A_203 = arith.constant 0 : i32
        %dma_start3A_204 = tpu.memref_slice %arg14[%dma_start3A_202, %dma_start3A_203] : memref<208x64xf32, #tpu.memory_space<vmem>> -> memref<16x64xf32, #tpu.memory_space<vmem>>
        %dma_start3A_205 = arith.constant 0 : i32
        %dma_start3A_206 = tpu.memref_slice %arg27[%add3A_194, %dma_start3A_205] : memref<10000x64xf32, #tpu.memory_space<vmem_shared>> -> memref<16x64xf32, #tpu.memory_space<vmem_shared>>
        tpu.enqueue_dma source(%dma_start3A_206 : memref<16x64xf32, #tpu.memory_space<vmem_shared>>) target(%dma_start3A_204 : memref<16x64xf32, #tpu.memory_space<vmem>>) target_semaphore(%run_scoped3A : memref<!tpu.dma_semaphore, #tpu.memory_space<semaphore_mem>>)
        %dma_wait3A_207 = arith.constant 0 : i32
        %dma_wait3A_208 = arith.constant 0 : i32
        %dma_wait3A_209 = tpu.memref_slice %arg14[%dma_wait3A_207, %dma_wait3A_208] : memref<208x64xf32, #tpu.memory_space<vmem>> -> memref<16x64xf32, #tpu.memory_space<vmem>>
        %dma_wait3A_210 = arith.constant 0 : i32
        %dma_wait3A_211 = tpu.memref_slice %arg27[%add3A_194, %dma_wait3A_210] : memref<10000x64xf32, #tpu.memory_space<vmem_shared>> -> memref<16x64xf32, #tpu.memory_space<vmem_shared>>
        %dma_wait3A_212 = arith.constant 0 : i32
        %dma_wait3A_213 = arith.constant 0 : i32
        %dma_wait3A_214 = tpu.memref_slice %arg14[%dma_wait3A_212, %dma_wait3A_213] : memref<208x64xf32, #tpu.memory_space<vmem>> -> memref<16x64xf32, #tpu.memory_space<vmem>>
        %dma_wait3A_215 = arith.constant 0 : i32
        %dma_wait3A_216 = tpu.memref_slice %arg27[%add3A_194, %dma_wait3A_215] : memref<10000x64xf32, #tpu.memory_space<vmem_shared>> -> memref<16x64xf32, #tpu.memory_space<vmem_shared>>
        tpu.wait_dma2 semaphore(%run_scoped3A : memref<!tpu.dma_semaphore, #tpu.memory_space<semaphore_mem>>) src(%dma_wait3A_216 : memref<16x64xf32, #tpu.memory_space<vmem_shared>>) dst(%dma_wait3A_214 : memref<16x64xf32, #tpu.memory_space<vmem>>)
        tpu.yield
      }) : () -> ()
      %add3A_195 = arith.constant 624 : i32
      %add3A_196 = arith.addi %multiple_of3A, %add3A_195 : i32
      "tpu.region"() ({
        %run_scoped3A = tpu.sem_alloc : memref<!tpu.dma_semaphore, #tpu.memory_space<semaphore_mem>>
        %dma_start3A_197 = arith.constant 0 : i32
        %dma_start3A_198 = arith.constant 0 : i32
        %dma_start3A_199 = tpu.memref_slice %arg14[%dma_start3A_197, %dma_start3A_198] : memref<208x64xf32, #tpu.memory_space<vmem>> -> memref<16x64xf32, #tpu.memory_space<vmem>>
        %dma_start3A_200 = arith.constant 0 : i32
        %dma_start3A_201 = tpu.memref_slice %arg5[%arg0, %add3A_196, %dma_start3A_200] : memref<2x10000x64xf32, #tpu.memory_space<hbm>> -> memref<1x16x64xf32, #tpu.memory_space<hbm>>
        %dma_start3A_202 = tpu.memref_squeeze %dma_start3A_201 : memref<1x16x64xf32, #tpu.memory_space<hbm>> -> memref<16x64xf32, #tpu.memory_space<hbm>>
        %dma_start3A_203 = arith.constant 0 : i32
        %dma_start3A_204 = tpu.memref_slice %arg5[%arg0, %add3A_196, %dma_start3A_203] : memref<2x10000x64xf32, #tpu.memory_space<hbm>> -> memref<1x16x64xf32, #tpu.memory_space<hbm>>
        %dma_start3A_205 = tpu.memref_squeeze %dma_start3A_204 : memref<1x16x64xf32, #tpu.memory_space<hbm>> -> memref<16x64xf32, #tpu.memory_space<hbm>>
        %dma_start3A_206 = arith.constant 0 : i32
        %dma_start3A_207 = arith.constant 0 : i32
        %dma_start3A_208 = tpu.memref_slice %arg14[%dma_start3A_206, %dma_start3A_207] : memref<208x64xf32, #tpu.memory_space<vmem>> -> memref<16x64xf32, #tpu.memory_space<vmem>>
        tpu.enqueue_dma source(%dma_start3A_208 : memref<16x64xf32, #tpu.memory_space<vmem>>) target(%dma_start3A_205 : memref<16x64xf32, #tpu.memory_space<hbm>>) target_semaphore(%run_scoped3A : memref<!tpu.dma_semaphore, #tpu.memory_space<semaphore_mem>>)
        %dma_wait3A_209 = arith.constant 0 : i32
        %dma_wait3A_210 = arith.constant 0 : i32
        %dma_wait3A_211 = tpu.memref_slice %arg14[%dma_wait3A_209, %dma_wait3A_210] : memref<208x64xf32, #tpu.memory_space<vmem>> -> memref<16x64xf32, #tpu.memory_space<vmem>>
        %dma_wait3A_212 = arith.constant 0 : i32
        %dma_wait3A_213 = tpu.memref_slice %arg5[%arg0, %add3A_196, %dma_wait3A_212] : memref<2x10000x64xf32, #tpu.memory_space<hbm>> -> memref<1x16x64xf32, #tpu.memory_space<hbm>>
        %dma_wait3A_214 = tpu.memref_squeeze %dma_wait3A_213 : memref<1x16x64xf32, #tpu.memory_space<hbm>> -> memref<16x64xf32, #tpu.memory_space<hbm>>
        %dma_wait3A_215 = arith.constant 0 : i32
        %dma_wait3A_216 = tpu.memref_slice %arg5[%arg0, %add3A_196, %dma_wait3A_215] : memref<2x10000x64xf32, #tpu.memory_space<hbm>> -> memref<1x16x64xf32, #tpu.memory_space<hbm>>
        %dma_wait3A_217 = tpu.memref_squeeze %dma_wait3A_216 : memref<1x16x64xf32, #tpu.memory_space<hbm>> -> memref<16x64xf32, #tpu.memory_space<hbm>>
        %dma_wait3A_218 = arith.constant 0 : i32
        %dma_wait3A_219 = arith.constant 0 : i32
        %dma_wait3A_220 = tpu.memref_slice %arg14[%dma_wait3A_218, %dma_wait3A_219] : memref<208x64xf32, #tpu.memory_space<vmem>> -> memref<16x64xf32, #tpu.memory_space<vmem>>
        tpu.wait_dma2 semaphore(%run_scoped3A : memref<!tpu.dma_semaphore, #tpu.memory_space<semaphore_mem>>) src(%dma_wait3A_220 : memref<16x64xf32, #tpu.memory_space<vmem>>) dst(%dma_wait3A_217 : memref<16x64xf32, #tpu.memory_space<hbm>>)
        tpu.yield
      }) : () -> ()
    } else {
    }
    return
  }
}

#map = affine_map<(d0, d1) -> (0, 0)>
#map1 = affine_map<(d0, d1) -> (0, 0, 0)>
module attributes {stable_mosaic.version = 14 : i64} {
  func.func @body(%arg0: i32, %arg1: i32, %arg2: memref<10000x64xf32, #tpu.memory_space<hbm>>, %arg3: memref<32x125x80xi32, #tpu.memory_space<hbm>>, %arg4: memref<32x125x80xi32, #tpu.memory_space<hbm>>, %arg5: memref<2x10000x64xf32, #tpu.memory_space<hbm>>, %arg6: memref<2x10000x16xf32, #tpu.memory_space<hbm>>, %arg7: memref<125x80xi32, #tpu.memory_space<vmem>>, %arg8: memref<125x80xi32, #tpu.memory_space<vmem>>, %arg9: memref<80x64xf32, #tpu.memory_space<vmem>>, %arg10: memref<80x64xf32, #tpu.memory_space<vmem>>, %arg11: memref<80x64xf32, #tpu.memory_space<vmem>>, %arg12: memref<80x64xf32, #tpu.memory_space<vmem>>, %arg13: memref<80x64xf32, #tpu.memory_space<vmem>>, %arg14: memref<80x64xf32, #tpu.memory_space<vmem>>, %arg15: memref<208x64xf32, #tpu.memory_space<vmem>>, %arg16: memref<!tpu.dma_semaphore, #tpu.memory_space<semaphore_mem>>, %arg17: memref<!tpu.dma_semaphore, #tpu.memory_space<semaphore_mem>>, %arg18: memref<!tpu.dma_semaphore, #tpu.memory_space<semaphore_mem>>, %arg19: memref<!tpu.dma_semaphore, #tpu.memory_space<semaphore_mem>>, %arg20: memref<!tpu.dma_semaphore, #tpu.memory_space<semaphore_mem>>, %arg21: memref<!tpu.dma_semaphore, #tpu.memory_space<semaphore_mem>>, %arg22: memref<!tpu.dma_semaphore, #tpu.memory_space<semaphore_mem>>, %arg23: memref<!tpu.dma_semaphore, #tpu.memory_space<semaphore_mem>>, %arg24: memref<!tpu.dma_semaphore, #tpu.memory_space<semaphore_mem>>, %arg25: memref<!tpu.dma_semaphore, #tpu.memory_space<semaphore_mem>>, %arg26: memref<!tpu.dma_semaphore, #tpu.memory_space<semaphore_mem>>, %arg27: memref<!tpu.dma_semaphore, #tpu.memory_space<semaphore_mem>>, %arg28: memref<10000x64xf32, #tpu.memory_space<vmem_shared>>, %arg29: memref<80xf32, #tpu.memory_space<vmem>>, %arg30: memref<640xf32, #tpu.memory_space<vmem>>, %arg31: memref<640x16xf32, #tpu.memory_space<vmem>>, %arg32: memref<!tpu.dma_semaphore, #tpu.memory_space<semaphore_mem>>, %arg33: memref<10000xf32, #tpu.memory_space<vmem_shared>>) attributes {dimension_semantics = [#tpu.dimension_semantics<core_parallel>, #tpu.dimension_semantics<subcore_parallel>], iteration_bounds = array<i64: 2, 16>, scalar_prefetch = 0 : i64, scratch_operands = 27 : i64, tpu.core_type = #tpu.core_type<sc_vector_subcore>, window_params = [{transform_indices = #map}, {transform_indices = #map1}, {transform_indices = #map1}, {transform_indices = #map1}, {transform_indices = #map1}]} {
    %mul3A = arith.constant 16 : i32
    %mul3A_0 = arith.muli %arg0, %mul3A : i32
    %add3A = arith.addi %mul3A_0, %arg1 : i32
    "tpu.region"() ({
      %run_scoped3A = tpu.sem_alloc : memref<!tpu.dma_semaphore, #tpu.memory_space<semaphore_mem>>
      %dma_start3A_261 = arith.constant 0 : i32
      %dma_start3A_262 = arith.constant 0 : i32
      %dma_start3A_263 = tpu.memref_slice %arg3[%add3A, %dma_start3A_261, %dma_start3A_262] : memref<32x125x80xi32, #tpu.memory_space<hbm>> -> memref<1x125x80xi32, #tpu.memory_space<hbm>>
      %dma_start3A_264 = tpu.memref_squeeze %dma_start3A_263 : memref<1x125x80xi32, #tpu.memory_space<hbm>> -> memref<125x80xi32, #tpu.memory_space<hbm>>
      %dma_start3A_265 = arith.constant 0 : i32
      %dma_start3A_266 = arith.constant 0 : i32
      %dma_start3A_267 = tpu.memref_slice %arg3[%add3A, %dma_start3A_265, %dma_start3A_266] : memref<32x125x80xi32, #tpu.memory_space<hbm>> -> memref<1x125x80xi32, #tpu.memory_space<hbm>>
      %dma_start3A_268 = tpu.memref_squeeze %dma_start3A_267 : memref<1x125x80xi32, #tpu.memory_space<hbm>> -> memref<125x80xi32, #tpu.memory_space<hbm>>
      tpu.enqueue_dma source(%dma_start3A_268 : memref<125x80xi32, #tpu.memory_space<hbm>>) target(%arg7 : memref<125x80xi32, #tpu.memory_space<vmem>>) target_semaphore(%run_scoped3A : memref<!tpu.dma_semaphore, #tpu.memory_space<semaphore_mem>>)
      %dma_wait3A_269 = arith.constant 0 : i32
      %dma_wait3A_270 = arith.constant 0 : i32
      %dma_wait3A_271 = tpu.memref_slice %arg3[%add3A, %dma_wait3A_269, %dma_wait3A_270] : memref<32x125x80xi32, #tpu.memory_space<hbm>> -> memref<1x125x80xi32, #tpu.memory_space<hbm>>
      %dma_wait3A_272 = tpu.memref_squeeze %dma_wait3A_271 : memref<1x125x80xi32, #tpu.memory_space<hbm>> -> memref<125x80xi32, #tpu.memory_space<hbm>>
      %dma_wait3A_273 = arith.constant 0 : i32
      %dma_wait3A_274 = arith.constant 0 : i32
      %dma_wait3A_275 = tpu.memref_slice %arg3[%add3A, %dma_wait3A_273, %dma_wait3A_274] : memref<32x125x80xi32, #tpu.memory_space<hbm>> -> memref<1x125x80xi32, #tpu.memory_space<hbm>>
      %dma_wait3A_276 = tpu.memref_squeeze %dma_wait3A_275 : memref<1x125x80xi32, #tpu.memory_space<hbm>> -> memref<125x80xi32, #tpu.memory_space<hbm>>
      tpu.wait_dma2 semaphore(%run_scoped3A : memref<!tpu.dma_semaphore, #tpu.memory_space<semaphore_mem>>) src(%dma_wait3A_276 : memref<125x80xi32, #tpu.memory_space<hbm>>) dst(%arg7 : memref<125x80xi32, #tpu.memory_space<vmem>>)
      tpu.yield
    }) : () -> ()
    "tpu.region"() ({
      %run_scoped3A = tpu.sem_alloc : memref<!tpu.dma_semaphore, #tpu.memory_space<semaphore_mem>>
      %dma_start3A_261 = arith.constant 0 : i32
      %dma_start3A_262 = arith.constant 0 : i32
      %dma_start3A_263 = tpu.memref_slice %arg4[%add3A, %dma_start3A_261, %dma_start3A_262] : memref<32x125x80xi32, #tpu.memory_space<hbm>> -> memref<1x125x80xi32, #tpu.memory_space<hbm>>
      %dma_start3A_264 = tpu.memref_squeeze %dma_start3A_263 : memref<1x125x80xi32, #tpu.memory_space<hbm>> -> memref<125x80xi32, #tpu.memory_space<hbm>>
      %dma_start3A_265 = arith.constant 0 : i32
      %dma_start3A_266 = arith.constant 0 : i32
      %dma_start3A_267 = tpu.memref_slice %arg4[%add3A, %dma_start3A_265, %dma_start3A_266] : memref<32x125x80xi32, #tpu.memory_space<hbm>> -> memref<1x125x80xi32, #tpu.memory_space<hbm>>
      %dma_start3A_268 = tpu.memref_squeeze %dma_start3A_267 : memref<1x125x80xi32, #tpu.memory_space<hbm>> -> memref<125x80xi32, #tpu.memory_space<hbm>>
      tpu.enqueue_dma source(%dma_start3A_268 : memref<125x80xi32, #tpu.memory_space<hbm>>) target(%arg8 : memref<125x80xi32, #tpu.memory_space<vmem>>) target_semaphore(%run_scoped3A : memref<!tpu.dma_semaphore, #tpu.memory_space<semaphore_mem>>)
      %dma_wait3A_269 = arith.constant 0 : i32
      %dma_wait3A_270 = arith.constant 0 : i32
      %dma_wait3A_271 = tpu.memref_slice %arg4[%add3A, %dma_wait3A_269, %dma_wait3A_270] : memref<32x125x80xi32, #tpu.memory_space<hbm>> -> memref<1x125x80xi32, #tpu.memory_space<hbm>>
      %dma_wait3A_272 = tpu.memref_squeeze %dma_wait3A_271 : memref<1x125x80xi32, #tpu.memory_space<hbm>> -> memref<125x80xi32, #tpu.memory_space<hbm>>
      %dma_wait3A_273 = arith.constant 0 : i32
      %dma_wait3A_274 = arith.constant 0 : i32
      %dma_wait3A_275 = tpu.memref_slice %arg4[%add3A, %dma_wait3A_273, %dma_wait3A_274] : memref<32x125x80xi32, #tpu.memory_space<hbm>> -> memref<1x125x80xi32, #tpu.memory_space<hbm>>
      %dma_wait3A_276 = tpu.memref_squeeze %dma_wait3A_275 : memref<1x125x80xi32, #tpu.memory_space<hbm>> -> memref<125x80xi32, #tpu.memory_space<hbm>>
      tpu.wait_dma2 semaphore(%run_scoped3A : memref<!tpu.dma_semaphore, #tpu.memory_space<semaphore_mem>>) src(%dma_wait3A_276 : memref<125x80xi32, #tpu.memory_space<hbm>>) dst(%arg8 : memref<125x80xi32, #tpu.memory_space<vmem>>)
      tpu.yield
    }) : () -> ()
    %broadcast_in_dim3A = arith.constant 0.000000e+00 : f32
    %broadcast_in_dim3A_1 = vector.broadcast %broadcast_in_dim3A : f32 to vector<16xf32>
    %scan3A = arith.constant 0 : i32
    %scan3A_2 = arith.constant 0 : i32
    %scan3A_3 = arith.constant 208 : i32
    %scan3A_4 = arith.addi %scan3A_2, %scan3A_3 : i32
    %scan3A_5 = arith.constant 1 : i32
    scf.for %scan3A_261 = %scan3A_2 to %scan3A_4 step %scan3A_5  : i32 {
      %swap3A = arith.index_cast %scan3A_261 : i32 to index
      %swap3A_262 = arith.constant 0 : index
      %swap3A_263 = tpu.vector_load %arg15[%swap3A, %swap3A_262] {strides = array<i32>} : memref<208x64xf32, #tpu.memory_space<vmem>>, vector<1x16xf32>,
      %swap3A_264 = vector.shape_cast %swap3A_263 : vector<1x16xf32> to vector<16xf32>
      %swap3A_265 = vector.shape_cast %broadcast_in_dim3A_1 : vector<16xf32> to vector<1x16xf32>
      tpu.vector_store %arg15[%swap3A, %swap3A_262], %swap3A_265 {strides = array<i32>} : memref<208x64xf32, #tpu.memory_space<vmem>>, vector<1x16xf32>,
      %swap3A_266 = arith.index_cast %scan3A_261 : i32 to index
      %swap3A_267 = arith.constant 16 : index
      %swap3A_268 = tpu.vector_load %arg15[%swap3A_266, %swap3A_267] {strides = array<i32>} : memref<208x64xf32, #tpu.memory_space<vmem>>, vector<1x16xf32>,
      %swap3A_269 = vector.shape_cast %swap3A_268 : vector<1x16xf32> to vector<16xf32>
      %swap3A_270 = vector.shape_cast %broadcast_in_dim3A_1 : vector<16xf32> to vector<1x16xf32>
      tpu.vector_store %arg15[%swap3A_266, %swap3A_267], %swap3A_270 {strides = array<i32>} : memref<208x64xf32, #tpu.memory_space<vmem>>, vector<1x16xf32>,
      %swap3A_271 = arith.index_cast %scan3A_261 : i32 to index
      %swap3A_272 = arith.constant 32 : index
      %swap3A_273 = tpu.vector_load %arg15[%swap3A_271, %swap3A_272] {strides = array<i32>} : memref<208x64xf32, #tpu.memory_space<vmem>>, vector<1x16xf32>,
      %swap3A_274 = vector.shape_cast %swap3A_273 : vector<1x16xf32> to vector<16xf32>
      %swap3A_275 = vector.shape_cast %broadcast_in_dim3A_1 : vector<16xf32> to vector<1x16xf32>
      tpu.vector_store %arg15[%swap3A_271, %swap3A_272], %swap3A_275 {strides = array<i32>} : memref<208x64xf32, #tpu.memory_space<vmem>>, vector<1x16xf32>,
      %swap3A_276 = arith.index_cast %scan3A_261 : i32 to index
      %swap3A_277 = arith.constant 48 : index
      %swap3A_278 = tpu.vector_load %arg15[%swap3A_276, %swap3A_277] {strides = array<i32>} : memref<208x64xf32, #tpu.memory_space<vmem>>, vector<1x16xf32>,
      %swap3A_279 = vector.shape_cast %swap3A_278 : vector<1x16xf32> to vector<16xf32>
      %swap3A_280 = vector.shape_cast %broadcast_in_dim3A_1 : vector<16xf32> to vector<1x16xf32>
      tpu.vector_store %arg15[%swap3A_276, %swap3A_277], %swap3A_280 {strides = array<i32>} : memref<208x64xf32, #tpu.memory_space<vmem>>, vector<1x16xf32>,
    }
    %scan3A_6 = arith.constant 208 : i32
    %mul3A_7 = arith.constant 624 : i32
    %mul3A_8 = arith.muli %arg1, %mul3A_7 : i32
    %multiple_of3A = tpu.assume_multiple %mul3A_8, 8 : i32
    %add3A_9 = arith.constant 0 : i32
    %add3A_10 = arith.addi %multiple_of3A, %add3A_9 : i32
    "tpu.region"() ({
      %run_scoped3A = tpu.sem_alloc : memref<!tpu.dma_semaphore, #tpu.memory_space<semaphore_mem>>
      %dma_start3A_261 = arith.constant 0 : i32
      %dma_start3A_262 = tpu.memref_slice %arg28[%add3A_10, %dma_start3A_261] : memref<10000x64xf32, #tpu.memory_space<vmem_shared>> -> memref<208x64xf32, #tpu.memory_space<vmem_shared>>
      %dma_start3A_263 = arith.constant 0 : i32
      %dma_start3A_264 = tpu.memref_slice %arg28[%add3A_10, %dma_start3A_263] : memref<10000x64xf32, #tpu.memory_space<vmem_shared>> -> memref<208x64xf32, #tpu.memory_space<vmem_shared>>
      tpu.enqueue_dma source(%arg15 : memref<208x64xf32, #tpu.memory_space<vmem>>) target(%dma_start3A_264 : memref<208x64xf32, #tpu.memory_space<vmem_shared>>) target_semaphore(%run_scoped3A : memref<!tpu.dma_semaphore, #tpu.memory_space<semaphore_mem>>)
      %dma_wait3A_265 = arith.constant 0 : i32
      %dma_wait3A_266 = tpu.memref_slice %arg28[%add3A_10, %dma_wait3A_265] : memref<10000x64xf32, #tpu.memory_space<vmem_shared>> -> memref<208x64xf32, #tpu.memory_space<vmem_shared>>
      %dma_wait3A_267 = arith.constant 0 : i32
      %dma_wait3A_268 = tpu.memref_slice %arg28[%add3A_10, %dma_wait3A_267] : memref<10000x64xf32, #tpu.memory_space<vmem_shared>> -> memref<208x64xf32, #tpu.memory_space<vmem_shared>>
      tpu.wait_dma2 semaphore(%run_scoped3A : memref<!tpu.dma_semaphore, #tpu.memory_space<semaphore_mem>>) src(%arg15 : memref<208x64xf32, #tpu.memory_space<vmem>>) dst(%dma_wait3A_268 : memref<208x64xf32, #tpu.memory_space<vmem_shared>>)
      tpu.yield
    }) : () -> ()
    %add3A_11 = arith.constant 208 : i32
    %add3A_12 = arith.addi %multiple_of3A, %add3A_11 : i32
    "tpu.region"() ({
      %run_scoped3A = tpu.sem_alloc : memref<!tpu.dma_semaphore, #tpu.memory_space<semaphore_mem>>
      %dma_start3A_261 = arith.constant 0 : i32
      %dma_start3A_262 = tpu.memref_slice %arg28[%add3A_12, %dma_start3A_261] : memref<10000x64xf32, #tpu.memory_space<vmem_shared>> -> memref<208x64xf32, #tpu.memory_space<vmem_shared>>
      %dma_start3A_263 = arith.constant 0 : i32
      %dma_start3A_264 = tpu.memref_slice %arg28[%add3A_12, %dma_start3A_263] : memref<10000x64xf32, #tpu.memory_space<vmem_shared>> -> memref<208x64xf32, #tpu.memory_space<vmem_shared>>
      tpu.enqueue_dma source(%arg15 : memref<208x64xf32, #tpu.memory_space<vmem>>) target(%dma_start3A_264 : memref<208x64xf32, #tpu.memory_space<vmem_shared>>) target_semaphore(%run_scoped3A : memref<!tpu.dma_semaphore, #tpu.memory_space<semaphore_mem>>)
      %dma_wait3A_265 = arith.constant 0 : i32
      %dma_wait3A_266 = tpu.memref_slice %arg28[%add3A_12, %dma_wait3A_265] : memref<10000x64xf32, #tpu.memory_space<vmem_shared>> -> memref<208x64xf32, #tpu.memory_space<vmem_shared>>
      %dma_wait3A_267 = arith.constant 0 : i32
      %dma_wait3A_268 = tpu.memref_slice %arg28[%add3A_12, %dma_wait3A_267] : memref<10000x64xf32, #tpu.memory_space<vmem_shared>> -> memref<208x64xf32, #tpu.memory_space<vmem_shared>>
      tpu.wait_dma2 semaphore(%run_scoped3A : memref<!tpu.dma_semaphore, #tpu.memory_space<semaphore_mem>>) src(%arg15 : memref<208x64xf32, #tpu.memory_space<vmem>>) dst(%dma_wait3A_268 : memref<208x64xf32, #tpu.memory_space<vmem_shared>>)
      tpu.yield
    }) : () -> ()
    %add3A_13 = arith.constant 416 : i32
    %add3A_14 = arith.addi %multiple_of3A, %add3A_13 : i32
    "tpu.region"() ({
      %run_scoped3A = tpu.sem_alloc : memref<!tpu.dma_semaphore, #tpu.memory_space<semaphore_mem>>
      %dma_start3A_261 = arith.constant 0 : i32
      %dma_start3A_262 = tpu.memref_slice %arg28[%add3A_14, %dma_start3A_261] : memref<10000x64xf32, #tpu.memory_space<vmem_shared>> -> memref<208x64xf32, #tpu.memory_space<vmem_shared>>
      %dma_start3A_263 = arith.constant 0 : i32
      %dma_start3A_264 = tpu.memref_slice %arg28[%add3A_14, %dma_start3A_263] : memref<10000x64xf32, #tpu.memory_space<vmem_shared>> -> memref<208x64xf32, #tpu.memory_space<vmem_shared>>
      tpu.enqueue_dma source(%arg15 : memref<208x64xf32, #tpu.memory_space<vmem>>) target(%dma_start3A_264 : memref<208x64xf32, #tpu.memory_space<vmem_shared>>) target_semaphore(%run_scoped3A : memref<!tpu.dma_semaphore, #tpu.memory_space<semaphore_mem>>)
      %dma_wait3A_265 = arith.constant 0 : i32
      %dma_wait3A_266 = tpu.memref_slice %arg28[%add3A_14, %dma_wait3A_265] : memref<10000x64xf32, #tpu.memory_space<vmem_shared>> -> memref<208x64xf32, #tpu.memory_space<vmem_shared>>
      %dma_wait3A_267 = arith.constant 0 : i32
      %dma_wait3A_268 = tpu.memref_slice %arg28[%add3A_14, %dma_wait3A_267] : memref<10000x64xf32, #tpu.memory_space<vmem_shared>> -> memref<208x64xf32, #tpu.memory_space<vmem_shared>>
      tpu.wait_dma2 semaphore(%run_scoped3A : memref<!tpu.dma_semaphore, #tpu.memory_space<semaphore_mem>>) src(%arg15 : memref<208x64xf32, #tpu.memory_space<vmem>>) dst(%dma_wait3A_268 : memref<208x64xf32, #tpu.memory_space<vmem_shared>>)
      tpu.yield
    }) : () -> ()
    %broadcast_in_dim3A_15 = arith.constant 1.000000e+00 : f32
    %broadcast_in_dim3A_16 = vector.broadcast %broadcast_in_dim3A_15 : f32 to vector<16xf32>
    %scan3A_17 = arith.constant 0 : i32
    %scan3A_18 = arith.constant 0 : i32
    %scan3A_19 = arith.constant 5 : i32
    %scan3A_20 = arith.addi %scan3A_18, %scan3A_19 : i32
    %scan3A_21 = arith.constant 1 : i32
    scf.for %scan3A_261 = %scan3A_18 to %scan3A_20 step %scan3A_21  : i32 {
      %mul3A_262 = arith.constant 16 : i32
      %mul3A_263 = arith.muli %scan3A_261, %mul3A_262 : i32
      %swap3A = arith.index_cast %mul3A_263 : i32 to index
      %swap3A_264 = tpu.vector_load %arg29[%swap3A] {strides = array<i32>} : memref<80xf32, #tpu.memory_space<vmem>>, vector<16xf32>,
      %swap3A_265 = vector.shape_cast %swap3A_264 : vector<16xf32> to vector<16xf32>
      %swap3A_266 = vector.shape_cast %broadcast_in_dim3A_16 : vector<16xf32> to vector<16xf32>
      tpu.vector_store %arg29[%swap3A], %swap3A_266 {strides = array<i32>} : memref<80xf32, #tpu.memory_space<vmem>>, vector<16xf32>,
    }
    %scan3A_22 = arith.constant 5 : i32
    %broadcast_in_dim3A_23 = arith.constant 0.000000e+00 : f32
    %broadcast_in_dim3A_24 = vector.broadcast %broadcast_in_dim3A_23 : f32 to vector<16xf32>
    %scan3A_25 = arith.constant 0 : i32
    %scan3A_26 = arith.constant 0 : i32
    %scan3A_27 = arith.constant 40 : i32
    %scan3A_28 = arith.addi %scan3A_26, %scan3A_27 : i32
    %scan3A_29 = arith.constant 1 : i32
    scf.for %scan3A_261 = %scan3A_26 to %scan3A_28 step %scan3A_29  : i32 {
      %mul3A_262 = arith.constant 16 : i32
      %mul3A_263 = arith.muli %scan3A_261, %mul3A_262 : i32
      %swap3A = arith.index_cast %mul3A_263 : i32 to index
      %swap3A_264 = tpu.vector_load %arg30[%swap3A] {strides = array<i32>} : memref<640xf32, #tpu.memory_space<vmem>>, vector<16xf32>,
      %swap3A_265 = vector.shape_cast %swap3A_264 : vector<16xf32> to vector<16xf32>
      %swap3A_266 = vector.shape_cast %broadcast_in_dim3A_24 : vector<16xf32> to vector<16xf32>
      tpu.vector_store %arg30[%swap3A], %swap3A_266 {strides = array<i32>} : memref<640xf32, #tpu.memory_space<vmem>>, vector<16xf32>,
    }
    %scan3A_30 = arith.constant 40 : i32
    "tpu.region"() ({
      %run_scoped3A = tpu.sem_alloc : memref<!tpu.dma_semaphore, #tpu.memory_space<semaphore_mem>>
      %dma_start3A_261 = arith.constant 0 : i32
      %dma_start3A_262 = tpu.memref_slice %arg30[%dma_start3A_261] : memref<640xf32, #tpu.memory_space<vmem>> -> memref<624xf32, #tpu.memory_space<vmem>>
      %dma_start3A_263 = tpu.memref_slice %arg33[%multiple_of3A] : memref<10000xf32, #tpu.memory_space<vmem_shared>> -> memref<624xf32, #tpu.memory_space<vmem_shared>>
      %dma_start3A_264 = tpu.memref_slice %arg33[%multiple_of3A] : memref<10000xf32, #tpu.memory_space<vmem_shared>> -> memref<624xf32, #tpu.memory_space<vmem_shared>>
      %dma_start3A_265 = arith.constant 0 : i32
      %dma_start3A_266 = tpu.memref_slice %arg30[%dma_start3A_265] : memref<640xf32, #tpu.memory_space<vmem>> -> memref<624xf32, #tpu.memory_space<vmem>>
      tpu.enqueue_dma source(%dma_start3A_266 : memref<624xf32, #tpu.memory_space<vmem>>) target(%dma_start3A_264 : memref<624xf32, #tpu.memory_space<vmem_shared>>) target_semaphore(%run_scoped3A : memref<!tpu.dma_semaphore, #tpu.memory_space<semaphore_mem>>)
      %dma_wait3A_267 = arith.constant 0 : i32
      %dma_wait3A_268 = tpu.memref_slice %arg30[%dma_wait3A_267] : memref<640xf32, #tpu.memory_space<vmem>> -> memref<624xf32, #tpu.memory_space<vmem>>
      %dma_wait3A_269 = tpu.memref_slice %arg33[%multiple_of3A] : memref<10000xf32, #tpu.memory_space<vmem_shared>> -> memref<624xf32, #tpu.memory_space<vmem_shared>>
      %dma_wait3A_270 = tpu.memref_slice %arg33[%multiple_of3A] : memref<10000xf32, #tpu.memory_space<vmem_shared>> -> memref<624xf32, #tpu.memory_space<vmem_shared>>
      %dma_wait3A_271 = arith.constant 0 : i32
      %dma_wait3A_272 = tpu.memref_slice %arg30[%dma_wait3A_271] : memref<640xf32, #tpu.memory_space<vmem>> -> memref<624xf32, #tpu.memory_space<vmem>>
      tpu.wait_dma2 semaphore(%run_scoped3A : memref<!tpu.dma_semaphore, #tpu.memory_space<semaphore_mem>>) src(%dma_wait3A_272 : memref<624xf32, #tpu.memory_space<vmem>>) dst(%dma_wait3A_270 : memref<624xf32, #tpu.memory_space<vmem_shared>>)
      tpu.yield
    }) : () -> ()
    %eq3A = arith.constant 15 : i32
    %eq3A_31 = arith.cmpi eq, %arg1, %eq3A : i32
    %convert_element_type3A = arith.extui %eq3A_31 : i1 to i32
    %cond3A = arith.constant 0 : i32
    %cond3A_32 = arith.cmpi ne, %convert_element_type3A, %cond3A : i32
    scf.if %cond3A_32 {
      %add3A_261 = arith.constant 624 : i32
      %add3A_262 = arith.addi %multiple_of3A, %add3A_261 : i32
      "tpu.region"() ({
        %run_scoped3A = tpu.sem_alloc : memref<!tpu.dma_semaphore, #tpu.memory_space<semaphore_mem>>
        %dma_start3A_265 = arith.constant 0 : i32
        %dma_start3A_266 = arith.constant 0 : i32
        %dma_start3A_267 = tpu.memref_slice %arg15[%dma_start3A_265, %dma_start3A_266] : memref<208x64xf32, #tpu.memory_space<vmem>> -> memref<16x64xf32, #tpu.memory_space<vmem>>
        %dma_start3A_268 = arith.constant 0 : i32
        %dma_start3A_269 = tpu.memref_slice %arg28[%add3A_262, %dma_start3A_268] : memref<10000x64xf32, #tpu.memory_space<vmem_shared>> -> memref<16x64xf32, #tpu.memory_space<vmem_shared>>
        %dma_start3A_270 = arith.constant 0 : i32
        %dma_start3A_271 = tpu.memref_slice %arg28[%add3A_262, %dma_start3A_270] : memref<10000x64xf32, #tpu.memory_space<vmem_shared>> -> memref<16x64xf32, #tpu.memory_space<vmem_shared>>
        %dma_start3A_272 = arith.constant 0 : i32
        %dma_start3A_273 = arith.constant 0 : i32
        %dma_start3A_274 = tpu.memref_slice %arg15[%dma_start3A_272, %dma_start3A_273] : memref<208x64xf32, #tpu.memory_space<vmem>> -> memref<16x64xf32, #tpu.memory_space<vmem>>
        tpu.enqueue_dma source(%dma_start3A_274 : memref<16x64xf32, #tpu.memory_space<vmem>>) target(%dma_start3A_271 : memref<16x64xf32, #tpu.memory_space<vmem_shared>>) target_semaphore(%run_scoped3A : memref<!tpu.dma_semaphore, #tpu.memory_space<semaphore_mem>>)
        %dma_wait3A_275 = arith.constant 0 : i32
        %dma_wait3A_276 = arith.constant 0 : i32
        %dma_wait3A_277 = tpu.memref_slice %arg15[%dma_wait3A_275, %dma_wait3A_276] : memref<208x64xf32, #tpu.memory_space<vmem>> -> memref<16x64xf32, #tpu.memory_space<vmem>>
        %dma_wait3A_278 = arith.constant 0 : i32
        %dma_wait3A_279 = tpu.memref_slice %arg28[%add3A_262, %dma_wait3A_278] : memref<10000x64xf32, #tpu.memory_space<vmem_shared>> -> memref<16x64xf32, #tpu.memory_space<vmem_shared>>
        %dma_wait3A_280 = arith.constant 0 : i32
        %dma_wait3A_281 = tpu.memref_slice %arg28[%add3A_262, %dma_wait3A_280] : memref<10000x64xf32, #tpu.memory_space<vmem_shared>> -> memref<16x64xf32, #tpu.memory_space<vmem_shared>>
        %dma_wait3A_282 = arith.constant 0 : i32
        %dma_wait3A_283 = arith.constant 0 : i32
        %dma_wait3A_284 = tpu.memref_slice %arg15[%dma_wait3A_282, %dma_wait3A_283] : memref<208x64xf32, #tpu.memory_space<vmem>> -> memref<16x64xf32, #tpu.memory_space<vmem>>
        tpu.wait_dma2 semaphore(%run_scoped3A : memref<!tpu.dma_semaphore, #tpu.memory_space<semaphore_mem>>) src(%dma_wait3A_284 : memref<16x64xf32, #tpu.memory_space<vmem>>) dst(%dma_wait3A_281 : memref<16x64xf32, #tpu.memory_space<vmem_shared>>)
        tpu.yield
      }) : () -> ()
      %add3A_263 = arith.constant 624 : i32
      %add3A_264 = arith.addi %multiple_of3A, %add3A_263 : i32
      "tpu.region"() ({
        %run_scoped3A = tpu.sem_alloc : memref<!tpu.dma_semaphore, #tpu.memory_space<semaphore_mem>>
        %dma_start3A_265 = arith.constant 0 : i32
        %dma_start3A_266 = tpu.memref_slice %arg30[%dma_start3A_265] : memref<640xf32, #tpu.memory_space<vmem>> -> memref<16xf32, #tpu.memory_space<vmem>>
        %dma_start3A_267 = tpu.memref_slice %arg33[%add3A_264] : memref<10000xf32, #tpu.memory_space<vmem_shared>> -> memref<16xf32, #tpu.memory_space<vmem_shared>>
        %dma_start3A_268 = tpu.memref_slice %arg33[%add3A_264] : memref<10000xf32, #tpu.memory_space<vmem_shared>> -> memref<16xf32, #tpu.memory_space<vmem_shared>>
        %dma_start3A_269 = arith.constant 0 : i32
        %dma_start3A_270 = tpu.memref_slice %arg30[%dma_start3A_269] : memref<640xf32, #tpu.memory_space<vmem>> -> memref<16xf32, #tpu.memory_space<vmem>>
        tpu.enqueue_dma source(%dma_start3A_270 : memref<16xf32, #tpu.memory_space<vmem>>) target(%dma_start3A_268 : memref<16xf32, #tpu.memory_space<vmem_shared>>) target_semaphore(%run_scoped3A : memref<!tpu.dma_semaphore, #tpu.memory_space<semaphore_mem>>)
        %dma_wait3A_271 = arith.constant 0 : i32
        %dma_wait3A_272 = tpu.memref_slice %arg30[%dma_wait3A_271] : memref<640xf32, #tpu.memory_space<vmem>> -> memref<16xf32, #tpu.memory_space<vmem>>
        %dma_wait3A_273 = tpu.memref_slice %arg33[%add3A_264] : memref<10000xf32, #tpu.memory_space<vmem_shared>> -> memref<16xf32, #tpu.memory_space<vmem_shared>>
        %dma_wait3A_274 = tpu.memref_slice %arg33[%add3A_264] : memref<10000xf32, #tpu.memory_space<vmem_shared>> -> memref<16xf32, #tpu.memory_space<vmem_shared>>
        %dma_wait3A_275 = arith.constant 0 : i32
        %dma_wait3A_276 = tpu.memref_slice %arg30[%dma_wait3A_275] : memref<640xf32, #tpu.memory_space<vmem>> -> memref<16xf32, #tpu.memory_space<vmem>>
        tpu.wait_dma2 semaphore(%run_scoped3A : memref<!tpu.dma_semaphore, #tpu.memory_space<semaphore_mem>>) src(%dma_wait3A_276 : memref<16xf32, #tpu.memory_space<vmem>>) dst(%dma_wait3A_274 : memref<16xf32, #tpu.memory_space<vmem_shared>>)
        tpu.yield
      }) : () -> ()
    } else {
    }
    %barrier3A = arith.constant 0 : index
    tpu.barrier barrier_id(%barrier3A)
    %dma_start3A = arith.constant 0 : i32
    %dma_start3A_33 = arith.constant 0 : i32
    %dma_start3A_34 = tpu.memref_slice %arg7[%dma_start3A, %dma_start3A_33] : memref<125x80xi32, #tpu.memory_space<vmem>> -> memref<1x80xi32, #tpu.memory_space<vmem>>
    %dma_start3A_35 = tpu.memref_squeeze %dma_start3A_34 : memref<1x80xi32, #tpu.memory_space<vmem>> -> memref<80xi32, #tpu.memory_space<vmem>>
    %dma_start3A_36 = arith.constant 0 : i32
    %dma_start3A_37 = arith.constant 0 : i32
    %dma_start3A_38 = tpu.memref_slice %arg2[%dma_start3A_36, %dma_start3A_37] : memref<10000x64xf32, #tpu.memory_space<hbm>> -> memref<10000x64xf32, #tpu.memory_space<hbm>>
    tpu.enqueue_indirect_dma source(%dma_start3A_38 : memref<10000x64xf32, #tpu.memory_space<hbm>>) target(%arg9 : memref<80x64xf32, #tpu.memory_space<vmem>>) offsets(%dma_start3A_35 : memref<80xi32, #tpu.memory_space<vmem>>) semaphore(%arg16 : memref<!tpu.dma_semaphore, #tpu.memory_space<semaphore_mem>>)
    %dma_start3A_39 = arith.constant 1 : i32
    %dma_start3A_40 = arith.constant 0 : i32
    %dma_start3A_41 = tpu.memref_slice %arg7[%dma_start3A_39, %dma_start3A_40] : memref<125x80xi32, #tpu.memory_space<vmem>> -> memref<1x80xi32, #tpu.memory_space<vmem>>
    %dma_start3A_42 = tpu.memref_squeeze %dma_start3A_41 : memref<1x80xi32, #tpu.memory_space<vmem>> -> memref<80xi32, #tpu.memory_space<vmem>>
    %dma_start3A_43 = arith.constant 0 : i32
    %dma_start3A_44 = arith.constant 0 : i32
    %dma_start3A_45 = tpu.memref_slice %arg2[%dma_start3A_43, %dma_start3A_44] : memref<10000x64xf32, #tpu.memory_space<hbm>> -> memref<10000x64xf32, #tpu.memory_space<hbm>>
    tpu.enqueue_indirect_dma source(%dma_start3A_45 : memref<10000x64xf32, #tpu.memory_space<hbm>>) target(%arg10 : memref<80x64xf32, #tpu.memory_space<vmem>>) offsets(%dma_start3A_42 : memref<80xi32, #tpu.memory_space<vmem>>) semaphore(%arg17 : memref<!tpu.dma_semaphore, #tpu.memory_space<semaphore_mem>>)
    %dma_start3A_46 = arith.constant 2 : i32
    %dma_start3A_47 = arith.constant 0 : i32
    %dma_start3A_48 = tpu.memref_slice %arg7[%dma_start3A_46, %dma_start3A_47] : memref<125x80xi32, #tpu.memory_space<vmem>> -> memref<1x80xi32, #tpu.memory_space<vmem>>
    %dma_start3A_49 = tpu.memref_squeeze %dma_start3A_48 : memref<1x80xi32, #tpu.memory_space<vmem>> -> memref<80xi32, #tpu.memory_space<vmem>>
    %dma_start3A_50 = arith.constant 0 : i32
    %dma_start3A_51 = arith.constant 0 : i32
    %dma_start3A_52 = tpu.memref_slice %arg2[%dma_start3A_50, %dma_start3A_51] : memref<10000x64xf32, #tpu.memory_space<hbm>> -> memref<10000x64xf32, #tpu.memory_space<hbm>>
    tpu.enqueue_indirect_dma source(%dma_start3A_52 : memref<10000x64xf32, #tpu.memory_space<hbm>>) target(%arg11 : memref<80x64xf32, #tpu.memory_space<vmem>>) offsets(%dma_start3A_49 : memref<80xi32, #tpu.memory_space<vmem>>) semaphore(%arg18 : memref<!tpu.dma_semaphore, #tpu.memory_space<semaphore_mem>>)
    %dma_start3A_53 = arith.constant 3 : i32
    %dma_start3A_54 = arith.constant 0 : i32
    %dma_start3A_55 = tpu.memref_slice %arg7[%dma_start3A_53, %dma_start3A_54] : memref<125x80xi32, #tpu.memory_space<vmem>> -> memref<1x80xi32, #tpu.memory_space<vmem>>
    %dma_start3A_56 = tpu.memref_squeeze %dma_start3A_55 : memref<1x80xi32, #tpu.memory_space<vmem>> -> memref<80xi32, #tpu.memory_space<vmem>>
    %dma_start3A_57 = arith.constant 0 : i32
    %dma_start3A_58 = arith.constant 0 : i32
    %dma_start3A_59 = tpu.memref_slice %arg2[%dma_start3A_57, %dma_start3A_58] : memref<10000x64xf32, #tpu.memory_space<hbm>> -> memref<10000x64xf32, #tpu.memory_space<hbm>>
    tpu.enqueue_indirect_dma source(%dma_start3A_59 : memref<10000x64xf32, #tpu.memory_space<hbm>>) target(%arg12 : memref<80x64xf32, #tpu.memory_space<vmem>>) offsets(%dma_start3A_56 : memref<80xi32, #tpu.memory_space<vmem>>) semaphore(%arg19 : memref<!tpu.dma_semaphore, #tpu.memory_space<semaphore_mem>>)
    %scan3A_60 = arith.constant 0 : i32
    %scan3A_61 = arith.constant 0 : i32
    %scan3A_62 = arith.constant 20 : i32
    %scan3A_63 = arith.addi %scan3A_61, %scan3A_62 : i32
    %scan3A_64 = arith.constant 1 : i32
    scf.for %scan3A_261 = %scan3A_61 to %scan3A_63 step %scan3A_64  : i32 {
      %mul3A_262 = arith.constant 6 : i32
      %mul3A_263 = arith.muli %mul3A_262, %scan3A_261 : i32
      %add3A_264 = arith.constant 0 : i32
      %add3A_265 = arith.addi %mul3A_263, %add3A_264 : i32
      %gt3A = arith.constant 0 : i32
      %gt3A_266 = arith.cmpi sgt, %scan3A_261, %gt3A : i32
      %convert_element_type3A_267 = arith.extui %gt3A_266 : i1 to i32
      %cond3A_268 = arith.constant 0 : i32
      %cond3A_269 = arith.cmpi ne, %convert_element_type3A_267, %cond3A_268 : i32
      scf.if %cond3A_269 {
        %sub3A_469 = arith.constant 2 : i32
        %sub3A_470 = arith.subi %add3A_265, %sub3A_469 : i32
        %dma_wait3A_471 = arith.constant 0 : i32
        %dma_wait3A_472 = tpu.memref_slice %arg8[%sub3A_470, %dma_wait3A_471] : memref<125x80xi32, #tpu.memory_space<vmem>> -> memref<1x80xi32, #tpu.memory_space<vmem>>
        %dma_wait3A_473 = tpu.memref_squeeze %dma_wait3A_472 : memref<1x80xi32, #tpu.memory_space<vmem>> -> memref<80xi32, #tpu.memory_space<vmem>>
        %dma_wait3A_474 = arith.constant 0 : i32
        %dma_wait3A_475 = arith.constant 0 : i32
        %dma_wait3A_476 = tpu.memref_slice %arg28[%dma_wait3A_474, %dma_wait3A_475] : memref<10000x64xf32, #tpu.memory_space<vmem_shared>> -> memref<10000x64xf32, #tpu.memory_space<vmem_shared>>
        tpu.wait_indirect_dma semaphore(%arg26 : memref<!tpu.dma_semaphore, #tpu.memory_space<semaphore_mem>>) src(%arg13 : memref<80x64xf32, #tpu.memory_space<vmem>>) dst(%dma_wait3A_476 : memref<10000x64xf32, #tpu.memory_space<vmem_shared>>)
      } else {
      }
      %add3A_270 = arith.constant 4 : i32
      %add3A_271 = arith.addi %add3A_265, %add3A_270 : i32
      %lt3A = arith.constant 125 : i32
      %lt3A_272 = arith.cmpi slt, %add3A_271, %lt3A : i32
      %convert_element_type3A_273 = arith.extui %lt3A_272 : i1 to i32
      %cond3A_274 = arith.constant 0 : i32
      %cond3A_275 = arith.cmpi ne, %convert_element_type3A_273, %cond3A_274 : i32
      scf.if %cond3A_275 {
        %add3A_469 = arith.constant 4 : i32
        %add3A_470 = arith.addi %add3A_265, %add3A_469 : i32
        %dma_start3A_471 = arith.constant 0 : i32
        %dma_start3A_472 = tpu.memref_slice %arg7[%add3A_470, %dma_start3A_471] : memref<125x80xi32, #tpu.memory_space<vmem>> -> memref<1x80xi32, #tpu.memory_space<vmem>>
        %dma_start3A_473 = tpu.memref_squeeze %dma_start3A_472 : memref<1x80xi32, #tpu.memory_space<vmem>> -> memref<80xi32, #tpu.memory_space<vmem>>
        %dma_start3A_474 = arith.constant 0 : i32
        %dma_start3A_475 = arith.constant 0 : i32
        %dma_start3A_476 = tpu.memref_slice %arg2[%dma_start3A_474, %dma_start3A_475] : memref<10000x64xf32, #tpu.memory_space<hbm>> -> memref<10000x64xf32, #tpu.memory_space<hbm>>
        tpu.enqueue_indirect_dma source(%dma_start3A_476 : memref<10000x64xf32, #tpu.memory_space<hbm>>) target(%arg13 : memref<80x64xf32, #tpu.memory_space<vmem>>) offsets(%dma_start3A_473 : memref<80xi32, #tpu.memory_space<vmem>>) semaphore(%arg20 : memref<!tpu.dma_semaphore, #tpu.memory_space<semaphore_mem>>)
      } else {
      }
      %dma_wait3A_276 = arith.constant 0 : i32
      %dma_wait3A_277 = tpu.memref_slice %arg7[%add3A_265, %dma_wait3A_276] : memref<125x80xi32, #tpu.memory_space<vmem>> -> memref<1x80xi32, #tpu.memory_space<vmem>>
      %dma_wait3A_278 = tpu.memref_squeeze %dma_wait3A_277 : memref<1x80xi32, #tpu.memory_space<vmem>> -> memref<80xi32, #tpu.memory_space<vmem>>
      %dma_wait3A_279 = arith.constant 0 : i32
      %dma_wait3A_280 = arith.constant 0 : i32
      %dma_wait3A_281 = tpu.memref_slice %arg2[%dma_wait3A_279, %dma_wait3A_280] : memref<10000x64xf32, #tpu.memory_space<hbm>> -> memref<10000x64xf32, #tpu.memory_space<hbm>>
      tpu.wait_indirect_dma semaphore(%arg16 : memref<!tpu.dma_semaphore, #tpu.memory_space<semaphore_mem>>) src(%dma_wait3A_281 : memref<10000x64xf32, #tpu.memory_space<hbm>>) dst(%arg9 : memref<80x64xf32, #tpu.memory_space<vmem>>)
      %dma_start3A_282 = arith.constant 0 : i32
      %dma_start3A_283 = tpu.memref_slice %arg8[%add3A_265, %dma_start3A_282] : memref<125x80xi32, #tpu.memory_space<vmem>> -> memref<1x80xi32, #tpu.memory_space<vmem>>
      %dma_start3A_284 = tpu.memref_squeeze %dma_start3A_283 : memref<1x80xi32, #tpu.memory_space<vmem>> -> memref<80xi32, #tpu.memory_space<vmem>>
      %dma_start3A_285 = arith.constant 0 : i32
      %dma_start3A_286 = arith.constant 0 : i32
      %dma_start3A_287 = tpu.memref_slice %arg28[%dma_start3A_285, %dma_start3A_286] : memref<10000x64xf32, #tpu.memory_space<vmem_shared>> -> memref<10000x64xf32, #tpu.memory_space<vmem_shared>>
      tpu.enqueue_indirect_dma source(%arg9 : memref<80x64xf32, #tpu.memory_space<vmem>>) target(%dma_start3A_287 : memref<10000x64xf32, #tpu.memory_space<vmem_shared>>) offsets(%dma_start3A_284 : memref<80xi32, #tpu.memory_space<vmem>>) semaphore(%arg22 : memref<!tpu.dma_semaphore, #tpu.memory_space<semaphore_mem>>) {add = true}
      %dma_start3A_288 = arith.constant 0 : i32
      %dma_start3A_289 = tpu.memref_slice %arg8[%add3A_265, %dma_start3A_288] : memref<125x80xi32, #tpu.memory_space<vmem>> -> memref<1x80xi32, #tpu.memory_space<vmem>>
      %dma_start3A_290 = tpu.memref_squeeze %dma_start3A_289 : memref<1x80xi32, #tpu.memory_space<vmem>> -> memref<80xi32, #tpu.memory_space<vmem>>
      %dma_start3A_291 = arith.constant 0 : i32
      %dma_start3A_292 = tpu.memref_slice %arg33[%dma_start3A_291] : memref<10000xf32, #tpu.memory_space<vmem_shared>> -> memref<10000xf32, #tpu.memory_space<vmem_shared>>
      tpu.enqueue_indirect_dma source(%arg29 : memref<80xf32, #tpu.memory_space<vmem>>) target(%dma_start3A_292 : memref<10000xf32, #tpu.memory_space<vmem_shared>>) offsets(%dma_start3A_290 : memref<80xi32, #tpu.memory_space<vmem>>) semaphore(%arg32 : memref<!tpu.dma_semaphore, #tpu.memory_space<semaphore_mem>>) {add = true}
      %mul3A_293 = arith.constant 6 : i32
      %mul3A_294 = arith.muli %mul3A_293, %scan3A_261 : i32
      %add3A_295 = arith.constant 1 : i32
      %add3A_296 = arith.addi %mul3A_294, %add3A_295 : i32
      %gt3A_297 = arith.constant 0 : i32
      %gt3A_298 = arith.cmpi sgt, %scan3A_261, %gt3A_297 : i32
      %convert_element_type3A_299 = arith.extui %gt3A_298 : i1 to i32
      %cond3A_300 = arith.constant 0 : i32
      %cond3A_301 = arith.cmpi ne, %convert_element_type3A_299, %cond3A_300 : i32
      scf.if %cond3A_301 {
        %sub3A_469 = arith.constant 2 : i32
        %sub3A_470 = arith.subi %add3A_296, %sub3A_469 : i32
        %dma_wait3A_471 = arith.constant 0 : i32
        %dma_wait3A_472 = tpu.memref_slice %arg8[%sub3A_470, %dma_wait3A_471] : memref<125x80xi32, #tpu.memory_space<vmem>> -> memref<1x80xi32, #tpu.memory_space<vmem>>
        %dma_wait3A_473 = tpu.memref_squeeze %dma_wait3A_472 : memref<1x80xi32, #tpu.memory_space<vmem>> -> memref<80xi32, #tpu.memory_space<vmem>>
        %dma_wait3A_474 = arith.constant 0 : i32
        %dma_wait3A_475 = arith.constant 0 : i32
        %dma_wait3A_476 = tpu.memref_slice %arg28[%dma_wait3A_474, %dma_wait3A_475] : memref<10000x64xf32, #tpu.memory_space<vmem_shared>> -> memref<10000x64xf32, #tpu.memory_space<vmem_shared>>
        tpu.wait_indirect_dma semaphore(%arg27 : memref<!tpu.dma_semaphore, #tpu.memory_space<semaphore_mem>>) src(%arg14 : memref<80x64xf32, #tpu.memory_space<vmem>>) dst(%dma_wait3A_476 : memref<10000x64xf32, #tpu.memory_space<vmem_shared>>)
      } else {
      }
      %add3A_302 = arith.constant 4 : i32
      %add3A_303 = arith.addi %add3A_296, %add3A_302 : i32
      %lt3A_304 = arith.constant 125 : i32
      %lt3A_305 = arith.cmpi slt, %add3A_303, %lt3A_304 : i32
      %convert_element_type3A_306 = arith.extui %lt3A_305 : i1 to i32
      %cond3A_307 = arith.constant 0 : i32
      %cond3A_308 = arith.cmpi ne, %convert_element_type3A_306, %cond3A_307 : i32
      scf.if %cond3A_308 {
        %add3A_469 = arith.constant 4 : i32
        %add3A_470 = arith.addi %add3A_296, %add3A_469 : i32
        %dma_start3A_471 = arith.constant 0 : i32
        %dma_start3A_472 = tpu.memref_slice %arg7[%add3A_470, %dma_start3A_471] : memref<125x80xi32, #tpu.memory_space<vmem>> -> memref<1x80xi32, #tpu.memory_space<vmem>>
        %dma_start3A_473 = tpu.memref_squeeze %dma_start3A_472 : memref<1x80xi32, #tpu.memory_space<vmem>> -> memref<80xi32, #tpu.memory_space<vmem>>
        %dma_start3A_474 = arith.constant 0 : i32
        %dma_start3A_475 = arith.constant 0 : i32
        %dma_start3A_476 = tpu.memref_slice %arg2[%dma_start3A_474, %dma_start3A_475] : memref<10000x64xf32, #tpu.memory_space<hbm>> -> memref<10000x64xf32, #tpu.memory_space<hbm>>
        tpu.enqueue_indirect_dma source(%dma_start3A_476 : memref<10000x64xf32, #tpu.memory_space<hbm>>) target(%arg14 : memref<80x64xf32, #tpu.memory_space<vmem>>) offsets(%dma_start3A_473 : memref<80xi32, #tpu.memory_space<vmem>>) semaphore(%arg21 : memref<!tpu.dma_semaphore, #tpu.memory_space<semaphore_mem>>)
      } else {
      }
      %dma_wait3A_309 = arith.constant 0 : i32
      %dma_wait3A_310 = tpu.memref_slice %arg7[%add3A_296, %dma_wait3A_309] : memref<125x80xi32, #tpu.memory_space<vmem>> -> memref<1x80xi32, #tpu.memory_space<vmem>>
      %dma_wait3A_311 = tpu.memref_squeeze %dma_wait3A_310 : memref<1x80xi32, #tpu.memory_space<vmem>> -> memref<80xi32, #tpu.memory_space<vmem>>
      %dma_wait3A_312 = arith.constant 0 : i32
      %dma_wait3A_313 = arith.constant 0 : i32
      %dma_wait3A_314 = tpu.memref_slice %arg2[%dma_wait3A_312, %dma_wait3A_313] : memref<10000x64xf32, #tpu.memory_space<hbm>> -> memref<10000x64xf32, #tpu.memory_space<hbm>>
      tpu.wait_indirect_dma semaphore(%arg17 : memref<!tpu.dma_semaphore, #tpu.memory_space<semaphore_mem>>) src(%dma_wait3A_314 : memref<10000x64xf32, #tpu.memory_space<hbm>>) dst(%arg10 : memref<80x64xf32, #tpu.memory_space<vmem>>)
      %dma_start3A_315 = arith.constant 0 : i32
      %dma_start3A_316 = tpu.memref_slice %arg8[%add3A_296, %dma_start3A_315] : memref<125x80xi32, #tpu.memory_space<vmem>> -> memref<1x80xi32, #tpu.memory_space<vmem>>
      %dma_start3A_317 = tpu.memref_squeeze %dma_start3A_316 : memref<1x80xi32, #tpu.memory_space<vmem>> -> memref<80xi32, #tpu.memory_space<vmem>>
      %dma_start3A_318 = arith.constant 0 : i32
      %dma_start3A_319 = arith.constant 0 : i32
      %dma_start3A_320 = tpu.memref_slice %arg28[%dma_start3A_318, %dma_start3A_319] : memref<10000x64xf32, #tpu.memory_space<vmem_shared>> -> memref<10000x64xf32, #tpu.memory_space<vmem_shared>>
      tpu.enqueue_indirect_dma source(%arg10 : memref<80x64xf32, #tpu.memory_space<vmem>>) target(%dma_start3A_320 : memref<10000x64xf32, #tpu.memory_space<vmem_shared>>) offsets(%dma_start3A_317 : memref<80xi32, #tpu.memory_space<vmem>>) semaphore(%arg23 : memref<!tpu.dma_semaphore, #tpu.memory_space<semaphore_mem>>) {add = true}
      %dma_start3A_321 = arith.constant 0 : i32
      %dma_start3A_322 = tpu.memref_slice %arg8[%add3A_296, %dma_start3A_321] : memref<125x80xi32, #tpu.memory_space<vmem>> -> memref<1x80xi32, #tpu.memory_space<vmem>>
      %dma_start3A_323 = tpu.memref_squeeze %dma_start3A_322 : memref<1x80xi32, #tpu.memory_space<vmem>> -> memref<80xi32, #tpu.memory_space<vmem>>
      %dma_start3A_324 = arith.constant 0 : i32
      %dma_start3A_325 = tpu.memref_slice %arg33[%dma_start3A_324] : memref<10000xf32, #tpu.memory_space<vmem_shared>> -> memref<10000xf32, #tpu.memory_space<vmem_shared>>
      tpu.enqueue_indirect_dma source(%arg29 : memref<80xf32, #tpu.memory_space<vmem>>) target(%dma_start3A_325 : memref<10000xf32, #tpu.memory_space<vmem_shared>>) offsets(%dma_start3A_323 : memref<80xi32, #tpu.memory_space<vmem>>) semaphore(%arg32 : memref<!tpu.dma_semaphore, #tpu.memory_space<semaphore_mem>>) {add = true}
      %mul3A_326 = arith.constant 6 : i32
      %mul3A_327 = arith.muli %mul3A_326, %scan3A_261 : i32
      %add3A_328 = arith.constant 2 : i32
      %add3A_329 = arith.addi %mul3A_327, %add3A_328 : i32
      %sub3A = arith.constant 2 : i32
      %sub3A_330 = arith.subi %add3A_329, %sub3A : i32
      %dma_wait3A_331 = arith.constant 0 : i32
      %dma_wait3A_332 = tpu.memref_slice %arg8[%sub3A_330, %dma_wait3A_331] : memref<125x80xi32, #tpu.memory_space<vmem>> -> memref<1x80xi32, #tpu.memory_space<vmem>>
      %dma_wait3A_333 = tpu.memref_squeeze %dma_wait3A_332 : memref<1x80xi32, #tpu.memory_space<vmem>> -> memref<80xi32, #tpu.memory_space<vmem>>
      %dma_wait3A_334 = arith.constant 0 : i32
      %dma_wait3A_335 = arith.constant 0 : i32
      %dma_wait3A_336 = tpu.memref_slice %arg28[%dma_wait3A_334, %dma_wait3A_335] : memref<10000x64xf32, #tpu.memory_space<vmem_shared>> -> memref<10000x64xf32, #tpu.memory_space<vmem_shared>>
      tpu.wait_indirect_dma semaphore(%arg22 : memref<!tpu.dma_semaphore, #tpu.memory_space<semaphore_mem>>) src(%arg9 : memref<80x64xf32, #tpu.memory_space<vmem>>) dst(%dma_wait3A_336 : memref<10000x64xf32, #tpu.memory_space<vmem_shared>>)
      %add3A_337 = arith.constant 4 : i32
      %add3A_338 = arith.addi %add3A_329, %add3A_337 : i32
      %lt3A_339 = arith.constant 125 : i32
      %lt3A_340 = arith.cmpi slt, %add3A_338, %lt3A_339 : i32
      %convert_element_type3A_341 = arith.extui %lt3A_340 : i1 to i32
      %cond3A_342 = arith.constant 0 : i32
      %cond3A_343 = arith.cmpi ne, %convert_element_type3A_341, %cond3A_342 : i32
      scf.if %cond3A_343 {
        %add3A_469 = arith.constant 4 : i32
        %add3A_470 = arith.addi %add3A_329, %add3A_469 : i32
        %dma_start3A_471 = arith.constant 0 : i32
        %dma_start3A_472 = tpu.memref_slice %arg7[%add3A_470, %dma_start3A_471] : memref<125x80xi32, #tpu.memory_space<vmem>> -> memref<1x80xi32, #tpu.memory_space<vmem>>
        %dma_start3A_473 = tpu.memref_squeeze %dma_start3A_472 : memref<1x80xi32, #tpu.memory_space<vmem>> -> memref<80xi32, #tpu.memory_space<vmem>>
        %dma_start3A_474 = arith.constant 0 : i32
        %dma_start3A_475 = arith.constant 0 : i32
        %dma_start3A_476 = tpu.memref_slice %arg2[%dma_start3A_474, %dma_start3A_475] : memref<10000x64xf32, #tpu.memory_space<hbm>> -> memref<10000x64xf32, #tpu.memory_space<hbm>>
        tpu.enqueue_indirect_dma source(%dma_start3A_476 : memref<10000x64xf32, #tpu.memory_space<hbm>>) target(%arg9 : memref<80x64xf32, #tpu.memory_space<vmem>>) offsets(%dma_start3A_473 : memref<80xi32, #tpu.memory_space<vmem>>) semaphore(%arg16 : memref<!tpu.dma_semaphore, #tpu.memory_space<semaphore_mem>>)
      } else {
      }
      %dma_wait3A_344 = arith.constant 0 : i32
      %dma_wait3A_345 = tpu.memref_slice %arg7[%add3A_329, %dma_wait3A_344] : memref<125x80xi32, #tpu.memory_space<vmem>> -> memref<1x80xi32, #tpu.memory_space<vmem>>
      %dma_wait3A_346 = tpu.memref_squeeze %dma_wait3A_345 : memref<1x80xi32, #tpu.memory_space<vmem>> -> memref<80xi32, #tpu.memory_space<vmem>>
      %dma_wait3A_347 = arith.constant 0 : i32
      %dma_wait3A_348 = arith.constant 0 : i32
      %dma_wait3A_349 = tpu.memref_slice %arg2[%dma_wait3A_347, %dma_wait3A_348] : memref<10000x64xf32, #tpu.memory_space<hbm>> -> memref<10000x64xf32, #tpu.memory_space<hbm>>
      tpu.wait_indirect_dma semaphore(%arg18 : memref<!tpu.dma_semaphore, #tpu.memory_space<semaphore_mem>>) src(%dma_wait3A_349 : memref<10000x64xf32, #tpu.memory_space<hbm>>) dst(%arg11 : memref<80x64xf32, #tpu.memory_space<vmem>>)
      %dma_start3A_350 = arith.constant 0 : i32
      %dma_start3A_351 = tpu.memref_slice %arg8[%add3A_329, %dma_start3A_350] : memref<125x80xi32, #tpu.memory_space<vmem>> -> memref<1x80xi32, #tpu.memory_space<vmem>>
      %dma_start3A_352 = tpu.memref_squeeze %dma_start3A_351 : memref<1x80xi32, #tpu.memory_space<vmem>> -> memref<80xi32, #tpu.memory_space<vmem>>
      %dma_start3A_353 = arith.constant 0 : i32
      %dma_start3A_354 = arith.constant 0 : i32
      %dma_start3A_355 = tpu.memref_slice %arg28[%dma_start3A_353, %dma_start3A_354] : memref<10000x64xf32, #tpu.memory_space<vmem_shared>> -> memref<10000x64xf32, #tpu.memory_space<vmem_shared>>
      tpu.enqueue_indirect_dma source(%arg11 : memref<80x64xf32, #tpu.memory_space<vmem>>) target(%dma_start3A_355 : memref<10000x64xf32, #tpu.memory_space<vmem_shared>>) offsets(%dma_start3A_352 : memref<80xi32, #tpu.memory_space<vmem>>) semaphore(%arg24 : memref<!tpu.dma_semaphore, #tpu.memory_space<semaphore_mem>>) {add = true}
      %dma_start3A_356 = arith.constant 0 : i32
      %dma_start3A_357 = tpu.memref_slice %arg8[%add3A_329, %dma_start3A_356] : memref<125x80xi32, #tpu.memory_space<vmem>> -> memref<1x80xi32, #tpu.memory_space<vmem>>
      %dma_start3A_358 = tpu.memref_squeeze %dma_start3A_357 : memref<1x80xi32, #tpu.memory_space<vmem>> -> memref<80xi32, #tpu.memory_space<vmem>>
      %dma_start3A_359 = arith.constant 0 : i32
      %dma_start3A_360 = tpu.memref_slice %arg33[%dma_start3A_359] : memref<10000xf32, #tpu.memory_space<vmem_shared>> -> memref<10000xf32, #tpu.memory_space<vmem_shared>>
      tpu.enqueue_indirect_dma source(%arg29 : memref<80xf32, #tpu.memory_space<vmem>>) target(%dma_start3A_360 : memref<10000xf32, #tpu.memory_space<vmem_shared>>) offsets(%dma_start3A_358 : memref<80xi32, #tpu.memory_space<vmem>>) semaphore(%arg32 : memref<!tpu.dma_semaphore, #tpu.memory_space<semaphore_mem>>) {add = true}
      %mul3A_361 = arith.constant 6 : i32
      %mul3A_362 = arith.muli %mul3A_361, %scan3A_261 : i32
      %add3A_363 = arith.constant 3 : i32
      %add3A_364 = arith.addi %mul3A_362, %add3A_363 : i32
      %sub3A_365 = arith.constant 2 : i32
      %sub3A_366 = arith.subi %add3A_364, %sub3A_365 : i32
      %dma_wait3A_367 = arith.constant 0 : i32
      %dma_wait3A_368 = tpu.memref_slice %arg8[%sub3A_366, %dma_wait3A_367] : memref<125x80xi32, #tpu.memory_space<vmem>> -> memref<1x80xi32, #tpu.memory_space<vmem>>
      %dma_wait3A_369 = tpu.memref_squeeze %dma_wait3A_368 : memref<1x80xi32, #tpu.memory_space<vmem>> -> memref<80xi32, #tpu.memory_space<vmem>>
      %dma_wait3A_370 = arith.constant 0 : i32
      %dma_wait3A_371 = arith.constant 0 : i32
      %dma_wait3A_372 = tpu.memref_slice %arg28[%dma_wait3A_370, %dma_wait3A_371] : memref<10000x64xf32, #tpu.memory_space<vmem_shared>> -> memref<10000x64xf32, #tpu.memory_space<vmem_shared>>
      tpu.wait_indirect_dma semaphore(%arg23 : memref<!tpu.dma_semaphore, #tpu.memory_space<semaphore_mem>>) src(%arg10 : memref<80x64xf32, #tpu.memory_space<vmem>>) dst(%dma_wait3A_372 : memref<10000x64xf32, #tpu.memory_space<vmem_shared>>)
      %add3A_373 = arith.constant 4 : i32
      %add3A_374 = arith.addi %add3A_364, %add3A_373 : i32
      %lt3A_375 = arith.constant 125 : i32
      %lt3A_376 = arith.cmpi slt, %add3A_374, %lt3A_375 : i32
      %convert_element_type3A_377 = arith.extui %lt3A_376 : i1 to i32
      %cond3A_378 = arith.constant 0 : i32
      %cond3A_379 = arith.cmpi ne, %convert_element_type3A_377, %cond3A_378 : i32
      scf.if %cond3A_379 {
        %add3A_469 = arith.constant 4 : i32
        %add3A_470 = arith.addi %add3A_364, %add3A_469 : i32
        %dma_start3A_471 = arith.constant 0 : i32
        %dma_start3A_472 = tpu.memref_slice %arg7[%add3A_470, %dma_start3A_471] : memref<125x80xi32, #tpu.memory_space<vmem>> -> memref<1x80xi32, #tpu.memory_space<vmem>>
        %dma_start3A_473 = tpu.memref_squeeze %dma_start3A_472 : memref<1x80xi32, #tpu.memory_space<vmem>> -> memref<80xi32, #tpu.memory_space<vmem>>
        %dma_start3A_474 = arith.constant 0 : i32
        %dma_start3A_475 = arith.constant 0 : i32
        %dma_start3A_476 = tpu.memref_slice %arg2[%dma_start3A_474, %dma_start3A_475] : memref<10000x64xf32, #tpu.memory_space<hbm>> -> memref<10000x64xf32, #tpu.memory_space<hbm>>
        tpu.enqueue_indirect_dma source(%dma_start3A_476 : memref<10000x64xf32, #tpu.memory_space<hbm>>) target(%arg10 : memref<80x64xf32, #tpu.memory_space<vmem>>) offsets(%dma_start3A_473 : memref<80xi32, #tpu.memory_space<vmem>>) semaphore(%arg17 : memref<!tpu.dma_semaphore, #tpu.memory_space<semaphore_mem>>)
      } else {
      }
      %dma_wait3A_380 = arith.constant 0 : i32
      %dma_wait3A_381 = tpu.memref_slice %arg7[%add3A_364, %dma_wait3A_380] : memref<125x80xi32, #tpu.memory_space<vmem>> -> memref<1x80xi32, #tpu.memory_space<vmem>>
      %dma_wait3A_382 = tpu.memref_squeeze %dma_wait3A_381 : memref<1x80xi32, #tpu.memory_space<vmem>> -> memref<80xi32, #tpu.memory_space<vmem>>
      %dma_wait3A_383 = arith.constant 0 : i32
      %dma_wait3A_384 = arith.constant 0 : i32
      %dma_wait3A_385 = tpu.memref_slice %arg2[%dma_wait3A_383, %dma_wait3A_384] : memref<10000x64xf32, #tpu.memory_space<hbm>> -> memref<10000x64xf32, #tpu.memory_space<hbm>>
      tpu.wait_indirect_dma semaphore(%arg19 : memref<!tpu.dma_semaphore, #tpu.memory_space<semaphore_mem>>) src(%dma_wait3A_385 : memref<10000x64xf32, #tpu.memory_space<hbm>>) dst(%arg12 : memref<80x64xf32, #tpu.memory_space<vmem>>)
      %dma_start3A_386 = arith.constant 0 : i32
      %dma_start3A_387 = tpu.memref_slice %arg8[%add3A_364, %dma_start3A_386] : memref<125x80xi32, #tpu.memory_space<vmem>> -> memref<1x80xi32, #tpu.memory_space<vmem>>
      %dma_start3A_388 = tpu.memref_squeeze %dma_start3A_387 : memref<1x80xi32, #tpu.memory_space<vmem>> -> memref<80xi32, #tpu.memory_space<vmem>>
      %dma_start3A_389 = arith.constant 0 : i32
      %dma_start3A_390 = arith.constant 0 : i32
      %dma_start3A_391 = tpu.memref_slice %arg28[%dma_start3A_389, %dma_start3A_390] : memref<10000x64xf32, #tpu.memory_space<vmem_shared>> -> memref<10000x64xf32, #tpu.memory_space<vmem_shared>>
      tpu.enqueue_indirect_dma source(%arg12 : memref<80x64xf32, #tpu.memory_space<vmem>>) target(%dma_start3A_391 : memref<10000x64xf32, #tpu.memory_space<vmem_shared>>) offsets(%dma_start3A_388 : memref<80xi32, #tpu.memory_space<vmem>>) semaphore(%arg25 : memref<!tpu.dma_semaphore, #tpu.memory_space<semaphore_mem>>) {add = true}
      %dma_start3A_392 = arith.constant 0 : i32
      %dma_start3A_393 = tpu.memref_slice %arg8[%add3A_364, %dma_start3A_392] : memref<125x80xi32, #tpu.memory_space<vmem>> -> memref<1x80xi32, #tpu.memory_space<vmem>>
      %dma_start3A_394 = tpu.memref_squeeze %dma_start3A_393 : memref<1x80xi32, #tpu.memory_space<vmem>> -> memref<80xi32, #tpu.memory_space<vmem>>
      %dma_start3A_395 = arith.constant 0 : i32
      %dma_start3A_396 = tpu.memref_slice %arg33[%dma_start3A_395] : memref<10000xf32, #tpu.memory_space<vmem_shared>> -> memref<10000xf32, #tpu.memory_space<vmem_shared>>
      tpu.enqueue_indirect_dma source(%arg29 : memref<80xf32, #tpu.memory_space<vmem>>) target(%dma_start3A_396 : memref<10000xf32, #tpu.memory_space<vmem_shared>>) offsets(%dma_start3A_394 : memref<80xi32, #tpu.memory_space<vmem>>) semaphore(%arg32 : memref<!tpu.dma_semaphore, #tpu.memory_space<semaphore_mem>>) {add = true}
      %mul3A_397 = arith.constant 6 : i32
      %mul3A_398 = arith.muli %mul3A_397, %scan3A_261 : i32
      %add3A_399 = arith.constant 4 : i32
      %add3A_400 = arith.addi %mul3A_398, %add3A_399 : i32
      %sub3A_401 = arith.constant 2 : i32
      %sub3A_402 = arith.subi %add3A_400, %sub3A_401 : i32
      %dma_wait3A_403 = arith.constant 0 : i32
      %dma_wait3A_404 = tpu.memref_slice %arg8[%sub3A_402, %dma_wait3A_403] : memref<125x80xi32, #tpu.memory_space<vmem>> -> memref<1x80xi32, #tpu.memory_space<vmem>>
      %dma_wait3A_405 = tpu.memref_squeeze %dma_wait3A_404 : memref<1x80xi32, #tpu.memory_space<vmem>> -> memref<80xi32, #tpu.memory_space<vmem>>
      %dma_wait3A_406 = arith.constant 0 : i32
      %dma_wait3A_407 = arith.constant 0 : i32
      %dma_wait3A_408 = tpu.memref_slice %arg28[%dma_wait3A_406, %dma_wait3A_407] : memref<10000x64xf32, #tpu.memory_space<vmem_shared>> -> memref<10000x64xf32, #tpu.memory_space<vmem_shared>>
      tpu.wait_indirect_dma semaphore(%arg24 : memref<!tpu.dma_semaphore, #tpu.memory_space<semaphore_mem>>) src(%arg11 : memref<80x64xf32, #tpu.memory_space<vmem>>) dst(%dma_wait3A_408 : memref<10000x64xf32, #tpu.memory_space<vmem_shared>>)
      %add3A_409 = arith.constant 4 : i32
      %add3A_410 = arith.addi %add3A_400, %add3A_409 : i32
      %lt3A_411 = arith.constant 125 : i32
      %lt3A_412 = arith.cmpi slt, %add3A_410, %lt3A_411 : i32
      %convert_element_type3A_413 = arith.extui %lt3A_412 : i1 to i32
      %cond3A_414 = arith.constant 0 : i32
      %cond3A_415 = arith.cmpi ne, %convert_element_type3A_413, %cond3A_414 : i32
      scf.if %cond3A_415 {
        %add3A_469 = arith.constant 4 : i32
        %add3A_470 = arith.addi %add3A_400, %add3A_469 : i32
        %dma_start3A_471 = arith.constant 0 : i32
        %dma_start3A_472 = tpu.memref_slice %arg7[%add3A_470, %dma_start3A_471] : memref<125x80xi32, #tpu.memory_space<vmem>> -> memref<1x80xi32, #tpu.memory_space<vmem>>
        %dma_start3A_473 = tpu.memref_squeeze %dma_start3A_472 : memref<1x80xi32, #tpu.memory_space<vmem>> -> memref<80xi32, #tpu.memory_space<vmem>>
        %dma_start3A_474 = arith.constant 0 : i32
        %dma_start3A_475 = arith.constant 0 : i32
        %dma_start3A_476 = tpu.memref_slice %arg2[%dma_start3A_474, %dma_start3A_475] : memref<10000x64xf32, #tpu.memory_space<hbm>> -> memref<10000x64xf32, #tpu.memory_space<hbm>>
        tpu.enqueue_indirect_dma source(%dma_start3A_476 : memref<10000x64xf32, #tpu.memory_space<hbm>>) target(%arg11 : memref<80x64xf32, #tpu.memory_space<vmem>>) offsets(%dma_start3A_473 : memref<80xi32, #tpu.memory_space<vmem>>) semaphore(%arg18 : memref<!tpu.dma_semaphore, #tpu.memory_space<semaphore_mem>>)
      } else {
      }
      %dma_wait3A_416 = arith.constant 0 : i32
      %dma_wait3A_417 = tpu.memref_slice %arg7[%add3A_400, %dma_wait3A_416] : memref<125x80xi32, #tpu.memory_space<vmem>> -> memref<1x80xi32, #tpu.memory_space<vmem>>
      %dma_wait3A_418 = tpu.memref_squeeze %dma_wait3A_417 : memref<1x80xi32, #tpu.memory_space<vmem>> -> memref<80xi32, #tpu.memory_space<vmem>>
      %dma_wait3A_419 = arith.constant 0 : i32
      %dma_wait3A_420 = arith.constant 0 : i32
      %dma_wait3A_421 = tpu.memref_slice %arg2[%dma_wait3A_419, %dma_wait3A_420] : memref<10000x64xf32, #tpu.memory_space<hbm>> -> memref<10000x64xf32, #tpu.memory_space<hbm>>
      tpu.wait_indirect_dma semaphore(%arg20 : memref<!tpu.dma_semaphore, #tpu.memory_space<semaphore_mem>>) src(%dma_wait3A_421 : memref<10000x64xf32, #tpu.memory_space<hbm>>) dst(%arg13 : memref<80x64xf32, #tpu.memory_space<vmem>>)
      %dma_start3A_422 = arith.constant 0 : i32
      %dma_start3A_423 = tpu.memref_slice %arg8[%add3A_400, %dma_start3A_422] : memref<125x80xi32, #tpu.memory_space<vmem>> -> memref<1x80xi32, #tpu.memory_space<vmem>>
      %dma_start3A_424 = tpu.memref_squeeze %dma_start3A_423 : memref<1x80xi32, #tpu.memory_space<vmem>> -> memref<80xi32, #tpu.memory_space<vmem>>
      %dma_start3A_425 = arith.constant 0 : i32
      %dma_start3A_426 = arith.constant 0 : i32
      %dma_start3A_427 = tpu.memref_slice %arg28[%dma_start3A_425, %dma_start3A_426] : memref<10000x64xf32, #tpu.memory_space<vmem_shared>> -> memref<10000x64xf32, #tpu.memory_space<vmem_shared>>
      tpu.enqueue_indirect_dma source(%arg13 : memref<80x64xf32, #tpu.memory_space<vmem>>) target(%dma_start3A_427 : memref<10000x64xf32, #tpu.memory_space<vmem_shared>>) offsets(%dma_start3A_424 : memref<80xi32, #tpu.memory_space<vmem>>) semaphore(%arg26 : memref<!tpu.dma_semaphore, #tpu.memory_space<semaphore_mem>>) {add = true}
      %dma_start3A_428 = arith.constant 0 : i32
      %dma_start3A_429 = tpu.memref_slice %arg8[%add3A_400, %dma_start3A_428] : memref<125x80xi32, #tpu.memory_space<vmem>> -> memref<1x80xi32, #tpu.memory_space<vmem>>
      %dma_start3A_430 = tpu.memref_squeeze %dma_start3A_429 : memref<1x80xi32, #tpu.memory_space<vmem>> -> memref<80xi32, #tpu.memory_space<vmem>>
      %dma_start3A_431 = arith.constant 0 : i32
      %dma_start3A_432 = tpu.memref_slice %arg33[%dma_start3A_431] : memref<10000xf32, #tpu.memory_space<vmem_shared>> -> memref<10000xf32, #tpu.memory_space<vmem_shared>>
      tpu.enqueue_indirect_dma source(%arg29 : memref<80xf32, #tpu.memory_space<vmem>>) target(%dma_start3A_432 : memref<10000xf32, #tpu.memory_space<vmem_shared>>) offsets(%dma_start3A_430 : memref<80xi32, #tpu.memory_space<vmem>>) semaphore(%arg32 : memref<!tpu.dma_semaphore, #tpu.memory_space<semaphore_mem>>) {add = true}
      %mul3A_433 = arith.constant 6 : i32
      %mul3A_434 = arith.muli %mul3A_433, %scan3A_261 : i32
      %add3A_435 = arith.constant 5 : i32
      %add3A_436 = arith.addi %mul3A_434, %add3A_435 : i32
      %sub3A_437 = arith.constant 2 : i32
      %sub3A_438 = arith.subi %add3A_436, %sub3A_437 : i32
      %dma_wait3A_439 = arith.constant 0 : i32
      %dma_wait3A_440 = tpu.memref_slice %arg8[%sub3A_438, %dma_wait3A_439] : memref<125x80xi32, #tpu.memory_space<vmem>> -> memref<1x80xi32, #tpu.memory_space<vmem>>
      %dma_wait3A_441 = tpu.memref_squeeze %dma_wait3A_440 : memref<1x80xi32, #tpu.memory_space<vmem>> -> memref<80xi32, #tpu.memory_space<vmem>>
      %dma_wait3A_442 = arith.constant 0 : i32
      %dma_wait3A_443 = arith.constant 0 : i32
      %dma_wait3A_444 = tpu.memref_slice %arg28[%dma_wait3A_442, %dma_wait3A_443] : memref<10000x64xf32, #tpu.memory_space<vmem_shared>> -> memref<10000x64xf32, #tpu.memory_space<vmem_shared>>
      tpu.wait_indirect_dma semaphore(%arg25 : memref<!tpu.dma_semaphore, #tpu.memory_space<semaphore_mem>>) src(%arg12 : memref<80x64xf32, #tpu.memory_space<vmem>>) dst(%dma_wait3A_444 : memref<10000x64xf32, #tpu.memory_space<vmem_shared>>)
      %add3A_445 = arith.constant 4 : i32
      %add3A_446 = arith.addi %add3A_436, %add3A_445 : i32
      %lt3A_447 = arith.constant 125 : i32
      %lt3A_448 = arith.cmpi slt, %add3A_446, %lt3A_447 : i32
      %convert_element_type3A_449 = arith.extui %lt3A_448 : i1 to i32
      %cond3A_450 = arith.constant 0 : i32
      %cond3A_451 = arith.cmpi ne, %convert_element_type3A_449, %cond3A_450 : i32
      scf.if %cond3A_451 {
        %add3A_469 = arith.constant 4 : i32
        %add3A_470 = arith.addi %add3A_436, %add3A_469 : i32
        %dma_start3A_471 = arith.constant 0 : i32
        %dma_start3A_472 = tpu.memref_slice %arg7[%add3A_470, %dma_start3A_471] : memref<125x80xi32, #tpu.memory_space<vmem>> -> memref<1x80xi32, #tpu.memory_space<vmem>>
        %dma_start3A_473 = tpu.memref_squeeze %dma_start3A_472 : memref<1x80xi32, #tpu.memory_space<vmem>> -> memref<80xi32, #tpu.memory_space<vmem>>
        %dma_start3A_474 = arith.constant 0 : i32
        %dma_start3A_475 = arith.constant 0 : i32
        %dma_start3A_476 = tpu.memref_slice %arg2[%dma_start3A_474, %dma_start3A_475] : memref<10000x64xf32, #tpu.memory_space<hbm>> -> memref<10000x64xf32, #tpu.memory_space<hbm>>
        tpu.enqueue_indirect_dma source(%dma_start3A_476 : memref<10000x64xf32, #tpu.memory_space<hbm>>) target(%arg12 : memref<80x64xf32, #tpu.memory_space<vmem>>) offsets(%dma_start3A_473 : memref<80xi32, #tpu.memory_space<vmem>>) semaphore(%arg19 : memref<!tpu.dma_semaphore, #tpu.memory_space<semaphore_mem>>)
      } else {
      }
      %dma_wait3A_452 = arith.constant 0 : i32
      %dma_wait3A_453 = tpu.memref_slice %arg7[%add3A_436, %dma_wait3A_452] : memref<125x80xi32, #tpu.memory_space<vmem>> -> memref<1x80xi32, #tpu.memory_space<vmem>>
      %dma_wait3A_454 = tpu.memref_squeeze %dma_wait3A_453 : memref<1x80xi32, #tpu.memory_space<vmem>> -> memref<80xi32, #tpu.memory_space<vmem>>
      %dma_wait3A_455 = arith.constant 0 : i32
      %dma_wait3A_456 = arith.constant 0 : i32
      %dma_wait3A_457 = tpu.memref_slice %arg2[%dma_wait3A_455, %dma_wait3A_456] : memref<10000x64xf32, #tpu.memory_space<hbm>> -> memref<10000x64xf32, #tpu.memory_space<hbm>>
      tpu.wait_indirect_dma semaphore(%arg21 : memref<!tpu.dma_semaphore, #tpu.memory_space<semaphore_mem>>) src(%dma_wait3A_457 : memref<10000x64xf32, #tpu.memory_space<hbm>>) dst(%arg14 : memref<80x64xf32, #tpu.memory_space<vmem>>)
      %dma_start3A_458 = arith.constant 0 : i32
      %dma_start3A_459 = tpu.memref_slice %arg8[%add3A_436, %dma_start3A_458] : memref<125x80xi32, #tpu.memory_space<vmem>> -> memref<1x80xi32, #tpu.memory_space<vmem>>
      %dma_start3A_460 = tpu.memref_squeeze %dma_start3A_459 : memref<1x80xi32, #tpu.memory_space<vmem>> -> memref<80xi32, #tpu.memory_space<vmem>>
      %dma_start3A_461 = arith.constant 0 : i32
      %dma_start3A_462 = arith.constant 0 : i32
      %dma_start3A_463 = tpu.memref_slice %arg28[%dma_start3A_461, %dma_start3A_462] : memref<10000x64xf32, #tpu.memory_space<vmem_shared>> -> memref<10000x64xf32, #tpu.memory_space<vmem_shared>>
      tpu.enqueue_indirect_dma source(%arg14 : memref<80x64xf32, #tpu.memory_space<vmem>>) target(%dma_start3A_463 : memref<10000x64xf32, #tpu.memory_space<vmem_shared>>) offsets(%dma_start3A_460 : memref<80xi32, #tpu.memory_space<vmem>>) semaphore(%arg27 : memref<!tpu.dma_semaphore, #tpu.memory_space<semaphore_mem>>) {add = true}
      %dma_start3A_464 = arith.constant 0 : i32
      %dma_start3A_465 = tpu.memref_slice %arg8[%add3A_436, %dma_start3A_464] : memref<125x80xi32, #tpu.memory_space<vmem>> -> memref<1x80xi32, #tpu.memory_space<vmem>>
      %dma_start3A_466 = tpu.memref_squeeze %dma_start3A_465 : memref<1x80xi32, #tpu.memory_space<vmem>> -> memref<80xi32, #tpu.memory_space<vmem>>
      %dma_start3A_467 = arith.constant 0 : i32
      %dma_start3A_468 = tpu.memref_slice %arg33[%dma_start3A_467] : memref<10000xf32, #tpu.memory_space<vmem_shared>> -> memref<10000xf32, #tpu.memory_space<vmem_shared>>
      tpu.enqueue_indirect_dma source(%arg29 : memref<80xf32, #tpu.memory_space<vmem>>) target(%dma_start3A_468 : memref<10000xf32, #tpu.memory_space<vmem_shared>>) offsets(%dma_start3A_466 : memref<80xi32, #tpu.memory_space<vmem>>) semaphore(%arg32 : memref<!tpu.dma_semaphore, #tpu.memory_space<semaphore_mem>>) {add = true}
    }
    %scan3A_65 = arith.constant 20 : i32
    %dma_wait3A = arith.constant 118 : i32
    %dma_wait3A_66 = arith.constant 0 : i32
    %dma_wait3A_67 = tpu.memref_slice %arg8[%dma_wait3A, %dma_wait3A_66] : memref<125x80xi32, #tpu.memory_space<vmem>> -> memref<1x80xi32, #tpu.memory_space<vmem>>
    %dma_wait3A_68 = tpu.memref_squeeze %dma_wait3A_67 : memref<1x80xi32, #tpu.memory_space<vmem>> -> memref<80xi32, #tpu.memory_space<vmem>>
    %dma_wait3A_69 = arith.constant 0 : i32
    %dma_wait3A_70 = arith.constant 0 : i32
    %dma_wait3A_71 = tpu.memref_slice %arg28[%dma_wait3A_69, %dma_wait3A_70] : memref<10000x64xf32, #tpu.memory_space<vmem_shared>> -> memref<10000x64xf32, #tpu.memory_space<vmem_shared>>
    tpu.wait_indirect_dma semaphore(%arg26 : memref<!tpu.dma_semaphore, #tpu.memory_space<semaphore_mem>>) src(%arg13 : memref<80x64xf32, #tpu.memory_space<vmem>>) dst(%dma_wait3A_71 : memref<10000x64xf32, #tpu.memory_space<vmem_shared>>)
    %dma_start3A_72 = arith.constant 124 : i32
    %dma_start3A_73 = arith.constant 0 : i32
    %dma_start3A_74 = tpu.memref_slice %arg7[%dma_start3A_72, %dma_start3A_73] : memref<125x80xi32, #tpu.memory_space<vmem>> -> memref<1x80xi32, #tpu.memory_space<vmem>>
    %dma_start3A_75 = tpu.memref_squeeze %dma_start3A_74 : memref<1x80xi32, #tpu.memory_space<vmem>> -> memref<80xi32, #tpu.memory_space<vmem>>
    %dma_start3A_76 = arith.constant 0 : i32
    %dma_start3A_77 = arith.constant 0 : i32
    %dma_start3A_78 = tpu.memref_slice %arg2[%dma_start3A_76, %dma_start3A_77] : memref<10000x64xf32, #tpu.memory_space<hbm>> -> memref<10000x64xf32, #tpu.memory_space<hbm>>
    tpu.enqueue_indirect_dma source(%dma_start3A_78 : memref<10000x64xf32, #tpu.memory_space<hbm>>) target(%arg13 : memref<80x64xf32, #tpu.memory_space<vmem>>) offsets(%dma_start3A_75 : memref<80xi32, #tpu.memory_space<vmem>>) semaphore(%arg20 : memref<!tpu.dma_semaphore, #tpu.memory_space<semaphore_mem>>)
    %dma_wait3A_79 = arith.constant 120 : i32
    %dma_wait3A_80 = arith.constant 0 : i32
    %dma_wait3A_81 = tpu.memref_slice %arg7[%dma_wait3A_79, %dma_wait3A_80] : memref<125x80xi32, #tpu.memory_space<vmem>> -> memref<1x80xi32, #tpu.memory_space<vmem>>
    %dma_wait3A_82 = tpu.memref_squeeze %dma_wait3A_81 : memref<1x80xi32, #tpu.memory_space<vmem>> -> memref<80xi32, #tpu.memory_space<vmem>>
    %dma_wait3A_83 = arith.constant 0 : i32
    %dma_wait3A_84 = arith.constant 0 : i32
    %dma_wait3A_85 = tpu.memref_slice %arg2[%dma_wait3A_83, %dma_wait3A_84] : memref<10000x64xf32, #tpu.memory_space<hbm>> -> memref<10000x64xf32, #tpu.memory_space<hbm>>
    tpu.wait_indirect_dma semaphore(%arg16 : memref<!tpu.dma_semaphore, #tpu.memory_space<semaphore_mem>>) src(%dma_wait3A_85 : memref<10000x64xf32, #tpu.memory_space<hbm>>) dst(%arg9 : memref<80x64xf32, #tpu.memory_space<vmem>>)
    %dma_start3A_86 = arith.constant 120 : i32
    %dma_start3A_87 = arith.constant 0 : i32
    %dma_start3A_88 = tpu.memref_slice %arg8[%dma_start3A_86, %dma_start3A_87] : memref<125x80xi32, #tpu.memory_space<vmem>> -> memref<1x80xi32, #tpu.memory_space<vmem>>
    %dma_start3A_89 = tpu.memref_squeeze %dma_start3A_88 : memref<1x80xi32, #tpu.memory_space<vmem>> -> memref<80xi32, #tpu.memory_space<vmem>>
    %dma_start3A_90 = arith.constant 0 : i32
    %dma_start3A_91 = arith.constant 0 : i32
    %dma_start3A_92 = tpu.memref_slice %arg28[%dma_start3A_90, %dma_start3A_91] : memref<10000x64xf32, #tpu.memory_space<vmem_shared>> -> memref<10000x64xf32, #tpu.memory_space<vmem_shared>>
    tpu.enqueue_indirect_dma source(%arg9 : memref<80x64xf32, #tpu.memory_space<vmem>>) target(%dma_start3A_92 : memref<10000x64xf32, #tpu.memory_space<vmem_shared>>) offsets(%dma_start3A_89 : memref<80xi32, #tpu.memory_space<vmem>>) semaphore(%arg22 : memref<!tpu.dma_semaphore, #tpu.memory_space<semaphore_mem>>) {add = true}
    %dma_start3A_93 = arith.constant 120 : i32
    %dma_start3A_94 = arith.constant 0 : i32
    %dma_start3A_95 = tpu.memref_slice %arg8[%dma_start3A_93, %dma_start3A_94] : memref<125x80xi32, #tpu.memory_space<vmem>> -> memref<1x80xi32, #tpu.memory_space<vmem>>
    %dma_start3A_96 = tpu.memref_squeeze %dma_start3A_95 : memref<1x80xi32, #tpu.memory_space<vmem>> -> memref<80xi32, #tpu.memory_space<vmem>>
    %dma_start3A_97 = arith.constant 0 : i32
    %dma_start3A_98 = tpu.memref_slice %arg33[%dma_start3A_97] : memref<10000xf32, #tpu.memory_space<vmem_shared>> -> memref<10000xf32, #tpu.memory_space<vmem_shared>>
    tpu.enqueue_indirect_dma source(%arg29 : memref<80xf32, #tpu.memory_space<vmem>>) target(%dma_start3A_98 : memref<10000xf32, #tpu.memory_space<vmem_shared>>) offsets(%dma_start3A_96 : memref<80xi32, #tpu.memory_space<vmem>>) semaphore(%arg32 : memref<!tpu.dma_semaphore, #tpu.memory_space<semaphore_mem>>) {add = true}
    %dma_wait3A_99 = arith.constant 119 : i32
    %dma_wait3A_100 = arith.constant 0 : i32
    %dma_wait3A_101 = tpu.memref_slice %arg8[%dma_wait3A_99, %dma_wait3A_100] : memref<125x80xi32, #tpu.memory_space<vmem>> -> memref<1x80xi32, #tpu.memory_space<vmem>>
    %dma_wait3A_102 = tpu.memref_squeeze %dma_wait3A_101 : memref<1x80xi32, #tpu.memory_space<vmem>> -> memref<80xi32, #tpu.memory_space<vmem>>
    %dma_wait3A_103 = arith.constant 0 : i32
    %dma_wait3A_104 = arith.constant 0 : i32
    %dma_wait3A_105 = tpu.memref_slice %arg28[%dma_wait3A_103, %dma_wait3A_104] : memref<10000x64xf32, #tpu.memory_space<vmem_shared>> -> memref<10000x64xf32, #tpu.memory_space<vmem_shared>>
    tpu.wait_indirect_dma semaphore(%arg27 : memref<!tpu.dma_semaphore, #tpu.memory_space<semaphore_mem>>) src(%arg14 : memref<80x64xf32, #tpu.memory_space<vmem>>) dst(%dma_wait3A_105 : memref<10000x64xf32, #tpu.memory_space<vmem_shared>>)
    %dma_wait3A_106 = arith.constant 121 : i32
    %dma_wait3A_107 = arith.constant 0 : i32
    %dma_wait3A_108 = tpu.memref_slice %arg7[%dma_wait3A_106, %dma_wait3A_107] : memref<125x80xi32, #tpu.memory_space<vmem>> -> memref<1x80xi32, #tpu.memory_space<vmem>>
    %dma_wait3A_109 = tpu.memref_squeeze %dma_wait3A_108 : memref<1x80xi32, #tpu.memory_space<vmem>> -> memref<80xi32, #tpu.memory_space<vmem>>
    %dma_wait3A_110 = arith.constant 0 : i32
    %dma_wait3A_111 = arith.constant 0 : i32
    %dma_wait3A_112 = tpu.memref_slice %arg2[%dma_wait3A_110, %dma_wait3A_111] : memref<10000x64xf32, #tpu.memory_space<hbm>> -> memref<10000x64xf32, #tpu.memory_space<hbm>>
    tpu.wait_indirect_dma semaphore(%arg17 : memref<!tpu.dma_semaphore, #tpu.memory_space<semaphore_mem>>) src(%dma_wait3A_112 : memref<10000x64xf32, #tpu.memory_space<hbm>>) dst(%arg10 : memref<80x64xf32, #tpu.memory_space<vmem>>)
    %dma_start3A_113 = arith.constant 121 : i32
    %dma_start3A_114 = arith.constant 0 : i32
    %dma_start3A_115 = tpu.memref_slice %arg8[%dma_start3A_113, %dma_start3A_114] : memref<125x80xi32, #tpu.memory_space<vmem>> -> memref<1x80xi32, #tpu.memory_space<vmem>>
    %dma_start3A_116 = tpu.memref_squeeze %dma_start3A_115 : memref<1x80xi32, #tpu.memory_space<vmem>> -> memref<80xi32, #tpu.memory_space<vmem>>
    %dma_start3A_117 = arith.constant 0 : i32
    %dma_start3A_118 = arith.constant 0 : i32
    %dma_start3A_119 = tpu.memref_slice %arg28[%dma_start3A_117, %dma_start3A_118] : memref<10000x64xf32, #tpu.memory_space<vmem_shared>> -> memref<10000x64xf32, #tpu.memory_space<vmem_shared>>
    tpu.enqueue_indirect_dma source(%arg10 : memref<80x64xf32, #tpu.memory_space<vmem>>) target(%dma_start3A_119 : memref<10000x64xf32, #tpu.memory_space<vmem_shared>>) offsets(%dma_start3A_116 : memref<80xi32, #tpu.memory_space<vmem>>) semaphore(%arg23 : memref<!tpu.dma_semaphore, #tpu.memory_space<semaphore_mem>>) {add = true}
    %dma_start3A_120 = arith.constant 121 : i32
    %dma_start3A_121 = arith.constant 0 : i32
    %dma_start3A_122 = tpu.memref_slice %arg8[%dma_start3A_120, %dma_start3A_121] : memref<125x80xi32, #tpu.memory_space<vmem>> -> memref<1x80xi32, #tpu.memory_space<vmem>>
    %dma_start3A_123 = tpu.memref_squeeze %dma_start3A_122 : memref<1x80xi32, #tpu.memory_space<vmem>> -> memref<80xi32, #tpu.memory_space<vmem>>
    %dma_start3A_124 = arith.constant 0 : i32
    %dma_start3A_125 = tpu.memref_slice %arg33[%dma_start3A_124] : memref<10000xf32, #tpu.memory_space<vmem_shared>> -> memref<10000xf32, #tpu.memory_space<vmem_shared>>
    tpu.enqueue_indirect_dma source(%arg29 : memref<80xf32, #tpu.memory_space<vmem>>) target(%dma_start3A_125 : memref<10000xf32, #tpu.memory_space<vmem_shared>>) offsets(%dma_start3A_123 : memref<80xi32, #tpu.memory_space<vmem>>) semaphore(%arg32 : memref<!tpu.dma_semaphore, #tpu.memory_space<semaphore_mem>>) {add = true}
    %dma_wait3A_126 = arith.constant 120 : i32
    %dma_wait3A_127 = arith.constant 0 : i32
    %dma_wait3A_128 = tpu.memref_slice %arg8[%dma_wait3A_126, %dma_wait3A_127] : memref<125x80xi32, #tpu.memory_space<vmem>> -> memref<1x80xi32, #tpu.memory_space<vmem>>
    %dma_wait3A_129 = tpu.memref_squeeze %dma_wait3A_128 : memref<1x80xi32, #tpu.memory_space<vmem>> -> memref<80xi32, #tpu.memory_space<vmem>>
    %dma_wait3A_130 = arith.constant 0 : i32
    %dma_wait3A_131 = arith.constant 0 : i32
    %dma_wait3A_132 = tpu.memref_slice %arg28[%dma_wait3A_130, %dma_wait3A_131] : memref<10000x64xf32, #tpu.memory_space<vmem_shared>> -> memref<10000x64xf32, #tpu.memory_space<vmem_shared>>
    tpu.wait_indirect_dma semaphore(%arg22 : memref<!tpu.dma_semaphore, #tpu.memory_space<semaphore_mem>>) src(%arg9 : memref<80x64xf32, #tpu.memory_space<vmem>>) dst(%dma_wait3A_132 : memref<10000x64xf32, #tpu.memory_space<vmem_shared>>)
    %dma_wait3A_133 = arith.constant 122 : i32
    %dma_wait3A_134 = arith.constant 0 : i32
    %dma_wait3A_135 = tpu.memref_slice %arg7[%dma_wait3A_133, %dma_wait3A_134] : memref<125x80xi32, #tpu.memory_space<vmem>> -> memref<1x80xi32, #tpu.memory_space<vmem>>
    %dma_wait3A_136 = tpu.memref_squeeze %dma_wait3A_135 : memref<1x80xi32, #tpu.memory_space<vmem>> -> memref<80xi32, #tpu.memory_space<vmem>>
    %dma_wait3A_137 = arith.constant 0 : i32
    %dma_wait3A_138 = arith.constant 0 : i32
    %dma_wait3A_139 = tpu.memref_slice %arg2[%dma_wait3A_137, %dma_wait3A_138] : memref<10000x64xf32, #tpu.memory_space<hbm>> -> memref<10000x64xf32, #tpu.memory_space<hbm>>
    tpu.wait_indirect_dma semaphore(%arg18 : memref<!tpu.dma_semaphore, #tpu.memory_space<semaphore_mem>>) src(%dma_wait3A_139 : memref<10000x64xf32, #tpu.memory_space<hbm>>) dst(%arg11 : memref<80x64xf32, #tpu.memory_space<vmem>>)
    %dma_start3A_140 = arith.constant 122 : i32
    %dma_start3A_141 = arith.constant 0 : i32
    %dma_start3A_142 = tpu.memref_slice %arg8[%dma_start3A_140, %dma_start3A_141] : memref<125x80xi32, #tpu.memory_space<vmem>> -> memref<1x80xi32, #tpu.memory_space<vmem>>
    %dma_start3A_143 = tpu.memref_squeeze %dma_start3A_142 : memref<1x80xi32, #tpu.memory_space<vmem>> -> memref<80xi32, #tpu.memory_space<vmem>>
    %dma_start3A_144 = arith.constant 0 : i32
    %dma_start3A_145 = arith.constant 0 : i32
    %dma_start3A_146 = tpu.memref_slice %arg28[%dma_start3A_144, %dma_start3A_145] : memref<10000x64xf32, #tpu.memory_space<vmem_shared>> -> memref<10000x64xf32, #tpu.memory_space<vmem_shared>>
    tpu.enqueue_indirect_dma source(%arg11 : memref<80x64xf32, #tpu.memory_space<vmem>>) target(%dma_start3A_146 : memref<10000x64xf32, #tpu.memory_space<vmem_shared>>) offsets(%dma_start3A_143 : memref<80xi32, #tpu.memory_space<vmem>>) semaphore(%arg24 : memref<!tpu.dma_semaphore, #tpu.memory_space<semaphore_mem>>) {add = true}
    %dma_start3A_147 = arith.constant 122 : i32
    %dma_start3A_148 = arith.constant 0 : i32
    %dma_start3A_149 = tpu.memref_slice %arg8[%dma_start3A_147, %dma_start3A_148] : memref<125x80xi32, #tpu.memory_space<vmem>> -> memref<1x80xi32, #tpu.memory_space<vmem>>
    %dma_start3A_150 = tpu.memref_squeeze %dma_start3A_149 : memref<1x80xi32, #tpu.memory_space<vmem>> -> memref<80xi32, #tpu.memory_space<vmem>>
    %dma_start3A_151 = arith.constant 0 : i32
    %dma_start3A_152 = tpu.memref_slice %arg33[%dma_start3A_151] : memref<10000xf32, #tpu.memory_space<vmem_shared>> -> memref<10000xf32, #tpu.memory_space<vmem_shared>>
    tpu.enqueue_indirect_dma source(%arg29 : memref<80xf32, #tpu.memory_space<vmem>>) target(%dma_start3A_152 : memref<10000xf32, #tpu.memory_space<vmem_shared>>) offsets(%dma_start3A_150 : memref<80xi32, #tpu.memory_space<vmem>>) semaphore(%arg32 : memref<!tpu.dma_semaphore, #tpu.memory_space<semaphore_mem>>) {add = true}
    %dma_wait3A_153 = arith.constant 121 : i32
    %dma_wait3A_154 = arith.constant 0 : i32
    %dma_wait3A_155 = tpu.memref_slice %arg8[%dma_wait3A_153, %dma_wait3A_154] : memref<125x80xi32, #tpu.memory_space<vmem>> -> memref<1x80xi32, #tpu.memory_space<vmem>>
    %dma_wait3A_156 = tpu.memref_squeeze %dma_wait3A_155 : memref<1x80xi32, #tpu.memory_space<vmem>> -> memref<80xi32, #tpu.memory_space<vmem>>
    %dma_wait3A_157 = arith.constant 0 : i32
    %dma_wait3A_158 = arith.constant 0 : i32
    %dma_wait3A_159 = tpu.memref_slice %arg28[%dma_wait3A_157, %dma_wait3A_158] : memref<10000x64xf32, #tpu.memory_space<vmem_shared>> -> memref<10000x64xf32, #tpu.memory_space<vmem_shared>>
    tpu.wait_indirect_dma semaphore(%arg23 : memref<!tpu.dma_semaphore, #tpu.memory_space<semaphore_mem>>) src(%arg10 : memref<80x64xf32, #tpu.memory_space<vmem>>) dst(%dma_wait3A_159 : memref<10000x64xf32, #tpu.memory_space<vmem_shared>>)
    %dma_wait3A_160 = arith.constant 123 : i32
    %dma_wait3A_161 = arith.constant 0 : i32
    %dma_wait3A_162 = tpu.memref_slice %arg7[%dma_wait3A_160, %dma_wait3A_161] : memref<125x80xi32, #tpu.memory_space<vmem>> -> memref<1x80xi32, #tpu.memory_space<vmem>>
    %dma_wait3A_163 = tpu.memref_squeeze %dma_wait3A_162 : memref<1x80xi32, #tpu.memory_space<vmem>> -> memref<80xi32, #tpu.memory_space<vmem>>
    %dma_wait3A_164 = arith.constant 0 : i32
    %dma_wait3A_165 = arith.constant 0 : i32
    %dma_wait3A_166 = tpu.memref_slice %arg2[%dma_wait3A_164, %dma_wait3A_165] : memref<10000x64xf32, #tpu.memory_space<hbm>> -> memref<10000x64xf32, #tpu.memory_space<hbm>>
    tpu.wait_indirect_dma semaphore(%arg19 : memref<!tpu.dma_semaphore, #tpu.memory_space<semaphore_mem>>) src(%dma_wait3A_166 : memref<10000x64xf32, #tpu.memory_space<hbm>>) dst(%arg12 : memref<80x64xf32, #tpu.memory_space<vmem>>)
    %dma_start3A_167 = arith.constant 123 : i32
    %dma_start3A_168 = arith.constant 0 : i32
    %dma_start3A_169 = tpu.memref_slice %arg8[%dma_start3A_167, %dma_start3A_168] : memref<125x80xi32, #tpu.memory_space<vmem>> -> memref<1x80xi32, #tpu.memory_space<vmem>>
    %dma_start3A_170 = tpu.memref_squeeze %dma_start3A_169 : memref<1x80xi32, #tpu.memory_space<vmem>> -> memref<80xi32, #tpu.memory_space<vmem>>
    %dma_start3A_171 = arith.constant 0 : i32
    %dma_start3A_172 = arith.constant 0 : i32
    %dma_start3A_173 = tpu.memref_slice %arg28[%dma_start3A_171, %dma_start3A_172] : memref<10000x64xf32, #tpu.memory_space<vmem_shared>> -> memref<10000x64xf32, #tpu.memory_space<vmem_shared>>
    tpu.enqueue_indirect_dma source(%arg12 : memref<80x64xf32, #tpu.memory_space<vmem>>) target(%dma_start3A_173 : memref<10000x64xf32, #tpu.memory_space<vmem_shared>>) offsets(%dma_start3A_170 : memref<80xi32, #tpu.memory_space<vmem>>) semaphore(%arg25 : memref<!tpu.dma_semaphore, #tpu.memory_space<semaphore_mem>>) {add = true}
    %dma_start3A_174 = arith.constant 123 : i32
    %dma_start3A_175 = arith.constant 0 : i32
    %dma_start3A_176 = tpu.memref_slice %arg8[%dma_start3A_174, %dma_start3A_175] : memref<125x80xi32, #tpu.memory_space<vmem>> -> memref<1x80xi32, #tpu.memory_space<vmem>>
    %dma_start3A_177 = tpu.memref_squeeze %dma_start3A_176 : memref<1x80xi32, #tpu.memory_space<vmem>> -> memref<80xi32, #tpu.memory_space<vmem>>
    %dma_start3A_178 = arith.constant 0 : i32
    %dma_start3A_179 = tpu.memref_slice %arg33[%dma_start3A_178] : memref<10000xf32, #tpu.memory_space<vmem_shared>> -> memref<10000xf32, #tpu.memory_space<vmem_shared>>
    tpu.enqueue_indirect_dma source(%arg29 : memref<80xf32, #tpu.memory_space<vmem>>) target(%dma_start3A_179 : memref<10000xf32, #tpu.memory_space<vmem_shared>>) offsets(%dma_start3A_177 : memref<80xi32, #tpu.memory_space<vmem>>) semaphore(%arg32 : memref<!tpu.dma_semaphore, #tpu.memory_space<semaphore_mem>>) {add = true}
    %dma_wait3A_180 = arith.constant 122 : i32
    %dma_wait3A_181 = arith.constant 0 : i32
    %dma_wait3A_182 = tpu.memref_slice %arg8[%dma_wait3A_180, %dma_wait3A_181] : memref<125x80xi32, #tpu.memory_space<vmem>> -> memref<1x80xi32, #tpu.memory_space<vmem>>
    %dma_wait3A_183 = tpu.memref_squeeze %dma_wait3A_182 : memref<1x80xi32, #tpu.memory_space<vmem>> -> memref<80xi32, #tpu.memory_space<vmem>>
    %dma_wait3A_184 = arith.constant 0 : i32
    %dma_wait3A_185 = arith.constant 0 : i32
    %dma_wait3A_186 = tpu.memref_slice %arg28[%dma_wait3A_184, %dma_wait3A_185] : memref<10000x64xf32, #tpu.memory_space<vmem_shared>> -> memref<10000x64xf32, #tpu.memory_space<vmem_shared>>
    tpu.wait_indirect_dma semaphore(%arg24 : memref<!tpu.dma_semaphore, #tpu.memory_space<semaphore_mem>>) src(%arg11 : memref<80x64xf32, #tpu.memory_space<vmem>>) dst(%dma_wait3A_186 : memref<10000x64xf32, #tpu.memory_space<vmem_shared>>)
    %dma_wait3A_187 = arith.constant 124 : i32
    %dma_wait3A_188 = arith.constant 0 : i32
    %dma_wait3A_189 = tpu.memref_slice %arg7[%dma_wait3A_187, %dma_wait3A_188] : memref<125x80xi32, #tpu.memory_space<vmem>> -> memref<1x80xi32, #tpu.memory_space<vmem>>
    %dma_wait3A_190 = tpu.memref_squeeze %dma_wait3A_189 : memref<1x80xi32, #tpu.memory_space<vmem>> -> memref<80xi32, #tpu.memory_space<vmem>>
    %dma_wait3A_191 = arith.constant 0 : i32
    %dma_wait3A_192 = arith.constant 0 : i32
    %dma_wait3A_193 = tpu.memref_slice %arg2[%dma_wait3A_191, %dma_wait3A_192] : memref<10000x64xf32, #tpu.memory_space<hbm>> -> memref<10000x64xf32, #tpu.memory_space<hbm>>
    tpu.wait_indirect_dma semaphore(%arg20 : memref<!tpu.dma_semaphore, #tpu.memory_space<semaphore_mem>>) src(%dma_wait3A_193 : memref<10000x64xf32, #tpu.memory_space<hbm>>) dst(%arg13 : memref<80x64xf32, #tpu.memory_space<vmem>>)
    %dma_start3A_194 = arith.constant 124 : i32
    %dma_start3A_195 = arith.constant 0 : i32
    %dma_start3A_196 = tpu.memref_slice %arg8[%dma_start3A_194, %dma_start3A_195] : memref<125x80xi32, #tpu.memory_space<vmem>> -> memref<1x80xi32, #tpu.memory_space<vmem>>
    %dma_start3A_197 = tpu.memref_squeeze %dma_start3A_196 : memref<1x80xi32, #tpu.memory_space<vmem>> -> memref<80xi32, #tpu.memory_space<vmem>>
    %dma_start3A_198 = arith.constant 0 : i32
    %dma_start3A_199 = arith.constant 0 : i32
    %dma_start3A_200 = tpu.memref_slice %arg28[%dma_start3A_198, %dma_start3A_199] : memref<10000x64xf32, #tpu.memory_space<vmem_shared>> -> memref<10000x64xf32, #tpu.memory_space<vmem_shared>>
    tpu.enqueue_indirect_dma source(%arg13 : memref<80x64xf32, #tpu.memory_space<vmem>>) target(%dma_start3A_200 : memref<10000x64xf32, #tpu.memory_space<vmem_shared>>) offsets(%dma_start3A_197 : memref<80xi32, #tpu.memory_space<vmem>>) semaphore(%arg26 : memref<!tpu.dma_semaphore, #tpu.memory_space<semaphore_mem>>) {add = true}
    %dma_start3A_201 = arith.constant 124 : i32
    %dma_start3A_202 = arith.constant 0 : i32
    %dma_start3A_203 = tpu.memref_slice %arg8[%dma_start3A_201, %dma_start3A_202] : memref<125x80xi32, #tpu.memory_space<vmem>> -> memref<1x80xi32, #tpu.memory_space<vmem>>
    %dma_start3A_204 = tpu.memref_squeeze %dma_start3A_203 : memref<1x80xi32, #tpu.memory_space<vmem>> -> memref<80xi32, #tpu.memory_space<vmem>>
    %dma_start3A_205 = arith.constant 0 : i32
    %dma_start3A_206 = tpu.memref_slice %arg33[%dma_start3A_205] : memref<10000xf32, #tpu.memory_space<vmem_shared>> -> memref<10000xf32, #tpu.memory_space<vmem_shared>>
    tpu.enqueue_indirect_dma source(%arg29 : memref<80xf32, #tpu.memory_space<vmem>>) target(%dma_start3A_206 : memref<10000xf32, #tpu.memory_space<vmem_shared>>) offsets(%dma_start3A_204 : memref<80xi32, #tpu.memory_space<vmem>>) semaphore(%arg32 : memref<!tpu.dma_semaphore, #tpu.memory_space<semaphore_mem>>) {add = true}
    %dma_wait3A_207 = arith.constant 123 : i32
    %dma_wait3A_208 = arith.constant 0 : i32
    %dma_wait3A_209 = tpu.memref_slice %arg8[%dma_wait3A_207, %dma_wait3A_208] : memref<125x80xi32, #tpu.memory_space<vmem>> -> memref<1x80xi32, #tpu.memory_space<vmem>>
    %dma_wait3A_210 = tpu.memref_squeeze %dma_wait3A_209 : memref<1x80xi32, #tpu.memory_space<vmem>> -> memref<80xi32, #tpu.memory_space<vmem>>
    %dma_wait3A_211 = arith.constant 0 : i32
    %dma_wait3A_212 = arith.constant 0 : i32
    %dma_wait3A_213 = tpu.memref_slice %arg28[%dma_wait3A_211, %dma_wait3A_212] : memref<10000x64xf32, #tpu.memory_space<vmem_shared>> -> memref<10000x64xf32, #tpu.memory_space<vmem_shared>>
    tpu.wait_indirect_dma semaphore(%arg25 : memref<!tpu.dma_semaphore, #tpu.memory_space<semaphore_mem>>) src(%arg12 : memref<80x64xf32, #tpu.memory_space<vmem>>) dst(%dma_wait3A_213 : memref<10000x64xf32, #tpu.memory_space<vmem_shared>>)
    %dma_wait3A_214 = arith.constant 124 : i32
    %dma_wait3A_215 = arith.constant 0 : i32
    %dma_wait3A_216 = tpu.memref_slice %arg8[%dma_wait3A_214, %dma_wait3A_215] : memref<125x80xi32, #tpu.memory_space<vmem>> -> memref<1x80xi32, #tpu.memory_space<vmem>>
    %dma_wait3A_217 = tpu.memref_squeeze %dma_wait3A_216 : memref<1x80xi32, #tpu.memory_space<vmem>> -> memref<80xi32, #tpu.memory_space<vmem>>
    %dma_wait3A_218 = arith.constant 0 : i32
    %dma_wait3A_219 = arith.constant 0 : i32
    %dma_wait3A_220 = tpu.memref_slice %arg28[%dma_wait3A_218, %dma_wait3A_219] : memref<10000x64xf32, #tpu.memory_space<vmem_shared>> -> memref<10000x64xf32, #tpu.memory_space<vmem_shared>>
    tpu.wait_indirect_dma semaphore(%arg26 : memref<!tpu.dma_semaphore, #tpu.memory_space<semaphore_mem>>) src(%arg13 : memref<80x64xf32, #tpu.memory_space<vmem>>) dst(%dma_wait3A_220 : memref<10000x64xf32, #tpu.memory_space<vmem_shared>>)
    %scan3A_221 = arith.constant 0 : i32
    %scan3A_222 = arith.constant 0 : i32
    %scan3A_223 = arith.constant 125 : i32
    %scan3A_224 = arith.addi %scan3A_222, %scan3A_223 : i32
    %scan3A_225 = arith.constant 1 : i32
    scf.for %scan3A_261 = %scan3A_222 to %scan3A_224 step %scan3A_225  : i32 {
      %dma_wait3A_262 = arith.constant 0 : i32
      %dma_wait3A_263 = arith.constant 0 : i32
      %dma_wait3A_264 = tpu.memref_slice %arg8[%dma_wait3A_262, %dma_wait3A_263] : memref<125x80xi32, #tpu.memory_space<vmem>> -> memref<1x80xi32, #tpu.memory_space<vmem>>
      %dma_wait3A_265 = tpu.memref_squeeze %dma_wait3A_264 : memref<1x80xi32, #tpu.memory_space<vmem>> -> memref<80xi32, #tpu.memory_space<vmem>>
      %dma_wait3A_266 = arith.constant 0 : i32
      %dma_wait3A_267 = tpu.memref_slice %arg33[%dma_wait3A_266] : memref<10000xf32, #tpu.memory_space<vmem_shared>> -> memref<10000xf32, #tpu.memory_space<vmem_shared>>
      tpu.wait_indirect_dma semaphore(%arg32 : memref<!tpu.dma_semaphore, #tpu.memory_space<semaphore_mem>>) src(%arg29 : memref<80xf32, #tpu.memory_space<vmem>>) dst(%dma_wait3A_267 : memref<10000xf32, #tpu.memory_space<vmem_shared>>)
    }
    %scan3A_226 = arith.constant 125 : i32
    %barrier3A_227 = arith.constant 0 : index
    tpu.barrier barrier_id(%barrier3A_227)
    %add3A_228 = arith.constant 0 : i32
    %add3A_229 = arith.addi %multiple_of3A, %add3A_228 : i32
    "tpu.region"() ({
      %run_scoped3A = tpu.sem_alloc : memref<!tpu.dma_semaphore, #tpu.memory_space<semaphore_mem>>
      %dma_start3A_261 = arith.constant 0 : i32
      %dma_start3A_262 = tpu.memref_slice %arg28[%add3A_229, %dma_start3A_261] : memref<10000x64xf32, #tpu.memory_space<vmem_shared>> -> memref<208x64xf32, #tpu.memory_space<vmem_shared>>
      %dma_start3A_263 = arith.constant 0 : i32
      %dma_start3A_264 = tpu.memref_slice %arg28[%add3A_229, %dma_start3A_263] : memref<10000x64xf32, #tpu.memory_space<vmem_shared>> -> memref<208x64xf32, #tpu.memory_space<vmem_shared>>
      tpu.enqueue_dma source(%dma_start3A_264 : memref<208x64xf32, #tpu.memory_space<vmem_shared>>) target(%arg15 : memref<208x64xf32, #tpu.memory_space<vmem>>) target_semaphore(%run_scoped3A : memref<!tpu.dma_semaphore, #tpu.memory_space<semaphore_mem>>)
      %dma_wait3A_265 = arith.constant 0 : i32
      %dma_wait3A_266 = tpu.memref_slice %arg28[%add3A_229, %dma_wait3A_265] : memref<10000x64xf32, #tpu.memory_space<vmem_shared>> -> memref<208x64xf32, #tpu.memory_space<vmem_shared>>
      %dma_wait3A_267 = arith.constant 0 : i32
      %dma_wait3A_268 = tpu.memref_slice %arg28[%add3A_229, %dma_wait3A_267] : memref<10000x64xf32, #tpu.memory_space<vmem_shared>> -> memref<208x64xf32, #tpu.memory_space<vmem_shared>>
      tpu.wait_dma2 semaphore(%run_scoped3A : memref<!tpu.dma_semaphore, #tpu.memory_space<semaphore_mem>>) src(%dma_wait3A_268 : memref<208x64xf32, #tpu.memory_space<vmem_shared>>) dst(%arg15 : memref<208x64xf32, #tpu.memory_space<vmem>>)
      tpu.yield
    }) : () -> ()
    %add3A_230 = arith.constant 0 : i32
    %add3A_231 = arith.addi %multiple_of3A, %add3A_230 : i32
    "tpu.region"() ({
      %run_scoped3A = tpu.sem_alloc : memref<!tpu.dma_semaphore, #tpu.memory_space<semaphore_mem>>
      %dma_start3A_261 = arith.constant 0 : i32
      %dma_start3A_262 = tpu.memref_slice %arg5[%arg0, %add3A_231, %dma_start3A_261] : memref<2x10000x64xf32, #tpu.memory_space<hbm>> -> memref<1x208x64xf32, #tpu.memory_space<hbm>>
      %dma_start3A_263 = tpu.memref_squeeze %dma_start3A_262 : memref<1x208x64xf32, #tpu.memory_space<hbm>> -> memref<208x64xf32, #tpu.memory_space<hbm>>
      %dma_start3A_264 = arith.constant 0 : i32
      %dma_start3A_265 = tpu.memref_slice %arg5[%arg0, %add3A_231, %dma_start3A_264] : memref<2x10000x64xf32, #tpu.memory_space<hbm>> -> memref<1x208x64xf32, #tpu.memory_space<hbm>>
      %dma_start3A_266 = tpu.memref_squeeze %dma_start3A_265 : memref<1x208x64xf32, #tpu.memory_space<hbm>> -> memref<208x64xf32, #tpu.memory_space<hbm>>
      tpu.enqueue_dma source(%arg15 : memref<208x64xf32, #tpu.memory_space<vmem>>) target(%dma_start3A_266 : memref<208x64xf32, #tpu.memory_space<hbm>>) target_semaphore(%run_scoped3A : memref<!tpu.dma_semaphore, #tpu.memory_space<semaphore_mem>>)
      %dma_wait3A_267 = arith.constant 0 : i32
      %dma_wait3A_268 = tpu.memref_slice %arg5[%arg0, %add3A_231, %dma_wait3A_267] : memref<2x10000x64xf32, #tpu.memory_space<hbm>> -> memref<1x208x64xf32, #tpu.memory_space<hbm>>
      %dma_wait3A_269 = tpu.memref_squeeze %dma_wait3A_268 : memref<1x208x64xf32, #tpu.memory_space<hbm>> -> memref<208x64xf32, #tpu.memory_space<hbm>>
      %dma_wait3A_270 = arith.constant 0 : i32
      %dma_wait3A_271 = tpu.memref_slice %arg5[%arg0, %add3A_231, %dma_wait3A_270] : memref<2x10000x64xf32, #tpu.memory_space<hbm>> -> memref<1x208x64xf32, #tpu.memory_space<hbm>>
      %dma_wait3A_272 = tpu.memref_squeeze %dma_wait3A_271 : memref<1x208x64xf32, #tpu.memory_space<hbm>> -> memref<208x64xf32, #tpu.memory_space<hbm>>
      tpu.wait_dma2 semaphore(%run_scoped3A : memref<!tpu.dma_semaphore, #tpu.memory_space<semaphore_mem>>) src(%arg15 : memref<208x64xf32, #tpu.memory_space<vmem>>) dst(%dma_wait3A_272 : memref<208x64xf32, #tpu.memory_space<hbm>>)
      tpu.yield
    }) : () -> ()
    %add3A_232 = arith.constant 208 : i32
    %add3A_233 = arith.addi %multiple_of3A, %add3A_232 : i32
    "tpu.region"() ({
      %run_scoped3A = tpu.sem_alloc : memref<!tpu.dma_semaphore, #tpu.memory_space<semaphore_mem>>
      %dma_start3A_261 = arith.constant 0 : i32
      %dma_start3A_262 = tpu.memref_slice %arg28[%add3A_233, %dma_start3A_261] : memref<10000x64xf32, #tpu.memory_space<vmem_shared>> -> memref<208x64xf32, #tpu.memory_space<vmem_shared>>
      %dma_start3A_263 = arith.constant 0 : i32
      %dma_start3A_264 = tpu.memref_slice %arg28[%add3A_233, %dma_start3A_263] : memref<10000x64xf32, #tpu.memory_space<vmem_shared>> -> memref<208x64xf32, #tpu.memory_space<vmem_shared>>
      tpu.enqueue_dma source(%dma_start3A_264 : memref<208x64xf32, #tpu.memory_space<vmem_shared>>) target(%arg15 : memref<208x64xf32, #tpu.memory_space<vmem>>) target_semaphore(%run_scoped3A : memref<!tpu.dma_semaphore, #tpu.memory_space<semaphore_mem>>)
      %dma_wait3A_265 = arith.constant 0 : i32
      %dma_wait3A_266 = tpu.memref_slice %arg28[%add3A_233, %dma_wait3A_265] : memref<10000x64xf32, #tpu.memory_space<vmem_shared>> -> memref<208x64xf32, #tpu.memory_space<vmem_shared>>
      %dma_wait3A_267 = arith.constant 0 : i32
      %dma_wait3A_268 = tpu.memref_slice %arg28[%add3A_233, %dma_wait3A_267] : memref<10000x64xf32, #tpu.memory_space<vmem_shared>> -> memref<208x64xf32, #tpu.memory_space<vmem_shared>>
      tpu.wait_dma2 semaphore(%run_scoped3A : memref<!tpu.dma_semaphore, #tpu.memory_space<semaphore_mem>>) src(%dma_wait3A_268 : memref<208x64xf32, #tpu.memory_space<vmem_shared>>) dst(%arg15 : memref<208x64xf32, #tpu.memory_space<vmem>>)
      tpu.yield
    }) : () -> ()
    %add3A_234 = arith.constant 208 : i32
    %add3A_235 = arith.addi %multiple_of3A, %add3A_234 : i32
    "tpu.region"() ({
      %run_scoped3A = tpu.sem_alloc : memref<!tpu.dma_semaphore, #tpu.memory_space<semaphore_mem>>
      %dma_start3A_261 = arith.constant 0 : i32
      %dma_start3A_262 = tpu.memref_slice %arg5[%arg0, %add3A_235, %dma_start3A_261] : memref<2x10000x64xf32, #tpu.memory_space<hbm>> -> memref<1x208x64xf32, #tpu.memory_space<hbm>>
      %dma_start3A_263 = tpu.memref_squeeze %dma_start3A_262 : memref<1x208x64xf32, #tpu.memory_space<hbm>> -> memref<208x64xf32, #tpu.memory_space<hbm>>
      %dma_start3A_264 = arith.constant 0 : i32
      %dma_start3A_265 = tpu.memref_slice %arg5[%arg0, %add3A_235, %dma_start3A_264] : memref<2x10000x64xf32, #tpu.memory_space<hbm>> -> memref<1x208x64xf32, #tpu.memory_space<hbm>>
      %dma_start3A_266 = tpu.memref_squeeze %dma_start3A_265 : memref<1x208x64xf32, #tpu.memory_space<hbm>> -> memref<208x64xf32, #tpu.memory_space<hbm>>
      tpu.enqueue_dma source(%arg15 : memref<208x64xf32, #tpu.memory_space<vmem>>) target(%dma_start3A_266 : memref<208x64xf32, #tpu.memory_space<hbm>>) target_semaphore(%run_scoped3A : memref<!tpu.dma_semaphore, #tpu.memory_space<semaphore_mem>>)
      %dma_wait3A_267 = arith.constant 0 : i32
      %dma_wait3A_268 = tpu.memref_slice %arg5[%arg0, %add3A_235, %dma_wait3A_267] : memref<2x10000x64xf32, #tpu.memory_space<hbm>> -> memref<1x208x64xf32, #tpu.memory_space<hbm>>
      %dma_wait3A_269 = tpu.memref_squeeze %dma_wait3A_268 : memref<1x208x64xf32, #tpu.memory_space<hbm>> -> memref<208x64xf32, #tpu.memory_space<hbm>>
      %dma_wait3A_270 = arith.constant 0 : i32
      %dma_wait3A_271 = tpu.memref_slice %arg5[%arg0, %add3A_235, %dma_wait3A_270] : memref<2x10000x64xf32, #tpu.memory_space<hbm>> -> memref<1x208x64xf32, #tpu.memory_space<hbm>>
      %dma_wait3A_272 = tpu.memref_squeeze %dma_wait3A_271 : memref<1x208x64xf32, #tpu.memory_space<hbm>> -> memref<208x64xf32, #tpu.memory_space<hbm>>
      tpu.wait_dma2 semaphore(%run_scoped3A : memref<!tpu.dma_semaphore, #tpu.memory_space<semaphore_mem>>) src(%arg15 : memref<208x64xf32, #tpu.memory_space<vmem>>) dst(%dma_wait3A_272 : memref<208x64xf32, #tpu.memory_space<hbm>>)
      tpu.yield
    }) : () -> ()
    %add3A_236 = arith.constant 416 : i32
    %add3A_237 = arith.addi %multiple_of3A, %add3A_236 : i32
    "tpu.region"() ({
      %run_scoped3A = tpu.sem_alloc : memref<!tpu.dma_semaphore, #tpu.memory_space<semaphore_mem>>
      %dma_start3A_261 = arith.constant 0 : i32
      %dma_start3A_262 = tpu.memref_slice %arg28[%add3A_237, %dma_start3A_261] : memref<10000x64xf32, #tpu.memory_space<vmem_shared>> -> memref<208x64xf32, #tpu.memory_space<vmem_shared>>
      %dma_start3A_263 = arith.constant 0 : i32
      %dma_start3A_264 = tpu.memref_slice %arg28[%add3A_237, %dma_start3A_263] : memref<10000x64xf32, #tpu.memory_space<vmem_shared>> -> memref<208x64xf32, #tpu.memory_space<vmem_shared>>
      tpu.enqueue_dma source(%dma_start3A_264 : memref<208x64xf32, #tpu.memory_space<vmem_shared>>) target(%arg15 : memref<208x64xf32, #tpu.memory_space<vmem>>) target_semaphore(%run_scoped3A : memref<!tpu.dma_semaphore, #tpu.memory_space<semaphore_mem>>)
      %dma_wait3A_265 = arith.constant 0 : i32
      %dma_wait3A_266 = tpu.memref_slice %arg28[%add3A_237, %dma_wait3A_265] : memref<10000x64xf32, #tpu.memory_space<vmem_shared>> -> memref<208x64xf32, #tpu.memory_space<vmem_shared>>
      %dma_wait3A_267 = arith.constant 0 : i32
      %dma_wait3A_268 = tpu.memref_slice %arg28[%add3A_237, %dma_wait3A_267] : memref<10000x64xf32, #tpu.memory_space<vmem_shared>> -> memref<208x64xf32, #tpu.memory_space<vmem_shared>>
      tpu.wait_dma2 semaphore(%run_scoped3A : memref<!tpu.dma_semaphore, #tpu.memory_space<semaphore_mem>>) src(%dma_wait3A_268 : memref<208x64xf32, #tpu.memory_space<vmem_shared>>) dst(%arg15 : memref<208x64xf32, #tpu.memory_space<vmem>>)
      tpu.yield
    }) : () -> ()
    %add3A_238 = arith.constant 416 : i32
    %add3A_239 = arith.addi %multiple_of3A, %add3A_238 : i32
    "tpu.region"() ({
      %run_scoped3A = tpu.sem_alloc : memref<!tpu.dma_semaphore, #tpu.memory_space<semaphore_mem>>
      %dma_start3A_261 = arith.constant 0 : i32
      %dma_start3A_262 = tpu.memref_slice %arg5[%arg0, %add3A_239, %dma_start3A_261] : memref<2x10000x64xf32, #tpu.memory_space<hbm>> -> memref<1x208x64xf32, #tpu.memory_space<hbm>>
      %dma_start3A_263 = tpu.memref_squeeze %dma_start3A_262 : memref<1x208x64xf32, #tpu.memory_space<hbm>> -> memref<208x64xf32, #tpu.memory_space<hbm>>
      %dma_start3A_264 = arith.constant 0 : i32
      %dma_start3A_265 = tpu.memref_slice %arg5[%arg0, %add3A_239, %dma_start3A_264] : memref<2x10000x64xf32, #tpu.memory_space<hbm>> -> memref<1x208x64xf32, #tpu.memory_space<hbm>>
      %dma_start3A_266 = tpu.memref_squeeze %dma_start3A_265 : memref<1x208x64xf32, #tpu.memory_space<hbm>> -> memref<208x64xf32, #tpu.memory_space<hbm>>
      tpu.enqueue_dma source(%arg15 : memref<208x64xf32, #tpu.memory_space<vmem>>) target(%dma_start3A_266 : memref<208x64xf32, #tpu.memory_space<hbm>>) target_semaphore(%run_scoped3A : memref<!tpu.dma_semaphore, #tpu.memory_space<semaphore_mem>>)
      %dma_wait3A_267 = arith.constant 0 : i32
      %dma_wait3A_268 = tpu.memref_slice %arg5[%arg0, %add3A_239, %dma_wait3A_267] : memref<2x10000x64xf32, #tpu.memory_space<hbm>> -> memref<1x208x64xf32, #tpu.memory_space<hbm>>
      %dma_wait3A_269 = tpu.memref_squeeze %dma_wait3A_268 : memref<1x208x64xf32, #tpu.memory_space<hbm>> -> memref<208x64xf32, #tpu.memory_space<hbm>>
      %dma_wait3A_270 = arith.constant 0 : i32
      %dma_wait3A_271 = tpu.memref_slice %arg5[%arg0, %add3A_239, %dma_wait3A_270] : memref<2x10000x64xf32, #tpu.memory_space<hbm>> -> memref<1x208x64xf32, #tpu.memory_space<hbm>>
      %dma_wait3A_272 = tpu.memref_squeeze %dma_wait3A_271 : memref<1x208x64xf32, #tpu.memory_space<hbm>> -> memref<208x64xf32, #tpu.memory_space<hbm>>
      tpu.wait_dma2 semaphore(%run_scoped3A : memref<!tpu.dma_semaphore, #tpu.memory_space<semaphore_mem>>) src(%arg15 : memref<208x64xf32, #tpu.memory_space<vmem>>) dst(%dma_wait3A_272 : memref<208x64xf32, #tpu.memory_space<hbm>>)
      tpu.yield
    }) : () -> ()
    %eq3A_240 = arith.constant 15 : i32
    %eq3A_241 = arith.cmpi eq, %arg1, %eq3A_240 : i32
    %convert_element_type3A_242 = arith.extui %eq3A_241 : i1 to i32
    %cond3A_243 = arith.constant 0 : i32
    %cond3A_244 = arith.cmpi ne, %convert_element_type3A_242, %cond3A_243 : i32
    scf.if %cond3A_244 {
      %add3A_261 = arith.constant 624 : i32
      %add3A_262 = arith.addi %multiple_of3A, %add3A_261 : i32
      "tpu.region"() ({
        %run_scoped3A = tpu.sem_alloc : memref<!tpu.dma_semaphore, #tpu.memory_space<semaphore_mem>>
        %dma_start3A_265 = arith.constant 0 : i32
        %dma_start3A_266 = arith.constant 0 : i32
        %dma_start3A_267 = tpu.memref_slice %arg15[%dma_start3A_265, %dma_start3A_266] : memref<208x64xf32, #tpu.memory_space<vmem>> -> memref<16x64xf32, #tpu.memory_space<vmem>>
        %dma_start3A_268 = arith.constant 0 : i32
        %dma_start3A_269 = tpu.memref_slice %arg28[%add3A_262, %dma_start3A_268] : memref<10000x64xf32, #tpu.memory_space<vmem_shared>> -> memref<16x64xf32, #tpu.memory_space<vmem_shared>>
        %dma_start3A_270 = arith.constant 0 : i32
        %dma_start3A_271 = arith.constant 0 : i32
        %dma_start3A_272 = tpu.memref_slice %arg15[%dma_start3A_270, %dma_start3A_271] : memref<208x64xf32, #tpu.memory_space<vmem>> -> memref<16x64xf32, #tpu.memory_space<vmem>>
        %dma_start3A_273 = arith.constant 0 : i32
        %dma_start3A_274 = tpu.memref_slice %arg28[%add3A_262, %dma_start3A_273] : memref<10000x64xf32, #tpu.memory_space<vmem_shared>> -> memref<16x64xf32, #tpu.memory_space<vmem_shared>>
        tpu.enqueue_dma source(%dma_start3A_274 : memref<16x64xf32, #tpu.memory_space<vmem_shared>>) target(%dma_start3A_272 : memref<16x64xf32, #tpu.memory_space<vmem>>) target_semaphore(%run_scoped3A : memref<!tpu.dma_semaphore, #tpu.memory_space<semaphore_mem>>)
        %dma_wait3A_275 = arith.constant 0 : i32
        %dma_wait3A_276 = arith.constant 0 : i32
        %dma_wait3A_277 = tpu.memref_slice %arg15[%dma_wait3A_275, %dma_wait3A_276] : memref<208x64xf32, #tpu.memory_space<vmem>> -> memref<16x64xf32, #tpu.memory_space<vmem>>
        %dma_wait3A_278 = arith.constant 0 : i32
        %dma_wait3A_279 = tpu.memref_slice %arg28[%add3A_262, %dma_wait3A_278] : memref<10000x64xf32, #tpu.memory_space<vmem_shared>> -> memref<16x64xf32, #tpu.memory_space<vmem_shared>>
        %dma_wait3A_280 = arith.constant 0 : i32
        %dma_wait3A_281 = arith.constant 0 : i32
        %dma_wait3A_282 = tpu.memref_slice %arg15[%dma_wait3A_280, %dma_wait3A_281] : memref<208x64xf32, #tpu.memory_space<vmem>> -> memref<16x64xf32, #tpu.memory_space<vmem>>
        %dma_wait3A_283 = arith.constant 0 : i32
        %dma_wait3A_284 = tpu.memref_slice %arg28[%add3A_262, %dma_wait3A_283] : memref<10000x64xf32, #tpu.memory_space<vmem_shared>> -> memref<16x64xf32, #tpu.memory_space<vmem_shared>>
        tpu.wait_dma2 semaphore(%run_scoped3A : memref<!tpu.dma_semaphore, #tpu.memory_space<semaphore_mem>>) src(%dma_wait3A_284 : memref<16x64xf32, #tpu.memory_space<vmem_shared>>) dst(%dma_wait3A_282 : memref<16x64xf32, #tpu.memory_space<vmem>>)
        tpu.yield
      }) : () -> ()
      %add3A_263 = arith.constant 624 : i32
      %add3A_264 = arith.addi %multiple_of3A, %add3A_263 : i32
      "tpu.region"() ({
        %run_scoped3A = tpu.sem_alloc : memref<!tpu.dma_semaphore, #tpu.memory_space<semaphore_mem>>
        %dma_start3A_265 = arith.constant 0 : i32
        %dma_start3A_266 = arith.constant 0 : i32
        %dma_start3A_267 = tpu.memref_slice %arg15[%dma_start3A_265, %dma_start3A_266] : memref<208x64xf32, #tpu.memory_space<vmem>> -> memref<16x64xf32, #tpu.memory_space<vmem>>
        %dma_start3A_268 = arith.constant 0 : i32
        %dma_start3A_269 = tpu.memref_slice %arg5[%arg0, %add3A_264, %dma_start3A_268] : memref<2x10000x64xf32, #tpu.memory_space<hbm>> -> memref<1x16x64xf32, #tpu.memory_space<hbm>>
        %dma_start3A_270 = tpu.memref_squeeze %dma_start3A_269 : memref<1x16x64xf32, #tpu.memory_space<hbm>> -> memref<16x64xf32, #tpu.memory_space<hbm>>
        %dma_start3A_271 = arith.constant 0 : i32
        %dma_start3A_272 = tpu.memref_slice %arg5[%arg0, %add3A_264, %dma_start3A_271] : memref<2x10000x64xf32, #tpu.memory_space<hbm>> -> memref<1x16x64xf32, #tpu.memory_space<hbm>>
        %dma_start3A_273 = tpu.memref_squeeze %dma_start3A_272 : memref<1x16x64xf32, #tpu.memory_space<hbm>> -> memref<16x64xf32, #tpu.memory_space<hbm>>
        %dma_start3A_274 = arith.constant 0 : i32
        %dma_start3A_275 = arith.constant 0 : i32
        %dma_start3A_276 = tpu.memref_slice %arg15[%dma_start3A_274, %dma_start3A_275] : memref<208x64xf32, #tpu.memory_space<vmem>> -> memref<16x64xf32, #tpu.memory_space<vmem>>
        tpu.enqueue_dma source(%dma_start3A_276 : memref<16x64xf32, #tpu.memory_space<vmem>>) target(%dma_start3A_273 : memref<16x64xf32, #tpu.memory_space<hbm>>) target_semaphore(%run_scoped3A : memref<!tpu.dma_semaphore, #tpu.memory_space<semaphore_mem>>)
        %dma_wait3A_277 = arith.constant 0 : i32
        %dma_wait3A_278 = arith.constant 0 : i32
        %dma_wait3A_279 = tpu.memref_slice %arg15[%dma_wait3A_277, %dma_wait3A_278] : memref<208x64xf32, #tpu.memory_space<vmem>> -> memref<16x64xf32, #tpu.memory_space<vmem>>
        %dma_wait3A_280 = arith.constant 0 : i32
        %dma_wait3A_281 = tpu.memref_slice %arg5[%arg0, %add3A_264, %dma_wait3A_280] : memref<2x10000x64xf32, #tpu.memory_space<hbm>> -> memref<1x16x64xf32, #tpu.memory_space<hbm>>
        %dma_wait3A_282 = tpu.memref_squeeze %dma_wait3A_281 : memref<1x16x64xf32, #tpu.memory_space<hbm>> -> memref<16x64xf32, #tpu.memory_space<hbm>>
        %dma_wait3A_283 = arith.constant 0 : i32
        %dma_wait3A_284 = tpu.memref_slice %arg5[%arg0, %add3A_264, %dma_wait3A_283] : memref<2x10000x64xf32, #tpu.memory_space<hbm>> -> memref<1x16x64xf32, #tpu.memory_space<hbm>>
        %dma_wait3A_285 = tpu.memref_squeeze %dma_wait3A_284 : memref<1x16x64xf32, #tpu.memory_space<hbm>> -> memref<16x64xf32, #tpu.memory_space<hbm>>
        %dma_wait3A_286 = arith.constant 0 : i32
        %dma_wait3A_287 = arith.constant 0 : i32
        %dma_wait3A_288 = tpu.memref_slice %arg15[%dma_wait3A_286, %dma_wait3A_287] : memref<208x64xf32, #tpu.memory_space<vmem>> -> memref<16x64xf32, #tpu.memory_space<vmem>>
        tpu.wait_dma2 semaphore(%run_scoped3A : memref<!tpu.dma_semaphore, #tpu.memory_space<semaphore_mem>>) src(%dma_wait3A_288 : memref<16x64xf32, #tpu.memory_space<vmem>>) dst(%dma_wait3A_285 : memref<16x64xf32, #tpu.memory_space<hbm>>)
        tpu.yield
      }) : () -> ()
    } else {
    }
    "tpu.region"() ({
      %run_scoped3A = tpu.sem_alloc : memref<!tpu.dma_semaphore, #tpu.memory_space<semaphore_mem>>
      %dma_start3A_261 = arith.constant 0 : i32
      %dma_start3A_262 = tpu.memref_slice %arg30[%dma_start3A_261] : memref<640xf32, #tpu.memory_space<vmem>> -> memref<624xf32, #tpu.memory_space<vmem>>
      %dma_start3A_263 = tpu.memref_slice %arg33[%multiple_of3A] : memref<10000xf32, #tpu.memory_space<vmem_shared>> -> memref<624xf32, #tpu.memory_space<vmem_shared>>
      %dma_start3A_264 = arith.constant 0 : i32
      %dma_start3A_265 = tpu.memref_slice %arg30[%dma_start3A_264] : memref<640xf32, #tpu.memory_space<vmem>> -> memref<624xf32, #tpu.memory_space<vmem>>
      %dma_start3A_266 = tpu.memref_slice %arg33[%multiple_of3A] : memref<10000xf32, #tpu.memory_space<vmem_shared>> -> memref<624xf32, #tpu.memory_space<vmem_shared>>
      tpu.enqueue_dma source(%dma_start3A_266 : memref<624xf32, #tpu.memory_space<vmem_shared>>) target(%dma_start3A_265 : memref<624xf32, #tpu.memory_space<vmem>>) target_semaphore(%run_scoped3A : memref<!tpu.dma_semaphore, #tpu.memory_space<semaphore_mem>>)
      %dma_wait3A_267 = arith.constant 0 : i32
      %dma_wait3A_268 = tpu.memref_slice %arg30[%dma_wait3A_267] : memref<640xf32, #tpu.memory_space<vmem>> -> memref<624xf32, #tpu.memory_space<vmem>>
      %dma_wait3A_269 = tpu.memref_slice %arg33[%multiple_of3A] : memref<10000xf32, #tpu.memory_space<vmem_shared>> -> memref<624xf32, #tpu.memory_space<vmem_shared>>
      %dma_wait3A_270 = arith.constant 0 : i32
      %dma_wait3A_271 = tpu.memref_slice %arg30[%dma_wait3A_270] : memref<640xf32, #tpu.memory_space<vmem>> -> memref<624xf32, #tpu.memory_space<vmem>>
      %dma_wait3A_272 = tpu.memref_slice %arg33[%multiple_of3A] : memref<10000xf32, #tpu.memory_space<vmem_shared>> -> memref<624xf32, #tpu.memory_space<vmem_shared>>
      tpu.wait_dma2 semaphore(%run_scoped3A : memref<!tpu.dma_semaphore, #tpu.memory_space<semaphore_mem>>) src(%dma_wait3A_272 : memref<624xf32, #tpu.memory_space<vmem_shared>>) dst(%dma_wait3A_271 : memref<624xf32, #tpu.memory_space<vmem>>)
      tpu.yield
    }) : () -> ()
    %eq3A_245 = arith.constant 15 : i32
    %eq3A_246 = arith.cmpi eq, %arg1, %eq3A_245 : i32
    %convert_element_type3A_247 = arith.extui %eq3A_246 : i1 to i32
    %cond3A_248 = arith.constant 0 : i32
    %cond3A_249 = arith.cmpi ne, %convert_element_type3A_247, %cond3A_248 : i32
    scf.if %cond3A_249 {
      %add3A_261 = arith.constant 624 : i32
      %add3A_262 = arith.addi %multiple_of3A, %add3A_261 : i32
      "tpu.region"() ({
        %run_scoped3A = tpu.sem_alloc : memref<!tpu.dma_semaphore, #tpu.memory_space<semaphore_mem>>
        %dma_start3A_263 = arith.constant 624 : i32
        %dma_start3A_264 = tpu.memref_slice %arg30[%dma_start3A_263] : memref<640xf32, #tpu.memory_space<vmem>> -> memref<16xf32, #tpu.memory_space<vmem>>
        %dma_start3A_265 = tpu.memref_slice %arg33[%add3A_262] : memref<10000xf32, #tpu.memory_space<vmem_shared>> -> memref<16xf32, #tpu.memory_space<vmem_shared>>
        %dma_start3A_266 = arith.constant 624 : i32
        %dma_start3A_267 = tpu.memref_slice %arg30[%dma_start3A_266] : memref<640xf32, #tpu.memory_space<vmem>> -> memref<16xf32, #tpu.memory_space<vmem>>
        %dma_start3A_268 = tpu.memref_slice %arg33[%add3A_262] : memref<10000xf32, #tpu.memory_space<vmem_shared>> -> memref<16xf32, #tpu.memory_space<vmem_shared>>
        tpu.enqueue_dma source(%dma_start3A_268 : memref<16xf32, #tpu.memory_space<vmem_shared>>) target(%dma_start3A_267 : memref<16xf32, #tpu.memory_space<vmem>>) target_semaphore(%run_scoped3A : memref<!tpu.dma_semaphore, #tpu.memory_space<semaphore_mem>>)
        %dma_wait3A_269 = arith.constant 624 : i32
        %dma_wait3A_270 = tpu.memref_slice %arg30[%dma_wait3A_269] : memref<640xf32, #tpu.memory_space<vmem>> -> memref<16xf32, #tpu.memory_space<vmem>>
        %dma_wait3A_271 = tpu.memref_slice %arg33[%add3A_262] : memref<10000xf32, #tpu.memory_space<vmem_shared>> -> memref<16xf32, #tpu.memory_space<vmem_shared>>
        %dma_wait3A_272 = arith.constant 624 : i32
        %dma_wait3A_273 = tpu.memref_slice %arg30[%dma_wait3A_272] : memref<640xf32, #tpu.memory_space<vmem>> -> memref<16xf32, #tpu.memory_space<vmem>>
        %dma_wait3A_274 = tpu.memref_slice %arg33[%add3A_262] : memref<10000xf32, #tpu.memory_space<vmem_shared>> -> memref<16xf32, #tpu.memory_space<vmem_shared>>
        tpu.wait_dma2 semaphore(%run_scoped3A : memref<!tpu.dma_semaphore, #tpu.memory_space<semaphore_mem>>) src(%dma_wait3A_274 : memref<16xf32, #tpu.memory_space<vmem_shared>>) dst(%dma_wait3A_273 : memref<16xf32, #tpu.memory_space<vmem>>)
        tpu.yield
      }) : () -> ()
    } else {
    }
    %scan3A_250 = arith.constant 0 : i32
    %scan3A_251 = arith.constant 0 : i32
    %scan3A_252 = arith.constant 40 : i32
    %scan3A_253 = arith.addi %scan3A_251, %scan3A_252 : i32
    %scan3A_254 = arith.constant 1 : i32
    scf.for %scan3A_261 = %scan3A_251 to %scan3A_253 step %scan3A_254  : i32 {
      %mul3A_262 = arith.constant 16 : i32
      %mul3A_263 = arith.muli %scan3A_261, %mul3A_262 : i32
      %get3A = arith.index_cast %mul3A_263 : i32 to index
      %get3A_264 = tpu.vector_load %arg30[%get3A] {strides = array<i32>} : memref<640xf32, #tpu.memory_space<vmem>>, vector<16xf32>,
      %get3A_265 = vector.shape_cast %get3A_264 : vector<16xf32> to vector<16xf32>
      %slice3A = vector.extract_strided_slice %get3A_265 {offsets = [0], sizes = [1], strides = [1]} : vector<16xf32> to vector<1xf32>
      %squeeze3A = vector.extract %slice3A[0] : f32 from vector<1xf32>
      %broadcast_in_dim3A_266 = vector.broadcast %squeeze3A : f32 to vector<16xf32>
      %mul3A_267 = arith.constant 16 : i32
      %mul3A_268 = arith.muli %scan3A_261, %mul3A_267 : i32
      %add3A_269 = arith.constant 0 : i32
      %add3A_270 = arith.addi %mul3A_268, %add3A_269 : i32
      %swap3A = arith.index_cast %add3A_270 : i32 to index
      %swap3A_271 = arith.constant 0 : index
      %swap3A_272 = tpu.vector_load %arg31[%swap3A, %swap3A_271] {strides = array<i32>} : memref<640x16xf32, #tpu.memory_space<vmem>>, vector<1x16xf32>,
      %swap3A_273 = vector.shape_cast %swap3A_272 : vector<1x16xf32> to vector<16xf32>
      %swap3A_274 = vector.shape_cast %broadcast_in_dim3A_266 : vector<16xf32> to vector<1x16xf32>
      tpu.vector_store %arg31[%swap3A, %swap3A_271], %swap3A_274 {strides = array<i32>} : memref<640x16xf32, #tpu.memory_space<vmem>>, vector<1x16xf32>,
      %slice3A_275 = vector.extract_strided_slice %get3A_265 {offsets = [1], sizes = [1], strides = [1]} : vector<16xf32> to vector<1xf32>
      %squeeze3A_276 = vector.extract %slice3A_275[0] : f32 from vector<1xf32>
      %broadcast_in_dim3A_277 = vector.broadcast %squeeze3A_276 : f32 to vector<16xf32>
      %mul3A_278 = arith.constant 16 : i32
      %mul3A_279 = arith.muli %scan3A_261, %mul3A_278 : i32
      %add3A_280 = arith.constant 1 : i32
      %add3A_281 = arith.addi %mul3A_279, %add3A_280 : i32
      %swap3A_282 = arith.index_cast %add3A_281 : i32 to index
      %swap3A_283 = arith.constant 0 : index
      %swap3A_284 = tpu.vector_load %arg31[%swap3A_282, %swap3A_283] {strides = array<i32>} : memref<640x16xf32, #tpu.memory_space<vmem>>, vector<1x16xf32>,
      %swap3A_285 = vector.shape_cast %swap3A_284 : vector<1x16xf32> to vector<16xf32>
      %swap3A_286 = vector.shape_cast %broadcast_in_dim3A_277 : vector<16xf32> to vector<1x16xf32>
      tpu.vector_store %arg31[%swap3A_282, %swap3A_283], %swap3A_286 {strides = array<i32>} : memref<640x16xf32, #tpu.memory_space<vmem>>, vector<1x16xf32>,
      %slice3A_287 = vector.extract_strided_slice %get3A_265 {offsets = [2], sizes = [1], strides = [1]} : vector<16xf32> to vector<1xf32>
      %squeeze3A_288 = vector.extract %slice3A_287[0] : f32 from vector<1xf32>
      %broadcast_in_dim3A_289 = vector.broadcast %squeeze3A_288 : f32 to vector<16xf32>
      %mul3A_290 = arith.constant 16 : i32
      %mul3A_291 = arith.muli %scan3A_261, %mul3A_290 : i32
      %add3A_292 = arith.constant 2 : i32
      %add3A_293 = arith.addi %mul3A_291, %add3A_292 : i32
      %swap3A_294 = arith.index_cast %add3A_293 : i32 to index
      %swap3A_295 = arith.constant 0 : index
      %swap3A_296 = tpu.vector_load %arg31[%swap3A_294, %swap3A_295] {strides = array<i32>} : memref<640x16xf32, #tpu.memory_space<vmem>>, vector<1x16xf32>,
      %swap3A_297 = vector.shape_cast %swap3A_296 : vector<1x16xf32> to vector<16xf32>
      %swap3A_298 = vector.shape_cast %broadcast_in_dim3A_289 : vector<16xf32> to vector<1x16xf32>
      tpu.vector_store %arg31[%swap3A_294, %swap3A_295], %swap3A_298 {strides = array<i32>} : memref<640x16xf32, #tpu.memory_space<vmem>>, vector<1x16xf32>,
      %slice3A_299 = vector.extract_strided_slice %get3A_265 {offsets = [3], sizes = [1], strides = [1]} : vector<16xf32> to vector<1xf32>
      %squeeze3A_300 = vector.extract %slice3A_299[0] : f32 from vector<1xf32>
      %broadcast_in_dim3A_301 = vector.broadcast %squeeze3A_300 : f32 to vector<16xf32>
      %mul3A_302 = arith.constant 16 : i32
      %mul3A_303 = arith.muli %scan3A_261, %mul3A_302 : i32
      %add3A_304 = arith.constant 3 : i32
      %add3A_305 = arith.addi %mul3A_303, %add3A_304 : i32
      %swap3A_306 = arith.index_cast %add3A_305 : i32 to index
      %swap3A_307 = arith.constant 0 : index
      %swap3A_308 = tpu.vector_load %arg31[%swap3A_306, %swap3A_307] {strides = array<i32>} : memref<640x16xf32, #tpu.memory_space<vmem>>, vector<1x16xf32>,
      %swap3A_309 = vector.shape_cast %swap3A_308 : vector<1x16xf32> to vector<16xf32>
      %swap3A_310 = vector.shape_cast %broadcast_in_dim3A_301 : vector<16xf32> to vector<1x16xf32>
      tpu.vector_store %arg31[%swap3A_306, %swap3A_307], %swap3A_310 {strides = array<i32>} : memref<640x16xf32, #tpu.memory_space<vmem>>, vector<1x16xf32>,
      %slice3A_311 = vector.extract_strided_slice %get3A_265 {offsets = [4], sizes = [1], strides = [1]} : vector<16xf32> to vector<1xf32>
      %squeeze3A_312 = vector.extract %slice3A_311[0] : f32 from vector<1xf32>
      %broadcast_in_dim3A_313 = vector.broadcast %squeeze3A_312 : f32 to vector<16xf32>
      %mul3A_314 = arith.constant 16 : i32
      %mul3A_315 = arith.muli %scan3A_261, %mul3A_314 : i32
      %add3A_316 = arith.constant 4 : i32
      %add3A_317 = arith.addi %mul3A_315, %add3A_316 : i32
      %swap3A_318 = arith.index_cast %add3A_317 : i32 to index
      %swap3A_319 = arith.constant 0 : index
      %swap3A_320 = tpu.vector_load %arg31[%swap3A_318, %swap3A_319] {strides = array<i32>} : memref<640x16xf32, #tpu.memory_space<vmem>>, vector<1x16xf32>,
      %swap3A_321 = vector.shape_cast %swap3A_320 : vector<1x16xf32> to vector<16xf32>
      %swap3A_322 = vector.shape_cast %broadcast_in_dim3A_313 : vector<16xf32> to vector<1x16xf32>
      tpu.vector_store %arg31[%swap3A_318, %swap3A_319], %swap3A_322 {strides = array<i32>} : memref<640x16xf32, #tpu.memory_space<vmem>>, vector<1x16xf32>,
      %slice3A_323 = vector.extract_strided_slice %get3A_265 {offsets = [5], sizes = [1], strides = [1]} : vector<16xf32> to vector<1xf32>
      %squeeze3A_324 = vector.extract %slice3A_323[0] : f32 from vector<1xf32>
      %broadcast_in_dim3A_325 = vector.broadcast %squeeze3A_324 : f32 to vector<16xf32>
      %mul3A_326 = arith.constant 16 : i32
      %mul3A_327 = arith.muli %scan3A_261, %mul3A_326 : i32
      %add3A_328 = arith.constant 5 : i32
      %add3A_329 = arith.addi %mul3A_327, %add3A_328 : i32
      %swap3A_330 = arith.index_cast %add3A_329 : i32 to index
      %swap3A_331 = arith.constant 0 : index
      %swap3A_332 = tpu.vector_load %arg31[%swap3A_330, %swap3A_331] {strides = array<i32>} : memref<640x16xf32, #tpu.memory_space<vmem>>, vector<1x16xf32>,
      %swap3A_333 = vector.shape_cast %swap3A_332 : vector<1x16xf32> to vector<16xf32>
      %swap3A_334 = vector.shape_cast %broadcast_in_dim3A_325 : vector<16xf32> to vector<1x16xf32>
      tpu.vector_store %arg31[%swap3A_330, %swap3A_331], %swap3A_334 {strides = array<i32>} : memref<640x16xf32, #tpu.memory_space<vmem>>, vector<1x16xf32>,
      %slice3A_335 = vector.extract_strided_slice %get3A_265 {offsets = [6], sizes = [1], strides = [1]} : vector<16xf32> to vector<1xf32>
      %squeeze3A_336 = vector.extract %slice3A_335[0] : f32 from vector<1xf32>
      %broadcast_in_dim3A_337 = vector.broadcast %squeeze3A_336 : f32 to vector<16xf32>
      %mul3A_338 = arith.constant 16 : i32
      %mul3A_339 = arith.muli %scan3A_261, %mul3A_338 : i32
      %add3A_340 = arith.constant 6 : i32
      %add3A_341 = arith.addi %mul3A_339, %add3A_340 : i32
      %swap3A_342 = arith.index_cast %add3A_341 : i32 to index
      %swap3A_343 = arith.constant 0 : index
      %swap3A_344 = tpu.vector_load %arg31[%swap3A_342, %swap3A_343] {strides = array<i32>} : memref<640x16xf32, #tpu.memory_space<vmem>>, vector<1x16xf32>,
      %swap3A_345 = vector.shape_cast %swap3A_344 : vector<1x16xf32> to vector<16xf32>
      %swap3A_346 = vector.shape_cast %broadcast_in_dim3A_337 : vector<16xf32> to vector<1x16xf32>
      tpu.vector_store %arg31[%swap3A_342, %swap3A_343], %swap3A_346 {strides = array<i32>} : memref<640x16xf32, #tpu.memory_space<vmem>>, vector<1x16xf32>,
      %slice3A_347 = vector.extract_strided_slice %get3A_265 {offsets = [7], sizes = [1], strides = [1]} : vector<16xf32> to vector<1xf32>
      %squeeze3A_348 = vector.extract %slice3A_347[0] : f32 from vector<1xf32>
      %broadcast_in_dim3A_349 = vector.broadcast %squeeze3A_348 : f32 to vector<16xf32>
      %mul3A_350 = arith.constant 16 : i32
      %mul3A_351 = arith.muli %scan3A_261, %mul3A_350 : i32
      %add3A_352 = arith.constant 7 : i32
      %add3A_353 = arith.addi %mul3A_351, %add3A_352 : i32
      %swap3A_354 = arith.index_cast %add3A_353 : i32 to index
      %swap3A_355 = arith.constant 0 : index
      %swap3A_356 = tpu.vector_load %arg31[%swap3A_354, %swap3A_355] {strides = array<i32>} : memref<640x16xf32, #tpu.memory_space<vmem>>, vector<1x16xf32>,
      %swap3A_357 = vector.shape_cast %swap3A_356 : vector<1x16xf32> to vector<16xf32>
      %swap3A_358 = vector.shape_cast %broadcast_in_dim3A_349 : vector<16xf32> to vector<1x16xf32>
      tpu.vector_store %arg31[%swap3A_354, %swap3A_355], %swap3A_358 {strides = array<i32>} : memref<640x16xf32, #tpu.memory_space<vmem>>, vector<1x16xf32>,
      %slice3A_359 = vector.extract_strided_slice %get3A_265 {offsets = [8], sizes = [1], strides = [1]} : vector<16xf32> to vector<1xf32>
      %squeeze3A_360 = vector.extract %slice3A_359[0] : f32 from vector<1xf32>
      %broadcast_in_dim3A_361 = vector.broadcast %squeeze3A_360 : f32 to vector<16xf32>
      %mul3A_362 = arith.constant 16 : i32
      %mul3A_363 = arith.muli %scan3A_261, %mul3A_362 : i32
      %add3A_364 = arith.constant 8 : i32
      %add3A_365 = arith.addi %mul3A_363, %add3A_364 : i32
      %swap3A_366 = arith.index_cast %add3A_365 : i32 to index
      %swap3A_367 = arith.constant 0 : index
      %swap3A_368 = tpu.vector_load %arg31[%swap3A_366, %swap3A_367] {strides = array<i32>} : memref<640x16xf32, #tpu.memory_space<vmem>>, vector<1x16xf32>,
      %swap3A_369 = vector.shape_cast %swap3A_368 : vector<1x16xf32> to vector<16xf32>
      %swap3A_370 = vector.shape_cast %broadcast_in_dim3A_361 : vector<16xf32> to vector<1x16xf32>
      tpu.vector_store %arg31[%swap3A_366, %swap3A_367], %swap3A_370 {strides = array<i32>} : memref<640x16xf32, #tpu.memory_space<vmem>>, vector<1x16xf32>,
      %slice3A_371 = vector.extract_strided_slice %get3A_265 {offsets = [9], sizes = [1], strides = [1]} : vector<16xf32> to vector<1xf32>
      %squeeze3A_372 = vector.extract %slice3A_371[0] : f32 from vector<1xf32>
      %broadcast_in_dim3A_373 = vector.broadcast %squeeze3A_372 : f32 to vector<16xf32>
      %mul3A_374 = arith.constant 16 : i32
      %mul3A_375 = arith.muli %scan3A_261, %mul3A_374 : i32
      %add3A_376 = arith.constant 9 : i32
      %add3A_377 = arith.addi %mul3A_375, %add3A_376 : i32
      %swap3A_378 = arith.index_cast %add3A_377 : i32 to index
      %swap3A_379 = arith.constant 0 : index
      %swap3A_380 = tpu.vector_load %arg31[%swap3A_378, %swap3A_379] {strides = array<i32>} : memref<640x16xf32, #tpu.memory_space<vmem>>, vector<1x16xf32>,
      %swap3A_381 = vector.shape_cast %swap3A_380 : vector<1x16xf32> to vector<16xf32>
      %swap3A_382 = vector.shape_cast %broadcast_in_dim3A_373 : vector<16xf32> to vector<1x16xf32>
      tpu.vector_store %arg31[%swap3A_378, %swap3A_379], %swap3A_382 {strides = array<i32>} : memref<640x16xf32, #tpu.memory_space<vmem>>, vector<1x16xf32>,
      %slice3A_383 = vector.extract_strided_slice %get3A_265 {offsets = [10], sizes = [1], strides = [1]} : vector<16xf32> to vector<1xf32>
      %squeeze3A_384 = vector.extract %slice3A_383[0] : f32 from vector<1xf32>
      %broadcast_in_dim3A_385 = vector.broadcast %squeeze3A_384 : f32 to vector<16xf32>
      %mul3A_386 = arith.constant 16 : i32
      %mul3A_387 = arith.muli %scan3A_261, %mul3A_386 : i32
      %add3A_388 = arith.constant 10 : i32
      %add3A_389 = arith.addi %mul3A_387, %add3A_388 : i32
      %swap3A_390 = arith.index_cast %add3A_389 : i32 to index
      %swap3A_391 = arith.constant 0 : index
      %swap3A_392 = tpu.vector_load %arg31[%swap3A_390, %swap3A_391] {strides = array<i32>} : memref<640x16xf32, #tpu.memory_space<vmem>>, vector<1x16xf32>,
      %swap3A_393 = vector.shape_cast %swap3A_392 : vector<1x16xf32> to vector<16xf32>
      %swap3A_394 = vector.shape_cast %broadcast_in_dim3A_385 : vector<16xf32> to vector<1x16xf32>
      tpu.vector_store %arg31[%swap3A_390, %swap3A_391], %swap3A_394 {strides = array<i32>} : memref<640x16xf32, #tpu.memory_space<vmem>>, vector<1x16xf32>,
      %slice3A_395 = vector.extract_strided_slice %get3A_265 {offsets = [11], sizes = [1], strides = [1]} : vector<16xf32> to vector<1xf32>
      %squeeze3A_396 = vector.extract %slice3A_395[0] : f32 from vector<1xf32>
      %broadcast_in_dim3A_397 = vector.broadcast %squeeze3A_396 : f32 to vector<16xf32>
      %mul3A_398 = arith.constant 16 : i32
      %mul3A_399 = arith.muli %scan3A_261, %mul3A_398 : i32
      %add3A_400 = arith.constant 11 : i32
      %add3A_401 = arith.addi %mul3A_399, %add3A_400 : i32
      %swap3A_402 = arith.index_cast %add3A_401 : i32 to index
      %swap3A_403 = arith.constant 0 : index
      %swap3A_404 = tpu.vector_load %arg31[%swap3A_402, %swap3A_403] {strides = array<i32>} : memref<640x16xf32, #tpu.memory_space<vmem>>, vector<1x16xf32>,
      %swap3A_405 = vector.shape_cast %swap3A_404 : vector<1x16xf32> to vector<16xf32>
      %swap3A_406 = vector.shape_cast %broadcast_in_dim3A_397 : vector<16xf32> to vector<1x16xf32>
      tpu.vector_store %arg31[%swap3A_402, %swap3A_403], %swap3A_406 {strides = array<i32>} : memref<640x16xf32, #tpu.memory_space<vmem>>, vector<1x16xf32>,
      %slice3A_407 = vector.extract_strided_slice %get3A_265 {offsets = [12], sizes = [1], strides = [1]} : vector<16xf32> to vector<1xf32>
      %squeeze3A_408 = vector.extract %slice3A_407[0] : f32 from vector<1xf32>
      %broadcast_in_dim3A_409 = vector.broadcast %squeeze3A_408 : f32 to vector<16xf32>
      %mul3A_410 = arith.constant 16 : i32
      %mul3A_411 = arith.muli %scan3A_261, %mul3A_410 : i32
      %add3A_412 = arith.constant 12 : i32
      %add3A_413 = arith.addi %mul3A_411, %add3A_412 : i32
      %swap3A_414 = arith.index_cast %add3A_413 : i32 to index
      %swap3A_415 = arith.constant 0 : index
      %swap3A_416 = tpu.vector_load %arg31[%swap3A_414, %swap3A_415] {strides = array<i32>} : memref<640x16xf32, #tpu.memory_space<vmem>>, vector<1x16xf32>,
      %swap3A_417 = vector.shape_cast %swap3A_416 : vector<1x16xf32> to vector<16xf32>
      %swap3A_418 = vector.shape_cast %broadcast_in_dim3A_409 : vector<16xf32> to vector<1x16xf32>
      tpu.vector_store %arg31[%swap3A_414, %swap3A_415], %swap3A_418 {strides = array<i32>} : memref<640x16xf32, #tpu.memory_space<vmem>>, vector<1x16xf32>,
      %slice3A_419 = vector.extract_strided_slice %get3A_265 {offsets = [13], sizes = [1], strides = [1]} : vector<16xf32> to vector<1xf32>
      %squeeze3A_420 = vector.extract %slice3A_419[0] : f32 from vector<1xf32>
      %broadcast_in_dim3A_421 = vector.broadcast %squeeze3A_420 : f32 to vector<16xf32>
      %mul3A_422 = arith.constant 16 : i32
      %mul3A_423 = arith.muli %scan3A_261, %mul3A_422 : i32
      %add3A_424 = arith.constant 13 : i32
      %add3A_425 = arith.addi %mul3A_423, %add3A_424 : i32
      %swap3A_426 = arith.index_cast %add3A_425 : i32 to index
      %swap3A_427 = arith.constant 0 : index
      %swap3A_428 = tpu.vector_load %arg31[%swap3A_426, %swap3A_427] {strides = array<i32>} : memref<640x16xf32, #tpu.memory_space<vmem>>, vector<1x16xf32>,
      %swap3A_429 = vector.shape_cast %swap3A_428 : vector<1x16xf32> to vector<16xf32>
      %swap3A_430 = vector.shape_cast %broadcast_in_dim3A_421 : vector<16xf32> to vector<1x16xf32>
      tpu.vector_store %arg31[%swap3A_426, %swap3A_427], %swap3A_430 {strides = array<i32>} : memref<640x16xf32, #tpu.memory_space<vmem>>, vector<1x16xf32>,
      %slice3A_431 = vector.extract_strided_slice %get3A_265 {offsets = [14], sizes = [1], strides = [1]} : vector<16xf32> to vector<1xf32>
      %squeeze3A_432 = vector.extract %slice3A_431[0] : f32 from vector<1xf32>
      %broadcast_in_dim3A_433 = vector.broadcast %squeeze3A_432 : f32 to vector<16xf32>
      %mul3A_434 = arith.constant 16 : i32
      %mul3A_435 = arith.muli %scan3A_261, %mul3A_434 : i32
      %add3A_436 = arith.constant 14 : i32
      %add3A_437 = arith.addi %mul3A_435, %add3A_436 : i32
      %swap3A_438 = arith.index_cast %add3A_437 : i32 to index
      %swap3A_439 = arith.constant 0 : index
      %swap3A_440 = tpu.vector_load %arg31[%swap3A_438, %swap3A_439] {strides = array<i32>} : memref<640x16xf32, #tpu.memory_space<vmem>>, vector<1x16xf32>,
      %swap3A_441 = vector.shape_cast %swap3A_440 : vector<1x16xf32> to vector<16xf32>
      %swap3A_442 = vector.shape_cast %broadcast_in_dim3A_433 : vector<16xf32> to vector<1x16xf32>
      tpu.vector_store %arg31[%swap3A_438, %swap3A_439], %swap3A_442 {strides = array<i32>} : memref<640x16xf32, #tpu.memory_space<vmem>>, vector<1x16xf32>,
      %slice3A_443 = vector.extract_strided_slice %get3A_265 {offsets = [15], sizes = [1], strides = [1]} : vector<16xf32> to vector<1xf32>
      %squeeze3A_444 = vector.extract %slice3A_443[0] : f32 from vector<1xf32>
      %broadcast_in_dim3A_445 = vector.broadcast %squeeze3A_444 : f32 to vector<16xf32>
      %mul3A_446 = arith.constant 16 : i32
      %mul3A_447 = arith.muli %scan3A_261, %mul3A_446 : i32
      %add3A_448 = arith.constant 15 : i32
      %add3A_449 = arith.addi %mul3A_447, %add3A_448 : i32
      %swap3A_450 = arith.index_cast %add3A_449 : i32 to index
      %swap3A_451 = arith.constant 0 : index
      %swap3A_452 = tpu.vector_load %arg31[%swap3A_450, %swap3A_451] {strides = array<i32>} : memref<640x16xf32, #tpu.memory_space<vmem>>, vector<1x16xf32>,
      %swap3A_453 = vector.shape_cast %swap3A_452 : vector<1x16xf32> to vector<16xf32>
      %swap3A_454 = vector.shape_cast %broadcast_in_dim3A_445 : vector<16xf32> to vector<1x16xf32>
      tpu.vector_store %arg31[%swap3A_450, %swap3A_451], %swap3A_454 {strides = array<i32>} : memref<640x16xf32, #tpu.memory_space<vmem>>, vector<1x16xf32>,
    }
    %scan3A_255 = arith.constant 40 : i32
    "tpu.region"() ({
      %run_scoped3A = tpu.sem_alloc : memref<!tpu.dma_semaphore, #tpu.memory_space<semaphore_mem>>
      %dma_start3A_261 = arith.constant 0 : i32
      %dma_start3A_262 = arith.constant 0 : i32
      %dma_start3A_263 = tpu.memref_slice %arg31[%dma_start3A_261, %dma_start3A_262] : memref<640x16xf32, #tpu.memory_space<vmem>> -> memref<624x16xf32, #tpu.memory_space<vmem>>
      %dma_start3A_264 = arith.constant 0 : i32
      %dma_start3A_265 = tpu.memref_slice %arg6[%arg0, %multiple_of3A, %dma_start3A_264] : memref<2x10000x16xf32, #tpu.memory_space<hbm>> -> memref<1x624x16xf32, #tpu.memory_space<hbm>>
      %dma_start3A_266 = tpu.memref_squeeze %dma_start3A_265 : memref<1x624x16xf32, #tpu.memory_space<hbm>> -> memref<624x16xf32, #tpu.memory_space<hbm>>
      %dma_start3A_267 = arith.constant 0 : i32
      %dma_start3A_268 = tpu.memref_slice %arg6[%arg0, %multiple_of3A, %dma_start3A_267] : memref<2x10000x16xf32, #tpu.memory_space<hbm>> -> memref<1x624x16xf32, #tpu.memory_space<hbm>>
      %dma_start3A_269 = tpu.memref_squeeze %dma_start3A_268 : memref<1x624x16xf32, #tpu.memory_space<hbm>> -> memref<624x16xf32, #tpu.memory_space<hbm>>
      %dma_start3A_270 = arith.constant 0 : i32
      %dma_start3A_271 = arith.constant 0 : i32
      %dma_start3A_272 = tpu.memref_slice %arg31[%dma_start3A_270, %dma_start3A_271] : memref<640x16xf32, #tpu.memory_space<vmem>> -> memref<624x16xf32, #tpu.memory_space<vmem>>
      tpu.enqueue_dma source(%dma_start3A_272 : memref<624x16xf32, #tpu.memory_space<vmem>>) target(%dma_start3A_269 : memref<624x16xf32, #tpu.memory_space<hbm>>) target_semaphore(%run_scoped3A : memref<!tpu.dma_semaphore, #tpu.memory_space<semaphore_mem>>)
      %dma_wait3A_273 = arith.constant 0 : i32
      %dma_wait3A_274 = arith.constant 0 : i32
      %dma_wait3A_275 = tpu.memref_slice %arg31[%dma_wait3A_273, %dma_wait3A_274] : memref<640x16xf32, #tpu.memory_space<vmem>> -> memref<624x16xf32, #tpu.memory_space<vmem>>
      %dma_wait3A_276 = arith.constant 0 : i32
      %dma_wait3A_277 = tpu.memref_slice %arg6[%arg0, %multiple_of3A, %dma_wait3A_276] : memref<2x10000x16xf32, #tpu.memory_space<hbm>> -> memref<1x624x16xf32, #tpu.memory_space<hbm>>
      %dma_wait3A_278 = tpu.memref_squeeze %dma_wait3A_277 : memref<1x624x16xf32, #tpu.memory_space<hbm>> -> memref<624x16xf32, #tpu.memory_space<hbm>>
      %dma_wait3A_279 = arith.constant 0 : i32
      %dma_wait3A_280 = tpu.memref_slice %arg6[%arg0, %multiple_of3A, %dma_wait3A_279] : memref<2x10000x16xf32, #tpu.memory_space<hbm>> -> memref<1x624x16xf32, #tpu.memory_space<hbm>>
      %dma_wait3A_281 = tpu.memref_squeeze %dma_wait3A_280 : memref<1x624x16xf32, #tpu.memory_space<hbm>> -> memref<624x16xf32, #tpu.memory_space<hbm>>
      %dma_wait3A_282 = arith.constant 0 : i32
      %dma_wait3A_283 = arith.constant 0 : i32
      %dma_wait3A_284 = tpu.memref_slice %arg31[%dma_wait3A_282, %dma_wait3A_283] : memref<640x16xf32, #tpu.memory_space<vmem>> -> memref<624x16xf32, #tpu.memory_space<vmem>>
      tpu.wait_dma2 semaphore(%run_scoped3A : memref<!tpu.dma_semaphore, #tpu.memory_space<semaphore_mem>>) src(%dma_wait3A_284 : memref<624x16xf32, #tpu.memory_space<vmem>>) dst(%dma_wait3A_281 : memref<624x16xf32, #tpu.memory_space<hbm>>)
      tpu.yield
    }) : () -> ()
    %eq3A_256 = arith.constant 15 : i32
    %eq3A_257 = arith.cmpi eq, %arg1, %eq3A_256 : i32
    %convert_element_type3A_258 = arith.extui %eq3A_257 : i1 to i32
    %cond3A_259 = arith.constant 0 : i32
    %cond3A_260 = arith.cmpi ne, %convert_element_type3A_258, %cond3A_259 : i32
    scf.if %cond3A_260 {
      %add3A_261 = arith.constant 624 : i32
      %add3A_262 = arith.addi %multiple_of3A, %add3A_261 : i32
      "tpu.region"() ({
        %run_scoped3A = tpu.sem_alloc : memref<!tpu.dma_semaphore, #tpu.memory_space<semaphore_mem>>
        %dma_start3A_263 = arith.constant 624 : i32
        %dma_start3A_264 = arith.constant 0 : i32
        %dma_start3A_265 = tpu.memref_slice %arg31[%dma_start3A_263, %dma_start3A_264] : memref<640x16xf32, #tpu.memory_space<vmem>> -> memref<16x16xf32, #tpu.memory_space<vmem>>
        %dma_start3A_266 = arith.constant 0 : i32
        %dma_start3A_267 = tpu.memref_slice %arg6[%arg0, %add3A_262, %dma_start3A_266] : memref<2x10000x16xf32, #tpu.memory_space<hbm>> -> memref<1x16x16xf32, #tpu.memory_space<hbm>>
        %dma_start3A_268 = tpu.memref_squeeze %dma_start3A_267 : memref<1x16x16xf32, #tpu.memory_space<hbm>> -> memref<16x16xf32, #tpu.memory_space<hbm>>
        %dma_start3A_269 = arith.constant 0 : i32
        %dma_start3A_270 = tpu.memref_slice %arg6[%arg0, %add3A_262, %dma_start3A_269] : memref<2x10000x16xf32, #tpu.memory_space<hbm>> -> memref<1x16x16xf32, #tpu.memory_space<hbm>>
        %dma_start3A_271 = tpu.memref_squeeze %dma_start3A_270 : memref<1x16x16xf32, #tpu.memory_space<hbm>> -> memref<16x16xf32, #tpu.memory_space<hbm>>
        %dma_start3A_272 = arith.constant 624 : i32
        %dma_start3A_273 = arith.constant 0 : i32
        %dma_start3A_274 = tpu.memref_slice %arg31[%dma_start3A_272, %dma_start3A_273] : memref<640x16xf32, #tpu.memory_space<vmem>> -> memref<16x16xf32, #tpu.memory_space<vmem>>
        tpu.enqueue_dma source(%dma_start3A_274 : memref<16x16xf32, #tpu.memory_space<vmem>>) target(%dma_start3A_271 : memref<16x16xf32, #tpu.memory_space<hbm>>) target_semaphore(%run_scoped3A : memref<!tpu.dma_semaphore, #tpu.memory_space<semaphore_mem>>)
        %dma_wait3A_275 = arith.constant 624 : i32
        %dma_wait3A_276 = arith.constant 0 : i32
        %dma_wait3A_277 = tpu.memref_slice %arg31[%dma_wait3A_275, %dma_wait3A_276] : memref<640x16xf32, #tpu.memory_space<vmem>> -> memref<16x16xf32, #tpu.memory_space<vmem>>
        %dma_wait3A_278 = arith.constant 0 : i32
        %dma_wait3A_279 = tpu.memref_slice %arg6[%arg0, %add3A_262, %dma_wait3A_278] : memref<2x10000x16xf32, #tpu.memory_space<hbm>> -> memref<1x16x16xf32, #tpu.memory_space<hbm>>
        %dma_wait3A_280 = tpu.memref_squeeze %dma_wait3A_279 : memref<1x16x16xf32, #tpu.memory_space<hbm>> -> memref<16x16xf32, #tpu.memory_space<hbm>>
        %dma_wait3A_281 = arith.constant 0 : i32
        %dma_wait3A_282 = tpu.memref_slice %arg6[%arg0, %add3A_262, %dma_wait3A_281] : memref<2x10000x16xf32, #tpu.memory_space<hbm>> -> memref<1x16x16xf32, #tpu.memory_space<hbm>>
        %dma_wait3A_283 = tpu.memref_squeeze %dma_wait3A_282 : memref<1x16x16xf32, #tpu.memory_space<hbm>> -> memref<16x16xf32, #tpu.memory_space<hbm>>
        %dma_wait3A_284 = arith.constant 624 : i32
        %dma_wait3A_285 = arith.constant 0 : i32
        %dma_wait3A_286 = tpu.memref_slice %arg31[%dma_wait3A_284, %dma_wait3A_285] : memref<640x16xf32, #tpu.memory_space<vmem>> -> memref<16x16xf32, #tpu.memory_space<vmem>>
        tpu.wait_dma2 semaphore(%run_scoped3A : memref<!tpu.dma_semaphore, #tpu.memory_space<semaphore_mem>>) src(%dma_wait3A_286 : memref<16x16xf32, #tpu.memory_space<vmem>>) dst(%dma_wait3A_283 : memref<16x16xf32, #tpu.memory_space<hbm>>)
        tpu.yield
      }) : () -> ()
    } else {
    }
    return
  }
}

module attributes {stable_mosaic.version = 14 : i64} {
  func.func @body(%arg0: i32, %arg1: memref<2000x128xf32, #tpu.memory_space<vmem>>, %arg2: memref<128x128xf32, #tpu.memory_space<vmem>>, %arg3: memref<2000x64xf32, #tpu.memory_space<vmem>>, %arg4: memref<2000x64xf32, #tpu.memory_space<vmem>>) attributes {dimension_semantics = [#tpu.dimension_semantics<arbitrary>], iteration_bounds = array<i64: 5>, scalar_prefetch = 0 : i64, scratch_operands = 0 : i64, tpu.core_type = #tpu.core_type<tc>, window_params = [{transform_indices = @transform_0, window_bounds = array<i64: 2000, 128>}, {pipeline_mode = #tpu.pipeline_mode<synchronous>, transform_indices = @transform_1, window_bounds = array<i64: 128, 128>}, {transform_indices = @transform_2, window_bounds = array<i64: 2000, 64>}, {transform_indices = @transform_3, window_bounds = array<i64: 2000, 64>}]} {
    %get3A = arith.constant 0 : index
    %get3A_0 = arith.constant 0 : index
    %get3A_1 = vector.load %arg1[%get3A, %get3A_0] : memref<2000x128xf32, #tpu.memory_space<vmem>>, vector<2000x128xf32>
    %get3A_2 = arith.constant 0 : index
    %get3A_3 = arith.constant 0 : index
    %get3A_4 = vector.load %arg2[%get3A_2, %get3A_3] : memref<128x128xf32, #tpu.memory_space<vmem>>, vector<128x128xf32>
    %dot_general3A = arith.constant dense<0.000000e+00> : vector<2000x128xf32>
    %dot_general3A_5 = tpu.matmul %get3A_1, %get3A_4, %dot_general3A {dimension_numbers = #tpu.dot_dimension_numbers<[1], [0], [0], [1], [0, 0, 1, 1], [], []>, transpose_lhs_hint = false} : vector<2000x128xf32>, vector<128x128xf32>, vector<2000x128xf32> -> vector<2000x128xf32>
    %slice3A = vector.extract_strided_slice %dot_general3A_5 {offsets = [0, 0], sizes = [2000, 64], strides = [1, 1]} : vector<2000x128xf32> to vector<2000x64xf32>
    %swap3A = arith.constant 0 : index
    %swap3A_6 = arith.constant 0 : index
    %swap3A_7 = vector.load %arg3[%swap3A, %swap3A_6] : memref<2000x64xf32, #tpu.memory_space<vmem>>, vector<2000x64xf32>
    tpu.vector_store %arg3[%swap3A, %swap3A_6], %slice3A {strides = array<i32>} : memref<2000x64xf32, #tpu.memory_space<vmem>>, vector<2000x64xf32>,
    %slice3A_8 = vector.extract_strided_slice %dot_general3A_5 {offsets = [0, 64], sizes = [2000, 64], strides = [1, 1]} : vector<2000x128xf32> to vector<2000x64xf32>
    %swap3A_9 = arith.constant 0 : index
    %swap3A_10 = arith.constant 0 : index
    %swap3A_11 = vector.load %arg4[%swap3A_9, %swap3A_10] : memref<2000x64xf32, #tpu.memory_space<vmem>>, vector<2000x64xf32>
    tpu.vector_store %arg4[%swap3A_9, %swap3A_10], %slice3A_8 {strides = array<i32>} : memref<2000x64xf32, #tpu.memory_space<vmem>>, vector<2000x64xf32>,
    return
  }
  func.func @transform_0(%arg0: i32) -> (i32, i32) {
    %c0_i32 = arith.constant 0 : i32
    %c0_i32_0 = arith.constant 0 : i32
    return %arg0, %c0_i32 : i32, i32
  }
  func.func @transform_1(%arg0: i32) -> (i32, i32) {
    %c0_i32 = arith.constant 0 : i32
    %c0_i32_0 = arith.constant 0 : i32
    %c0_i32_1 = arith.constant 0 : i32
    return %c0_i32, %c0_i32_0 : i32, i32
  }
  func.func @transform_2(%arg0: i32) -> (i32, i32) {
    %c0_i32 = arith.constant 0 : i32
    %c0_i32_0 = arith.constant 0 : i32
    return %arg0, %c0_i32 : i32, i32
  }
  func.func @transform_3(%arg0: i32) -> (i32, i32) {
    %c0_i32 = arith.constant 0 : i32
    %c0_i32_0 = arith.constant 0 : i32
    return %arg0, %c0_i32 : i32, i32
  }
}

module attributes {stable_mosaic.version = 14 : i64} {
  func.func @body(%arg0: i32, %arg1: memref<2000x128xf32, #tpu.memory_space<vmem>>, %arg2: memref<128x128xf32, #tpu.memory_space<vmem>>, %arg3: memref<2000x128xf32, #tpu.memory_space<vmem>>) attributes {dimension_semantics = [#tpu.dimension_semantics<arbitrary>], iteration_bounds = array<i64: 5>, scalar_prefetch = 0 : i64, scratch_operands = 0 : i64, tpu.core_type = #tpu.core_type<tc>, window_params = [{transform_indices = @transform_0, window_bounds = array<i64: 2000, 128>}, {pipeline_mode = #tpu.pipeline_mode<synchronous>, transform_indices = @transform_1, window_bounds = array<i64: 128, 128>}, {transform_indices = @transform_2, window_bounds = array<i64: 2000, 128>}]} {
    %get3A = arith.constant 0 : index
    %get3A_0 = arith.constant 0 : index
    %get3A_1 = vector.load %arg1[%get3A, %get3A_0] : memref<2000x128xf32, #tpu.memory_space<vmem>>, vector<2000x128xf32>
    %get3A_2 = arith.constant 0 : index
    %get3A_3 = arith.constant 0 : index
    %get3A_4 = vector.load %arg2[%get3A_2, %get3A_3] : memref<128x128xf32, #tpu.memory_space<vmem>>, vector<128x128xf32>
    %dot_general3A = arith.constant dense<0.000000e+00> : vector<2000x128xf32>
    %dot_general3A_5 = tpu.matmul %get3A_1, %get3A_4, %dot_general3A {dimension_numbers = #tpu.dot_dimension_numbers<[1], [0], [0], [1], [0, 0, 1, 1], [], []>, transpose_lhs_hint = false} : vector<2000x128xf32>, vector<128x128xf32>, vector<2000x128xf32> -> vector<2000x128xf32>
    %swap3A = arith.constant 0 : index
    %swap3A_6 = arith.constant 0 : index
    %swap3A_7 = vector.load %arg3[%swap3A, %swap3A_6] : memref<2000x128xf32, #tpu.memory_space<vmem>>, vector<2000x128xf32>
    tpu.vector_store %arg3[%swap3A, %swap3A_6], %dot_general3A_5 {strides = array<i32>} : memref<2000x128xf32, #tpu.memory_space<vmem>>, vector<2000x128xf32>,
    return
  }
  func.func @transform_0(%arg0: i32) -> (i32, i32) {
    %c0_i32 = arith.constant 0 : i32
    %c0_i32_0 = arith.constant 0 : i32
    return %arg0, %c0_i32 : i32, i32
  }
  func.func @transform_1(%arg0: i32) -> (i32, i32) {
    %c0_i32 = arith.constant 0 : i32
    %c0_i32_0 = arith.constant 0 : i32
    %c0_i32_1 = arith.constant 0 : i32
    return %c0_i32, %c0_i32_0 : i32, i32
  }
  func.func @transform_2(%arg0: i32) -> (i32, i32) {
    %c0_i32 = arith.constant 0 : i32
    %c0_i32_0 = arith.constant 0 : i32
    return %arg0, %c0_i32 : i32, i32
  }
}

module attributes {stable_mosaic.version = 14 : i64} {
  func.func @body(%arg0: i32, %arg1: memref<2x2000x64xf32, #tpu.memory_space<vmem>>, %arg2: memref<2x2000x64xf32, #tpu.memory_space<vmem>>, %arg3: memref<2x2000x16xf32, #tpu.memory_space<vmem>>, %arg4: memref<2000x128xf32, #tpu.memory_space<vmem>>, %arg5: memref<1x128xf32, #tpu.memory_space<vmem>>, %arg6: memref<128x64xf32, #tpu.memory_space<vmem>>, %arg7: memref<128x64xf32, #tpu.memory_space<vmem>>, %arg8: memref<2000x64xf32, #tpu.memory_space<vmem>>, %arg9: memref<2000x64xf32, #tpu.memory_space<vmem>>, %arg10: memref<2000x1xf32, #tpu.memory_space<vmem>>) attributes {dimension_semantics = [#tpu.dimension_semantics<arbitrary>], iteration_bounds = array<i64: 5>, scalar_prefetch = 0 : i64, scratch_operands = 0 : i64, tpu.core_type = #tpu.core_type<tc>, window_params = [{transform_indices = @transform_0, window_bounds = array<i64: 2, 2000, 64>}, {transform_indices = @transform_1, window_bounds = array<i64: 2, 2000, 64>}, {transform_indices = @transform_2, window_bounds = array<i64: 2, 2000, 16>}, {transform_indices = @transform_3, window_bounds = array<i64: 2000, 128>}, {pipeline_mode = #tpu.pipeline_mode<synchronous>, transform_indices = @transform_4, window_bounds = array<i64: 1, 128>}, {pipeline_mode = #tpu.pipeline_mode<synchronous>, transform_indices = @transform_5, window_bounds = array<i64: 128, 64>}, {pipeline_mode = #tpu.pipeline_mode<synchronous>, transform_indices = @transform_6, window_bounds = array<i64: 128, 64>}, {transform_indices = @transform_7, window_bounds = array<i64: 2000, 64>}, {transform_indices = @transform_8, window_bounds = array<i64: 2000, 64>}, {transform_indices = @transform_9, window_bounds = array<i64: 2000, 1>}]} {
    %get3A = arith.constant 0 : index
    %get3A_0 = arith.constant 0 : index
    %get3A_1 = arith.constant 0 : index
    %get3A_2 = vector.load %arg3[%get3A, %get3A_0, %get3A_1] : memref<2x2000x16xf32, #tpu.memory_space<vmem>>, vector<1x2000x1xf32>
    %get3A_3 = vector.shape_cast %get3A_2 : vector<1x2000x1xf32> to vector<2000x1xf32>
    %get3A_4 = arith.constant 1 : index
    %get3A_5 = arith.constant 0 : index
    %get3A_6 = arith.constant 0 : index
    %get3A_7 = vector.load %arg3[%get3A_4, %get3A_5, %get3A_6] : memref<2x2000x16xf32, #tpu.memory_space<vmem>>, vector<1x2000x1xf32>
    %get3A_8 = vector.shape_cast %get3A_7 : vector<1x2000x1xf32> to vector<2000x1xf32>
    %add3A = arith.addf %get3A_3, %get3A_8 : vector<2000x1xf32>
    %max3A = arith.constant 1.000000e+00 : f32
    %max3A_9 = vector.broadcast %max3A : f32 to vector<2000x1xf32>
    %max3A_10 = arith.maximumf %add3A, %max3A_9 : vector<2000x1xf32>
    %div3A = arith.constant 1.000000e+00 : f32
    %div3A_11 = vector.broadcast %div3A : f32 to vector<2000x1xf32>
    %div3A_12 = arith.divf %div3A_11, %max3A_10 : vector<2000x1xf32>
    %swap3A = arith.constant 0 : index
    %swap3A_13 = arith.constant 0 : index
    %swap3A_14 = vector.load %arg10[%swap3A, %swap3A_13] : memref<2000x1xf32, #tpu.memory_space<vmem>>, vector<2000x1xf32>
    tpu.vector_store %arg10[%swap3A, %swap3A_13], %div3A_12 {strides = array<i32>} : memref<2000x1xf32, #tpu.memory_space<vmem>>, vector<2000x1xf32>,
    %get3A_15 = arith.constant 0 : index
    %get3A_16 = arith.constant 0 : index
    %get3A_17 = vector.load %arg4[%get3A_15, %get3A_16] : memref<2000x128xf32, #tpu.memory_space<vmem>>, vector<2000x128xf32>
    %get3A_18 = arith.constant 0 : index
    %get3A_19 = arith.constant 0 : index
    %get3A_20 = vector.load %arg5[%get3A_18, %get3A_19] : memref<1x128xf32, #tpu.memory_space<vmem>>, vector<1x128xf32>
    %add3A_21 = vector.broadcast %get3A_20 : vector<1x128xf32> to vector<2000x128xf32>
    %add3A_22 = arith.addf %get3A_17, %add3A_21 : vector<2000x128xf32>
    %get3A_23 = arith.constant 0 : index
    %get3A_24 = arith.constant 0 : index
    %get3A_25 = arith.constant 0 : index
    %get3A_26 = vector.load %arg1[%get3A_23, %get3A_24, %get3A_25] : memref<2x2000x64xf32, #tpu.memory_space<vmem>>, vector<1x2000x64xf32>
    %get3A_27 = vector.shape_cast %get3A_26 : vector<1x2000x64xf32> to vector<2000x64xf32>
    %get3A_28 = arith.constant 1 : index
    %get3A_29 = arith.constant 0 : index
    %get3A_30 = arith.constant 0 : index
    %get3A_31 = vector.load %arg1[%get3A_28, %get3A_29, %get3A_30] : memref<2x2000x64xf32, #tpu.memory_space<vmem>>, vector<1x2000x64xf32>
    %get3A_32 = vector.shape_cast %get3A_31 : vector<1x2000x64xf32> to vector<2000x64xf32>
    %add3A_33 = arith.addf %get3A_27, %get3A_32 : vector<2000x64xf32>
    %mul3A = vector.broadcast %div3A_12 : vector<2000x1xf32> to vector<2000x64xf32>
    %mul3A_34 = arith.mulf %add3A_33, %mul3A : vector<2000x64xf32>
    %slice3A = vector.extract_strided_slice %add3A_22 {offsets = [0, 0], sizes = [2000, 64], strides = [1, 1]} : vector<2000x128xf32> to vector<2000x64xf32>
    %add3A_35 = arith.addf %mul3A_34, %slice3A : vector<2000x64xf32>
    %max3A_36 = arith.constant 0.000000e+00 : f32
    %max3A_37 = vector.broadcast %max3A_36 : f32 to vector<2000x64xf32>
    %max3A_38 = arith.maximumf %add3A_35, %max3A_37 : vector<2000x64xf32>
    %get3A_39 = arith.constant 0 : index
    %get3A_40 = arith.constant 0 : index
    %get3A_41 = arith.constant 0 : index
    %get3A_42 = vector.load %arg2[%get3A_39, %get3A_40, %get3A_41] : memref<2x2000x64xf32, #tpu.memory_space<vmem>>, vector<1x2000x64xf32>
    %get3A_43 = vector.shape_cast %get3A_42 : vector<1x2000x64xf32> to vector<2000x64xf32>
    %get3A_44 = arith.constant 1 : index
    %get3A_45 = arith.constant 0 : index
    %get3A_46 = arith.constant 0 : index
    %get3A_47 = vector.load %arg2[%get3A_44, %get3A_45, %get3A_46] : memref<2x2000x64xf32, #tpu.memory_space<vmem>>, vector<1x2000x64xf32>
    %get3A_48 = vector.shape_cast %get3A_47 : vector<1x2000x64xf32> to vector<2000x64xf32>
    %add3A_49 = arith.addf %get3A_43, %get3A_48 : vector<2000x64xf32>
    %mul3A_50 = vector.broadcast %div3A_12 : vector<2000x1xf32> to vector<2000x64xf32>
    %mul3A_51 = arith.mulf %add3A_49, %mul3A_50 : vector<2000x64xf32>
    %slice3A_52 = vector.extract_strided_slice %add3A_22 {offsets = [0, 64], sizes = [2000, 64], strides = [1, 1]} : vector<2000x128xf32> to vector<2000x64xf32>
    %add3A_53 = arith.addf %mul3A_51, %slice3A_52 : vector<2000x64xf32>
    %max3A_54 = arith.constant 0.000000e+00 : f32
    %max3A_55 = vector.broadcast %max3A_54 : f32 to vector<2000x64xf32>
    %max3A_56 = arith.maximumf %add3A_53, %max3A_55 : vector<2000x64xf32>
    %get3A_57 = arith.constant 0 : index
    %get3A_58 = arith.constant 0 : index
    %get3A_59 = vector.load %arg6[%get3A_57, %get3A_58] : memref<128x64xf32, #tpu.memory_space<vmem>>, vector<64x64xf32>
    %dot_general3A = arith.constant dense<0.000000e+00> : vector<2000x64xf32>
    %dot_general3A_60 = tpu.matmul %max3A_38, %get3A_59, %dot_general3A {dimension_numbers = #tpu.dot_dimension_numbers<[1], [0], [0], [1], [0, 0, 1, 1], [], []>, transpose_lhs_hint = false} : vector<2000x64xf32>, vector<64x64xf32>, vector<2000x64xf32> -> vector<2000x64xf32>
    %get3A_61 = arith.constant 64 : index
    %get3A_62 = arith.constant 0 : index
    %get3A_63 = vector.load %arg6[%get3A_61, %get3A_62] : memref<128x64xf32, #tpu.memory_space<vmem>>, vector<64x64xf32>
    %dot_general3A_64 = arith.constant dense<0.000000e+00> : vector<2000x64xf32>
    %dot_general3A_65 = tpu.matmul %max3A_56, %get3A_63, %dot_general3A_64 {dimension_numbers = #tpu.dot_dimension_numbers<[1], [0], [0], [1], [0, 0, 1, 1], [], []>, transpose_lhs_hint = false} : vector<2000x64xf32>, vector<64x64xf32>, vector<2000x64xf32> -> vector<2000x64xf32>
    %add3A_66 = arith.addf %dot_general3A_60, %dot_general3A_65 : vector<2000x64xf32>
    %swap3A_67 = arith.constant 0 : index
    %swap3A_68 = arith.constant 0 : index
    %swap3A_69 = vector.load %arg8[%swap3A_67, %swap3A_68] : memref<2000x64xf32, #tpu.memory_space<vmem>>, vector<2000x64xf32>
    tpu.vector_store %arg8[%swap3A_67, %swap3A_68], %add3A_66 {strides = array<i32>} : memref<2000x64xf32, #tpu.memory_space<vmem>>, vector<2000x64xf32>,
    %get3A_70 = arith.constant 0 : index
    %get3A_71 = arith.constant 0 : index
    %get3A_72 = vector.load %arg7[%get3A_70, %get3A_71] : memref<128x64xf32, #tpu.memory_space<vmem>>, vector<64x64xf32>
    %dot_general3A_73 = arith.constant dense<0.000000e+00> : vector<2000x64xf32>
    %dot_general3A_74 = tpu.matmul %max3A_38, %get3A_72, %dot_general3A_73 {dimension_numbers = #tpu.dot_dimension_numbers<[1], [0], [0], [1], [0, 0, 1, 1], [], []>, transpose_lhs_hint = false} : vector<2000x64xf32>, vector<64x64xf32>, vector<2000x64xf32> -> vector<2000x64xf32>
    %get3A_75 = arith.constant 64 : index
    %get3A_76 = arith.constant 0 : index
    %get3A_77 = vector.load %arg7[%get3A_75, %get3A_76] : memref<128x64xf32, #tpu.memory_space<vmem>>, vector<64x64xf32>
    %dot_general3A_78 = arith.constant dense<0.000000e+00> : vector<2000x64xf32>
    %dot_general3A_79 = tpu.matmul %max3A_56, %get3A_77, %dot_general3A_78 {dimension_numbers = #tpu.dot_dimension_numbers<[1], [0], [0], [1], [0, 0, 1, 1], [], []>, transpose_lhs_hint = false} : vector<2000x64xf32>, vector<64x64xf32>, vector<2000x64xf32> -> vector<2000x64xf32>
    %add3A_80 = arith.addf %dot_general3A_74, %dot_general3A_79 : vector<2000x64xf32>
    %swap3A_81 = arith.constant 0 : index
    %swap3A_82 = arith.constant 0 : index
    %swap3A_83 = vector.load %arg9[%swap3A_81, %swap3A_82] : memref<2000x64xf32, #tpu.memory_space<vmem>>, vector<2000x64xf32>
    tpu.vector_store %arg9[%swap3A_81, %swap3A_82], %add3A_80 {strides = array<i32>} : memref<2000x64xf32, #tpu.memory_space<vmem>>, vector<2000x64xf32>,
    return
  }
  func.func @transform_0(%arg0: i32) -> (i32, i32, i32) {
    %c0_i32 = arith.constant 0 : i32
    %c0_i32_0 = arith.constant 0 : i32
    %c0_i32_1 = arith.constant 0 : i32
    return %c0_i32, %arg0, %c0_i32_0 : i32, i32, i32
  }
  func.func @transform_1(%arg0: i32) -> (i32, i32, i32) {
    %c0_i32 = arith.constant 0 : i32
    %c0_i32_0 = arith.constant 0 : i32
    %c0_i32_1 = arith.constant 0 : i32
    return %c0_i32, %arg0, %c0_i32_0 : i32, i32, i32
  }
  func.func @transform_2(%arg0: i32) -> (i32, i32, i32) {
    %c0_i32 = arith.constant 0 : i32
    %c0_i32_0 = arith.constant 0 : i32
    %c0_i32_1 = arith.constant 0 : i32
    return %c0_i32, %arg0, %c0_i32_0 : i32, i32, i32
  }
  func.func @transform_3(%arg0: i32) -> (i32, i32) {
    %c0_i32 = arith.constant 0 : i32
    %c0_i32_0 = arith.constant 0 : i32
    return %arg0, %c0_i32 : i32, i32
  }
  func.func @transform_4(%arg0: i32) -> (i32, i32) {
    %c0_i32 = arith.constant 0 : i32
    %c0_i32_0 = arith.constant 0 : i32
    %c0_i32_1 = arith.constant 0 : i32
    return %c0_i32, %c0_i32_0 : i32, i32
  }
  func.func @transform_5(%arg0: i32) -> (i32, i32) {
    %c0_i32 = arith.constant 0 : i32
    %c0_i32_0 = arith.constant 0 : i32
    %c0_i32_1 = arith.constant 0 : i32
    return %c0_i32, %c0_i32_0 : i32, i32
  }
  func.func @transform_6(%arg0: i32) -> (i32, i32) {
    %c0_i32 = arith.constant 0 : i32
    %c0_i32_0 = arith.constant 0 : i32
    %c0_i32_1 = arith.constant 0 : i32
    return %c0_i32, %c0_i32_0 : i32, i32
  }
  func.func @transform_7(%arg0: i32) -> (i32, i32) {
    %c0_i32 = arith.constant 0 : i32
    %c0_i32_0 = arith.constant 0 : i32
    return %arg0, %c0_i32 : i32, i32
  }
  func.func @transform_8(%arg0: i32) -> (i32, i32) {
    %c0_i32 = arith.constant 0 : i32
    %c0_i32_0 = arith.constant 0 : i32
    return %arg0, %c0_i32 : i32, i32
  }
  func.func @transform_9(%arg0: i32) -> (i32, i32) {
    %c0_i32 = arith.constant 0 : i32
    %c0_i32_0 = arith.constant 0 : i32
    return %arg0, %c0_i32 : i32, i32
  }
}

module attributes {stable_mosaic.version = 14 : i64} {
  func.func @body(%arg0: i32, %arg1: memref<2x2000x64xf32, #tpu.memory_space<vmem>>, %arg2: memref<2000x1xf32, #tpu.memory_space<vmem>>, %arg3: memref<2000x64xf32, #tpu.memory_space<vmem>>, %arg4: memref<1x64xf32, #tpu.memory_space<vmem>>, %arg5: memref<2000x64xf32, #tpu.memory_space<vmem>>) attributes {dimension_semantics = [#tpu.dimension_semantics<arbitrary>], iteration_bounds = array<i64: 5>, scalar_prefetch = 0 : i64, scratch_operands = 0 : i64, tpu.core_type = #tpu.core_type<tc>, window_params = [{transform_indices = @transform_0, window_bounds = array<i64: 2, 2000, 64>}, {transform_indices = @transform_1, window_bounds = array<i64: 2000, 1>}, {transform_indices = @transform_2, window_bounds = array<i64: 2000, 64>}, {pipeline_mode = #tpu.pipeline_mode<synchronous>, transform_indices = @transform_3, window_bounds = array<i64: 1, 64>}, {transform_indices = @transform_4, window_bounds = array<i64: 2000, 64>}]} {
    %get3A = arith.constant 0 : index
    %get3A_0 = arith.constant 0 : index
    %get3A_1 = arith.constant 0 : index
    %get3A_2 = vector.load %arg1[%get3A, %get3A_0, %get3A_1] : memref<2x2000x64xf32, #tpu.memory_space<vmem>>, vector<1x2000x64xf32>
    %get3A_3 = vector.shape_cast %get3A_2 : vector<1x2000x64xf32> to vector<2000x64xf32>
    %get3A_4 = arith.constant 1 : index
    %get3A_5 = arith.constant 0 : index
    %get3A_6 = arith.constant 0 : index
    %get3A_7 = vector.load %arg1[%get3A_4, %get3A_5, %get3A_6] : memref<2x2000x64xf32, #tpu.memory_space<vmem>>, vector<1x2000x64xf32>
    %get3A_8 = vector.shape_cast %get3A_7 : vector<1x2000x64xf32> to vector<2000x64xf32>
    %add3A = arith.addf %get3A_3, %get3A_8 : vector<2000x64xf32>
    %get3A_9 = arith.constant 0 : index
    %get3A_10 = arith.constant 0 : index
    %get3A_11 = vector.load %arg2[%get3A_9, %get3A_10] : memref<2000x1xf32, #tpu.memory_space<vmem>>, vector<2000x1xf32>
    %mul3A = vector.broadcast %get3A_11 : vector<2000x1xf32> to vector<2000x64xf32>
    %mul3A_12 = arith.mulf %add3A, %mul3A : vector<2000x64xf32>
    %get3A_13 = arith.constant 0 : index
    %get3A_14 = arith.constant 0 : index
    %get3A_15 = vector.load %arg4[%get3A_13, %get3A_14] : memref<1x64xf32, #tpu.memory_space<vmem>>, vector<1x64xf32>
    %add3A_16 = vector.broadcast %get3A_15 : vector<1x64xf32> to vector<2000x64xf32>
    %add3A_17 = arith.addf %mul3A_12, %add3A_16 : vector<2000x64xf32>
    %get3A_18 = arith.constant 0 : index
    %get3A_19 = arith.constant 0 : index
    %get3A_20 = vector.load %arg3[%get3A_18, %get3A_19] : memref<2000x64xf32, #tpu.memory_space<vmem>>, vector<2000x64xf32>
    %add3A_21 = arith.addf %add3A_17, %get3A_20 : vector<2000x64xf32>
    %swap3A = arith.constant 0 : index
    %swap3A_22 = arith.constant 0 : index
    %swap3A_23 = vector.load %arg5[%swap3A, %swap3A_22] : memref<2000x64xf32, #tpu.memory_space<vmem>>, vector<2000x64xf32>
    tpu.vector_store %arg5[%swap3A, %swap3A_22], %add3A_21 {strides = array<i32>} : memref<2000x64xf32, #tpu.memory_space<vmem>>, vector<2000x64xf32>,
    return
  }
  func.func @transform_0(%arg0: i32) -> (i32, i32, i32) {
    %c0_i32 = arith.constant 0 : i32
    %c0_i32_0 = arith.constant 0 : i32
    %c0_i32_1 = arith.constant 0 : i32
    return %c0_i32, %arg0, %c0_i32_0 : i32, i32, i32
  }
  func.func @transform_1(%arg0: i32) -> (i32, i32) {
    %c0_i32 = arith.constant 0 : i32
    %c0_i32_0 = arith.constant 0 : i32
    return %arg0, %c0_i32 : i32, i32
  }
  func.func @transform_2(%arg0: i32) -> (i32, i32) {
    %c0_i32 = arith.constant 0 : i32
    %c0_i32_0 = arith.constant 0 : i32
    return %arg0, %c0_i32 : i32, i32
  }
  func.func @transform_3(%arg0: i32) -> (i32, i32) {
    %c0_i32 = arith.constant 0 : i32
    %c0_i32_0 = arith.constant 0 : i32
    %c0_i32_1 = arith.constant 0 : i32
    return %c0_i32, %c0_i32_0 : i32, i32
  }
  func.func @transform_4(%arg0: i32) -> (i32, i32) {
    %c0_i32 = arith.constant 0 : i32
    %c0_i32_0 = arith.constant 0 : i32
    return %arg0, %c0_i32 : i32, i32
  }
}

</mosaic_0001>

<sc_bundles>
// kernel: kernel.12.cloned.1.call-start
scs
__scs_entry_jumppad:
0x0: {  	(pc) =	sbr.rel $0x88, $3  }
0x1: {  	(tag) =	ssettag $0x0;
	lr =	simm.s32 $0x1  }
0x2: {  	[smem:$0x3F99] =	sst lr;
	_ =	strace $0xD0000000  }
0x3: {  	_ = 	snop  }
0x4: {  	_ = 	snop  }
0x5: {  	_ = 	snop  }
0x6: {  	_ = 	snop  }
0x7: {  	_ = 	snop  }
__scs_overlays_trampoline_lowered:
0x8: {  	[smem:$0x3FA8] =	sst s0  }
0x9: {  	[smem:$0x3FA9] =	sst s1  }
0xa: {  	[smem:$0x3FAA] =	sst s2  }
0xb: {  	[smem:$0x3FAB] =	sst s3  }
0xc: {  	[smem:$0x3FAC] =	sst s4  }
0xd: {  	[smem:$0x3FAD] =	sst s5  }
0xe: {  	[smem:$0x3FAE] =	sst s6  }
0xf: {  	[smem:$0x3FAF] =	sst s7  }
0x10: {  	[smem:$0x3FB0] =	sst s8  }
0x11: {  	[smem:$0x3FB1] =	sst s9;
	s0 =	simm.s32 @!p0 $0x0  }
0x12: {  	s1 =	sld [smem:$0x3F97];
	s0 =	simm.s32 @p0 $0x1  }
0x13: {  	[smem:$0x3FB2] =	sst s0;
	s0 =	simm.s32 @!p1 $0x0  }
0x14: {  	s2 =	sld [smem:$0x3F96];
	s0 =	simm.s32 @p1 $0x1  }
0x15: {  	[smem:$0x3FB3] =	sst s0;
	s0 =	simm.s32 @!p2 $0x0  }
0x16: {  	s3 =	sld [smem:$0x3FDB];
	s0 =	simm.s32 @p2 $0x1  }
0x17: {  	s4 =	simm.s32 $0x1BF5;
	[smem:$0x3FB5] =	sst s0  }
0x18: {  	s0 =	sld [smem:$0x3F98];
	_ =	swait.ge [sflag:s4], $0x0  }
0x19: {  	s7 =	sld [smem:$0x3F99]  }
0x1a: {  	s8 =	sadd.s32 $0xFFFFE003, lr  }
0x1b: {  	s9 =	sadd.s32 $0xFFFFFEF7, lr;
	s5 =	simm.s32 $0xFFFFFFFF;
	p2 =	slt.u32 s8, $0xFFFFF086  }
0x1c: {  	p1 =	slt.u32 s9, $0xF7A;
	s5 =	simm.s32 @!p2 $0x0  }
0x1d: {  	s5 =	simm.s32 @p1 $0x1;
	p0 =	seq.s32 s7, s2  }
0x1e: {  	s7 =	smul.u32 @!p0 $0xF7A, s2;
	p2 =	seq.s32 @!p0 s5, $0x0  }
0x1f: {  	s9 =	smul.u32 $0xF7A, s1;
	s8 =	simm.s32 @!p0 $0x1BF5;
	p2 =	por !p2, p0  }
0x20: {  	[sflag:s8] =	ssyncset.s32 @!p0 $0xFFFFF086;
	s6 =	sadd.s32 @!p0 s3, s7;
	s7 =	simm.s32 @!p0 $0x108  }
0x21: {  	s3 =	sadd.s32 s3, s9;
	s6 =	sadd.s32 @!p0 $0x88, s6;
	s7 =	simm.s32 @p2 $0x1082  }
0x22: {  	[simem:s7], [sflag:s8] =	dma.local @!p0 [hbm:s6], $0xF7A  }
0x23: {  	s9 =	sor.u32 $0xD0000000, s2;
	s6 =	simm.s32 $0x108;
	_ =	swait.ge @!p0 [sflag:s8], $0x0  }
0x24: {  	s3 =	sadd.s32 $0x88, s3;
	s6 =	simm.s32 @!p1 $0x1082;
	[sflag:s4] =	ssyncset.s32 $0xFFFFF086  }
0x25: {  	[simem:s6], [sflag:s4] =	dma.local [hbm:s3], $0xF7A  }
0x26: {  	[smem:$0x3F99] =	sst s1;
	(tag) =	ssettag s2;
	_ =	strace s9  }
0x27: {  	s1 =	sld [smem:$0x3FA9]  }
0x28: {  	s2 =	sld [smem:$0x3FAA]  }
0x29: {  	s4 =	sld [smem:$0x3FAC]  }
0x2a: {  	p0 =	seq.s32 s5, $0x0;
	s5 =	sld [smem:$0x3FAD]  }
0x2b: {  	s6 =	sld [smem:$0x3FAE]  }
0x2c: {  	s7 =	sld [smem:$0x3FAF]  }
0x2d: {  	s3 =	simm.s32 $0x108;
	s8 =	sld [smem:$0x3FB0]  }
0x2e: {  	s3 =	simm.s32 @!p0 $0x1082;
	s9 =	sld [smem:$0x3FB1]  }
0x2f: {  	lr =	sadd.s32 s0, s3;
	s0 =	sld [smem:$0x3FA8]  }
0x30: {  	s3 =	sld [smem:$0x3FAB]  }
0x31: {  	[smem:$0x3FB4] =	sst s10  }
0x32: {  	s10 =	sld [smem:$0x3FB2];
	_ =	sdelay $0x3  }
0x33: {  	p0 =	seq.s32 s10, $0x1;
	s10 =	sld [smem:$0x3FB4];
	_ =	sdelay $0x3  }
0x34: {  	[smem:$0x3FB4] =	sst s10  }
0x35: {  	s10 =	sld [smem:$0x3FB3];
	_ =	sdelay $0x3  }
0x36: {  	p1 =	seq.s32 s10, $0x1;
	s10 =	sld [smem:$0x3FB4];
	_ =	sdelay $0x3  }
0x37: {  	[smem:$0x3FB4] =	sst s10  }
0x38: {  	s10 =	sld [smem:$0x3FB5]  }
0x39: {  	_ = 	snop;
	(pc) =	sbr.ind lr, $3  }
0x3a: {  	_ = 	snop  }
0x3b: {  	_ = 	snop  }
0x3c: {  	p2 =	seq.s32 s10, $0x1;
	s10 =	sld [smem:$0x3FB4]  }
0x3d: {  	_ =	shalt  }
0x3e: {  	_ =	shalt  }
0x3f: {  	_ =	shalt  }
0x40: {  	_ =	shalt  }
0x41: {  	_ =	shalt  }
0x42: {  	_ =	shalt  }
0x43: {  	_ =	shalt  }
0x44: {  	_ =	shalt  }
0x45: {  	_ =	shalt  }
0x46: {  	_ =	shalt  }
0x47: {  	_ =	shalt  }
0x48: {  	_ =	shalt  }
0x49: {  	_ =	shalt  }
0x4a: {  	_ =	shalt  }
0x4b: {  	_ =	shalt  }
0x4c: {  	_ =	shalt  }
0x4d: {  	_ =	shalt  }
0x4e: {  	_ =	shalt  }
0x4f: {  	_ =	shalt  }
0x50: {  	_ =	shalt  }
0x51: {  	_ =	shalt  }
0x52: {  	_ =	shalt  }
0x53: {  	_ =	shalt  }
0x54: {  	_ =	shalt  }
0x55: {  	_ =	shalt  }
0x56: {  	_ =	shalt  }
0x57: {  	_ =	shalt  }
0x58: {  	_ =	shalt  }
0x59: {  	_ =	shalt  }
0x5a: {  	_ =	shalt  }
0x5b: {  	_ =	shalt  }
0x5c: {  	_ =	shalt  }
0x5d: {  	_ =	shalt  }
0x5e: {  	_ =	shalt  }
0x5f: {  	_ =	shalt  }
0x60: {  	_ =	shalt  }
0x61: {  	_ =	shalt  }
0x62: {  	_ =	shalt  }
0x63: {  	_ =	shalt  }
0x64: {  	_ =	shalt  }
0x65: {  	_ =	shalt  }
0x66: {  	_ =	shalt  }
0x67: {  	_ =	shalt  }
0x68: {  	_ =	shalt  }
0x69: {  	_ =	shalt  }
0x6a: {  	_ =	shalt  }
0x6b: {  	_ =	shalt  }
0x6c: {  	_ =	shalt  }
0x6d: {  	_ =	shalt  }
0x6e: {  	_ =	shalt  }
0x6f: {  	_ =	shalt  }
0x70: {  	_ =	shalt  }
0x71: {  	_ =	shalt  }
0x72: {  	_ =	shalt  }
0x73: {  	_ =	shalt  }
0x74: {  	_ =	shalt  }
0x75: {  	_ =	shalt  }
0x76: {  	_ =	shalt  }
0x77: {  	_ =	shalt  }
0x78: {  	_ =	shalt  }
0x79: {  	_ =	shalt  }
0x7a: {  	_ =	shalt  }
0x7b: {  	_ =	shalt  }
0x7c: {  	_ =	shalt  }
0x7d: {  	_ =	shalt  }
0x7e: {  	_ =	shalt  }
0x7f: {  	_ =	shalt  }
0x80: {  	_ =	shalt  }
0x81: {  	_ =	shalt  }
0x82: {  	_ =	shalt  }
0x83: {  	_ =	shalt  }
0x84: {  	_ =	shalt  }
0x85: {  	_ =	shalt  }
0x86: {  	_ =	shalt  }
0x87: {  	_ =	shalt  }
.Lfunc_end0:
.L_simem_size_0:
called_computation.1_lowered:
.L_overlay_start_0:
0x88: {  	s2 =	sld [smem:$0x3FD9]  }
0x89: {  	s3 =	sld [smem:$0x3FFE];
	_ =	sdelay $0x1  }
0x8a: {  	s1 =	srdreg.scid  }
0x8b: {  	s0 =	sand.u32 $0x1, s1  }
0x8c: {  	s16 =	sshll.u32 s0, $0xA;
	s2 =	sadd.s32 s3, s2  }
0x8d: {  	s2 =	sadd.s32 s2, s16  }
0x8e: {  	[smem:$0x3FC0] =	sst s2  }
0x8f: {  	_ = 	snop  }
0x90: {  	(tm) =	ssettm $0x1  }
0x91: {  	s17 =	sld [smem:$0x3FFB];
	_ =	sdelay $0x3  }
0x92: {  	_ =	strace s17  }
0x93: {  	s2 =	sld [smem:$0x3FFC];
	_ =	sdelay $0x3  }
0x94: {  	_ =	strace s2  }
0x95: {  	s2 =	sld [smem:$0x3FFD];
	_ =	sdelay $0x3  }
0x96: {  	_ =	strace s2  }
0x97: {  	_ =	strace $0x8FFFFFFF  }
0x98: {  	s18 =	sld [smem:$0x3FDB];
	_ =	sdelay $0x1  }
0x99: {  	s19 =	simm.s32 $_scs_section_size  }
0x9a: {  	s4 =	simm.s32 $_size__tile_overlayer_lowered;
	s5 =	simm.s32 $_tile_overlayer_lowered  }
0x9b: {  	s22 =	simm.s32 $0x1BFF;
	s21 =	sshll.u32 s5, $0x1;
	s2 =	sadd.s32 s19, s18  }
0x9c: {  	s6 =	simm.s32 $0x0;
	s20 =	sshll.u32 s4, $0x1;
	s4 =	sadd.s32 s21, s2  }
0x9d: {  	[timem:s6], [sflag:s22] =	dma.local [hbm:s4], s20  }
0x9e: {  	_ =	swait.ge [sflag:s22], s20  }
0x9f: {  	s3 =	ssub.s32 $0x0, s20;
	[sflag:s22] =	ssyncset.done $0x0  }
0xa0: {  	[sflag:s22] =	ssyncadd.s32 s3;
	_ =	sdelay $0x1  }
0xa1: {  	s23 =	simm.s32 $0x1B8B  }
0xa2: {  	_ =	swait.ge [sflag:s23], $0x1  }
0xa3: {  	[sflag:s23] =	ssyncset.done $0x0  }
0xa4: {  	s25 =	simm.s32 $0x1B8E;
	s24 =	sld [smem:$0x3FFE];
	[sflag:s23] =	ssyncadd.s32 $0xFFFFFFFF  }
0xa5: {  	s26 =	simm.s32 $execute0_lowered;
	[smem:$0x3FD2] =	sst s25  }
0xa6: {  	s4 =	sshll.u32 s26, $0x1;
	_ =	strace $0x80000046;
	[dreg:$0x1] =	wrdreg $0xFFFFFFFF  }
0xa7: {  	s28 =	simm.s32 $_size_execute0_lowered;
	s2 =	sadd.s32 s2, s4;
	[dreg:$0x0] =	wrdreg $0x0  }
0xa8: {  	s4 =	sshll.u32 s28, $0x1;
	[dreg:$0x2] =	wrdreg s2  }
0xa9: {  	[dreg:$0x3] =	wrdreg s4  }
0xaa: {  	[dreg:$0x4] =	wrdreg $0xC0  }
0xab: {  	_ =	task [dreg:s6], $0x5FFFF  }
0xac: {  	[dreg:$0x1] =	wrdreg $0xFFFFFFFF  }
0xad: {  	[dreg:$0x0] =	wrdreg $0x60  }
0xae: {  	[dreg:$0x2] =	wrdreg s24  }
0xaf: {  	[dreg:$0x3] =	wrdreg $0xFA200  }
0xb0: {  	[dreg:$0x4] =	wrdreg $0xA  }
0xb1: {  	_ =	task.clear_ibuf [dreg:s6], $0x5FFFF;
	_ =	strace $0x90000046  }
0xb2: {  	s29 =	simm.s32 $0xA;
	_ =	strace $0x80000048  }
0xb3: {  	_ =	swait.ge [sflag:s29], $0x1  }
0xb4: {  	[sflag:s29] =	ssyncadd.s32 $0xFFFFFFFF  }
0xb5: {  	_ =	strace $0x90000048  }
0xb6: {  	_ =	sfence  }
0xb7: {  	s30 =	sld [smem:$0x0];
	_ =	sdelay $0x2  }
0xb8: {  	s31 =	sshll.u32 s1, $0xD;
	s1 =	sshrl.u32 s1, $0x2  }
0xb9: {  	s3 =	sand.u32 $0x4000, s31;
	s1 =	sadd.s32 s1, s30  }
0xba: {  	s0 =	sor.u32 s3, s0;
	s1 =	sshll.u32 s1, $0x11  }
0xbb: {  	s0 =	sor.u32 s1, s0  }
0xbc: {  	s0 =	sadd.s32 $0x8F2B, s0  }
0xbd: {  	[sflag:s0] =	ssyncadd.remote.s32 $0x1  }
0xbe: {  	_ =	sfence.sel $0xFFFF  }
0xbf: {  	[dreg:$0x0] =	wrdreg $0xFFFFFFFF;
	(pc) =	sbr.abs _section_cstart, $3  }
0xc0: {  	[dreg:$0x1] =	wrdreg $0xFFFFFFFF  }
0xc1: {  	_ =	task.clear_ibuf [dreg:s6], $0x2FFFF;
	_ =	strace $0x9FFFFFFF  }
0xc2: {  	(tm) =	ssettm $0x7FFFFFFF  }
0xc3: {  	_ =	shalt  }
tec
execute0_lowered:
.L_overlay_start_1:
0x0: {  	(tag) =	ssettag $0x1  }
0x1: {  	s0 =	srdreg.scid;
	s1 =	rddreg [dreg:$0x0]  }
0x2: {  	s2 =	rddreg [dreg:$0x1];
	s13 =	stileid.u32  }
0x3: {  	s3 =	simm.s32 $0x0;
	s16 =	simm.s32 $0xD;
	s8 =	simm.s32 $0x2710  }
0x4: {  	s18 =	simm.s32 $0xC620;
	s19 =	simm.s32 $0x50;
	s28 =	simm.s32 $0x9E20  }
0x5: {  	s29 =	simm.s32 $0x1;
	s31 =	simm.s32 $0xB220;
	s30 =	simm.s32 $0x4  }
0x6: {  	s17 =	simm.s32 $0xB;
	s0 =	sand.u32 $0x1, s0;
	[smem:$0x7FF] =	sst s3  }
0x7: {  	s9 =	smul.u32 $0x9C00, s13;
	s10 =	sadd.s32 $0x9C000, s2;
	p0 =	sne.s32 s13, $0xF  }
0x8: {  	s4 =	sshll.u32 s0, $0x4;
	_ =	strace $0x80000047;
	s6 =	ssub.s32 $0x2, s0  }
0x9: {  	s0 =	smul.u32 $0x9C400, s0;
	s4 =	sor.u32 s13, s4;
	s7 =	sshrl.u32 s6, $0x1  }
0xa: {  	s21 =	sadd.s32 s9, s2;
	s22 =	sadd.s32 $0x3400, s9;
	s11 =	sadd.s32 $0x6800, s9  }
0xb: {  	s13 =	simm.s32 $0x0;
	s5 =	smul.u32 $0x4E2, s4;
	s4 =	sadd.s32 $0x15800, s1  }
0xc: {  	s6 =	ssub.s32 s6, s7;
	[dreg:$0x5] =	wrdreg s21;
	s23 =	sadd.s32 s22, s2  }
0xd: {  	s12 =	sadd.s32 s9, s0;
	s9 =	sadd.s32 s11, s2;
	s11 =	sadd.s32 s0, s11  }
0xe: {  	s21 =	simm.s32 $0x6220;
	[dreg:$0xa] =	wrdreg s23;
	s12 =	sshrl.u32 s12, $0x3  }
0xf: {  	s11 =	sshrl.u32 s11, $0x3;
	s26 =	smax.u32 s6, $0x1;
	s23 =	simm.s32 $0x7620  }
0x10: {  	s6 =	simm.s32 $0xA;
	s5 =	sadd.s32 s5, s1;
	s1 =	sadd.s32 $0x29200, s1  }
0x11: {  	[dreg:$0xb] =	wrdreg s26;
	s26 =	simm.s32 $0x3;
	s20 =	sadd.s32 $0xBA00, s5  }
0x12: {  	s5 =	sadd.s32 $0x1C00, s5;
	s24 =	sadd.s32 s1, s12;
	[dreg:$0x3] =	wrdreg s20  }
0x13: {  	s25 =	sadd.s32 s1, s11;
	s11 =	simm.s32 $0x6;
	[dreg:$0x4] =	wrdreg s5  }
0x14: {  	s12 =	simm.s32 $0xC;
	[dreg:$0x6] =	wrdreg s24;
	s5 =	sadd.s32 s0, s22  }
0x15: {  	s0 =	sshrl.u32 s0, $0x3;
	[dreg:$0x8] =	wrdreg s25;
	s20 =	simm.s32 $0x4E20  }
0x16: {  	s25 =	simm.s32 $0x8A20;
	s22 =	simm.s32 $0x7;
	s5 =	sshrl.u32 s5, $0x3  }
0x17: {  	s24 =	simm.s32 $0x9;
	s0 =	sadd.s32 s1, s0;
	s5 =	sadd.s32 s1, s5  }
0x18: {  	s0 =	sadd.s32 $0x13800, s0;
	s1 =	simm.s32 $0x8;
	[dreg:$0x7] =	wrdreg s5  }
0x19: {  	v0 =	vimm.f32 $0.0e+00;
	[dreg:$0x9] =	wrdreg s0;
	s0 =	simm.s32 $0x2;
	s5 =	simm.s32 $0x5  }
.LBB2_1:
0x1a: {  	s7 =	rddreg [dreg:$0x3]  }
0x1b: {  	[tilespmem:s3], [sflag:$0xD] =	stream.linear.gather [hbm4b:s7+s3], $0x2710, $0x38;
	[tilespmem:$0x19660] =	vst v63  }
0x1c: {  	_ =	swait.ge [sflag:s16], $0x2710  }
0x1d: {  	[sflag:s16] =	ssyncset.done $0x0  }
0x1e: {  	s15 =	rddreg [dreg:$0x4];
	[sflag:s16] =	ssyncadd.s32 $0xFFFFD8F0  }
0x1f: {  	[tilespmem:s8], [sflag:$0xD] =	stream.linear.gather [hbm4b:s15+s3], $0x2710, $0x38;
	[tilespmem:$0x19660] =	vst v63  }
0x20: {  	_ =	swait.ge [sflag:s16], $0x2710  }
0x21: {  	[sflag:s16] =	ssyncset.done $0x0  }
0x22: {  	s14 =	simm.s32 $0x0;
	s15 =	simm.s32 $0x100;
	[sflag:s16] =	ssyncadd.s32 $0xFFFFD8F0  }
.LBB2_2:
0x23: {  	p1 =	sne.s32 s15, $0xCF00;
	[tilespmem:s14+$0xC650] =	vst v0;
	s7 =	smov.u32 s15;
	s15 =	sadd.s32 $0x100, s15  }
.Ltmp0:
0x24: {  	[tilespmem:s14+$0xC640] =	vst v0;
	(pc) =	sbr.rel @p1 .LBB2_2-.Ltmp0, $3  }
0x25: {  	[tilespmem:s14+$0xC620] =	vst v0  }
0x26: {  	[tilespmem:s14+$0xC630] =	vst v0;
	_ =	sdelay $0x1  }
0x27: {  	s14 =	sshra.s32 s7, $0x2  }
0x28: {  	[tilespmem:s14+$0xC650] =	vst v0  }
0x29: {  	[tilespmem:s14+$0xC640] =	vst v0  }
0x2a: {  	[tilespmem:s14+$0xC620] =	vst v0  }
0x2b: {  	[tilespmem:s14+$0xC630] =	vst v0;
	s7 =	rddreg [dreg:$0x5]  }
0x2c: {  	[spmem:s7] =	stream.linear.scatter [tilespmem:s18], [sflag:$0xD], $0x3400, $0x38;
	[tilespmem:$0x19660] =	vst v63  }
0x2d: {  	_ =	swait.ge [sflag:s16], $0x3400  }
0x2e: {  	[sflag:s16] =	ssyncset.done $0x0  }
0x2f: {  	s15 =	rddreg [dreg:$0xa];
	[sflag:s16] =	ssyncadd.s32 $0xFFFFCC00  }
0x30: {  	[spmem:s15] =	stream.linear.scatter [tilespmem:s18], [sflag:$0xD], $0x3400, $0x38;
	[tilespmem:$0x19660] =	vst v63  }
0x31: {  	_ =	swait.ge [sflag:s16], $0x3400  }
0x32: {  	[sflag:s16] =	ssyncset.done $0x0  }
0x33: {  	[sflag:s16] =	ssyncadd.s32 $0xFFFFCC00  }
0x34: {  	[spmem:s9] =	stream.linear.scatter [tilespmem:s18], [sflag:$0xD], $0x3400, $0x38;
	[tilespmem:$0x19660] =	vst v63  }
0x35: {  	_ =	swait.ge [sflag:s16], $0x3400  }
0x36: {  	[sflag:s16] =	ssyncset.done $0x0  }
0x37: {  	s7 =	simm.s32 @!p0 $0xC620;
	[sflag:s16] =	ssyncadd.s32 $0xFFFFCC00  }
0x38: {  	[spmem:s10] =	stream.linear.scatter @!p0 [tilespmem:s7], [sflag:$0xD], $0x400, $0x38;
	[tilespmem:$0x19660] =	vst v63  }
0x39: {  	s7 =	simm.s32 @!p0 $0xD  }
0x3a: {  	_ =	swait.ge @!p0 [sflag:s7], $0x400  }
0x3b: {  	[sflag:s7] =	ssyncset.done @!p0 $0x0  }
0x3c: {  	[sflag:s7] =	ssyncadd.s32 @!p0 $0xFFFFFC00  }
0x3d: {  	s14 =	simm.s32 $0x0;
	[bflag:$0x0] =	sbarrier.arrive $0xFFFF  }
0x3e: {  	[tilespmem:s20], [sflag:$0x1] =	stream.indirect.gather [hbm4b:s4+s19], $0x40, s14, s19, $0xb8;
	[tilespmem:$0x19660] =	vst v63  }
0x3f: {  	_ = 	snop  }
0x40: {  	[tilespmem:s21], [sflag:$0x2] =	stream.indirect.gather [hbm4b:s4+s19], $0x40, s19, s19, $0xb8;
	[tilespmem:$0x19660] =	vst v63  }
0x41: {  	s15 =	simm.s32 $0xA0  }
0x42: {  	[tilespmem:s23], [sflag:$0x3] =	stream.indirect.gather [hbm4b:s4+s19], $0x40, s15, s19, $0xb8;
	[tilespmem:$0x19660] =	vst v63  }
0x43: {  	s14 =	simm.s32 $0xF0  }
0x44: {  	[tilespmem:s25], [sflag:$0x4] =	stream.indirect.gather [hbm4b:s4+s19], $0x40, s14, s19, $0xb8;
	[tilespmem:$0x19660] =	vst v63  }
0x45: {  	s15 =	simm.s32 $0x140  }
0x46: {  	[tilespmem:s28], [sflag:$0x5] =	stream.indirect.gather [hbm4b:s4+s19], $0x40, s15, s19, $0xb8;
	[tilespmem:$0x19660] =	vst v63  }
0x47: {  	_ =	swait.ge [sflag:s29], $0x1400  }
0x48: {  	[sflag:s29] =	ssyncset.done $0x0  }
0x49: {  	[sflag:s29] =	ssyncadd.s32 $0xFFFFEC00  }
0x4a: {  	[spmem:s2] =	stream.indirect.scatter.add.f32 [tilespmem:s20], [sflag:$0x7], $0x40, s8, s19, $0xb8;
	[tilespmem:$0x19660] =	vst v63  }
0x4b: {  	s8 =	simm.s32 $0x190  }
0x4c: {  	[tilespmem:s31], [sflag:$0x6] =	stream.indirect.gather [hbm4b:s4+s19], $0x40, s8, s19, $0xb8;
	[tilespmem:$0x19660] =	vst v63  }
0x4d: {  	_ =	swait.ge [sflag:s0], $0x1400  }
0x4e: {  	[sflag:s0] =	ssyncset.done $0x0  }
0x4f: {  	s14 =	simm.s32 $0x2760;
	[sflag:s0] =	ssyncadd.s32 $0xFFFFEC00  }
0x50: {  	[spmem:s2] =	stream.indirect.scatter.add.f32 [tilespmem:s21], [sflag:$0x8], $0x40, s14, s19, $0xb8;
	[tilespmem:$0x19660] =	vst v63  }
0x51: {  	_ =	swait.ge [sflag:s22], $0x1400  }
0x52: {  	[sflag:s22] =	ssyncset.done $0x0  }
0x53: {  	s15 =	simm.s32 $0x1E0;
	[sflag:s22] =	ssyncadd.s32 $0xFFFFEC00  }
0x54: {  	[tilespmem:s20], [sflag:$0x1] =	stream.indirect.gather [hbm4b:s4+s19], $0x40, s15, s19, $0xb8;
	[tilespmem:$0x19660] =	vst v63  }
0x55: {  	_ =	swait.ge [sflag:s26], $0x1400  }
0x56: {  	[sflag:s26] =	ssyncset.done $0x0  }
0x57: {  	s8 =	simm.s32 $0x27B0;
	[sflag:s26] =	ssyncadd.s32 $0xFFFFEC00  }
0x58: {  	[spmem:s2] =	stream.indirect.scatter.add.f32 [tilespmem:s23], [sflag:$0x9], $0x40, s8, s19, $0xb8;
	[tilespmem:$0x19660] =	vst v63  }
0x59: {  	_ =	swait.ge [sflag:s1], $0x1400  }
0x5a: {  	[sflag:s1] =	ssyncset.done $0x0  }
0x5b: {  	s14 =	simm.s32 $0x230;
	[sflag:s1] =	ssyncadd.s32 $0xFFFFEC00  }
0x5c: {  	[tilespmem:s21], [sflag:$0x2] =	stream.indirect.gather [hbm4b:s4+s19], $0x40, s14, s19, $0xb8;
	[tilespmem:$0x19660] =	vst v63  }
0x5d: {  	_ =	swait.ge [sflag:s30], $0x1400  }
0x5e: {  	[sflag:s30] =	ssyncset.done $0x0  }
0x5f: {  	s15 =	simm.s32 $0x2800;
	[sflag:s30] =	ssyncadd.s32 $0xFFFFEC00  }
0x60: {  	[spmem:s2] =	stream.indirect.scatter.add.f32 [tilespmem:s25], [sflag:$0xA], $0x40, s15, s19, $0xb8;
	[tilespmem:$0x19660] =	vst v63  }
0x61: {  	_ =	swait.ge [sflag:s24], $0x1400  }
0x62: {  	[sflag:s24] =	ssyncset.done $0x0  }
0x63: {  	s8 =	simm.s32 $0x280;
	[sflag:s24] =	ssyncadd.s32 $0xFFFFEC00  }
0x64: {  	[tilespmem:s23], [sflag:$0x3] =	stream.indirect.gather [hbm4b:s4+s19], $0x40, s8, s19, $0xb8;
	[tilespmem:$0x19660] =	vst v63  }
0x65: {  	_ =	swait.ge [sflag:s5], $0x1400  }
0x66: {  	[sflag:s5] =	ssyncset.done $0x0  }
0x67: {  	s14 =	simm.s32 $0x2850;
	[sflag:s5] =	ssyncadd.s32 $0xFFFFEC00  }
0x68: {  	[spmem:s2] =	stream.indirect.scatter.add.f32 [tilespmem:s28], [sflag:$0xB], $0x40, s14, s19, $0xb8;
	[tilespmem:$0x19660] =	vst v63  }
0x69: {  	_ =	swait.ge [sflag:s6], $0x1400  }
0x6a: {  	[sflag:s6] =	ssyncset.done $0x0  }
0x6b: {  	s15 =	simm.s32 $0x2D0;
	[sflag:s6] =	ssyncadd.s32 $0xFFFFEC00  }
0x6c: {  	[tilespmem:s25], [sflag:$0x4] =	stream.indirect.gather [hbm4b:s4+s19], $0x40, s15, s19, $0xb8;
	[tilespmem:$0x19660] =	vst v63  }
0x6d: {  	_ =	swait.ge [sflag:s11], $0x1400  }
0x6e: {  	[sflag:s11] =	ssyncset.done $0x0  }
0x6f: {  	s8 =	simm.s32 $0x28A0;
	[sflag:s11] =	ssyncadd.s32 $0xFFFFEC00  }
0x70: {  	[spmem:s2] =	stream.indirect.scatter.add.f32 [tilespmem:s31], [sflag:$0xC], $0x40, s8, s19, $0xb8;
	[tilespmem:$0x19660] =	vst v63  }
0x71: {  	_ =	swait.ge [sflag:s17], $0x1400  }
0x72: {  	[sflag:s17] =	ssyncset.done $0x0  }
0x73: {  	s14 =	simm.s32 $0x320;
	[sflag:s17] =	ssyncadd.s32 $0xFFFFEC00  }
0x74: {  	[tilespmem:s28], [sflag:$0x5] =	stream.indirect.gather [hbm4b:s4+s19], $0x40, s14, s19, $0xb8;
	[tilespmem:$0x19660] =	vst v63  }
0x75: {  	_ =	swait.ge [sflag:s29], $0x1400  }
0x76: {  	[sflag:s29] =	ssyncset.done $0x0  }
0x77: {  	s15 =	simm.s32 $0x28F0;
	[sflag:s29] =	ssyncadd.s32 $0xFFFFEC00  }
0x78: {  	[spmem:s2] =	stream.indirect.scatter.add.f32 [tilespmem:s20], [sflag:$0x7], $0x40, s15, s19, $0xb8;
	[tilespmem:$0x19660] =	vst v63  }
0x79: {  	_ =	swait.ge [sflag:s12], $0x1400  }
0x7a: {  	[sflag:s12] =	ssyncset.done $0x0  }
0x7b: {  	s8 =	simm.s32 $0x370;
	[sflag:s12] =	ssyncadd.s32 $0xFFFFEC00  }
0x7c: {  	[tilespmem:s31], [sflag:$0x6] =	stream.indirect.gather [hbm4b:s4+s19], $0x40, s8, s19, $0xb8;
	[tilespmem:$0x19660] =	vst v63  }
0x7d: {  	_ =	swait.ge [sflag:s0], $0x1400  }
0x7e: {  	[sflag:s0] =	ssyncset.done $0x0  }
0x7f: {  	s14 =	simm.s32 $0x2940;
	[sflag:s0] =	ssyncadd.s32 $0xFFFFEC00  }
0x80: {  	[spmem:s2] =	stream.indirect.scatter.add.f32 [tilespmem:s21], [sflag:$0x8], $0x40, s14, s19, $0xb8;
	[tilespmem:$0x19660] =	vst v63  }
0x81: {  	_ =	swait.ge [sflag:s22], $0x1400  }
0x82: {  	[sflag:s22] =	ssyncset.done $0x0  }
0x83: {  	s15 =	simm.s32 $0x3C0;
	[sflag:s22] =	ssyncadd.s32 $0xFFFFEC00  }
0x84: {  	[tilespmem:s20], [sflag:$0x1] =	stream.indirect.gather [hbm4b:s4+s19], $0x40, s15, s19, $0xb8;
	[tilespmem:$0x19660] =	vst v63  }
0x85: {  	_ =	swait.ge [sflag:s26], $0x1400  }
0x86: {  	[sflag:s26] =	ssyncset.done $0x0  }
0x87: {  	s8 =	simm.s32 $0x2990;
	[sflag:s26] =	ssyncadd.s32 $0xFFFFEC00  }
0x88: {  	[spmem:s2] =	stream.indirect.scatter.add.f32 [tilespmem:s23], [sflag:$0x9], $0x40, s8, s19, $0xb8;
	[tilespmem:$0x19660] =	vst v63  }
0x89: {  	_ =	swait.ge [sflag:s1], $0x1400  }
0x8a: {  	[sflag:s1] =	ssyncset.done $0x0  }
0x8b: {  	s14 =	simm.s32 $0x410;
	[sflag:s1] =	ssyncadd.s32 $0xFFFFEC00  }
0x8c: {  	[tilespmem:s21], [sflag:$0x2] =	stream.indirect.gather [hbm4b:s4+s19], $0x40, s14, s19, $0xb8;
	[tilespmem:$0x19660] =	vst v63  }
0x8d: {  	_ =	swait.ge [sflag:s30], $0x1400  }
0x8e: {  	[sflag:s30] =	ssyncset.done $0x0  }
0x8f: {  	s15 =	simm.s32 $0x29E0;
	[sflag:s30] =	ssyncadd.s32 $0xFFFFEC00  }
0x90: {  	[spmem:s2] =	stream.indirect.scatter.add.f32 [tilespmem:s25], [sflag:$0xA], $0x40, s15, s19, $0xb8;
	[tilespmem:$0x19660] =	vst v63  }
0x91: {  	_ =	swait.ge [sflag:s24], $0x1400  }
0x92: {  	[sflag:s24] =	ssyncset.done $0x0  }
0x93: {  	s8 =	simm.s32 $0x460;
	[sflag:s24] =	ssyncadd.s32 $0xFFFFEC00  }
0x94: {  	[tilespmem:s23], [sflag:$0x3] =	stream.indirect.gather [hbm4b:s4+s19], $0x40, s8, s19, $0xb8;
	[tilespmem:$0x19660] =	vst v63  }
0x95: {  	_ =	swait.ge [sflag:s5], $0x1400  }
0x96: {  	[sflag:s5] =	ssyncset.done $0x0  }
0x97: {  	s14 =	simm.s32 $0x2A30;
	[sflag:s5] =	ssyncadd.s32 $0xFFFFEC00  }
0x98: {  	[spmem:s2] =	stream.indirect.scatter.add.f32 [tilespmem:s28], [sflag:$0xB], $0x40, s14, s19, $0xb8;
	[tilespmem:$0x19660] =	vst v63  }
0x99: {  	_ =	swait.ge [sflag:s6], $0x1400  }
0x9a: {  	[sflag:s6] =	ssyncset.done $0x0  }
0x9b: {  	s15 =	simm.s32 $0x4B0;
	[sflag:s6] =	ssyncadd.s32 $0xFFFFEC00  }
0x9c: {  	[tilespmem:s25], [sflag:$0x4] =	stream.indirect.gather [hbm4b:s4+s19], $0x40, s15, s19, $0xb8;
	[tilespmem:$0x19660] =	vst v63  }
0x9d: {  	_ =	swait.ge [sflag:s11], $0x1400  }
0x9e: {  	[sflag:s11] =	ssyncset.done $0x0  }
0x9f: {  	s14 =	simm.s32 $0x780;
	s15 =	simm.s32 $0x2A80;
	[sflag:s11] =	ssyncadd.s32 $0xFFFFEC00  }
.LBB2_4:
0xa0: {  	[spmem:s2] =	stream.indirect.scatter.add.f32 [tilespmem:s31], [sflag:$0xC], $0x40, s15, s19, $0xb8;
	[tilespmem:$0x19660] =	vst v63  }
0xa1: {  	s7 =	smov.u32 s14  }
0xa2: {  	p1 =	sne.s32 s14, $0x8700;
	s14 =	sadd.s32 $0x780, s14;
	_ =	swait.ge [sflag:s17], $0x1400  }
0xa3: {  	s15 =	sshra.s32 s7, $0x2;
	[sflag:s17] =	ssyncset.done $0x0  }
0xa4: {  	s7 =	sadd.s32 $0x320, s15;
	[sflag:s17] =	ssyncadd.s32 $0xFFFFEC00  }
0xa5: {  	[tilespmem:s28], [sflag:$0x5] =	stream.indirect.gather [hbm4b:s4+s19], $0x40, s7, s19, $0xb8;
	[tilespmem:$0x19660] =	vst v63  }
0xa6: {  	_ =	swait.ge [sflag:s29], $0x1400  }
0xa7: {  	[sflag:s29] =	ssyncset.done $0x0  }
0xa8: {  	s7 =	sadd.s32 $0x28F0, s15;
	[sflag:s29] =	ssyncadd.s32 $0xFFFFEC00  }
0xa9: {  	[spmem:s2] =	stream.indirect.scatter.add.f32 [tilespmem:s20], [sflag:$0x7], $0x40, s7, s19, $0xb8;
	[tilespmem:$0x19660] =	vst v63  }
0xaa: {  	_ =	swait.ge [sflag:s12], $0x1400  }
0xab: {  	[sflag:s12] =	ssyncset.done $0x0  }
0xac: {  	s7 =	sadd.s32 $0x370, s15;
	[sflag:s12] =	ssyncadd.s32 $0xFFFFEC00  }
0xad: {  	[tilespmem:s31], [sflag:$0x6] =	stream.indirect.gather [hbm4b:s4+s19], $0x40, s7, s19, $0xb8;
	[tilespmem:$0x19660] =	vst v63  }
0xae: {  	_ =	swait.ge [sflag:s0], $0x1400  }
0xaf: {  	[sflag:s0] =	ssyncset.done $0x0  }
0xb0: {  	s7 =	sadd.s32 $0x2940, s15;
	[sflag:s0] =	ssyncadd.s32 $0xFFFFEC00  }
0xb1: {  	[spmem:s2] =	stream.indirect.scatter.add.f32 [tilespmem:s21], [sflag:$0x8], $0x40, s7, s19, $0xb8;
	[tilespmem:$0x19660] =	vst v63  }
0xb2: {  	_ =	swait.ge [sflag:s22], $0x1400  }
0xb3: {  	[sflag:s22] =	ssyncset.done $0x0  }
0xb4: {  	s7 =	sadd.s32 $0x3C0, s15;
	[sflag:s22] =	ssyncadd.s32 $0xFFFFEC00  }
0xb5: {  	[tilespmem:s20], [sflag:$0x1] =	stream.indirect.gather [hbm4b:s4+s19], $0x40, s7, s19, $0xb8;
	[tilespmem:$0x19660] =	vst v63  }
0xb6: {  	_ =	swait.ge [sflag:s26], $0x1400  }
0xb7: {  	[sflag:s26] =	ssyncset.done $0x0  }
0xb8: {  	s7 =	sadd.s32 $0x2990, s15;
	[sflag:s26] =	ssyncadd.s32 $0xFFFFEC00  }
0xb9: {  	[spmem:s2] =	stream.indirect.scatter.add.f32 [tilespmem:s23], [sflag:$0x9], $0x40, s7, s19, $0xb8;
	[tilespmem:$0x19660] =	vst v63  }
0xba: {  	_ =	swait.ge [sflag:s1], $0x1400  }
0xbb: {  	[sflag:s1] =	ssyncset.done $0x0  }
0xbc: {  	s7 =	sadd.s32 $0x410, s15;
	[sflag:s1] =	ssyncadd.s32 $0xFFFFEC00  }
0xbd: {  	[tilespmem:s21], [sflag:$0x2] =	stream.indirect.gather [hbm4b:s4+s19], $0x40, s7, s19, $0xb8;
	[tilespmem:$0x19660] =	vst v63  }
0xbe: {  	_ =	swait.ge [sflag:s30], $0x1400  }
0xbf: {  	[sflag:s30] =	ssyncset.done $0x0  }
0xc0: {  	s7 =	sadd.s32 $0x29E0, s15;
	[sflag:s30] =	ssyncadd.s32 $0xFFFFEC00  }
0xc1: {  	[spmem:s2] =	stream.indirect.scatter.add.f32 [tilespmem:s25], [sflag:$0xA], $0x40, s7, s19, $0xb8;
	[tilespmem:$0x19660] =	vst v63  }
0xc2: {  	_ =	swait.ge [sflag:s24], $0x1400  }
0xc3: {  	[sflag:s24] =	ssyncset.done $0x0  }
0xc4: {  	s7 =	sadd.s32 $0x460, s15;
	[sflag:s24] =	ssyncadd.s32 $0xFFFFEC00  }
0xc5: {  	[tilespmem:s23], [sflag:$0x3] =	stream.indirect.gather [hbm4b:s4+s19], $0x40, s7, s19, $0xb8;
	[tilespmem:$0x19660] =	vst v63  }
0xc6: {  	_ =	swait.ge [sflag:s5], $0x1400  }
0xc7: {  	[sflag:s5] =	ssyncset.done $0x0  }
0xc8: {  	s7 =	sadd.s32 $0x2A30, s15;
	[sflag:s5] =	ssyncadd.s32 $0xFFFFEC00  }
0xc9: {  	[spmem:s2] =	stream.indirect.scatter.add.f32 [tilespmem:s28], [sflag:$0xB], $0x40, s7, s19, $0xb8;
	[tilespmem:$0x19660] =	vst v63  }
0xca: {  	_ =	swait.ge [sflag:s6], $0x1400  }
0xcb: {  	[sflag:s6] =	ssyncset.done $0x0  }
.Ltmp1:
0xcc: {  	s7 =	sadd.s32 $0x4B0, s15;
	[sflag:s6] =	ssyncadd.s32 $0xFFFFEC00;
	(pc) =	sbr.rel @p1 .LBB2_4-.Ltmp1, $4  }
0xcd: {  	[tilespmem:s25], [sflag:$0x4] =	stream.indirect.gather [hbm4b:s4+s19], $0x40, s7, s19, $0xb8;
	[tilespmem:$0x19660] =	vst v63  }
0xce: {  	_ =	swait.ge [sflag:s11], $0x1400  }
0xcf: {  	[sflag:s11] =	ssyncset.done $0x0  }
0xd0: {  	s15 =	sadd.s32 $0x2A80, s15;
	[sflag:s11] =	ssyncadd.s32 $0xFFFFEC00  }
0xd1: {  	[spmem:s2] =	stream.indirect.scatter.add.f32 [tilespmem:s31], [sflag:$0xC], $0x40, s15, s19, $0xb8;
	[tilespmem:$0x19660] =	vst v63  }
0xd2: {  	_ =	swait.ge [sflag:s17], $0x1400  }
0xd3: {  	[sflag:s17] =	ssyncset.done $0x0  }
0xd4: {  	s7 =	simm.s32 $0x26C0;
	[sflag:s17] =	ssyncadd.s32 $0xFFFFEC00  }
0xd5: {  	[tilespmem:s28], [sflag:$0x5] =	stream.indirect.gather [hbm4b:s4+s19], $0x40, s7, s19, $0xb8;
	[tilespmem:$0x19660] =	vst v63  }
0xd6: {  	_ =	swait.ge [sflag:s29], $0x1400  }
0xd7: {  	[sflag:s29] =	ssyncset.done $0x0  }
0xd8: {  	s14 =	simm.s32 $0x4C90;
	[sflag:s29] =	ssyncadd.s32 $0xFFFFEC00  }
0xd9: {  	[spmem:s2] =	stream.indirect.scatter.add.f32 [tilespmem:s20], [sflag:$0x7], $0x40, s14, s19, $0xb8;
	[tilespmem:$0x19660] =	vst v63  }
0xda: {  	_ =	swait.ge [sflag:s12], $0x1400  }
0xdb: {  	[sflag:s12] =	ssyncset.done $0x0  }
0xdc: {  	[sflag:s12] =	ssyncadd.s32 $0xFFFFEC00  }
0xdd: {  	_ =	swait.ge [sflag:s0], $0x1400  }
0xde: {  	[sflag:s0] =	ssyncset.done $0x0  }
0xdf: {  	s15 =	simm.s32 $0x4CE0;
	[sflag:s0] =	ssyncadd.s32 $0xFFFFEC00  }
0xe0: {  	[spmem:s2] =	stream.indirect.scatter.add.f32 [tilespmem:s21], [sflag:$0x8], $0x40, s15, s19, $0xb8;
	[tilespmem:$0x19660] =	vst v63  }
0xe1: {  	_ =	swait.ge [sflag:s22], $0x1400  }
0xe2: {  	[sflag:s22] =	ssyncset.done $0x0  }
0xe3: {  	[sflag:s22] =	ssyncadd.s32 $0xFFFFEC00  }
0xe4: {  	_ =	swait.ge [sflag:s26], $0x1400  }
0xe5: {  	[sflag:s26] =	ssyncset.done $0x0  }
0xe6: {  	s8 =	simm.s32 $0x4D30;
	[sflag:s26] =	ssyncadd.s32 $0xFFFFEC00  }
0xe7: {  	[spmem:s2] =	stream.indirect.scatter.add.f32 [tilespmem:s23], [sflag:$0x9], $0x40, s8, s19, $0xb8;
	[tilespmem:$0x19660] =	vst v63  }
0xe8: {  	_ =	swait.ge [sflag:s1], $0x1400  }
0xe9: {  	[sflag:s1] =	ssyncset.done $0x0  }
0xea: {  	[sflag:s1] =	ssyncadd.s32 $0xFFFFEC00  }
0xeb: {  	_ =	swait.ge [sflag:s30], $0x1400  }
0xec: {  	[sflag:s30] =	ssyncset.done $0x0  }
0xed: {  	s14 =	simm.s32 $0x4D80;
	[sflag:s30] =	ssyncadd.s32 $0xFFFFEC00  }
0xee: {  	[spmem:s2] =	stream.indirect.scatter.add.f32 [tilespmem:s25], [sflag:$0xA], $0x40, s14, s19, $0xb8;
	[tilespmem:$0x19660] =	vst v63  }
0xef: {  	_ =	swait.ge [sflag:s24], $0x1400  }
0xf0: {  	[sflag:s24] =	ssyncset.done $0x0  }
0xf1: {  	[sflag:s24] =	ssyncadd.s32 $0xFFFFEC00  }
0xf2: {  	_ =	swait.ge [sflag:s5], $0x1400  }
0xf3: {  	[sflag:s5] =	ssyncset.done $0x0  }
0xf4: {  	s15 =	simm.s32 $0x4DD0;
	[sflag:s5] =	ssyncadd.s32 $0xFFFFEC00  }
0xf5: {  	[spmem:s2] =	stream.indirect.scatter.add.f32 [tilespmem:s28], [sflag:$0xB], $0x40, s15, s19, $0xb8;
	[tilespmem:$0x19660] =	vst v63  }
0xf6: {  	_ =	swait.ge [sflag:s6], $0x1400  }
0xf7: {  	[sflag:s6] =	ssyncset.done $0x0  }
0xf8: {  	[sflag:s6] =	ssyncadd.s32 $0xFFFFEC00  }
0xf9: {  	_ =	swait.ge [sflag:s17], $0x1400  }
0xfa: {  	[sflag:s17] =	ssyncset.done $0x0  }
0xfb: {  	[sflag:s17] =	ssyncadd.s32 $0xFFFFEC00  }
0xfc: {  	[bflag:$0x0] =	sbarrier.arrive $0xFFFF  }
0xfd: {  	s8 =	rddreg [dreg:$0x5]  }
0xfe: {  	[tilespmem:s18], [sflag:$0xD] =	stream.linear.gather [spmem:s8], $0x3400, $0x38;
	[tilespmem:$0x19660] =	vst v63  }
0xff: {  	_ =	swait.ge [sflag:s16], $0x3400  }
0x100: {  	[sflag:s16] =	ssyncset.done $0x0  }
0x101: {  	s14 =	rddreg [dreg:$0x6];
	[sflag:s16] =	ssyncadd.s32 $0xFFFFCC00  }
0x102: {  	[hbm4b:s14+s3] =	stream.linear.scatter [tilespmem:s18], [sflag:$0xD], $0x3400, $0x38;
	[tilespmem:$0x19660] =	vst v63  }
0x103: {  	_ =	swait.ge [sflag:s16], $0x3400  }
0x104: {  	[sflag:s16] =	ssyncset.done $0x0  }
0x105: {  	s15 =	rddreg [dreg:$0xa];
	[sflag:s16] =	ssyncadd.s32 $0xFFFFCC00  }
0x106: {  	[tilespmem:s18], [sflag:$0xD] =	stream.linear.gather [spmem:s15], $0x3400, $0x38;
	[tilespmem:$0x19660] =	vst v63  }
0x107: {  	_ =	swait.ge [sflag:s16], $0x3400  }
0x108: {  	[sflag:s16] =	ssyncset.done $0x0  }
0x109: {  	s8 =	rddreg [dreg:$0x7];
	[sflag:s16] =	ssyncadd.s32 $0xFFFFCC00  }
0x10a: {  	[hbm4b:s8+s3] =	stream.linear.scatter [tilespmem:s18], [sflag:$0xD], $0x3400, $0x38;
	[tilespmem:$0x19660] =	vst v63  }
0x10b: {  	_ =	swait.ge [sflag:s16], $0x3400  }
0x10c: {  	[sflag:s16] =	ssyncset.done $0x0  }
0x10d: {  	[sflag:s16] =	ssyncadd.s32 $0xFFFFCC00  }
0x10e: {  	[tilespmem:s18], [sflag:$0xD] =	stream.linear.gather [spmem:s9], $0x3400, $0x38;
	[tilespmem:$0x19660] =	vst v63  }
0x10f: {  	_ =	swait.ge [sflag:s16], $0x3400  }
0x110: {  	[sflag:s16] =	ssyncset.done $0x0  }
0x111: {  	s14 =	rddreg [dreg:$0x8];
	[sflag:s16] =	ssyncadd.s32 $0xFFFFCC00  }
0x112: {  	[hbm4b:s14+s3] =	stream.linear.scatter [tilespmem:s18], [sflag:$0xD], $0x3400, $0x38;
	[tilespmem:$0x19660] =	vst v63  }
0x113: {  	_ =	swait.ge [sflag:s16], $0x3400  }
0x114: {  	[sflag:s16] =	ssyncset.done $0x0  }
0x115: {  	s7 =	simm.s32 @!p0 $0xC620;
	s14 =	simm.s32 @!p0 $0xD;
	[sflag:s16] =	ssyncadd.s32 $0xFFFFCC00  }
0x116: {  	[tilespmem:s7], [sflag:$0xD] =	stream.linear.gather @!p0 [spmem:s10], $0x400, $0x38;
	[tilespmem:$0x19660] =	vst v63  }
0x117: {  	_ =	swait.ge @!p0 [sflag:s14], $0x400  }
0x118: {  	[sflag:s14] =	ssyncset.done @!p0 $0x0  }
0x119: {  	s15 =	simm.s32 @!p0 $0x0;
	s8 =	rddreg [dreg:$0x9];
	[sflag:s14] =	ssyncadd.s32 @!p0 $0xFFFFFC00  }
0x11a: {  	[hbm4b:s8+s15] =	stream.linear.scatter @!p0 [tilespmem:s7], [sflag:$0xD], $0x400, $0x38;
	[tilespmem:$0x19660] =	vst v63  }
0x11b: {  	_ =	swait.ge @!p0 [sflag:s14], $0x400  }
0x11c: {  	s13 =	sadd.s32 $0x1, s13;
	s15 =	rddreg [dreg:$0xb]  }
0x11d: {  	p1 =	sne.s32 s13, s15  }
.Ltmp2:
0x11e: {  	_ = 	snop;
	(pc) =	sbr.rel @p1 .LBB2_1-.Ltmp2, $3  }
0x11f: {  	_ =	sdelay $0x1  }
0x120: {  	[sflag:s14] =	ssyncset.done @!p0 $0x0  }
0x121: {  	s8 =	simm.s32 $0x2710;
	[sflag:s14] =	ssyncadd.s32 @!p0 $0xFFFFFC00  }
0x122: {  	_ =	sfence.sel $0x180000  }
0x123: {  	[bflag:$0x0] =	sbarrier.arrive $0xFFFF  }
0x124: {  	_ =	strace $0x90000047  }
0x125: {  	s0 =	stileid.u32;
	[bflag:$0x2] =	sbarrier.arrive $0xFFFF  }
0x126: {  	p0 =	sne.s32 s0, $0x0;
	s0 =	rddreg [dreg:$0x2]  }
0x127: {  	s0 =	sadd.s32 @!p0 $0x100000, s0  }
0x128: {  	[sflag:s0] =	ssyncadd.tile.s32 @!p0 $0x1;
	_ =	shalt  }
.Lfunc_end2:
_tile_overlayer_lowered:
.L_overlay_start_2:
0x129: {  	(tag) =	ssettag $0x2  }
0x12a: {  	s0 =	rddreg [dreg:$0x0];
	s2 =	stileid.u32  }
0x12b: {  	s1 =	rddreg [dreg:$0x1];
	p0 =	sne.s32 s2, $0x0  }
0x12c: {  	s3 =	rddreg [dreg:$0x2];
	[bflag:$0x3] =	sbarrier.arrive $0xFFFF;
	s2 =	simm.s32 @!p0 $0x1C0D  }
0x12d: {  	[timem:s3], [sflag:s2] =	dma.local @!p0 [hbm:s0], s1  }
0x12e: {  	s0 =	simm.s32 @!p0 $0xD  }
0x12f: {  	_ =	swait.ge @!p0 [sflag:s0], s1  }
0x130: {  	s1 =	ssub.s32 @!p0 $0x0, s1;
	[sflag:s0] =	ssyncset.done @!p0 $0x0  }
0x131: {  	[sflag:s0] =	ssyncadd.s32 @!p0 s1  }
0x132: {  	[bflag:$0x3] =	sbarrier.arrive $0xFFFF  }
0x133: {  	_ =	shalt  }

// kernel: kernel.15.cloned.1.call-start
scs
__scs_entry_jumppad:
0x0: {  	(pc) =	sbr.rel $0x88, $3  }
0x1: {  	(tag) =	ssettag $0x0;
	lr =	simm.s32 $0x1  }
0x2: {  	[smem:$0x3F99] =	sst lr;
	_ =	strace $0xD0000000  }
0x3: {  	_ = 	snop  }
0x4: {  	_ = 	snop  }
0x5: {  	_ = 	snop  }
0x6: {  	_ = 	snop  }
0x7: {  	_ = 	snop  }
__scs_overlays_trampoline_lowered:
0x8: {  	[smem:$0x3FA8] =	sst s0  }
0x9: {  	[smem:$0x3FA9] =	sst s1  }
0xa: {  	[smem:$0x3FAA] =	sst s2  }
0xb: {  	[smem:$0x3FAB] =	sst s3  }
0xc: {  	[smem:$0x3FAC] =	sst s4  }
0xd: {  	[smem:$0x3FAD] =	sst s5  }
0xe: {  	[smem:$0x3FAE] =	sst s6  }
0xf: {  	[smem:$0x3FAF] =	sst s7  }
0x10: {  	[smem:$0x3FB0] =	sst s8  }
0x11: {  	[smem:$0x3FB1] =	sst s9;
	s0 =	simm.s32 @!p0 $0x0  }
0x12: {  	s1 =	sld [smem:$0x3F97];
	s0 =	simm.s32 @p0 $0x1  }
0x13: {  	[smem:$0x3FB2] =	sst s0;
	s0 =	simm.s32 @!p1 $0x0  }
0x14: {  	s2 =	sld [smem:$0x3F96];
	s0 =	simm.s32 @p1 $0x1  }
0x15: {  	[smem:$0x3FB3] =	sst s0;
	s0 =	simm.s32 @!p2 $0x0  }
0x16: {  	s3 =	sld [smem:$0x3FDB];
	s0 =	simm.s32 @p2 $0x1  }
0x17: {  	s4 =	simm.s32 $0x1BF5;
	[smem:$0x3FB5] =	sst s0  }
0x18: {  	s0 =	sld [smem:$0x3F98];
	_ =	swait.ge [sflag:s4], $0x0  }
0x19: {  	s7 =	sld [smem:$0x3F99]  }
0x1a: {  	s8 =	sadd.s32 $0xFFFFE003, lr  }
0x1b: {  	s9 =	sadd.s32 $0xFFFFFEF7, lr;
	s5 =	simm.s32 $0xFFFFFFFF;
	p2 =	slt.u32 s8, $0xFFFFF086  }
0x1c: {  	p1 =	slt.u32 s9, $0xF7A;
	s5 =	simm.s32 @!p2 $0x0  }
0x1d: {  	s5 =	simm.s32 @p1 $0x1;
	p0 =	seq.s32 s7, s2  }
0x1e: {  	s7 =	smul.u32 @!p0 $0xF7A, s2;
	p2 =	seq.s32 @!p0 s5, $0x0  }
0x1f: {  	s9 =	smul.u32 $0xF7A, s1;
	s8 =	simm.s32 @!p0 $0x1BF5;
	p2 =	por !p2, p0  }
0x20: {  	[sflag:s8] =	ssyncset.s32 @!p0 $0xFFFFF086;
	s6 =	sadd.s32 @!p0 s3, s7;
	s7 =	simm.s32 @!p0 $0x108  }
0x21: {  	s3 =	sadd.s32 s3, s9;
	s6 =	sadd.s32 @!p0 $0x88, s6;
	s7 =	simm.s32 @p2 $0x1082  }
0x22: {  	[simem:s7], [sflag:s8] =	dma.local @!p0 [hbm:s6], $0xF7A  }
0x23: {  	s9 =	sor.u32 $0xD0000000, s2;
	s6 =	simm.s32 $0x108;
	_ =	swait.ge @!p0 [sflag:s8], $0x0  }
0x24: {  	s3 =	sadd.s32 $0x88, s3;
	s6 =	simm.s32 @!p1 $0x1082;
	[sflag:s4] =	ssyncset.s32 $0xFFFFF086  }
0x25: {  	[simem:s6], [sflag:s4] =	dma.local [hbm:s3], $0xF7A  }
0x26: {  	[smem:$0x3F99] =	sst s1;
	(tag) =	ssettag s2;
	_ =	strace s9  }
0x27: {  	s1 =	sld [smem:$0x3FA9]  }
0x28: {  	s2 =	sld [smem:$0x3FAA]  }
0x29: {  	s4 =	sld [smem:$0x3FAC]  }
0x2a: {  	p0 =	seq.s32 s5, $0x0;
	s5 =	sld [smem:$0x3FAD]  }
0x2b: {  	s6 =	sld [smem:$0x3FAE]  }
0x2c: {  	s7 =	sld [smem:$0x3FAF]  }
0x2d: {  	s3 =	simm.s32 $0x108;
	s8 =	sld [smem:$0x3FB0]  }
0x2e: {  	s3 =	simm.s32 @!p0 $0x1082;
	s9 =	sld [smem:$0x3FB1]  }
0x2f: {  	lr =	sadd.s32 s0, s3;
	s0 =	sld [smem:$0x3FA8]  }
0x30: {  	s3 =	sld [smem:$0x3FAB]  }
0x31: {  	[smem:$0x3FB4] =	sst s10  }
0x32: {  	s10 =	sld [smem:$0x3FB2];
	_ =	sdelay $0x3  }
0x33: {  	p0 =	seq.s32 s10, $0x1;
	s10 =	sld [smem:$0x3FB4];
	_ =	sdelay $0x3  }
0x34: {  	[smem:$0x3FB4] =	sst s10  }
0x35: {  	s10 =	sld [smem:$0x3FB3];
	_ =	sdelay $0x3  }
0x36: {  	p1 =	seq.s32 s10, $0x1;
	s10 =	sld [smem:$0x3FB4];
	_ =	sdelay $0x3  }
0x37: {  	[smem:$0x3FB4] =	sst s10  }
0x38: {  	s10 =	sld [smem:$0x3FB5]  }
0x39: {  	_ = 	snop;
	(pc) =	sbr.ind lr, $3  }
0x3a: {  	_ = 	snop  }
0x3b: {  	_ = 	snop  }
0x3c: {  	p2 =	seq.s32 s10, $0x1;
	s10 =	sld [smem:$0x3FB4]  }
0x3d: {  	_ =	shalt  }
0x3e: {  	_ =	shalt  }
0x3f: {  	_ =	shalt  }
0x40: {  	_ =	shalt  }
0x41: {  	_ =	shalt  }
0x42: {  	_ =	shalt  }
0x43: {  	_ =	shalt  }
0x44: {  	_ =	shalt  }
0x45: {  	_ =	shalt  }
0x46: {  	_ =	shalt  }
0x47: {  	_ =	shalt  }
0x48: {  	_ =	shalt  }
0x49: {  	_ =	shalt  }
0x4a: {  	_ =	shalt  }
0x4b: {  	_ =	shalt  }
0x4c: {  	_ =	shalt  }
0x4d: {  	_ =	shalt  }
0x4e: {  	_ =	shalt  }
0x4f: {  	_ =	shalt  }
0x50: {  	_ =	shalt  }
0x51: {  	_ =	shalt  }
0x52: {  	_ =	shalt  }
0x53: {  	_ =	shalt  }
0x54: {  	_ =	shalt  }
0x55: {  	_ =	shalt  }
0x56: {  	_ =	shalt  }
0x57: {  	_ =	shalt  }
0x58: {  	_ =	shalt  }
0x59: {  	_ =	shalt  }
0x5a: {  	_ =	shalt  }
0x5b: {  	_ =	shalt  }
0x5c: {  	_ =	shalt  }
0x5d: {  	_ =	shalt  }
0x5e: {  	_ =	shalt  }
0x5f: {  	_ =	shalt  }
0x60: {  	_ =	shalt  }
0x61: {  	_ =	shalt  }
0x62: {  	_ =	shalt  }
0x63: {  	_ =	shalt  }
0x64: {  	_ =	shalt  }
0x65: {  	_ =	shalt  }
0x66: {  	_ =	shalt  }
0x67: {  	_ =	shalt  }
0x68: {  	_ =	shalt  }
0x69: {  	_ =	shalt  }
0x6a: {  	_ =	shalt  }
0x6b: {  	_ =	shalt  }
0x6c: {  	_ =	shalt  }
0x6d: {  	_ =	shalt  }
0x6e: {  	_ =	shalt  }
0x6f: {  	_ =	shalt  }
0x70: {  	_ =	shalt  }
0x71: {  	_ =	shalt  }
0x72: {  	_ =	shalt  }
0x73: {  	_ =	shalt  }
0x74: {  	_ =	shalt  }
0x75: {  	_ =	shalt  }
0x76: {  	_ =	shalt  }
0x77: {  	_ =	shalt  }
0x78: {  	_ =	shalt  }
0x79: {  	_ =	shalt  }
0x7a: {  	_ =	shalt  }
0x7b: {  	_ =	shalt  }
0x7c: {  	_ =	shalt  }
0x7d: {  	_ =	shalt  }
0x7e: {  	_ =	shalt  }
0x7f: {  	_ =	shalt  }
0x80: {  	_ =	shalt  }
0x81: {  	_ =	shalt  }
0x82: {  	_ =	shalt  }
0x83: {  	_ =	shalt  }
0x84: {  	_ =	shalt  }
0x85: {  	_ =	shalt  }
0x86: {  	_ =	shalt  }
0x87: {  	_ =	shalt  }
.Lfunc_end0:
.L_simem_size_0:
called_computation.2_lowered:
.L_overlay_start_0:
0x88: {  	s2 =	sld [smem:$0x3FD9]  }
0x89: {  	s3 =	sld [smem:$0x3FFE];
	_ =	sdelay $0x1  }
0x8a: {  	s1 =	srdreg.scid  }
0x8b: {  	s0 =	sand.u32 $0x1, s1  }
0x8c: {  	s17 =	sshll.u32 s0, $0xA;
	s2 =	sadd.s32 s3, s2  }
0x8d: {  	s2 =	sadd.s32 s2, s17  }
0x8e: {  	[smem:$0x3FC0] =	sst s2  }
0x8f: {  	_ = 	snop  }
0x90: {  	s2 =	sld [smem:$0x3FD0];
	(tm) =	ssettm $0x1  }
0x91: {  	s18 =	sld [smem:$0x3FFB];
	_ =	sdelay $0x3  }
0x92: {  	_ =	strace s18  }
0x93: {  	s3 =	sld [smem:$0x3FFC];
	_ =	sdelay $0x3  }
0x94: {  	_ =	strace s3  }
0x95: {  	s3 =	sld [smem:$0x3FFD];
	_ =	sdelay $0x3  }
0x96: {  	_ =	strace s3  }
0x97: {  	_ =	strace $0x8FFFFFFF  }
0x98: {  	s19 =	sld [smem:$0x3FDB];
	_ =	sdelay $0x1  }
0x99: {  	s4 =	simm.s32 $_scs_section_size  }
0x9a: {  	s5 =	simm.s32 $_size__tile_overlayer_lowered;
	s6 =	simm.s32 $_tile_overlayer_lowered  }
0x9b: {  	s22 =	simm.s32 $0x1BFF;
	s21 =	sshll.u32 s6, $0x1;
	s3 =	sadd.s32 s4, s19  }
0x9c: {  	s7 =	simm.s32 $0x0;
	s20 =	sshll.u32 s5, $0x1;
	s5 =	sadd.s32 s21, s3  }
0x9d: {  	[timem:s7], [sflag:s22] =	dma.local [hbm:s5], s20  }
0x9e: {  	_ =	swait.ge [sflag:s22], s20  }
0x9f: {  	s4 =	ssub.s32 $0x0, s20;
	[sflag:s22] =	ssyncset.done $0x0  }
0xa0: {  	[sflag:s22] =	ssyncadd.s32 s4;
	_ =	sdelay $0x1  }
0xa1: {  	s23 =	simm.s32 $0x1B8B  }
0xa2: {  	_ =	swait.ge [sflag:s23], $0x1  }
0xa3: {  	[sflag:s23] =	ssyncset.done $0x0  }
0xa4: {  	s25 =	simm.s32 $0x1B8E;
	s24 =	sld [smem:$0x3FFE];
	[sflag:s23] =	ssyncadd.s32 $0xFFFFFFFF  }
0xa5: {  	s26 =	simm.s32 $execute0_lowered;
	[smem:$0x3FD2] =	sst s25  }
0xa6: {  	s5 =	sshll.u32 s26, $0x1;
	_ =	strace $0x8000004C;
	[dreg:$0x1] =	wrdreg $0xFFFFFFFF  }
0xa7: {  	s28 =	simm.s32 $_size_execute0_lowered;
	s3 =	sadd.s32 s3, s5;
	[dreg:$0x0] =	wrdreg $0x0  }
0xa8: {  	s5 =	sshll.u32 s28, $0x1;
	[dreg:$0x2] =	wrdreg s3  }
0xa9: {  	[dreg:$0x3] =	wrdreg s5  }
0xaa: {  	[dreg:$0x4] =	wrdreg $0xC0  }
0xab: {  	_ =	task [dreg:s7], $0x5FFFF  }
0xac: {  	[dreg:$0x1] =	wrdreg $0xFFFFFFFF  }
0xad: {  	[dreg:$0x0] =	wrdreg $0x60  }
0xae: {  	[dreg:$0x2] =	wrdreg s2  }
0xaf: {  	[dreg:$0x3] =	wrdreg s24  }
0xb0: {  	[dreg:$0x4] =	wrdreg $0xFA200  }
0xb1: {  	[dreg:$0x5] =	wrdreg $0x9  }
0xb2: {  	_ =	task.clear_ibuf [dreg:s7], $0x6FFFF;
	_ =	strace $0x9000004C  }
0xb3: {  	s29 =	simm.s32 $0x9;
	_ =	strace $0x8000004E  }
0xb4: {  	_ =	swait.ge [sflag:s29], $0x1  }
0xb5: {  	[sflag:s29] =	ssyncadd.s32 $0xFFFFFFFF  }
0xb6: {  	_ =	strace $0x9000004E  }
0xb7: {  	_ =	sfence  }
0xb8: {  	s30 =	sld [smem:$0x0];
	_ =	sdelay $0x2  }
0xb9: {  	s31 =	sshll.u32 s1, $0xD;
	s1 =	sshrl.u32 s1, $0x2  }
0xba: {  	s3 =	sand.u32 $0x4000, s31;
	s1 =	sadd.s32 s1, s30  }
0xbb: {  	s0 =	sor.u32 s3, s0;
	s1 =	sshll.u32 s1, $0x11  }
0xbc: {  	s0 =	sor.u32 s1, s0  }
0xbd: {  	s0 =	sadd.s32 $0x8F2B, s0  }
0xbe: {  	[sflag:s0] =	ssyncadd.remote.s32 $0x1  }
0xbf: {  	_ =	sfence.sel $0xFFFF  }
0xc0: {  	[dreg:$0x0] =	wrdreg $0xFFFFFFFF;
	(pc) =	sbr.abs _section_cstart, $3  }
0xc1: {  	[dreg:$0x1] =	wrdreg $0xFFFFFFFF  }
0xc2: {  	_ =	task.clear_ibuf [dreg:s7], $0x2FFFF;
	_ =	strace $0x9FFFFFFF  }
0xc3: {  	(tm) =	ssettm $0x7FFFFFFF  }
tec
execute0_lowered:
.L_overlay_start_1:
0x0: {  	(tag) =	ssettag $0x1  }
0x1: {  	s0 =	srdreg.scid;
	s1 =	rddreg [dreg:$0x0]  }
0x2: {  	s2 =	rddreg [dreg:$0x1];
	s13 =	stileid.u32  }
0x3: {  	s3 =	rddreg [dreg:$0x2];
	s16 =	simm.s32 $0xD;
	s8 =	simm.s32 $0x2710  }
0x4: {  	s18 =	simm.s32 $0xC620;
	s19 =	simm.s32 $0x50;
	s28 =	simm.s32 $0x9E20  }
0x5: {  	s29 =	simm.s32 $0x1;
	s31 =	simm.s32 $0xB220;
	s30 =	simm.s32 $0x4  }
0x6: {  	s17 =	simm.s32 $0xB;
	s0 =	sand.u32 $0x1, s0;
	s9 =	smul.u32 $0x9C00, s13  }
0x7: {  	s10 =	sadd.s32 $0x9C000, s3;
	p0 =	sne.s32 s13, $0xF;
	s4 =	sshll.u32 s0, $0x4  }
0x8: {  	s6 =	ssub.s32 $0x2, s0;
	s0 =	smul.u32 $0x9C400, s0;
	s5 =	sor.u32 s13, s4  }
0x9: {  	s4 =	simm.s32 $0x0;
	s7 =	sshrl.u32 s6, $0x1;
	s21 =	sadd.s32 s9, s3  }
0xa: {  	s22 =	sadd.s32 $0x3400, s9;
	s11 =	sadd.s32 $0x6800, s9;
	s13 =	simm.s32 $0x0  }
0xb: {  	s5 =	smul.u32 $0x4E2, s5;
	[smem:$0x7FF] =	sst s4;
	s6 =	ssub.s32 s6, s7  }
0xc: {  	s23 =	sadd.s32 s22, s3;
	s12 =	sadd.s32 s9, s0;
	s9 =	sadd.s32 s11, s3  }
0xd: {  	s11 =	sadd.s32 s0, s11;
	_ =	strace $0x8000004D;
	[dreg:$0x6] =	wrdreg s21  }
0xe: {  	[dreg:$0xb] =	wrdreg s23;
	s12 =	sshrl.u32 s12, $0x3;
	s11 =	sshrl.u32 s11, $0x3  }
0xf: {  	s26 =	smax.u32 s6, $0x1;
	s21 =	simm.s32 $0x6220;
	s23 =	simm.s32 $0x7620  }
0x10: {  	s6 =	simm.s32 $0xA;
	s5 =	sadd.s32 s5, s2;
	s2 =	sadd.s32 $0x15800, s2  }
0x11: {  	[dreg:$0xc] =	wrdreg s26;
	s26 =	simm.s32 $0x3;
	s20 =	sadd.s32 $0xBA00, s5  }
0x12: {  	s5 =	sadd.s32 $0x1C00, s5;
	s24 =	sadd.s32 s2, s12;
	[dreg:$0x4] =	wrdreg s20  }
0x13: {  	s25 =	sadd.s32 s2, s11;
	s11 =	simm.s32 $0x6;
	[dreg:$0x5] =	wrdreg s5  }
0x14: {  	s12 =	simm.s32 $0xC;
	[dreg:$0x7] =	wrdreg s24;
	s5 =	sadd.s32 s0, s22  }
0x15: {  	s0 =	sshrl.u32 s0, $0x3;
	[dreg:$0x9] =	wrdreg s25;
	s20 =	simm.s32 $0x4E20  }
0x16: {  	s25 =	simm.s32 $0x8A20;
	s22 =	simm.s32 $0x7;
	s5 =	sshrl.u32 s5, $0x3  }
0x17: {  	s24 =	simm.s32 $0x9;
	s0 =	sadd.s32 s2, s0;
	s5 =	sadd.s32 s2, s5  }
0x18: {  	s0 =	sadd.s32 $0x13800, s0;
	s2 =	simm.s32 $0x2;
	[dreg:$0x8] =	wrdreg s5  }
0x19: {  	v0 =	vimm.f32 $0.0e+00;
	[dreg:$0xa] =	wrdreg s0;
	s0 =	simm.s32 $0x8;
	s5 =	simm.s32 $0x5  }
.LBB2_1:
0x1a: {  	s7 =	rddreg [dreg:$0x4]  }
0x1b: {  	[tilespmem:s4], [sflag:$0xD] =	stream.linear.gather [hbm4b:s7+s4], $0x2710, $0x38;
	[tilespmem:$0x19660] =	vst v63  }
0x1c: {  	_ =	swait.ge [sflag:s16], $0x2710  }
0x1d: {  	[sflag:s16] =	ssyncset.done $0x0  }
0x1e: {  	s15 =	rddreg [dreg:$0x5];
	[sflag:s16] =	ssyncadd.s32 $0xFFFFD8F0  }
0x1f: {  	[tilespmem:s8], [sflag:$0xD] =	stream.linear.gather [hbm4b:s15+s4], $0x2710, $0x38;
	[tilespmem:$0x19660] =	vst v63  }
0x20: {  	_ =	swait.ge [sflag:s16], $0x2710  }
0x21: {  	[sflag:s16] =	ssyncset.done $0x0  }
0x22: {  	s14 =	simm.s32 $0x0;
	s15 =	simm.s32 $0x100;
	[sflag:s16] =	ssyncadd.s32 $0xFFFFD8F0  }
.LBB2_2:
0x23: {  	p1 =	sne.s32 s15, $0xCF00;
	[tilespmem:s14+$0xC650] =	vst v0;
	s7 =	smov.u32 s15;
	s15 =	sadd.s32 $0x100, s15  }
.Ltmp0:
0x24: {  	[tilespmem:s14+$0xC640] =	vst v0;
	(pc) =	sbr.rel @p1 .LBB2_2-.Ltmp0, $3  }
0x25: {  	[tilespmem:s14+$0xC620] =	vst v0  }
0x26: {  	[tilespmem:s14+$0xC630] =	vst v0;
	_ =	sdelay $0x1  }
0x27: {  	s14 =	sshra.s32 s7, $0x2  }
0x28: {  	[tilespmem:s14+$0xC650] =	vst v0  }
0x29: {  	[tilespmem:s14+$0xC640] =	vst v0  }
0x2a: {  	[tilespmem:s14+$0xC620] =	vst v0  }
0x2b: {  	[tilespmem:s14+$0xC630] =	vst v0;
	s7 =	rddreg [dreg:$0x6]  }
0x2c: {  	[spmem:s7] =	stream.linear.scatter [tilespmem:s18], [sflag:$0xD], $0x3400, $0x38;
	[tilespmem:$0x19660] =	vst v63  }
0x2d: {  	_ =	swait.ge [sflag:s16], $0x3400  }
0x2e: {  	[sflag:s16] =	ssyncset.done $0x0  }
0x2f: {  	s15 =	rddreg [dreg:$0xb];
	[sflag:s16] =	ssyncadd.s32 $0xFFFFCC00  }
0x30: {  	[spmem:s15] =	stream.linear.scatter [tilespmem:s18], [sflag:$0xD], $0x3400, $0x38;
	[tilespmem:$0x19660] =	vst v63  }
0x31: {  	_ =	swait.ge [sflag:s16], $0x3400  }
0x32: {  	[sflag:s16] =	ssyncset.done $0x0  }
0x33: {  	[sflag:s16] =	ssyncadd.s32 $0xFFFFCC00  }
0x34: {  	[spmem:s9] =	stream.linear.scatter [tilespmem:s18], [sflag:$0xD], $0x3400, $0x38;
	[tilespmem:$0x19660] =	vst v63  }
0x35: {  	_ =	swait.ge [sflag:s16], $0x3400  }
0x36: {  	[sflag:s16] =	ssyncset.done $0x0  }
0x37: {  	s7 =	simm.s32 @!p0 $0xC620;
	[sflag:s16] =	ssyncadd.s32 $0xFFFFCC00  }
0x38: {  	[spmem:s10] =	stream.linear.scatter @!p0 [tilespmem:s7], [sflag:$0xD], $0x400, $0x38;
	[tilespmem:$0x19660] =	vst v63  }
0x39: {  	s7 =	simm.s32 @!p0 $0xD  }
0x3a: {  	_ =	swait.ge @!p0 [sflag:s7], $0x400  }
0x3b: {  	[sflag:s7] =	ssyncset.done @!p0 $0x0  }
0x3c: {  	[sflag:s7] =	ssyncadd.s32 @!p0 $0xFFFFFC00  }
0x3d: {  	s14 =	simm.s32 $0x0;
	[bflag:$0x0] =	sbarrier.arrive $0xFFFF  }
0x3e: {  	[tilespmem:s20], [sflag:$0x1] =	stream.indirect.gather [hbm4b:s1+s19], $0x40, s14, s19, $0xb8;
	[tilespmem:$0x19660] =	vst v63  }
0x3f: {  	_ = 	snop  }
0x40: {  	[tilespmem:s21], [sflag:$0x2] =	stream.indirect.gather [hbm4b:s1+s19], $0x40, s19, s19, $0xb8;
	[tilespmem:$0x19660] =	vst v63  }
0x41: {  	s15 =	simm.s32 $0xA0  }
0x42: {  	[tilespmem:s23], [sflag:$0x3] =	stream.indirect.gather [hbm4b:s1+s19], $0x40, s15, s19, $0xb8;
	[tilespmem:$0x19660] =	vst v63  }
0x43: {  	s14 =	simm.s32 $0xF0  }
0x44: {  	[tilespmem:s25], [sflag:$0x4] =	stream.indirect.gather [hbm4b:s1+s19], $0x40, s14, s19, $0xb8;
	[tilespmem:$0x19660] =	vst v63  }
0x45: {  	s15 =	simm.s32 $0x140  }
0x46: {  	[tilespmem:s28], [sflag:$0x5] =	stream.indirect.gather [hbm4b:s1+s19], $0x40, s15, s19, $0xb8;
	[tilespmem:$0x19660] =	vst v63  }
0x47: {  	_ =	swait.ge [sflag:s29], $0x1400  }
0x48: {  	[sflag:s29] =	ssyncset.done $0x0  }
0x49: {  	[sflag:s29] =	ssyncadd.s32 $0xFFFFEC00  }
0x4a: {  	[spmem:s3] =	stream.indirect.scatter.add.f32 [tilespmem:s20], [sflag:$0x7], $0x40, s8, s19, $0xb8;
	[tilespmem:$0x19660] =	vst v63  }
0x4b: {  	s8 =	simm.s32 $0x190  }
0x4c: {  	[tilespmem:s31], [sflag:$0x6] =	stream.indirect.gather [hbm4b:s1+s19], $0x40, s8, s19, $0xb8;
	[tilespmem:$0x19660] =	vst v63  }
0x4d: {  	_ =	swait.ge [sflag:s2], $0x1400  }
0x4e: {  	[sflag:s2] =	ssyncset.done $0x0  }
0x4f: {  	s14 =	simm.s32 $0x2760;
	[sflag:s2] =	ssyncadd.s32 $0xFFFFEC00  }
0x50: {  	[spmem:s3] =	stream.indirect.scatter.add.f32 [tilespmem:s21], [sflag:$0x8], $0x40, s14, s19, $0xb8;
	[tilespmem:$0x19660] =	vst v63  }
0x51: {  	_ =	swait.ge [sflag:s22], $0x1400  }
0x52: {  	[sflag:s22] =	ssyncset.done $0x0  }
0x53: {  	s15 =	simm.s32 $0x1E0;
	[sflag:s22] =	ssyncadd.s32 $0xFFFFEC00  }
0x54: {  	[tilespmem:s20], [sflag:$0x1] =	stream.indirect.gather [hbm4b:s1+s19], $0x40, s15, s19, $0xb8;
	[tilespmem:$0x19660] =	vst v63  }
0x55: {  	_ =	swait.ge [sflag:s26], $0x1400  }
0x56: {  	[sflag:s26] =	ssyncset.done $0x0  }
0x57: {  	s8 =	simm.s32 $0x27B0;
	[sflag:s26] =	ssyncadd.s32 $0xFFFFEC00  }
0x58: {  	[spmem:s3] =	stream.indirect.scatter.add.f32 [tilespmem:s23], [sflag:$0x9], $0x40, s8, s19, $0xb8;
	[tilespmem:$0x19660] =	vst v63  }
0x59: {  	_ =	swait.ge [sflag:s0], $0x1400  }
0x5a: {  	[sflag:s0] =	ssyncset.done $0x0  }
0x5b: {  	s14 =	simm.s32 $0x230;
	[sflag:s0] =	ssyncadd.s32 $0xFFFFEC00  }
0x5c: {  	[tilespmem:s21], [sflag:$0x2] =	stream.indirect.gather [hbm4b:s1+s19], $0x40, s14, s19, $0xb8;
	[tilespmem:$0x19660] =	vst v63  }
0x5d: {  	_ =	swait.ge [sflag:s30], $0x1400  }
0x5e: {  	[sflag:s30] =	ssyncset.done $0x0  }
0x5f: {  	s15 =	simm.s32 $0x2800;
	[sflag:s30] =	ssyncadd.s32 $0xFFFFEC00  }
0x60: {  	[spmem:s3] =	stream.indirect.scatter.add.f32 [tilespmem:s25], [sflag:$0xA], $0x40, s15, s19, $0xb8;
	[tilespmem:$0x19660] =	vst v63  }
0x61: {  	_ =	swait.ge [sflag:s24], $0x1400  }
0x62: {  	[sflag:s24] =	ssyncset.done $0x0  }
0x63: {  	s8 =	simm.s32 $0x280;
	[sflag:s24] =	ssyncadd.s32 $0xFFFFEC00  }
0x64: {  	[tilespmem:s23], [sflag:$0x3] =	stream.indirect.gather [hbm4b:s1+s19], $0x40, s8, s19, $0xb8;
	[tilespmem:$0x19660] =	vst v63  }
0x65: {  	_ =	swait.ge [sflag:s5], $0x1400  }
0x66: {  	[sflag:s5] =	ssyncset.done $0x0  }
0x67: {  	s14 =	simm.s32 $0x2850;
	[sflag:s5] =	ssyncadd.s32 $0xFFFFEC00  }
0x68: {  	[spmem:s3] =	stream.indirect.scatter.add.f32 [tilespmem:s28], [sflag:$0xB], $0x40, s14, s19, $0xb8;
	[tilespmem:$0x19660] =	vst v63  }
0x69: {  	_ =	swait.ge [sflag:s6], $0x1400  }
0x6a: {  	[sflag:s6] =	ssyncset.done $0x0  }
0x6b: {  	s15 =	simm.s32 $0x2D0;
	[sflag:s6] =	ssyncadd.s32 $0xFFFFEC00  }
0x6c: {  	[tilespmem:s25], [sflag:$0x4] =	stream.indirect.gather [hbm4b:s1+s19], $0x40, s15, s19, $0xb8;
	[tilespmem:$0x19660] =	vst v63  }
0x6d: {  	_ =	swait.ge [sflag:s11], $0x1400  }
0x6e: {  	[sflag:s11] =	ssyncset.done $0x0  }
0x6f: {  	s8 =	simm.s32 $0x28A0;
	[sflag:s11] =	ssyncadd.s32 $0xFFFFEC00  }
0x70: {  	[spmem:s3] =	stream.indirect.scatter.add.f32 [tilespmem:s31], [sflag:$0xC], $0x40, s8, s19, $0xb8;
	[tilespmem:$0x19660] =	vst v63  }
0x71: {  	_ =	swait.ge [sflag:s17], $0x1400  }
0x72: {  	[sflag:s17] =	ssyncset.done $0x0  }
0x73: {  	s14 =	simm.s32 $0x320;
	[sflag:s17] =	ssyncadd.s32 $0xFFFFEC00  }
0x74: {  	[tilespmem:s28], [sflag:$0x5] =	stream.indirect.gather [hbm4b:s1+s19], $0x40, s14, s19, $0xb8;
	[tilespmem:$0x19660] =	vst v63  }
0x75: {  	_ =	swait.ge [sflag:s29], $0x1400  }
0x76: {  	[sflag:s29] =	ssyncset.done $0x0  }
0x77: {  	s15 =	simm.s32 $0x28F0;
	[sflag:s29] =	ssyncadd.s32 $0xFFFFEC00  }
0x78: {  	[spmem:s3] =	stream.indirect.scatter.add.f32 [tilespmem:s20], [sflag:$0x7], $0x40, s15, s19, $0xb8;
	[tilespmem:$0x19660] =	vst v63  }
0x79: {  	_ =	swait.ge [sflag:s12], $0x1400  }
0x7a: {  	[sflag:s12] =	ssyncset.done $0x0  }
0x7b: {  	s8 =	simm.s32 $0x370;
	[sflag:s12] =	ssyncadd.s32 $0xFFFFEC00  }
0x7c: {  	[tilespmem:s31], [sflag:$0x6] =	stream.indirect.gather [hbm4b:s1+s19], $0x40, s8, s19, $0xb8;
	[tilespmem:$0x19660] =	vst v63  }
0x7d: {  	_ =	swait.ge [sflag:s2], $0x1400  }
0x7e: {  	[sflag:s2] =	ssyncset.done $0x0  }
0x7f: {  	s14 =	simm.s32 $0x2940;
	[sflag:s2] =	ssyncadd.s32 $0xFFFFEC00  }
0x80: {  	[spmem:s3] =	stream.indirect.scatter.add.f32 [tilespmem:s21], [sflag:$0x8], $0x40, s14, s19, $0xb8;
	[tilespmem:$0x19660] =	vst v63  }
0x81: {  	_ =	swait.ge [sflag:s22], $0x1400  }
0x82: {  	[sflag:s22] =	ssyncset.done $0x0  }
0x83: {  	s15 =	simm.s32 $0x3C0;
	[sflag:s22] =	ssyncadd.s32 $0xFFFFEC00  }
0x84: {  	[tilespmem:s20], [sflag:$0x1] =	stream.indirect.gather [hbm4b:s1+s19], $0x40, s15, s19, $0xb8;
	[tilespmem:$0x19660] =	vst v63  }
0x85: {  	_ =	swait.ge [sflag:s26], $0x1400  }
0x86: {  	[sflag:s26] =	ssyncset.done $0x0  }
0x87: {  	s8 =	simm.s32 $0x2990;
	[sflag:s26] =	ssyncadd.s32 $0xFFFFEC00  }
0x88: {  	[spmem:s3] =	stream.indirect.scatter.add.f32 [tilespmem:s23], [sflag:$0x9], $0x40, s8, s19, $0xb8;
	[tilespmem:$0x19660] =	vst v63  }
0x89: {  	_ =	swait.ge [sflag:s0], $0x1400  }
0x8a: {  	[sflag:s0] =	ssyncset.done $0x0  }
0x8b: {  	s14 =	simm.s32 $0x410;
	[sflag:s0] =	ssyncadd.s32 $0xFFFFEC00  }
0x8c: {  	[tilespmem:s21], [sflag:$0x2] =	stream.indirect.gather [hbm4b:s1+s19], $0x40, s14, s19, $0xb8;
	[tilespmem:$0x19660] =	vst v63  }
0x8d: {  	_ =	swait.ge [sflag:s30], $0x1400  }
0x8e: {  	[sflag:s30] =	ssyncset.done $0x0  }
0x8f: {  	s15 =	simm.s32 $0x29E0;
	[sflag:s30] =	ssyncadd.s32 $0xFFFFEC00  }
0x90: {  	[spmem:s3] =	stream.indirect.scatter.add.f32 [tilespmem:s25], [sflag:$0xA], $0x40, s15, s19, $0xb8;
	[tilespmem:$0x19660] =	vst v63  }
0x91: {  	_ =	swait.ge [sflag:s24], $0x1400  }
0x92: {  	[sflag:s24] =	ssyncset.done $0x0  }
0x93: {  	s8 =	simm.s32 $0x460;
	[sflag:s24] =	ssyncadd.s32 $0xFFFFEC00  }
0x94: {  	[tilespmem:s23], [sflag:$0x3] =	stream.indirect.gather [hbm4b:s1+s19], $0x40, s8, s19, $0xb8;
	[tilespmem:$0x19660] =	vst v63  }
0x95: {  	_ =	swait.ge [sflag:s5], $0x1400  }
0x96: {  	[sflag:s5] =	ssyncset.done $0x0  }
0x97: {  	s14 =	simm.s32 $0x2A30;
	[sflag:s5] =	ssyncadd.s32 $0xFFFFEC00  }
0x98: {  	[spmem:s3] =	stream.indirect.scatter.add.f32 [tilespmem:s28], [sflag:$0xB], $0x40, s14, s19, $0xb8;
	[tilespmem:$0x19660] =	vst v63  }
0x99: {  	_ =	swait.ge [sflag:s6], $0x1400  }
0x9a: {  	[sflag:s6] =	ssyncset.done $0x0  }
0x9b: {  	s15 =	simm.s32 $0x4B0;
	[sflag:s6] =	ssyncadd.s32 $0xFFFFEC00  }
0x9c: {  	[tilespmem:s25], [sflag:$0x4] =	stream.indirect.gather [hbm4b:s1+s19], $0x40, s15, s19, $0xb8;
	[tilespmem:$0x19660] =	vst v63  }
0x9d: {  	_ =	swait.ge [sflag:s11], $0x1400  }
0x9e: {  	[sflag:s11] =	ssyncset.done $0x0  }
0x9f: {  	s14 =	simm.s32 $0x780;
	s15 =	simm.s32 $0x2A80;
	[sflag:s11] =	ssyncadd.s32 $0xFFFFEC00  }
.LBB2_4:
0xa0: {  	[spmem:s3] =	stream.indirect.scatter.add.f32 [tilespmem:s31], [sflag:$0xC], $0x40, s15, s19, $0xb8;
	[tilespmem:$0x19660] =	vst v63  }
0xa1: {  	s7 =	smov.u32 s14  }
0xa2: {  	p1 =	sne.s32 s14, $0x8700;
	s14 =	sadd.s32 $0x780, s14;
	_ =	swait.ge [sflag:s17], $0x1400  }
0xa3: {  	s15 =	sshra.s32 s7, $0x2;
	[sflag:s17] =	ssyncset.done $0x0  }
0xa4: {  	s7 =	sadd.s32 $0x320, s15;
	[sflag:s17] =	ssyncadd.s32 $0xFFFFEC00  }
0xa5: {  	[tilespmem:s28], [sflag:$0x5] =	stream.indirect.gather [hbm4b:s1+s19], $0x40, s7, s19, $0xb8;
	[tilespmem:$0x19660] =	vst v63  }
0xa6: {  	_ =	swait.ge [sflag:s29], $0x1400  }
0xa7: {  	[sflag:s29] =	ssyncset.done $0x0  }
0xa8: {  	s7 =	sadd.s32 $0x28F0, s15;
	[sflag:s29] =	ssyncadd.s32 $0xFFFFEC00  }
0xa9: {  	[spmem:s3] =	stream.indirect.scatter.add.f32 [tilespmem:s20], [sflag:$0x7], $0x40, s7, s19, $0xb8;
	[tilespmem:$0x19660] =	vst v63  }
0xaa: {  	_ =	swait.ge [sflag:s12], $0x1400  }
0xab: {  	[sflag:s12] =	ssyncset.done $0x0  }
0xac: {  	s7 =	sadd.s32 $0x370, s15;
	[sflag:s12] =	ssyncadd.s32 $0xFFFFEC00  }
0xad: {  	[tilespmem:s31], [sflag:$0x6] =	stream.indirect.gather [hbm4b:s1+s19], $0x40, s7, s19, $0xb8;
	[tilespmem:$0x19660] =	vst v63  }
0xae: {  	_ =	swait.ge [sflag:s2], $0x1400  }
0xaf: {  	[sflag:s2] =	ssyncset.done $0x0  }
0xb0: {  	s7 =	sadd.s32 $0x2940, s15;
	[sflag:s2] =	ssyncadd.s32 $0xFFFFEC00  }
0xb1: {  	[spmem:s3] =	stream.indirect.scatter.add.f32 [tilespmem:s21], [sflag:$0x8], $0x40, s7, s19, $0xb8;
	[tilespmem:$0x19660] =	vst v63  }
0xb2: {  	_ =	swait.ge [sflag:s22], $0x1400  }
0xb3: {  	[sflag:s22] =	ssyncset.done $0x0  }
0xb4: {  	s7 =	sadd.s32 $0x3C0, s15;
	[sflag:s22] =	ssyncadd.s32 $0xFFFFEC00  }
0xb5: {  	[tilespmem:s20], [sflag:$0x1] =	stream.indirect.gather [hbm4b:s1+s19], $0x40, s7, s19, $0xb8;
	[tilespmem:$0x19660] =	vst v63  }
0xb6: {  	_ =	swait.ge [sflag:s26], $0x1400  }
0xb7: {  	[sflag:s26] =	ssyncset.done $0x0  }
0xb8: {  	s7 =	sadd.s32 $0x2990, s15;
	[sflag:s26] =	ssyncadd.s32 $0xFFFFEC00  }
0xb9: {  	[spmem:s3] =	stream.indirect.scatter.add.f32 [tilespmem:s23], [sflag:$0x9], $0x40, s7, s19, $0xb8;
	[tilespmem:$0x19660] =	vst v63  }
0xba: {  	_ =	swait.ge [sflag:s0], $0x1400  }
0xbb: {  	[sflag:s0] =	ssyncset.done $0x0  }
0xbc: {  	s7 =	sadd.s32 $0x410, s15;
	[sflag:s0] =	ssyncadd.s32 $0xFFFFEC00  }
0xbd: {  	[tilespmem:s21], [sflag:$0x2] =	stream.indirect.gather [hbm4b:s1+s19], $0x40, s7, s19, $0xb8;
	[tilespmem:$0x19660] =	vst v63  }
0xbe: {  	_ =	swait.ge [sflag:s30], $0x1400  }
0xbf: {  	[sflag:s30] =	ssyncset.done $0x0  }
0xc0: {  	s7 =	sadd.s32 $0x29E0, s15;
	[sflag:s30] =	ssyncadd.s32 $0xFFFFEC00  }
0xc1: {  	[spmem:s3] =	stream.indirect.scatter.add.f32 [tilespmem:s25], [sflag:$0xA], $0x40, s7, s19, $0xb8;
	[tilespmem:$0x19660] =	vst v63  }
0xc2: {  	_ =	swait.ge [sflag:s24], $0x1400  }
0xc3: {  	[sflag:s24] =	ssyncset.done $0x0  }
0xc4: {  	s7 =	sadd.s32 $0x460, s15;
	[sflag:s24] =	ssyncadd.s32 $0xFFFFEC00  }
0xc5: {  	[tilespmem:s23], [sflag:$0x3] =	stream.indirect.gather [hbm4b:s1+s19], $0x40, s7, s19, $0xb8;
	[tilespmem:$0x19660] =	vst v63  }
0xc6: {  	_ =	swait.ge [sflag:s5], $0x1400  }
0xc7: {  	[sflag:s5] =	ssyncset.done $0x0  }
0xc8: {  	s7 =	sadd.s32 $0x2A30, s15;
	[sflag:s5] =	ssyncadd.s32 $0xFFFFEC00  }
0xc9: {  	[spmem:s3] =	stream.indirect.scatter.add.f32 [tilespmem:s28], [sflag:$0xB], $0x40, s7, s19, $0xb8;
	[tilespmem:$0x19660] =	vst v63  }
0xca: {  	_ =	swait.ge [sflag:s6], $0x1400  }
0xcb: {  	[sflag:s6] =	ssyncset.done $0x0  }
.Ltmp1:
0xcc: {  	s7 =	sadd.s32 $0x4B0, s15;
	[sflag:s6] =	ssyncadd.s32 $0xFFFFEC00;
	(pc) =	sbr.rel @p1 .LBB2_4-.Ltmp1, $4  }
0xcd: {  	[tilespmem:s25], [sflag:$0x4] =	stream.indirect.gather [hbm4b:s1+s19], $0x40, s7, s19, $0xb8;
	[tilespmem:$0x19660] =	vst v63  }
0xce: {  	_ =	swait.ge [sflag:s11], $0x1400  }
0xcf: {  	[sflag:s11] =	ssyncset.done $0x0  }
0xd0: {  	s15 =	sadd.s32 $0x2A80, s15;
	[sflag:s11] =	ssyncadd.s32 $0xFFFFEC00  }
0xd1: {  	[spmem:s3] =	stream.indirect.scatter.add.f32 [tilespmem:s31], [sflag:$0xC], $0x40, s15, s19, $0xb8;
	[tilespmem:$0x19660] =	vst v63  }
0xd2: {  	_ =	swait.ge [sflag:s17], $0x1400  }
0xd3: {  	[sflag:s17] =	ssyncset.done $0x0  }
0xd4: {  	s7 =	simm.s32 $0x26C0;
	[sflag:s17] =	ssyncadd.s32 $0xFFFFEC00  }
0xd5: {  	[tilespmem:s28], [sflag:$0x5] =	stream.indirect.gather [hbm4b:s1+s19], $0x40, s7, s19, $0xb8;
	[tilespmem:$0x19660] =	vst v63  }
0xd6: {  	_ =	swait.ge [sflag:s29], $0x1400  }
0xd7: {  	[sflag:s29] =	ssyncset.done $0x0  }
0xd8: {  	s14 =	simm.s32 $0x4C90;
	[sflag:s29] =	ssyncadd.s32 $0xFFFFEC00  }
0xd9: {  	[spmem:s3] =	stream.indirect.scatter.add.f32 [tilespmem:s20], [sflag:$0x7], $0x40, s14, s19, $0xb8;
	[tilespmem:$0x19660] =	vst v63  }
0xda: {  	_ =	swait.ge [sflag:s12], $0x1400  }
0xdb: {  	[sflag:s12] =	ssyncset.done $0x0  }
0xdc: {  	[sflag:s12] =	ssyncadd.s32 $0xFFFFEC00  }
0xdd: {  	_ =	swait.ge [sflag:s2], $0x1400  }
0xde: {  	[sflag:s2] =	ssyncset.done $0x0  }
0xdf: {  	s15 =	simm.s32 $0x4CE0;
	[sflag:s2] =	ssyncadd.s32 $0xFFFFEC00  }
0xe0: {  	[spmem:s3] =	stream.indirect.scatter.add.f32 [tilespmem:s21], [sflag:$0x8], $0x40, s15, s19, $0xb8;
	[tilespmem:$0x19660] =	vst v63  }
0xe1: {  	_ =	swait.ge [sflag:s22], $0x1400  }
0xe2: {  	[sflag:s22] =	ssyncset.done $0x0  }
0xe3: {  	[sflag:s22] =	ssyncadd.s32 $0xFFFFEC00  }
0xe4: {  	_ =	swait.ge [sflag:s26], $0x1400  }
0xe5: {  	[sflag:s26] =	ssyncset.done $0x0  }
0xe6: {  	s8 =	simm.s32 $0x4D30;
	[sflag:s26] =	ssyncadd.s32 $0xFFFFEC00  }
0xe7: {  	[spmem:s3] =	stream.indirect.scatter.add.f32 [tilespmem:s23], [sflag:$0x9], $0x40, s8, s19, $0xb8;
	[tilespmem:$0x19660] =	vst v63  }
0xe8: {  	_ =	swait.ge [sflag:s0], $0x1400  }
0xe9: {  	[sflag:s0] =	ssyncset.done $0x0  }
0xea: {  	[sflag:s0] =	ssyncadd.s32 $0xFFFFEC00  }
0xeb: {  	_ =	swait.ge [sflag:s30], $0x1400  }
0xec: {  	[sflag:s30] =	ssyncset.done $0x0  }
0xed: {  	s14 =	simm.s32 $0x4D80;
	[sflag:s30] =	ssyncadd.s32 $0xFFFFEC00  }
0xee: {  	[spmem:s3] =	stream.indirect.scatter.add.f32 [tilespmem:s25], [sflag:$0xA], $0x40, s14, s19, $0xb8;
	[tilespmem:$0x19660] =	vst v63  }
0xef: {  	_ =	swait.ge [sflag:s24], $0x1400  }
0xf0: {  	[sflag:s24] =	ssyncset.done $0x0  }
0xf1: {  	[sflag:s24] =	ssyncadd.s32 $0xFFFFEC00  }
0xf2: {  	_ =	swait.ge [sflag:s5], $0x1400  }
0xf3: {  	[sflag:s5] =	ssyncset.done $0x0  }
0xf4: {  	s15 =	simm.s32 $0x4DD0;
	[sflag:s5] =	ssyncadd.s32 $0xFFFFEC00  }
0xf5: {  	[spmem:s3] =	stream.indirect.scatter.add.f32 [tilespmem:s28], [sflag:$0xB], $0x40, s15, s19, $0xb8;
	[tilespmem:$0x19660] =	vst v63  }
0xf6: {  	_ =	swait.ge [sflag:s6], $0x1400  }
0xf7: {  	[sflag:s6] =	ssyncset.done $0x0  }
0xf8: {  	[sflag:s6] =	ssyncadd.s32 $0xFFFFEC00  }
0xf9: {  	_ =	swait.ge [sflag:s17], $0x1400  }
0xfa: {  	[sflag:s17] =	ssyncset.done $0x0  }
0xfb: {  	[sflag:s17] =	ssyncadd.s32 $0xFFFFEC00  }
0xfc: {  	[bflag:$0x0] =	sbarrier.arrive $0xFFFF  }
0xfd: {  	s8 =	rddreg [dreg:$0x6]  }
0xfe: {  	[tilespmem:s18], [sflag:$0xD] =	stream.linear.gather [spmem:s8], $0x3400, $0x38;
	[tilespmem:$0x19660] =	vst v63  }
0xff: {  	_ =	swait.ge [sflag:s16], $0x3400  }
0x100: {  	[sflag:s16] =	ssyncset.done $0x0  }
0x101: {  	s14 =	rddreg [dreg:$0x7];
	[sflag:s16] =	ssyncadd.s32 $0xFFFFCC00  }
0x102: {  	[hbm4b:s14+s4] =	stream.linear.scatter [tilespmem:s18], [sflag:$0xD], $0x3400, $0x38;
	[tilespmem:$0x19660] =	vst v63  }
0x103: {  	_ =	swait.ge [sflag:s16], $0x3400  }
0x104: {  	[sflag:s16] =	ssyncset.done $0x0  }
0x105: {  	s15 =	rddreg [dreg:$0xb];
	[sflag:s16] =	ssyncadd.s32 $0xFFFFCC00  }
0x106: {  	[tilespmem:s18], [sflag:$0xD] =	stream.linear.gather [spmem:s15], $0x3400, $0x38;
	[tilespmem:$0x19660] =	vst v63  }
0x107: {  	_ =	swait.ge [sflag:s16], $0x3400  }
0x108: {  	[sflag:s16] =	ssyncset.done $0x0  }
0x109: {  	s8 =	rddreg [dreg:$0x8];
	[sflag:s16] =	ssyncadd.s32 $0xFFFFCC00  }
0x10a: {  	[hbm4b:s8+s4] =	stream.linear.scatter [tilespmem:s18], [sflag:$0xD], $0x3400, $0x38;
	[tilespmem:$0x19660] =	vst v63  }
0x10b: {  	_ =	swait.ge [sflag:s16], $0x3400  }
0x10c: {  	[sflag:s16] =	ssyncset.done $0x0  }
0x10d: {  	[sflag:s16] =	ssyncadd.s32 $0xFFFFCC00  }
0x10e: {  	[tilespmem:s18], [sflag:$0xD] =	stream.linear.gather [spmem:s9], $0x3400, $0x38;
	[tilespmem:$0x19660] =	vst v63  }
0x10f: {  	_ =	swait.ge [sflag:s16], $0x3400  }
0x110: {  	[sflag:s16] =	ssyncset.done $0x0  }
0x111: {  	s14 =	rddreg [dreg:$0x9];
	[sflag:s16] =	ssyncadd.s32 $0xFFFFCC00  }
0x112: {  	[hbm4b:s14+s4] =	stream.linear.scatter [tilespmem:s18], [sflag:$0xD], $0x3400, $0x38;
	[tilespmem:$0x19660] =	vst v63  }
0x113: {  	_ =	swait.ge [sflag:s16], $0x3400  }
0x114: {  	[sflag:s16] =	ssyncset.done $0x0  }
0x115: {  	s7 =	simm.s32 @!p0 $0xC620;
	s14 =	simm.s32 @!p0 $0xD;
	[sflag:s16] =	ssyncadd.s32 $0xFFFFCC00  }
0x116: {  	[tilespmem:s7], [sflag:$0xD] =	stream.linear.gather @!p0 [spmem:s10], $0x400, $0x38;
	[tilespmem:$0x19660] =	vst v63  }
0x117: {  	_ =	swait.ge @!p0 [sflag:s14], $0x400  }
0x118: {  	[sflag:s14] =	ssyncset.done @!p0 $0x0  }
0x119: {  	s15 =	simm.s32 @!p0 $0x0;
	s8 =	rddreg [dreg:$0xa];
	[sflag:s14] =	ssyncadd.s32 @!p0 $0xFFFFFC00  }
0x11a: {  	[hbm4b:s8+s15] =	stream.linear.scatter @!p0 [tilespmem:s7], [sflag:$0xD], $0x400, $0x38;
	[tilespmem:$0x19660] =	vst v63  }
0x11b: {  	_ =	swait.ge @!p0 [sflag:s14], $0x400  }
0x11c: {  	s13 =	sadd.s32 $0x1, s13;
	s15 =	rddreg [dreg:$0xc]  }
0x11d: {  	p1 =	sne.s32 s13, s15  }
.Ltmp2:
0x11e: {  	_ = 	snop;
	(pc) =	sbr.rel @p1 .LBB2_1-.Ltmp2, $3  }
0x11f: {  	_ =	sdelay $0x1  }
0x120: {  	[sflag:s14] =	ssyncset.done @!p0 $0x0  }
0x121: {  	s8 =	simm.s32 $0x2710;
	[sflag:s14] =	ssyncadd.s32 @!p0 $0xFFFFFC00  }
0x122: {  	_ =	sfence.sel $0x180000  }
0x123: {  	[bflag:$0x0] =	sbarrier.arrive $0xFFFF  }
0x124: {  	_ =	strace $0x9000004D  }
0x125: {  	s0 =	stileid.u32;
	[bflag:$0x2] =	sbarrier.arrive $0xFFFF  }
0x126: {  	p0 =	sne.s32 s0, $0x0;
	s0 =	rddreg [dreg:$0x3]  }
0x127: {  	s0 =	sadd.s32 @!p0 $0x100000, s0  }
0x128: {  	[sflag:s0] =	ssyncadd.tile.s32 @!p0 $0x1;
	_ =	shalt  }
.Lfunc_end2:
_tile_overlayer_lowered:
.L_overlay_start_2:
0x129: {  	(tag) =	ssettag $0x2  }
0x12a: {  	s0 =	rddreg [dreg:$0x0];
	s2 =	stileid.u32  }
0x12b: {  	s1 =	rddreg [dreg:$0x1];
	p0 =	sne.s32 s2, $0x0  }
0x12c: {  	s3 =	rddreg [dreg:$0x2];
	[bflag:$0x3] =	sbarrier.arrive $0xFFFF;
	s2 =	simm.s32 @!p0 $0x1C0D  }
0x12d: {  	[timem:s3], [sflag:s2] =	dma.local @!p0 [hbm:s0], s1  }
0x12e: {  	s0 =	simm.s32 @!p0 $0xD  }
0x12f: {  	_ =	swait.ge @!p0 [sflag:s0], s1  }
0x130: {  	s1 =	ssub.s32 @!p0 $0x0, s1;
	[sflag:s0] =	ssyncset.done @!p0 $0x0  }
0x131: {  	[sflag:s0] =	ssyncadd.s32 @!p0 s1  }
0x132: {  	[bflag:$0x3] =	sbarrier.arrive $0xFFFF  }
0x133: {  	_ =	shalt  }

// kernel: kernel.9.cloned.1.call-start
scs
__scs_entry_jumppad:
0x0: {  	(pc) =	sbr.rel $0x88, $3  }
0x1: {  	(tag) =	ssettag $0x0;
	lr =	simm.s32 $0x1  }
0x2: {  	[smem:$0x3F99] =	sst lr;
	_ =	strace $0xD0000000  }
0x3: {  	_ = 	snop  }
0x4: {  	_ = 	snop  }
0x5: {  	_ = 	snop  }
0x6: {  	_ = 	snop  }
0x7: {  	_ = 	snop  }
__scs_overlays_trampoline_lowered:
0x8: {  	[smem:$0x3FA8] =	sst s0  }
0x9: {  	[smem:$0x3FA9] =	sst s1  }
0xa: {  	[smem:$0x3FAA] =	sst s2  }
0xb: {  	[smem:$0x3FAB] =	sst s3  }
0xc: {  	[smem:$0x3FAC] =	sst s4  }
0xd: {  	[smem:$0x3FAD] =	sst s5  }
0xe: {  	[smem:$0x3FAE] =	sst s6  }
0xf: {  	[smem:$0x3FAF] =	sst s7  }
0x10: {  	[smem:$0x3FB0] =	sst s8  }
0x11: {  	[smem:$0x3FB1] =	sst s9;
	s0 =	simm.s32 @!p0 $0x0  }
0x12: {  	s1 =	sld [smem:$0x3F97];
	s0 =	simm.s32 @p0 $0x1  }
0x13: {  	[smem:$0x3FB2] =	sst s0;
	s0 =	simm.s32 @!p1 $0x0  }
0x14: {  	s2 =	sld [smem:$0x3F96];
	s0 =	simm.s32 @p1 $0x1  }
0x15: {  	[smem:$0x3FB3] =	sst s0;
	s0 =	simm.s32 @!p2 $0x0  }
0x16: {  	s3 =	sld [smem:$0x3FDB];
	s0 =	simm.s32 @p2 $0x1  }
0x17: {  	s4 =	simm.s32 $0x1BF5;
	[smem:$0x3FB5] =	sst s0  }
0x18: {  	s0 =	sld [smem:$0x3F98];
	_ =	swait.ge [sflag:s4], $0x0  }
0x19: {  	s7 =	sld [smem:$0x3F99]  }
0x1a: {  	s8 =	sadd.s32 $0xFFFFE003, lr  }
0x1b: {  	s9 =	sadd.s32 $0xFFFFFEF7, lr;
	s5 =	simm.s32 $0xFFFFFFFF;
	p2 =	slt.u32 s8, $0xFFFFF086  }
0x1c: {  	p1 =	slt.u32 s9, $0xF7A;
	s5 =	simm.s32 @!p2 $0x0  }
0x1d: {  	s5 =	simm.s32 @p1 $0x1;
	p0 =	seq.s32 s7, s2  }
0x1e: {  	s7 =	smul.u32 @!p0 $0xF7A, s2;
	p2 =	seq.s32 @!p0 s5, $0x0  }
0x1f: {  	s9 =	smul.u32 $0xF7A, s1;
	s8 =	simm.s32 @!p0 $0x1BF5;
	p2 =	por !p2, p0  }
0x20: {  	[sflag:s8] =	ssyncset.s32 @!p0 $0xFFFFF086;
	s6 =	sadd.s32 @!p0 s3, s7;
	s7 =	simm.s32 @!p0 $0x108  }
0x21: {  	s3 =	sadd.s32 s3, s9;
	s6 =	sadd.s32 @!p0 $0x88, s6;
	s7 =	simm.s32 @p2 $0x1082  }
0x22: {  	[simem:s7], [sflag:s8] =	dma.local @!p0 [hbm:s6], $0xF7A  }
0x23: {  	s9 =	sor.u32 $0xD0000000, s2;
	s6 =	simm.s32 $0x108;
	_ =	swait.ge @!p0 [sflag:s8], $0x0  }
0x24: {  	s3 =	sadd.s32 $0x88, s3;
	s6 =	simm.s32 @!p1 $0x1082;
	[sflag:s4] =	ssyncset.s32 $0xFFFFF086  }
0x25: {  	[simem:s6], [sflag:s4] =	dma.local [hbm:s3], $0xF7A  }
0x26: {  	[smem:$0x3F99] =	sst s1;
	(tag) =	ssettag s2;
	_ =	strace s9  }
0x27: {  	s1 =	sld [smem:$0x3FA9]  }
0x28: {  	s2 =	sld [smem:$0x3FAA]  }
0x29: {  	s4 =	sld [smem:$0x3FAC]  }
0x2a: {  	p0 =	seq.s32 s5, $0x0;
	s5 =	sld [smem:$0x3FAD]  }
0x2b: {  	s6 =	sld [smem:$0x3FAE]  }
0x2c: {  	s7 =	sld [smem:$0x3FAF]  }
0x2d: {  	s3 =	simm.s32 $0x108;
	s8 =	sld [smem:$0x3FB0]  }
0x2e: {  	s3 =	simm.s32 @!p0 $0x1082;
	s9 =	sld [smem:$0x3FB1]  }
0x2f: {  	lr =	sadd.s32 s0, s3;
	s0 =	sld [smem:$0x3FA8]  }
0x30: {  	s3 =	sld [smem:$0x3FAB]  }
0x31: {  	[smem:$0x3FB4] =	sst s10  }
0x32: {  	s10 =	sld [smem:$0x3FB2];
	_ =	sdelay $0x3  }
0x33: {  	p0 =	seq.s32 s10, $0x1;
	s10 =	sld [smem:$0x3FB4];
	_ =	sdelay $0x3  }
0x34: {  	[smem:$0x3FB4] =	sst s10  }
0x35: {  	s10 =	sld [smem:$0x3FB3];
	_ =	sdelay $0x3  }
0x36: {  	p1 =	seq.s32 s10, $0x1;
	s10 =	sld [smem:$0x3FB4];
	_ =	sdelay $0x3  }
0x37: {  	[smem:$0x3FB4] =	sst s10  }
0x38: {  	s10 =	sld [smem:$0x3FB5]  }
0x39: {  	_ = 	snop;
	(pc) =	sbr.ind lr, $3  }
0x3a: {  	_ = 	snop  }
0x3b: {  	_ = 	snop  }
0x3c: {  	p2 =	seq.s32 s10, $0x1;
	s10 =	sld [smem:$0x3FB4]  }
0x3d: {  	_ =	shalt  }
0x3e: {  	_ =	shalt  }
0x3f: {  	_ =	shalt  }
0x40: {  	_ =	shalt  }
0x41: {  	_ =	shalt  }
0x42: {  	_ =	shalt  }
0x43: {  	_ =	shalt  }
0x44: {  	_ =	shalt  }
0x45: {  	_ =	shalt  }
0x46: {  	_ =	shalt  }
0x47: {  	_ =	shalt  }
0x48: {  	_ =	shalt  }
0x49: {  	_ =	shalt  }
0x4a: {  	_ =	shalt  }
0x4b: {  	_ =	shalt  }
0x4c: {  	_ =	shalt  }
0x4d: {  	_ =	shalt  }
0x4e: {  	_ =	shalt  }
0x4f: {  	_ =	shalt  }
0x50: {  	_ =	shalt  }
0x51: {  	_ =	shalt  }
0x52: {  	_ =	shalt  }
0x53: {  	_ =	shalt  }
0x54: {  	_ =	shalt  }
0x55: {  	_ =	shalt  }
0x56: {  	_ =	shalt  }
0x57: {  	_ =	shalt  }
0x58: {  	_ =	shalt  }
0x59: {  	_ =	shalt  }
0x5a: {  	_ =	shalt  }
0x5b: {  	_ =	shalt  }
0x5c: {  	_ =	shalt  }
0x5d: {  	_ =	shalt  }
0x5e: {  	_ =	shalt  }
0x5f: {  	_ =	shalt  }
0x60: {  	_ =	shalt  }
0x61: {  	_ =	shalt  }
0x62: {  	_ =	shalt  }
0x63: {  	_ =	shalt  }
0x64: {  	_ =	shalt  }
0x65: {  	_ =	shalt  }
0x66: {  	_ =	shalt  }
0x67: {  	_ =	shalt  }
0x68: {  	_ =	shalt  }
0x69: {  	_ =	shalt  }
0x6a: {  	_ =	shalt  }
0x6b: {  	_ =	shalt  }
0x6c: {  	_ =	shalt  }
0x6d: {  	_ =	shalt  }
0x6e: {  	_ =	shalt  }
0x6f: {  	_ =	shalt  }
0x70: {  	_ =	shalt  }
0x71: {  	_ =	shalt  }
0x72: {  	_ =	shalt  }
0x73: {  	_ =	shalt  }
0x74: {  	_ =	shalt  }
0x75: {  	_ =	shalt  }
0x76: {  	_ =	shalt  }
0x77: {  	_ =	shalt  }
0x78: {  	_ =	shalt  }
0x79: {  	_ =	shalt  }
0x7a: {  	_ =	shalt  }
0x7b: {  	_ =	shalt  }
0x7c: {  	_ =	shalt  }
0x7d: {  	_ =	shalt  }
0x7e: {  	_ =	shalt  }
0x7f: {  	_ =	shalt  }
0x80: {  	_ =	shalt  }
0x81: {  	_ =	shalt  }
0x82: {  	_ =	shalt  }
0x83: {  	_ =	shalt  }
0x84: {  	_ =	shalt  }
0x85: {  	_ =	shalt  }
0x86: {  	_ =	shalt  }
0x87: {  	_ =	shalt  }
.Lfunc_end0:
.L_simem_size_0:
called_computation_lowered:
.L_overlay_start_0:
0x88: {  	s2 =	sld [smem:$0x3FD9]  }
0x89: {  	s3 =	sld [smem:$0x3FFE];
	_ =	sdelay $0x1  }
0x8a: {  	s1 =	srdreg.scid  }
0x8b: {  	s0 =	sand.u32 $0x1, s1  }
0x8c: {  	s17 =	sshll.u32 s0, $0xA;
	s2 =	sadd.s32 s3, s2  }
0x8d: {  	s2 =	sadd.s32 s2, s17  }
0x8e: {  	[smem:$0x3FC0] =	sst s2  }
0x8f: {  	_ = 	snop  }
0x90: {  	s18 =	sld [smem:$0x3FD0];
	(tm) =	ssettm $0x1  }
0x91: {  	s19 =	sld [smem:$0x3FFB];
	_ =	sdelay $0x3  }
0x92: {  	_ =	strace s19  }
0x93: {  	s2 =	sld [smem:$0x3FFC];
	_ =	sdelay $0x3  }
0x94: {  	_ =	strace s2  }
0x95: {  	s2 =	sld [smem:$0x3FFD];
	_ =	sdelay $0x3  }
0x96: {  	_ =	strace s2  }
0x97: {  	_ =	strace $0x8FFFFFFF  }
0x98: {  	s20 =	sld [smem:$0x3FDB];
	_ =	sdelay $0x1  }
0x99: {  	s4 =	simm.s32 $_scs_section_size  }
0x9a: {  	s5 =	simm.s32 $_size__tile_overlayer_lowered;
	s6 =	simm.s32 $_tile_overlayer_lowered  }
0x9b: {  	s7 =	simm.s32 $0x1BFF;
	s21 =	sshll.u32 s6, $0x1;
	s4 =	sadd.s32 s4, s20  }
0x9c: {  	s22 =	simm.s32 $0x0;
	s5 =	sshll.u32 s5, $0x1;
	s6 =	sadd.s32 s21, s4  }
0x9d: {  	[timem:s22], [sflag:s7] =	dma.local [hbm:s6], s5  }
0x9e: {  	_ =	swait.ge [sflag:s7], s5  }
0x9f: {  	s5 =	ssub.s32 $0x0, s5;
	[sflag:s7] =	ssyncset.done $0x0  }
0xa0: {  	[sflag:s7] =	ssyncadd.s32 s5;
	_ =	sdelay $0x1  }
0xa1: {  	s23 =	simm.s32 $0x1B8B  }
0xa2: {  	_ =	swait.ge [sflag:s23], $0x1  }
0xa3: {  	[sflag:s23] =	ssyncset.done $0x0  }
0xa4: {  	[sflag:s23] =	ssyncadd.s32 $0xFFFFFFFF  }
0xa5: {  	s5 =	sld [smem:$0x0]  }
0xa6: {  	s6 =	sand.u32 $0xFFFFFFFE, s1  }
0xa7: {  	p0 =	sne.s32 s1, s6  }
0xa8: {  	s6 =	sshll.u32 @p0 s6, $0xE  }
0xa9: {  	s6 =	sadd.s32 @p0 $0x11B8D, s6;
	s7 =	sshll.u32 @p0 s5, $0x11  }
0xaa: {  	s6 =	sor.u32 @p0 s7, s6  }
0xab: {  	[sflag:s6] =	ssyncadd.remote.s32 @p0 $0x1;
	_ =	sdelay $0x1  }
0xac: {  	s6 =	simm.s32 @p0 $0x1B8D  }
0xad: {  	_ =	swait.eq @p0 [sflag:s6], $0x1  }
0xae: {  	[sflag:s6] =	ssyncadd.s32 @p0 $0xFFFFFFFF  }
0xaf: {  	s7 =	sshll.u32 @!p0 s1, $0xE  }
0xb0: {  	s7 =	sor.u32 @!p0 $0x4000, s7;
	s6 =	simm.s32 @!p0 $0x1B8D  }
0xb1: {  	s5 =	sshll.u32 @!p0 s5, $0x11;
	s7 =	sadd.s32 @!p0 $0x11B8D, s7;
	_ =	swait.eq @!p0 [sflag:s6], $0x1  }
0xb2: {  	s5 =	sor.u32 @!p0 s5, s7;
	[sflag:s6] =	ssyncadd.s32 @!p0 $0xFFFFFFFF  }
0xb3: {  	s25 =	simm.s32 $0x1B8E;
	s24 =	sld [smem:$0x3FFE];
	[sflag:s5] =	ssyncadd.remote.s32 @!p0 $0x1  }
0xb4: {  	s26 =	simm.s32 $execute0_lowered;
	[smem:$0x3FD2] =	sst s25  }
0xb5: {  	s6 =	sshll.u32 s26, $0x1;
	_ =	strace $0x80000049;
	[dreg:$0x1] =	wrdreg $0xFFFFFFFF  }
0xb6: {  	s28 =	simm.s32 $_size_execute0_lowered;
	s4 =	sadd.s32 s4, s6;
	[dreg:$0x0] =	wrdreg $0x0  }
0xb7: {  	s6 =	sshll.u32 s28, $0x1;
	[dreg:$0x2] =	wrdreg s4  }
0xb8: {  	[dreg:$0x3] =	wrdreg s6  }
0xb9: {  	[dreg:$0x4] =	wrdreg $0xC0  }
0xba: {  	_ =	task [dreg:s22], $0x5FFFF  }
0xbb: {  	[dreg:$0x1] =	wrdreg $0xFFFFFFFF  }
0xbc: {  	[dreg:$0x0] =	wrdreg $0x60  }
0xbd: {  	[dreg:$0x2] =	wrdreg s18  }
0xbe: {  	[dreg:$0x3] =	wrdreg s24  }
0xbf: {  	[dreg:$0x4] =	wrdreg $0xFA200  }
0xc0: {  	[dreg:$0x5] =	wrdreg $0x1C1300  }
0xc1: {  	[dreg:$0x6] =	wrdreg $0x9  }
0xc2: {  	_ =	task.clear_ibuf [dreg:s22], $0x7FFFF;
	_ =	strace $0x90000049  }
0xc3: {  	s29 =	simm.s32 $0x9;
	_ =	strace $0x8000004B  }
0xc4: {  	_ =	swait.ge [sflag:s29], $0x1  }
0xc5: {  	[sflag:s29] =	ssyncadd.s32 $0xFFFFFFFF  }
0xc6: {  	_ =	strace $0x9000004B  }
0xc7: {  	_ =	sfence  }
0xc8: {  	s30 =	sld [smem:$0x0];
	_ =	sdelay $0x2  }
0xc9: {  	s31 =	sshll.u32 s1, $0xD;
	s1 =	sshrl.u32 s1, $0x2  }
0xca: {  	s4 =	sand.u32 $0x4000, s31;
	s1 =	sadd.s32 s1, s30  }
0xcb: {  	s0 =	sor.u32 s4, s0;
	s1 =	sshll.u32 s1, $0x11  }
0xcc: {  	s0 =	sor.u32 s1, s0  }
0xcd: {  	s0 =	sadd.s32 $0x8F2B, s0  }
0xce: {  	[sflag:s0] =	ssyncadd.remote.s32 $0x1  }
0xcf: {  	_ =	sfence.sel $0xFFFF  }
0xd0: {  	[dreg:$0x0] =	wrdreg $0xFFFFFFFF;
	(pc) =	sbr.abs _section_cstart, $3  }
0xd1: {  	[dreg:$0x1] =	wrdreg $0xFFFFFFFF  }
0xd2: {  	_ =	task.clear_ibuf [dreg:s22], $0x2FFFF;
	_ =	strace $0x9FFFFFFF  }
0xd3: {  	(tm) =	ssettm $0x7FFFFFFF  }
tec
execute0_lowered:
.L_overlay_start_1:
0x0: {  	(tag) =	ssettag $0x1  }
0x1: {  	s0 =	rddreg [dreg:$0x0]  }
0x2: {  	s1 =	rddreg [dreg:$0x1]  }
0x3: {  	s2 =	srdreg.scid;
	s3 =	rddreg [dreg:$0x2]  }
0x4: {  	s4 =	rddreg [dreg:$0x3];
	s13 =	stileid.u32;
	s6 =	simm.s32 $0x0  }
0x5: {  	s28 =	simm.s32 $0x6220;
	s30 =	simm.s32 $0x7620;
	s29 =	simm.s32 $0x1  }
0x6: {  	s31 =	simm.s32 $0x19660;
	s2 =	sand.u32 $0x1, s2;
	s22 =	smul.u32 $0x9C00, s13  }
0x7: {  	[smem:$0x7FF] =	sst s6;
	s7 =	sadd.s32 $0x50400, s1;
	s23 =	smul.u32 $0x9C0, s13  }
0x8: {  	s15 =	sadd.s32 $0x9C000, s3;
	s16 =	sadd.s32 $0x2700, s4;
	s19 =	smul.u32 $0x2700, s13  }
0x9: {  	p0 =	sne.s32 s13, $0xF;
	s5 =	sshll.u32 s2, $0x4;
	_ =	strace $0x8000004A  }
0xa: {  	s21 =	ssub.s32 $0x2, s2;
	s10 =	smul.u32 $0x9C400, s2;
	[dreg:$0xa] =	wrdreg s15  }
0xb: {  	[dreg:$0xb] =	wrdreg s16;
	s2 =	smul.u32 $0x27100, s2;
	s15 =	simm.s32 $0x3  }
0xc: {  	s16 =	simm.s32 $0x6;
	s5 =	sor.u32 s13, s5;
	s8 =	sshrl.u32 s21, $0x1  }
0xd: {  	s24 =	sadd.s32 s22, s3;
	s25 =	sadd.s32 $0x3400, s22;
	s12 =	sadd.s32 $0x6800, s22  }
0xe: {  	s13 =	simm.s32 $0x0;
	s5 =	smul.u32 $0x4E2, s5;
	s6 =	ssub.s32 s21, s8  }
0xf: {  	[dreg:$0x7] =	wrdreg s24;
	s11 =	sadd.s32 s25, s3;
	s26 =	sadd.s32 s12, s3  }
0x10: {  	s14 =	sadd.s32 s22, s10;
	s17 =	sadd.s32 s10, s25;
	s18 =	sadd.s32 s10, s12  }
0x11: {  	s22 =	sshrl.u32 s10, $0x3;
	s10 =	simm.s32 $0x0;
	[dreg:$0x8] =	wrdreg s11  }
0x12: {  	[dreg:$0x9] =	wrdreg s26;
	s8 =	sshrl.u32 s17, $0x3;
	s26 =	smax.u32 s6, $0x1  }
0x13: {  	s6 =	simm.s32 $0x2;
	s17 =	simm.s32 $0x8;
	s5 =	sadd.s32 s5, s1  }
0x14: {  	s1 =	sadd.s32 $0x77600, s1;
	s20 =	sadd.s32 s7, s8;
	[dreg:$0x12] =	wrdreg s26  }
0x15: {  	s26 =	simm.s32 $0x4E20;
	s9 =	sadd.s32 $0xBA00, s5;
	[dreg:$0xd] =	wrdreg s20  }
0x16: {  	s8 =	simm.s32 $0xC;
	s5 =	sadd.s32 $0x1C00, s5;
	[dreg:$0x5] =	wrdreg s9  }
0x17: {  	s20 =	simm.s32 $0x9;
	[dreg:$0x6] =	wrdreg s5;
	s5 =	sshrl.u32 s23, $0x2  }
0x18: {  	s9 =	sshrl.u32 s18, $0x3;
	s23 =	sadd.s32 s19, s2;
	s2 =	sshrl.u32 s2, $0x3  }
0x19: {  	s18 =	simm.s32 $0x4;
	s19 =	simm.s32 $0xA;
	s11 =	sadd.s32 s5, s4  }
0x1a: {  	s5 =	sshrl.u32 s14, $0x3;
	s21 =	sadd.s32 s7, s9;
	s24 =	sshrl.u32 s23, $0x3  }
0x1b: {  	s2 =	sadd.s32 s1, s2;
	s23 =	simm.s32 $0x2710;
	s14 =	simm.s32 $0x7  }
0x1c: {  	s9 =	simm.s32 $0xD;
	s5 =	sadd.s32 s7, s5;
	[dreg:$0xe] =	wrdreg s21  }
0x1d: {  	s1 =	sadd.s32 s1, s24;
	s25 =	sadd.s32 $0x4E00, s2;
	[dreg:$0xc] =	wrdreg s5  }
0x1e: {  	s21 =	simm.s32 $0xE;
	s24 =	simm.s32 $0x9E20;
	[dreg:$0x10] =	wrdreg s1  }
0x1f: {  	s2 =	simm.s32 $0xB220;
	s5 =	sadd.s32 s7, s22;
	[dreg:$0x11] =	wrdreg s25  }
0x20: {  	s25 =	simm.s32 $0x50;
	s1 =	simm.s32 $0x8A20;
	s5 =	sadd.s32 $0x13800, s5  }
0x21: {  	v0 =	vimm.f32 $0.0e+00;
	v1 =	vimm.f32 $1.000000000e+00;
	s7 =	simm.s32 $0x5;
	s22 =	simm.s32 $0xB;
	[dreg:$0xf] =	wrdreg s5  }
.LBB2_1:
0x22: {  	s5 =	rddreg [dreg:$0x5]  }
0x23: {  	[tilespmem:s13], [sflag:$0xE] =	stream.linear.gather [hbm4b:s5+s13], $0x2710, $0x38;
	[tilespmem:$0x1C3A8] =	vst v63  }
0x24: {  	_ =	swait.ge [sflag:s21], $0x2710  }
0x25: {  	[sflag:s21] =	ssyncset.done $0x0  }
0x26: {  	s12 =	rddreg [dreg:$0x6];
	[sflag:s21] =	ssyncadd.s32 $0xFFFFD8F0  }
0x27: {  	[tilespmem:s23], [sflag:$0xE] =	stream.linear.gather [hbm4b:s12+s13], $0x2710, $0x38;
	[tilespmem:$0x1C3A8] =	vst v63  }
0x28: {  	_ =	swait.ge [sflag:s21], $0x2710  }
0x29: {  	[sflag:s21] =	ssyncset.done $0x0  }
0x2a: {  	s13 =	simm.s32 $0x100;
	s12 =	simm.s32 $0x0;
	[sflag:s21] =	ssyncadd.s32 $0xFFFFD8F0  }
.LBB2_2:
0x2b: {  	p1 =	sne.s32 s13, $0xCF00;
	[tilespmem:s12+$0xC650] =	vst v0;
	s5 =	smov.u32 s13;
	s13 =	sadd.s32 $0x100, s13  }
.Ltmp0:
0x2c: {  	[tilespmem:s12+$0xC640] =	vst v0;
	(pc) =	sbr.rel @p1 .LBB2_2-.Ltmp0, $3  }
0x2d: {  	[tilespmem:s12+$0xC620] =	vst v0  }
0x2e: {  	[tilespmem:s12+$0xC630] =	vst v0;
	_ =	sdelay $0x1  }
0x2f: {  	s12 =	sshra.s32 s5, $0x2  }
0x30: {  	[tilespmem:s12+$0xC650] =	vst v0  }
0x31: {  	[tilespmem:s12+$0xC640] =	vst v0  }
0x32: {  	[tilespmem:s12+$0xC620] =	vst v0  }
0x33: {  	[tilespmem:s12+$0xC630] =	vst v0;
	s5 =	rddreg [dreg:$0x7];
	s12 =	simm.s32 $0xC620  }
0x34: {  	[spmem:s5] =	stream.linear.scatter [tilespmem:s12], [sflag:$0xE], $0x3400, $0x38;
	[tilespmem:$0x1C3A8] =	vst v63  }
0x35: {  	_ =	swait.ge [sflag:s21], $0x3400  }
0x36: {  	[sflag:s21] =	ssyncset.done $0x0  }
0x37: {  	s13 =	rddreg [dreg:$0x8];
	[sflag:s21] =	ssyncadd.s32 $0xFFFFCC00  }
0x38: {  	[spmem:s13] =	stream.linear.scatter [tilespmem:s12], [sflag:$0xE], $0x3400, $0x38;
	[tilespmem:$0x1C3A8] =	vst v63  }
0x39: {  	_ =	swait.ge [sflag:s21], $0x3400  }
0x3a: {  	[sflag:s21] =	ssyncset.done $0x0  }
0x3b: {  	s13 =	rddreg [dreg:$0x9];
	[sflag:s21] =	ssyncadd.s32 $0xFFFFCC00  }
0x3c: {  	[spmem:s13] =	stream.linear.scatter [tilespmem:s12], [sflag:$0xE], $0x3400, $0x38;
	[tilespmem:$0x1C3A8] =	vst v63  }
0x3d: {  	_ =	swait.ge [sflag:s21], $0x3400  }
0x3e: {  	[sflag:s21] =	ssyncset.done $0x0  }
0x3f: {  	[sflag:s21] =	ssyncadd.s32 $0xFFFFCC00  }
0x40: {  	[tilespmem:$0x19660] =	vst v1  }
0x41: {  	[tilespmem:$0x19670] =	vst v1  }
0x42: {  	[tilespmem:$0x19680] =	vst v1  }
0x43: {  	[tilespmem:$0x19690] =	vst v1  }
0x44: {  	[tilespmem:$0x196A0] =	vst v1  }
0x45: {  	[tilespmem:$0x196B0] =	vst v0  }
0x46: {  	[tilespmem:$0x196C0] =	vst v0  }
0x47: {  	[tilespmem:$0x196D0] =	vst v0  }
0x48: {  	[tilespmem:$0x196E0] =	vst v0  }
0x49: {  	[tilespmem:$0x196F0] =	vst v0  }
0x4a: {  	[tilespmem:$0x19700] =	vst v0  }
0x4b: {  	[tilespmem:$0x19710] =	vst v0  }
0x4c: {  	[tilespmem:$0x19720] =	vst v0  }
0x4d: {  	[tilespmem:$0x19730] =	vst v0  }
0x4e: {  	[tilespmem:$0x19740] =	vst v0  }
0x4f: {  	[tilespmem:$0x19750] =	vst v0  }
0x50: {  	[tilespmem:$0x19760] =	vst v0  }
0x51: {  	[tilespmem:$0x19770] =	vst v0  }
0x52: {  	[tilespmem:$0x19780] =	vst v0  }
0x53: {  	[tilespmem:$0x19790] =	vst v0  }
0x54: {  	[tilespmem:$0x197A0] =	vst v0  }
0x55: {  	[tilespmem:$0x197B0] =	vst v0  }
0x56: {  	[tilespmem:$0x197C0] =	vst v0  }
0x57: {  	[tilespmem:$0x197D0] =	vst v0  }
0x58: {  	[tilespmem:$0x197E0] =	vst v0  }
0x59: {  	[tilespmem:$0x197F0] =	vst v0  }
0x5a: {  	[tilespmem:$0x19800] =	vst v0  }
0x5b: {  	[tilespmem:$0x19810] =	vst v0  }
0x5c: {  	[tilespmem:$0x19820] =	vst v0  }
0x5d: {  	[tilespmem:$0x19830] =	vst v0  }
0x5e: {  	[tilespmem:$0x19840] =	vst v0  }
0x5f: {  	[tilespmem:$0x19850] =	vst v0  }
0x60: {  	[tilespmem:$0x19860] =	vst v0  }
0x61: {  	[tilespmem:$0x19870] =	vst v0  }
0x62: {  	[tilespmem:$0x19880] =	vst v0  }
0x63: {  	[tilespmem:$0x19890] =	vst v0  }
0x64: {  	[tilespmem:$0x198A0] =	vst v0  }
0x65: {  	[tilespmem:$0x198B0] =	vst v0  }
0x66: {  	[tilespmem:$0x198C0] =	vst v0  }
0x67: {  	[tilespmem:$0x198D0] =	vst v0  }
0x68: {  	[tilespmem:$0x198E0] =	vst v0  }
0x69: {  	[tilespmem:$0x198F0] =	vst v0  }
0x6a: {  	[tilespmem:$0x19900] =	vst v0  }
0x6b: {  	[tilespmem:$0x19910] =	vst v0  }
0x6c: {  	s13 =	simm.s32 $0x196B0;
	[tilespmem:$0x19920] =	vst v0  }
0x6d: {  	[spmem:s11] =	stream.linear.scatter [tilespmem:s13], [sflag:$0xE], $0x270, $0x38;
	[tilespmem:$0x1C3A8] =	vst v63  }
0x6e: {  	_ =	swait.ge [sflag:s21], $0x270  }
0x6f: {  	[sflag:s21] =	ssyncset.done $0x0  }
0x70: {  	s5 =	simm.s32 @!p0 $0xC620;
	s12 =	rddreg [dreg:$0xa];
	[sflag:s21] =	ssyncadd.s32 $0xFFFFFD90  }
0x71: {  	[spmem:s12] =	stream.linear.scatter @!p0 [tilespmem:s5], [sflag:$0xE], $0x400, $0x38;
	[tilespmem:$0x1C3A8] =	vst v63  }
0x72: {  	s5 =	simm.s32 @!p0 $0xE  }
0x73: {  	_ =	swait.ge @!p0 [sflag:s5], $0x400  }
0x74: {  	[sflag:s5] =	ssyncset.done @!p0 $0x0  }
0x75: {  	s12 =	simm.s32 @!p0 $0x196B0;
	s13 =	rddreg [dreg:$0xb];
	[sflag:s5] =	ssyncadd.s32 @!p0 $0xFFFFFC00  }
0x76: {  	[spmem:s13] =	stream.linear.scatter @!p0 [tilespmem:s12], [sflag:$0xE], $0x10, $0x38;
	[tilespmem:$0x1C3A8] =	vst v63  }
0x77: {  	_ =	swait.ge @!p0 [sflag:s5], $0x10  }
0x78: {  	[sflag:s5] =	ssyncset.done @!p0 $0x0  }
0x79: {  	[sflag:s5] =	ssyncadd.s32 @!p0 $0xFFFFFFF0  }
0x7a: {  	s12 =	simm.s32 $0x0;
	[bflag:$0x0] =	sbarrier.arrive $0xFFFF  }
0x7b: {  	[tilespmem:s26], [sflag:$0x1] =	stream.indirect.gather [hbm4b:s0+s25], $0x40, s12, s25, $0xb8;
	[tilespmem:$0x1C3A8] =	vst v63  }
0x7c: {  	_ = 	snop  }
0x7d: {  	[tilespmem:s28], [sflag:$0x2] =	stream.indirect.gather [hbm4b:s0+s25], $0x40, s25, s25, $0xb8;
	[tilespmem:$0x1C3A8] =	vst v63  }
0x7e: {  	s13 =	simm.s32 $0xA0  }
0x7f: {  	[tilespmem:s30], [sflag:$0x3] =	stream.indirect.gather [hbm4b:s0+s25], $0x40, s13, s25, $0xb8;
	[tilespmem:$0x1C3A8] =	vst v63  }
0x80: {  	s12 =	simm.s32 $0xF0  }
0x81: {  	[tilespmem:s1], [sflag:$0x4] =	stream.indirect.gather [hbm4b:s0+s25], $0x40, s12, s25, $0xb8;
	[tilespmem:$0x1C3A8] =	vst v63  }
0x82: {  	s13 =	simm.s32 $0x140  }
0x83: {  	[tilespmem:s24], [sflag:$0x5] =	stream.indirect.gather [hbm4b:s0+s25], $0x40, s13, s25, $0xb8;
	[tilespmem:$0x1C3A8] =	vst v63  }
0x84: {  	_ =	swait.ge [sflag:s29], $0x1400  }
0x85: {  	[sflag:s29] =	ssyncset.done $0x0  }
0x86: {  	[sflag:s29] =	ssyncadd.s32 $0xFFFFEC00  }
0x87: {  	[spmem:s3] =	stream.indirect.scatter.add.f32 [tilespmem:s26], [sflag:$0x7], $0x40, s23, s25, $0xb8;
	[tilespmem:$0x1C3A8] =	vst v63  }
0x88: {  	_ = 	snop  }
0x89: {  	[spmem:s4] =	stream.indirect.scatter.add.f32 [tilespmem:s31], [sflag:$0xD], $0x1, s23, s25, $0xb8;
	[tilespmem:$0x1C3A8] =	vst v63  }
0x8a: {  	s12 =	simm.s32 $0x190  }
0x8b: {  	[tilespmem:s2], [sflag:$0x6] =	stream.indirect.gather [hbm4b:s0+s25], $0x40, s12, s25, $0xb8;
	[tilespmem:$0x1C3A8] =	vst v63  }
0x8c: {  	_ =	swait.ge [sflag:s6], $0x1400  }
0x8d: {  	[sflag:s6] =	ssyncset.done $0x0  }
0x8e: {  	s13 =	simm.s32 $0x2760;
	[sflag:s6] =	ssyncadd.s32 $0xFFFFEC00  }
0x8f: {  	[spmem:s3] =	stream.indirect.scatter.add.f32 [tilespmem:s28], [sflag:$0x8], $0x40, s13, s25, $0xb8;
	[tilespmem:$0x1C3A8] =	vst v63  }
0x90: {  	_ = 	snop  }
0x91: {  	[spmem:s4] =	stream.indirect.scatter.add.f32 [tilespmem:s31], [sflag:$0xD], $0x1, s13, s25, $0xb8;
	[tilespmem:$0x1C3A8] =	vst v63  }
0x92: {  	_ =	swait.ge [sflag:s14], $0x1400  }
0x93: {  	[sflag:s14] =	ssyncset.done $0x0  }
0x94: {  	s23 =	simm.s32 $0x1E0;
	[sflag:s14] =	ssyncadd.s32 $0xFFFFEC00  }
0x95: {  	[tilespmem:s26], [sflag:$0x1] =	stream.indirect.gather [hbm4b:s0+s25], $0x40, s23, s25, $0xb8;
	[tilespmem:$0x1C3A8] =	vst v63  }
0x96: {  	_ =	swait.ge [sflag:s15], $0x1400  }
0x97: {  	[sflag:s15] =	ssyncset.done $0x0  }
0x98: {  	s12 =	simm.s32 $0x27B0;
	[sflag:s15] =	ssyncadd.s32 $0xFFFFEC00  }
0x99: {  	[spmem:s3] =	stream.indirect.scatter.add.f32 [tilespmem:s30], [sflag:$0x9], $0x40, s12, s25, $0xb8;
	[tilespmem:$0x1C3A8] =	vst v63  }
0x9a: {  	_ = 	snop  }
0x9b: {  	[spmem:s4] =	stream.indirect.scatter.add.f32 [tilespmem:s31], [sflag:$0xD], $0x1, s12, s25, $0xb8;
	[tilespmem:$0x1C3A8] =	vst v63  }
0x9c: {  	_ =	swait.ge [sflag:s17], $0x1400  }
0x9d: {  	[sflag:s17] =	ssyncset.done $0x0  }
0x9e: {  	s13 =	simm.s32 $0x230;
	[sflag:s17] =	ssyncadd.s32 $0xFFFFEC00  }
0x9f: {  	[tilespmem:s28], [sflag:$0x2] =	stream.indirect.gather [hbm4b:s0+s25], $0x40, s13, s25, $0xb8;
	[tilespmem:$0x1C3A8] =	vst v63  }
0xa0: {  	_ =	swait.ge [sflag:s18], $0x1400  }
0xa1: {  	[sflag:s18] =	ssyncset.done $0x0  }
0xa2: {  	s23 =	simm.s32 $0x2800;
	[sflag:s18] =	ssyncadd.s32 $0xFFFFEC00  }
0xa3: {  	[spmem:s3] =	stream.indirect.scatter.add.f32 [tilespmem:s1], [sflag:$0xA], $0x40, s23, s25, $0xb8;
	[tilespmem:$0x1C3A8] =	vst v63  }
0xa4: {  	_ = 	snop  }
0xa5: {  	[spmem:s4] =	stream.indirect.scatter.add.f32 [tilespmem:s31], [sflag:$0xD], $0x1, s23, s25, $0xb8;
	[tilespmem:$0x1C3A8] =	vst v63  }
0xa6: {  	_ =	swait.ge [sflag:s20], $0x1400  }
0xa7: {  	[sflag:s20] =	ssyncset.done $0x0  }
0xa8: {  	s12 =	simm.s32 $0x280;
	[sflag:s20] =	ssyncadd.s32 $0xFFFFEC00  }
0xa9: {  	[tilespmem:s30], [sflag:$0x3] =	stream.indirect.gather [hbm4b:s0+s25], $0x40, s12, s25, $0xb8;
	[tilespmem:$0x1C3A8] =	vst v63  }
0xaa: {  	_ =	swait.ge [sflag:s7], $0x1400  }
0xab: {  	[sflag:s7] =	ssyncset.done $0x0  }
0xac: {  	s13 =	simm.s32 $0x2850;
	[sflag:s7] =	ssyncadd.s32 $0xFFFFEC00  }
0xad: {  	[spmem:s3] =	stream.indirect.scatter.add.f32 [tilespmem:s24], [sflag:$0xB], $0x40, s13, s25, $0xb8;
	[tilespmem:$0x1C3A8] =	vst v63  }
0xae: {  	_ = 	snop  }
0xaf: {  	[spmem:s4] =	stream.indirect.scatter.add.f32 [tilespmem:s31], [sflag:$0xD], $0x1, s13, s25, $0xb8;
	[tilespmem:$0x1C3A8] =	vst v63  }
0xb0: {  	_ =	swait.ge [sflag:s19], $0x1400  }
0xb1: {  	[sflag:s19] =	ssyncset.done $0x0  }
0xb2: {  	s23 =	simm.s32 $0x2D0;
	[sflag:s19] =	ssyncadd.s32 $0xFFFFEC00  }
0xb3: {  	[tilespmem:s1], [sflag:$0x4] =	stream.indirect.gather [hbm4b:s0+s25], $0x40, s23, s25, $0xb8;
	[tilespmem:$0x1C3A8] =	vst v63  }
0xb4: {  	_ =	swait.ge [sflag:s16], $0x1400  }
0xb5: {  	[sflag:s16] =	ssyncset.done $0x0  }
0xb6: {  	s12 =	simm.s32 $0x28A0;
	[sflag:s16] =	ssyncadd.s32 $0xFFFFEC00  }
0xb7: {  	[spmem:s3] =	stream.indirect.scatter.add.f32 [tilespmem:s2], [sflag:$0xC], $0x40, s12, s25, $0xb8;
	[tilespmem:$0x1C3A8] =	vst v63  }
0xb8: {  	_ = 	snop  }
0xb9: {  	[spmem:s4] =	stream.indirect.scatter.add.f32 [tilespmem:s31], [sflag:$0xD], $0x1, s12, s25, $0xb8;
	[tilespmem:$0x1C3A8] =	vst v63  }
0xba: {  	_ =	swait.ge [sflag:s22], $0x1400  }
0xbb: {  	[sflag:s22] =	ssyncset.done $0x0  }
0xbc: {  	s13 =	simm.s32 $0x320;
	[sflag:s22] =	ssyncadd.s32 $0xFFFFEC00  }
0xbd: {  	[tilespmem:s24], [sflag:$0x5] =	stream.indirect.gather [hbm4b:s0+s25], $0x40, s13, s25, $0xb8;
	[tilespmem:$0x1C3A8] =	vst v63  }
0xbe: {  	_ =	swait.ge [sflag:s29], $0x1400  }
0xbf: {  	[sflag:s29] =	ssyncset.done $0x0  }
0xc0: {  	s23 =	simm.s32 $0x28F0;
	[sflag:s29] =	ssyncadd.s32 $0xFFFFEC00  }
0xc1: {  	[spmem:s3] =	stream.indirect.scatter.add.f32 [tilespmem:s26], [sflag:$0x7], $0x40, s23, s25, $0xb8;
	[tilespmem:$0x1C3A8] =	vst v63  }
0xc2: {  	_ = 	snop  }
0xc3: {  	[spmem:s4] =	stream.indirect.scatter.add.f32 [tilespmem:s31], [sflag:$0xD], $0x1, s23, s25, $0xb8;
	[tilespmem:$0x1C3A8] =	vst v63  }
0xc4: {  	_ =	swait.ge [sflag:s8], $0x1400  }
0xc5: {  	[sflag:s8] =	ssyncset.done $0x0  }
0xc6: {  	s12 =	simm.s32 $0x370;
	[sflag:s8] =	ssyncadd.s32 $0xFFFFEC00  }
0xc7: {  	[tilespmem:s2], [sflag:$0x6] =	stream.indirect.gather [hbm4b:s0+s25], $0x40, s12, s25, $0xb8;
	[tilespmem:$0x1C3A8] =	vst v63  }
0xc8: {  	_ =	swait.ge [sflag:s6], $0x1400  }
0xc9: {  	[sflag:s6] =	ssyncset.done $0x0  }
0xca: {  	s13 =	simm.s32 $0x2940;
	[sflag:s6] =	ssyncadd.s32 $0xFFFFEC00  }
0xcb: {  	[spmem:s3] =	stream.indirect.scatter.add.f32 [tilespmem:s28], [sflag:$0x8], $0x40, s13, s25, $0xb8;
	[tilespmem:$0x1C3A8] =	vst v63  }
0xcc: {  	_ = 	snop  }
0xcd: {  	[spmem:s4] =	stream.indirect.scatter.add.f32 [tilespmem:s31], [sflag:$0xD], $0x1, s13, s25, $0xb8;
	[tilespmem:$0x1C3A8] =	vst v63  }
0xce: {  	_ =	swait.ge [sflag:s14], $0x1400  }
0xcf: {  	[sflag:s14] =	ssyncset.done $0x0  }
0xd0: {  	s23 =	simm.s32 $0x3C0;
	[sflag:s14] =	ssyncadd.s32 $0xFFFFEC00  }
0xd1: {  	[tilespmem:s26], [sflag:$0x1] =	stream.indirect.gather [hbm4b:s0+s25], $0x40, s23, s25, $0xb8;
	[tilespmem:$0x1C3A8] =	vst v63  }
0xd2: {  	_ =	swait.ge [sflag:s15], $0x1400  }
0xd3: {  	[sflag:s15] =	ssyncset.done $0x0  }
0xd4: {  	s12 =	simm.s32 $0x2990;
	[sflag:s15] =	ssyncadd.s32 $0xFFFFEC00  }
0xd5: {  	[spmem:s3] =	stream.indirect.scatter.add.f32 [tilespmem:s30], [sflag:$0x9], $0x40, s12, s25, $0xb8;
	[tilespmem:$0x1C3A8] =	vst v63  }
0xd6: {  	_ = 	snop  }
0xd7: {  	[spmem:s4] =	stream.indirect.scatter.add.f32 [tilespmem:s31], [sflag:$0xD], $0x1, s12, s25, $0xb8;
	[tilespmem:$0x1C3A8] =	vst v63  }
0xd8: {  	_ =	swait.ge [sflag:s17], $0x1400  }
0xd9: {  	[sflag:s17] =	ssyncset.done $0x0  }
0xda: {  	s13 =	simm.s32 $0x410;
	[sflag:s17] =	ssyncadd.s32 $0xFFFFEC00  }
0xdb: {  	[tilespmem:s28], [sflag:$0x2] =	stream.indirect.gather [hbm4b:s0+s25], $0x40, s13, s25, $0xb8;
	[tilespmem:$0x1C3A8] =	vst v63  }
0xdc: {  	_ =	swait.ge [sflag:s18], $0x1400  }
0xdd: {  	[sflag:s18] =	ssyncset.done $0x0  }
0xde: {  	s23 =	simm.s32 $0x29E0;
	[sflag:s18] =	ssyncadd.s32 $0xFFFFEC00  }
0xdf: {  	[spmem:s3] =	stream.indirect.scatter.add.f32 [tilespmem:s1], [sflag:$0xA], $0x40, s23, s25, $0xb8;
	[tilespmem:$0x1C3A8] =	vst v63  }
0xe0: {  	_ = 	snop  }
0xe1: {  	[spmem:s4] =	stream.indirect.scatter.add.f32 [tilespmem:s31], [sflag:$0xD], $0x1, s23, s25, $0xb8;
	[tilespmem:$0x1C3A8] =	vst v63  }
0xe2: {  	_ =	swait.ge [sflag:s20], $0x1400  }
0xe3: {  	[sflag:s20] =	ssyncset.done $0x0  }
0xe4: {  	s12 =	simm.s32 $0x460;
	[sflag:s20] =	ssyncadd.s32 $0xFFFFEC00  }
0xe5: {  	[tilespmem:s30], [sflag:$0x3] =	stream.indirect.gather [hbm4b:s0+s25], $0x40, s12, s25, $0xb8;
	[tilespmem:$0x1C3A8] =	vst v63  }
0xe6: {  	_ =	swait.ge [sflag:s7], $0x1400  }
0xe7: {  	[sflag:s7] =	ssyncset.done $0x0  }
0xe8: {  	s13 =	simm.s32 $0x2A30;
	[sflag:s7] =	ssyncadd.s32 $0xFFFFEC00  }
0xe9: {  	[spmem:s3] =	stream.indirect.scatter.add.f32 [tilespmem:s24], [sflag:$0xB], $0x40, s13, s25, $0xb8;
	[tilespmem:$0x1C3A8] =	vst v63  }
0xea: {  	_ = 	snop  }
0xeb: {  	[spmem:s4] =	stream.indirect.scatter.add.f32 [tilespmem:s31], [sflag:$0xD], $0x1, s13, s25, $0xb8;
	[tilespmem:$0x1C3A8] =	vst v63  }
0xec: {  	_ =	swait.ge [sflag:s19], $0x1400  }
0xed: {  	[sflag:s19] =	ssyncset.done $0x0  }
0xee: {  	s23 =	simm.s32 $0x4B0;
	[sflag:s19] =	ssyncadd.s32 $0xFFFFEC00  }
0xef: {  	[tilespmem:s1], [sflag:$0x4] =	stream.indirect.gather [hbm4b:s0+s25], $0x40, s23, s25, $0xb8;
	[tilespmem:$0x1C3A8] =	vst v63  }
0xf0: {  	_ =	swait.ge [sflag:s16], $0x1400  }
0xf1: {  	[sflag:s16] =	ssyncset.done $0x0  }
0xf2: {  	s5 =	simm.s32 $0x2A80;
	s12 =	simm.s32 $0x780;
	[sflag:s16] =	ssyncadd.s32 $0xFFFFEC00  }
0xf3: {  	[spmem:s3] =	stream.indirect.scatter.add.f32 [tilespmem:s2], [sflag:$0xC], $0x40, s5, s25, $0xb8;
	[tilespmem:$0x1C3A8] =	vst v63  }
.LBB2_4:
0xf4: {  	[spmem:s4] =	stream.indirect.scatter.add.f32 [tilespmem:s31], [sflag:$0xD], $0x1, s5, s25, $0xb8;
	[tilespmem:$0x1C3A8] =	vst v63  }
0xf5: {  	s5 =	smov.u32 s12  }
0xf6: {  	p1 =	sne.s32 s12, $0x8700;
	s12 =	sadd.s32 $0x780, s12;
	_ =	swait.ge [sflag:s22], $0x1400  }
0xf7: {  	s13 =	sshra.s32 s5, $0x2;
	[sflag:s22] =	ssyncset.done $0x0  }
0xf8: {  	s5 =	sadd.s32 $0x320, s13;
	[sflag:s22] =	ssyncadd.s32 $0xFFFFEC00  }
0xf9: {  	[tilespmem:s24], [sflag:$0x5] =	stream.indirect.gather [hbm4b:s0+s25], $0x40, s5, s25, $0xb8;
	[tilespmem:$0x1C3A8] =	vst v63  }
0xfa: {  	_ =	swait.ge [sflag:s29], $0x1400  }
0xfb: {  	[sflag:s29] =	ssyncset.done $0x0  }
0xfc: {  	s5 =	sadd.s32 $0x28F0, s13;
	[sflag:s29] =	ssyncadd.s32 $0xFFFFEC00  }
0xfd: {  	[spmem:s3] =	stream.indirect.scatter.add.f32 [tilespmem:s26], [sflag:$0x7], $0x40, s5, s25, $0xb8;
	[tilespmem:$0x1C3A8] =	vst v63  }
0xfe: {  	_ = 	snop  }
0xff: {  	[spmem:s4] =	stream.indirect.scatter.add.f32 [tilespmem:s31], [sflag:$0xD], $0x1, s5, s25, $0xb8;
	[tilespmem:$0x1C3A8] =	vst v63  }
0x100: {  	_ =	swait.ge [sflag:s8], $0x1400  }
0x101: {  	[sflag:s8] =	ssyncset.done $0x0  }
0x102: {  	s5 =	sadd.s32 $0x370, s13;
	[sflag:s8] =	ssyncadd.s32 $0xFFFFEC00  }
0x103: {  	[tilespmem:s2], [sflag:$0x6] =	stream.indirect.gather [hbm4b:s0+s25], $0x40, s5, s25, $0xb8;
	[tilespmem:$0x1C3A8] =	vst v63  }
0x104: {  	_ =	swait.ge [sflag:s6], $0x1400  }
0x105: {  	[sflag:s6] =	ssyncset.done $0x0  }
0x106: {  	s5 =	sadd.s32 $0x2940, s13;
	[sflag:s6] =	ssyncadd.s32 $0xFFFFEC00  }
0x107: {  	[spmem:s3] =	stream.indirect.scatter.add.f32 [tilespmem:s28], [sflag:$0x8], $0x40, s5, s25, $0xb8;
	[tilespmem:$0x1C3A8] =	vst v63  }
0x108: {  	_ = 	snop  }
0x109: {  	[spmem:s4] =	stream.indirect.scatter.add.f32 [tilespmem:s31], [sflag:$0xD], $0x1, s5, s25, $0xb8;
	[tilespmem:$0x1C3A8] =	vst v63  }
0x10a: {  	_ =	swait.ge [sflag:s14], $0x1400  }
0x10b: {  	[sflag:s14] =	ssyncset.done $0x0  }
0x10c: {  	s5 =	sadd.s32 $0x3C0, s13;
	[sflag:s14] =	ssyncadd.s32 $0xFFFFEC00  }
0x10d: {  	[tilespmem:s26], [sflag:$0x1] =	stream.indirect.gather [hbm4b:s0+s25], $0x40, s5, s25, $0xb8;
	[tilespmem:$0x1C3A8] =	vst v63  }
0x10e: {  	_ =	swait.ge [sflag:s15], $0x1400  }
0x10f: {  	[sflag:s15] =	ssyncset.done $0x0  }
0x110: {  	s5 =	sadd.s32 $0x2990, s13;
	[sflag:s15] =	ssyncadd.s32 $0xFFFFEC00  }
0x111: {  	[spmem:s3] =	stream.indirect.scatter.add.f32 [tilespmem:s30], [sflag:$0x9], $0x40, s5, s25, $0xb8;
	[tilespmem:$0x1C3A8] =	vst v63  }
0x112: {  	_ = 	snop  }
0x113: {  	[spmem:s4] =	stream.indirect.scatter.add.f32 [tilespmem:s31], [sflag:$0xD], $0x1, s5, s25, $0xb8;
	[tilespmem:$0x1C3A8] =	vst v63  }
0x114: {  	_ =	swait.ge [sflag:s17], $0x1400  }
0x115: {  	[sflag:s17] =	ssyncset.done $0x0  }
0x116: {  	s5 =	sadd.s32 $0x410, s13;
	[sflag:s17] =	ssyncadd.s32 $0xFFFFEC00  }
0x117: {  	[tilespmem:s28], [sflag:$0x2] =	stream.indirect.gather [hbm4b:s0+s25], $0x40, s5, s25, $0xb8;
	[tilespmem:$0x1C3A8] =	vst v63  }
0x118: {  	_ =	swait.ge [sflag:s18], $0x1400  }
0x119: {  	[sflag:s18] =	ssyncset.done $0x0  }
0x11a: {  	s5 =	sadd.s32 $0x29E0, s13;
	[sflag:s18] =	ssyncadd.s32 $0xFFFFEC00  }
0x11b: {  	[spmem:s3] =	stream.indirect.scatter.add.f32 [tilespmem:s1], [sflag:$0xA], $0x40, s5, s25, $0xb8;
	[tilespmem:$0x1C3A8] =	vst v63  }
0x11c: {  	_ = 	snop  }
0x11d: {  	[spmem:s4] =	stream.indirect.scatter.add.f32 [tilespmem:s31], [sflag:$0xD], $0x1, s5, s25, $0xb8;
	[tilespmem:$0x1C3A8] =	vst v63  }
0x11e: {  	_ =	swait.ge [sflag:s20], $0x1400  }
0x11f: {  	[sflag:s20] =	ssyncset.done $0x0  }
0x120: {  	s5 =	sadd.s32 $0x460, s13;
	[sflag:s20] =	ssyncadd.s32 $0xFFFFEC00  }
0x121: {  	[tilespmem:s30], [sflag:$0x3] =	stream.indirect.gather [hbm4b:s0+s25], $0x40, s5, s25, $0xb8;
	[tilespmem:$0x1C3A8] =	vst v63  }
0x122: {  	_ =	swait.ge [sflag:s7], $0x1400  }
0x123: {  	[sflag:s7] =	ssyncset.done $0x0  }
0x124: {  	s5 =	sadd.s32 $0x2A30, s13;
	[sflag:s7] =	ssyncadd.s32 $0xFFFFEC00  }
0x125: {  	[spmem:s3] =	stream.indirect.scatter.add.f32 [tilespmem:s24], [sflag:$0xB], $0x40, s5, s25, $0xb8;
	[tilespmem:$0x1C3A8] =	vst v63  }
0x126: {  	_ = 	snop  }
0x127: {  	[spmem:s4] =	stream.indirect.scatter.add.f32 [tilespmem:s31], [sflag:$0xD], $0x1, s5, s25, $0xb8;
	[tilespmem:$0x1C3A8] =	vst v63  }
0x128: {  	_ =	swait.ge [sflag:s19], $0x1400  }
0x129: {  	[sflag:s19] =	ssyncset.done $0x0  }
0x12a: {  	s5 =	sadd.s32 $0x4B0, s13;
	[sflag:s19] =	ssyncadd.s32 $0xFFFFEC00  }
0x12b: {  	[tilespmem:s1], [sflag:$0x4] =	stream.indirect.gather [hbm4b:s0+s25], $0x40, s5, s25, $0xb8;
	[tilespmem:$0x1C3A8] =	vst v63  }
.Ltmp1:
0x12c: {  	_ = 	snop;
	(pc) =	sbr.rel @p1 .LBB2_4-.Ltmp1, $4  }
0x12d: {  	_ =	swait.ge [sflag:s16], $0x1400  }
0x12e: {  	[sflag:s16] =	ssyncset.done $0x0  }
0x12f: {  	s5 =	sadd.s32 $0x2A80, s13;
	[sflag:s16] =	ssyncadd.s32 $0xFFFFEC00  }
0x130: {  	[spmem:s3] =	stream.indirect.scatter.add.f32 [tilespmem:s2], [sflag:$0xC], $0x40, s5, s25, $0xb8;
	[tilespmem:$0x1C3A8] =	vst v63  }
0x131: {  	[spmem:s4] =	stream.indirect.scatter.add.f32 [tilespmem:s31], [sflag:$0xD], $0x1, s5, s25, $0xb8;
	[tilespmem:$0x1C3A8] =	vst v63  }
0x132: {  	_ =	swait.ge [sflag:s22], $0x1400  }
0x133: {  	[sflag:s22] =	ssyncset.done $0x0  }
0x134: {  	s12 =	simm.s32 $0x26C0;
	[sflag:s22] =	ssyncadd.s32 $0xFFFFEC00  }
0x135: {  	[tilespmem:s24], [sflag:$0x5] =	stream.indirect.gather [hbm4b:s0+s25], $0x40, s12, s25, $0xb8;
	[tilespmem:$0x1C3A8] =	vst v63  }
0x136: {  	_ =	swait.ge [sflag:s29], $0x1400  }
0x137: {  	[sflag:s29] =	ssyncset.done $0x0  }
0x138: {  	s13 =	simm.s32 $0x4C90;
	[sflag:s29] =	ssyncadd.s32 $0xFFFFEC00  }
0x139: {  	[spmem:s3] =	stream.indirect.scatter.add.f32 [tilespmem:s26], [sflag:$0x7], $0x40, s13, s25, $0xb8;
	[tilespmem:$0x1C3A8] =	vst v63  }
0x13a: {  	_ = 	snop  }
0x13b: {  	[spmem:s4] =	stream.indirect.scatter.add.f32 [tilespmem:s31], [sflag:$0xD], $0x1, s13, s25, $0xb8;
	[tilespmem:$0x1C3A8] =	vst v63  }
0x13c: {  	_ =	swait.ge [sflag:s8], $0x1400  }
0x13d: {  	[sflag:s8] =	ssyncset.done $0x0  }
0x13e: {  	[sflag:s8] =	ssyncadd.s32 $0xFFFFEC00  }
0x13f: {  	_ =	swait.ge [sflag:s6], $0x1400  }
0x140: {  	[sflag:s6] =	ssyncset.done $0x0  }
0x141: {  	s23 =	simm.s32 $0x4CE0;
	[sflag:s6] =	ssyncadd.s32 $0xFFFFEC00  }
0x142: {  	[spmem:s3] =	stream.indirect.scatter.add.f32 [tilespmem:s28], [sflag:$0x8], $0x40, s23, s25, $0xb8;
	[tilespmem:$0x1C3A8] =	vst v63  }
0x143: {  	_ = 	snop  }
0x144: {  	[spmem:s4] =	stream.indirect.scatter.add.f32 [tilespmem:s31], [sflag:$0xD], $0x1, s23, s25, $0xb8;
	[tilespmem:$0x1C3A8] =	vst v63  }
0x145: {  	_ =	swait.ge [sflag:s14], $0x1400  }
0x146: {  	[sflag:s14] =	ssyncset.done $0x0  }
0x147: {  	[sflag:s14] =	ssyncadd.s32 $0xFFFFEC00  }
0x148: {  	_ =	swait.ge [sflag:s15], $0x1400  }
0x149: {  	[sflag:s15] =	ssyncset.done $0x0  }
0x14a: {  	s12 =	simm.s32 $0x4D30;
	[sflag:s15] =	ssyncadd.s32 $0xFFFFEC00  }
0x14b: {  	[spmem:s3] =	stream.indirect.scatter.add.f32 [tilespmem:s30], [sflag:$0x9], $0x40, s12, s25, $0xb8;
	[tilespmem:$0x1C3A8] =	vst v63  }
0x14c: {  	_ = 	snop  }
0x14d: {  	[spmem:s4] =	stream.indirect.scatter.add.f32 [tilespmem:s31], [sflag:$0xD], $0x1, s12, s25, $0xb8;
	[tilespmem:$0x1C3A8] =	vst v63  }
0x14e: {  	_ =	swait.ge [sflag:s17], $0x1400  }
0x14f: {  	[sflag:s17] =	ssyncset.done $0x0  }
0x150: {  	[sflag:s17] =	ssyncadd.s32 $0xFFFFEC00  }
0x151: {  	_ =	swait.ge [sflag:s18], $0x1400  }
0x152: {  	[sflag:s18] =	ssyncset.done $0x0  }
0x153: {  	s13 =	simm.s32 $0x4D80;
	[sflag:s18] =	ssyncadd.s32 $0xFFFFEC00  }
0x154: {  	[spmem:s3] =	stream.indirect.scatter.add.f32 [tilespmem:s1], [sflag:$0xA], $0x40, s13, s25, $0xb8;
	[tilespmem:$0x1C3A8] =	vst v63  }
0x155: {  	_ = 	snop  }
0x156: {  	[spmem:s4] =	stream.indirect.scatter.add.f32 [tilespmem:s31], [sflag:$0xD], $0x1, s13, s25, $0xb8;
	[tilespmem:$0x1C3A8] =	vst v63  }
0x157: {  	_ =	swait.ge [sflag:s20], $0x1400  }
0x158: {  	[sflag:s20] =	ssyncset.done $0x0  }
0x159: {  	[sflag:s20] =	ssyncadd.s32 $0xFFFFEC00  }
0x15a: {  	_ =	swait.ge [sflag:s7], $0x1400  }
0x15b: {  	[sflag:s7] =	ssyncset.done $0x0  }
0x15c: {  	s23 =	simm.s32 $0x4DD0;
	[sflag:s7] =	ssyncadd.s32 $0xFFFFEC00  }
0x15d: {  	[spmem:s3] =	stream.indirect.scatter.add.f32 [tilespmem:s24], [sflag:$0xB], $0x40, s23, s25, $0xb8;
	[tilespmem:$0x1C3A8] =	vst v63  }
0x15e: {  	_ = 	snop  }
0x15f: {  	[spmem:s4] =	stream.indirect.scatter.add.f32 [tilespmem:s31], [sflag:$0xD], $0x1, s23, s25, $0xb8;
	[tilespmem:$0x1C3A8] =	vst v63  }
0x160: {  	_ =	swait.ge [sflag:s19], $0x1400  }
0x161: {  	[sflag:s19] =	ssyncset.done $0x0  }
0x162: {  	[sflag:s19] =	ssyncadd.s32 $0xFFFFEC00  }
0x163: {  	_ =	swait.ge [sflag:s22], $0x1400  }
0x164: {  	[sflag:s22] =	ssyncset.done $0x0  }
0x165: {  	[sflag:s22] =	ssyncadd.s32 $0xFFFFEC00  }
0x166: {  	_ =	swait.ge [sflag:s9], $0x50  }
0x167: {  	s12 =	simm.s32 $0x7C;
	[sflag:s9] =	ssyncset.done $0x0  }
.LBB2_6:
0x168: {  	p1 =	sne.s32 s12, $0x1;
	s12 =	sadd.s32 $0xFFFFFFFF, s12;
	[sflag:s9] =	ssyncadd.s32 $0xFFFFFFB0  }
.Ltmp2:
0x169: {  	(pc) =	sbr.rel @p1 .LBB2_6-.Ltmp2, $3  }
0x16a: {  	_ =	sdelay $0x1  }
0x16b: {  	_ =	swait.ge [sflag:s9], $0x50  }
0x16c: {  	[sflag:s9] =	ssyncset.done $0x0  }
0x16d: {  	[sflag:s9] =	ssyncadd.s32 $0xFFFFFFB0  }
0x16e: {  	[bflag:$0x0] =	sbarrier.arrive $0xFFFF  }
0x16f: {  	s13 =	simm.s32 $0xC620;
	s5 =	rddreg [dreg:$0x7]  }
0x170: {  	[tilespmem:s13], [sflag:$0xE] =	stream.linear.gather [spmem:s5], $0x3400, $0x38;
	[tilespmem:$0x1C3A8] =	vst v63  }
0x171: {  	_ =	swait.ge [sflag:s21], $0x3400  }
0x172: {  	[sflag:s21] =	ssyncset.done $0x0  }
0x173: {  	s5 =	simm.s32 $0x0;
	s12 =	rddreg [dreg:$0xc];
	[sflag:s21] =	ssyncadd.s32 $0xFFFFCC00  }
0x174: {  	[hbm4b:s12+s5] =	stream.linear.scatter [tilespmem:s13], [sflag:$0xE], $0x3400, $0x38;
	[tilespmem:$0x1C3A8] =	vst v63  }
0x175: {  	_ =	swait.ge [sflag:s21], $0x3400  }
0x176: {  	[sflag:s21] =	ssyncset.done $0x0  }
0x177: {  	s23 =	rddreg [dreg:$0x8];
	[sflag:s21] =	ssyncadd.s32 $0xFFFFCC00  }
0x178: {  	[tilespmem:s13], [sflag:$0xE] =	stream.linear.gather [spmem:s23], $0x3400, $0x38;
	[tilespmem:$0x1C3A8] =	vst v63  }
0x179: {  	_ =	swait.ge [sflag:s21], $0x3400  }
0x17a: {  	[sflag:s21] =	ssyncset.done $0x0  }
0x17b: {  	s23 =	rddreg [dreg:$0xd];
	[sflag:s21] =	ssyncadd.s32 $0xFFFFCC00  }
0x17c: {  	[hbm4b:s23+s5] =	stream.linear.scatter [tilespmem:s13], [sflag:$0xE], $0x3400, $0x38;
	[tilespmem:$0x1C3A8] =	vst v63  }
0x17d: {  	_ =	swait.ge [sflag:s21], $0x3400  }
0x17e: {  	[sflag:s21] =	ssyncset.done $0x0  }
0x17f: {  	s23 =	rddreg [dreg:$0x9];
	[sflag:s21] =	ssyncadd.s32 $0xFFFFCC00  }
0x180: {  	[tilespmem:s13], [sflag:$0xE] =	stream.linear.gather [spmem:s23], $0x3400, $0x38;
	[tilespmem:$0x1C3A8] =	vst v63  }
0x181: {  	_ =	swait.ge [sflag:s21], $0x3400  }
0x182: {  	[sflag:s21] =	ssyncset.done $0x0  }
0x183: {  	s23 =	rddreg [dreg:$0xe];
	[sflag:s21] =	ssyncadd.s32 $0xFFFFCC00  }
0x184: {  	[hbm4b:s23+s5] =	stream.linear.scatter [tilespmem:s13], [sflag:$0xE], $0x3400, $0x38;
	[tilespmem:$0x1C3A8] =	vst v63  }
0x185: {  	_ =	swait.ge [sflag:s21], $0x3400  }
0x186: {  	[sflag:s21] =	ssyncset.done $0x0  }
0x187: {  	s5 =	simm.s32 @p0 $0x196B0;
	[sflag:s21] =	ssyncadd.s32 $0xFFFFCC00  }
0x188: {  	[tilespmem:s5], [sflag:$0xE] =	stream.linear.gather @p0 [spmem:s11], $0x270, $0x38;
	[tilespmem:$0x1C3A8] =	vst v63  }
0x189: {  	s5 =	simm.s32 @p0 $0xE  }
0x18a: {  	_ =	swait.ge @p0 [sflag:s5], $0x270  }
0x18b: {  	[sflag:s5] =	ssyncset.done @p0 $0x0  }
0x18c: {  	s12 =	rddreg [dreg:$0xa];
	[sflag:s5] =	ssyncadd.s32 @p0 $0xFFFFFD90;
	s5 =	simm.s32 @!p0 $0xC620  }
0x18d: {  	[tilespmem:s5], [sflag:$0xE] =	stream.linear.gather @!p0 [spmem:s12], $0x400, $0x38;
	[tilespmem:$0x1C3A8] =	vst v63  }
0x18e: {  	s12 =	simm.s32 @!p0 $0xE  }
0x18f: {  	_ =	swait.ge @!p0 [sflag:s12], $0x400  }
0x190: {  	s13 =	simm.s32 @!p0 $0x0;
	[sflag:s12] =	ssyncset.done @!p0 $0x0  }
0x191: {  	s23 =	smov.u32 s11;
	s11 =	rddreg [dreg:$0xf];
	[sflag:s12] =	ssyncadd.s32 @!p0 $0xFFFFFC00  }
0x192: {  	[hbm4b:s11+s13] =	stream.linear.scatter @!p0 [tilespmem:s5], [sflag:$0xE], $0x400, $0x38;
	[tilespmem:$0x1C3A8] =	vst v63  }
0x193: {  	_ =	swait.ge @!p0 [sflag:s12], $0x400  }
0x194: {  	[sflag:s12] =	ssyncset.done @!p0 $0x0  }
0x195: {  	s5 =	simm.s32 @!p0 $0x196B0;
	[sflag:s12] =	ssyncadd.s32 @!p0 $0xFFFFFC00  }
0x196: {  	[tilespmem:s5], [sflag:$0xE] =	stream.linear.gather @!p0 [spmem:s23], $0x270, $0x38;
	[tilespmem:$0x1C3A8] =	vst v63  }
0x197: {  	_ =	swait.ge @!p0 [sflag:s12], $0x270  }
0x198: {  	[sflag:s12] =	ssyncset.done @!p0 $0x0  }
0x199: {  	s5 =	simm.s32 @!p0 $0x19920;
	s13 =	rddreg [dreg:$0xb];
	[sflag:s12] =	ssyncadd.s32 @!p0 $0xFFFFFD90  }
0x19a: {  	[tilespmem:s5], [sflag:$0xE] =	stream.linear.gather @!p0 [spmem:s13], $0x10, $0x38;
	[tilespmem:$0x1C3A8] =	vst v63  }
0x19b: {  	_ =	swait.ge @!p0 [sflag:s12], $0x10  }
0x19c: {  	[sflag:s12] =	ssyncset.done @!p0 $0x0  }
0x19d: {  	s11 =	smov.u32 s23;
	s23 =	simm.s32 $0x0;
	[sflag:s12] =	ssyncadd.s32 @!p0 $0xFFFFFFF0  }
0x19e: {  	v2 =	vld [tilespmem:s23+$0x196B0];
	_ =	sdelay $0x4  }
0x19f: {  	v3 =	vbroadcast v2, $0x0  }
0x1a0: {  	s12 =	simm.s32 $0x199B0;
	v4 =	vbroadcast v2, $0x1  }
0x1a1: {  	v5 =	vbroadcast v2, $0x2;
	[tilespmem:s12+$0xFFFFFF80] =	vst v3  }
0x1a2: {  	v56 =	vbroadcast v2, $0x4;
	[tilespmem:s12+$0xFFFFFF90] =	vst v4  }
0x1a3: {  	v57 =	vbroadcast v2, $0x5;
	[tilespmem:s12+$0xFFFFFFA0] =	vst v5  }
0x1a4: {  	v58 =	vbroadcast v2, $0x7;
	[tilespmem:s12+$0xFFFFFFC0] =	vst v56  }
0x1a5: {  	v59 =	vbroadcast v2, $0x8;
	[tilespmem:s12+$0xFFFFFFD0] =	vst v57  }
0x1a6: {  	v60 =	vbroadcast v2, $0xA;
	[tilespmem:s12+$0xFFFFFFF0] =	vst v58  }
0x1a7: {  	v3 =	vbroadcast v2, $0x3;
	[tilespmem:s12+$0x0] =	vst v59  }
0x1a8: {  	v61 =	vbroadcast v2, $0xB;
	[tilespmem:s12+$0x20] =	vst v60  }
0x1a9: {  	[tilespmem:s12+$0xFFFFFFB0] =	vst v3;
	v3 =	vbroadcast v2, $0x6  }
0x1aa: {  	v62 =	vbroadcast v2, $0xD;
	[tilespmem:s12+$0x30] =	vst v61  }
0x1ab: {  	[tilespmem:s12+$0xFFFFFFE0] =	vst v3;
	v3 =	vbroadcast v2, $0x9  }
0x1ac: {  	v63 =	vbroadcast v2, $0xE;
	[tilespmem:s12+$0x50] =	vst v62  }
0x1ad: {  	[tilespmem:s12+$0x10] =	vst v3;
	v3 =	vbroadcast v2, $0xC  }
0x1ae: {  	[tilespmem:s12+$0x60] =	vst v63;
	v2 =	vbroadcast v2, $0xF  }
0x1af: {  	[tilespmem:s12+$0x40] =	vst v3  }
0x1b0: {  	s5 =	simm.s32 $0x10;
	s13 =	simm.s32 $0x80;
	[tilespmem:s12+$0x70] =	vst v2  }
.LBB2_8:
0x1b1: {  	p1 =	sne.s32 s13, $0x9C0;
	v2 =	vld [tilespmem:s5+$0x196B0];
	_ =	sdelay $0x4  }
0x1b2: {  	v3 =	vbroadcast v2, $0x0;
	v4 =	vbroadcast v2, $0x1  }
0x1b3: {  	s12 =	sadd.s32 $0x100, s12;
	v5 =	vbroadcast v2, $0x2;
	v6 =	vbroadcast v2, $0x3  }
0x1b4: {  	v7 =	vbroadcast v2, $0x5;
	[tilespmem:s12+$0xFFFFFF80] =	vst v3;
	v3 =	vbroadcast v2, $0x4  }
0x1b5: {  	v8 =	vbroadcast v2, $0x7;
	[tilespmem:s12+$0xFFFFFF90] =	vst v4;
	v4 =	vbroadcast v2, $0x6  }
0x1b6: {  	v9 =	vbroadcast v2, $0x9;
	[tilespmem:s12+$0xFFFFFFA0] =	vst v5;
	v5 =	vbroadcast v2, $0x8  }
0x1b7: {  	v10 =	vbroadcast v2, $0xB;
	[tilespmem:s12+$0xFFFFFFB0] =	vst v6;
	v6 =	vbroadcast v2, $0xA  }
0x1b8: {  	v11 =	vbroadcast v2, $0xD;
	[tilespmem:s12+$0xFFFFFFC0] =	vst v3;
	v3 =	vbroadcast v2, $0xC  }
0x1b9: {  	[tilespmem:s12+$0xFFFFFFD0] =	vst v7;
	v7 =	vbroadcast v2, $0xE;
	v2 =	vbroadcast v2, $0xF  }
0x1ba: {  	[tilespmem:s12+$0xFFFFFFE0] =	vst v4  }
0x1bb: {  	[tilespmem:s12+$0xFFFFFFF0] =	vst v8  }
0x1bc: {  	[tilespmem:s12+$0x0] =	vst v5  }
0x1bd: {  	[tilespmem:s12+$0x10] =	vst v9  }
0x1be: {  	[tilespmem:s12+$0x20] =	vst v6  }
.Ltmp3:
0x1bf: {  	[tilespmem:s12+$0x30] =	vst v10;
	(pc) =	sbr.rel @p1 .LBB2_8-.Ltmp3, $4  }
0x1c0: {  	[tilespmem:s12+$0x40] =	vst v3  }
0x1c1: {  	[tilespmem:s12+$0x50] =	vst v11  }
0x1c2: {  	[tilespmem:s12+$0x60] =	vst v7  }
0x1c3: {  	s5 =	sshra.s32 s13, $0x2;
	s13 =	sadd.s32 $0x40, s13;
	[tilespmem:s12+$0x70] =	vst v2  }
0x1c4: {  	v2 =	vld [tilespmem:s5+$0x196B0];
	_ =	sdelay $0x4  }
0x1c5: {  	v3 =	vbroadcast v2, $0x0  }
0x1c6: {  	s23 =	sadd.s32 $0x100, s12;
	v4 =	vbroadcast v2, $0x1  }
0x1c7: {  	v5 =	vbroadcast v2, $0x2;
	[tilespmem:s23+$0xFFFFFF80] =	vst v3  }
0x1c8: {  	v56 =	vbroadcast v2, $0x4;
	[tilespmem:s23+$0xFFFFFF90] =	vst v4  }
0x1c9: {  	v57 =	vbroadcast v2, $0x5;
	[tilespmem:s23+$0xFFFFFFA0] =	vst v5  }
0x1ca: {  	v58 =	vbroadcast v2, $0x7;
	[tilespmem:s23+$0xFFFFFFC0] =	vst v56  }
0x1cb: {  	v59 =	vbroadcast v2, $0x8;
	[tilespmem:s23+$0xFFFFFFD0] =	vst v57  }
0x1cc: {  	v60 =	vbroadcast v2, $0xA;
	[tilespmem:s23+$0xFFFFFFF0] =	vst v58  }
0x1cd: {  	v3 =	vbroadcast v2, $0x3;
	[tilespmem:s23+$0x0] =	vst v59  }
0x1ce: {  	v61 =	vbroadcast v2, $0xB;
	[tilespmem:s23+$0x20] =	vst v60  }
0x1cf: {  	[tilespmem:s23+$0xFFFFFFB0] =	vst v3;
	v3 =	vbroadcast v2, $0x6  }
0x1d0: {  	v62 =	vbroadcast v2, $0xD;
	[tilespmem:s23+$0x30] =	vst v61  }
0x1d1: {  	[tilespmem:s23+$0xFFFFFFE0] =	vst v3;
	v3 =	vbroadcast v2, $0x9  }
0x1d2: {  	v63 =	vbroadcast v2, $0xE;
	[tilespmem:s23+$0x50] =	vst v62  }
0x1d3: {  	[tilespmem:s23+$0x10] =	vst v3;
	v3 =	vbroadcast v2, $0xC  }
0x1d4: {  	[tilespmem:s23+$0x60] =	vst v63;
	v2 =	vbroadcast v2, $0xF  }
0x1d5: {  	[tilespmem:s23+$0x40] =	vst v3  }
0x1d6: {  	s13 =	simm.s32 $0x0;
	s12 =	rddreg [dreg:$0x10];
	[tilespmem:s23+$0x70] =	vst v2;
	s23 =	simm.s32 $0x19930  }
0x1d7: {  	[hbm4b:s12+s13] =	stream.linear.scatter [tilespmem:s23], [sflag:$0xE], $0x2700, $0x38;
	[tilespmem:$0x1C3A8] =	vst v63  }
0x1d8: {  	_ =	swait.ge [sflag:s21], $0x2700  }
0x1d9: {  	s5 =	simm.s32 @!p0 $0x0;
	[sflag:s21] =	ssyncset.done $0x0  }
0x1da: {  	s12 =	simm.s32 @!p0 $0x1C030;
	s23 =	rddreg [dreg:$0x11];
	[sflag:s21] =	ssyncadd.s32 $0xFFFFD900  }
0x1db: {  	[hbm4b:s23+s5] =	stream.linear.scatter @!p0 [tilespmem:s12], [sflag:$0xE], $0x100, $0x38;
	[tilespmem:$0x1C3A8] =	vst v63  }
0x1dc: {  	s5 =	simm.s32 @!p0 $0xE  }
0x1dd: {  	_ =	swait.ge @!p0 [sflag:s5], $0x100  }
0x1de: {  	s10 =	sadd.s32 $0x1, s10;
	s23 =	rddreg [dreg:$0x12]  }
0x1df: {  	p1 =	sne.s32 s10, s23  }
.Ltmp4:
0x1e0: {  	_ = 	snop;
	(pc) =	sbr.rel @p1 .LBB2_1-.Ltmp4, $3  }
0x1e1: {  	_ =	sdelay $0x1  }
0x1e2: {  	[sflag:s5] =	ssyncset.done @!p0 $0x0  }
0x1e3: {  	[sflag:s5] =	ssyncadd.s32 @!p0 $0xFFFFFF00;
	s23 =	simm.s32 $0x2710  }
0x1e4: {  	_ =	sfence.sel $0x180000  }
0x1e5: {  	[bflag:$0x0] =	sbarrier.arrive $0xFFFF  }
0x1e6: {  	_ =	strace $0x9000004A  }
0x1e7: {  	s0 =	stileid.u32;
	[bflag:$0x2] =	sbarrier.arrive $0xFFFF  }
0x1e8: {  	p0 =	sne.s32 s0, $0x0;
	s0 =	rddreg [dreg:$0x4]  }
0x1e9: {  	s0 =	sadd.s32 @!p0 $0x100000, s0  }
0x1ea: {  	[sflag:s0] =	ssyncadd.tile.s32 @!p0 $0x1;
	_ =	shalt  }
.Lfunc_end2:
_tile_overlayer_lowered:
.L_overlay_start_2:
0x1eb: {  	(tag) =	ssettag $0x2  }
0x1ec: {  	s0 =	rddreg [dreg:$0x0];
	s2 =	stileid.u32  }
0x1ed: {  	s1 =	rddreg [dreg:$0x1];
	p0 =	sne.s32 s2, $0x0  }
0x1ee: {  	s3 =	rddreg [dreg:$0x2];
	[bflag:$0x3] =	sbarrier.arrive $0xFFFF;
	s2 =	simm.s32 @!p0 $0x1C0E  }
0x1ef: {  	[timem:s3], [sflag:s2] =	dma.local @!p0 [hbm:s0], s1  }
0x1f0: {  	s0 =	simm.s32 @!p0 $0xE  }
0x1f1: {  	_ =	swait.ge @!p0 [sflag:s0], s1  }
0x1f2: {  	s1 =	ssub.s32 @!p0 $0x0, s1;
	[sflag:s0] =	ssyncset.done @!p0 $0x0  }
0x1f3: {  	[sflag:s0] =	ssyncadd.s32 @!p0 s1  }
0x1f4: {  	[bflag:$0x3] =	sbarrier.arrive $0xFFFF  }
0x1f5: {  	_ =	shalt  }

</sc_bundles>
